<compile_context>
chip_gen: v7x
topology: tpu7x:2x2x1
jax: 0.10.2.dev20260603
libtpu: 0.0.44.dev20260713+nightly
codegen_flags: <defaults>
</compile_context>

<pallas_src>
import functools

import jax
import jax.numpy as jnp
from jax import lax
from jax.experimental import pallas as pl
from jax.experimental.pallas import tpu as pltpu
from jax.experimental.pallas import tpu_sc as plsc

VOCAB = 1000
VPAD = 1024
NTILE = VPAD // 128
B, T = 1024, 200
N = B * T
NC, NS = 2, 16
NW = NC * NS
PER_W = N // NW
CHUNK = 32
NCHUNK = PER_W // CHUNK
NVR = CHUNK // 16

_mesh = plsc.VectorSubcoreMesh(core_axis_name="c", subcore_axis_name="s")


@functools.partial(
    pl.kernel,
    out_type=jax.ShapeDtypeStruct((N, VOCAB), jnp.float32),
    mesh=_mesh,
    compiler_params=pltpu.CompilerParams(needs_layout_passes=False),
    scratch_types=[
        pltpu.VMEM((PER_W,), jnp.int32),
        pltpu.VMEM((3, NTILE, CHUNK), jnp.int32),
        pltpu.VMEM((CHUNK, VOCAB), jnp.float32),
        pltpu.VMEM((CHUNK, VOCAB), jnp.float32),
        pltpu.VMEM((CHUNK, VOCAB), jnp.float32),
        pltpu.VMEM((3, CHUNK, 128), jnp.float32),
        pltpu.SemaphoreType.DMA,
        pltpu.SemaphoreType.DMA,
        pltpu.SemaphoreType.DMA,
        pltpu.SemaphoreType.DMA,
        pltpu.SemaphoreType.DMA,
        pltpu.SemaphoreType.DMA,
    ],
)
def _gather_rows(idx_hbm, table_hbm, out_hbm, idx_v, ibuf, ob0, ob1, ob2,
                 tbuf, gsem0, gsem1, gsem2, osem0, osem1, osem2):
    wid = lax.axis_index("s") * NC + lax.axis_index("c")
    base = wid * PER_W
    pltpu.sync_copy(idx_hbm.at[pl.ds(base, PER_W)], idx_v)

    obufs = (ob0, ob1, ob2)
    gsems = (gsem0, gsem1, gsem2)
    osems = (osem0, osem1, osem2)

    def gathers(i, b):
        cps = []
        for tc in range(NTILE - 1):
            cps.append(pltpu.make_async_copy(
                table_hbm.at[ibuf.at[b, tc]],
                obufs[b].at[:, pl.ds(128 * tc, 128)], gsems[b]))
        cps.append(pltpu.make_async_copy(
            table_hbm.at[ibuf.at[b, NTILE - 1]], tbuf.at[b], gsems[b]))
        return cps

    def outcopy(i, b):
        return pltpu.make_async_copy(
            obufs[b], out_hbm.at[pl.ds(base + i * CHUNK, CHUNK)], osems[b])

    def issue(i, b):
        vs = [idx_v[pl.ds(i * CHUNK + 16 * k, 16)] for k in range(NVR)]
        for tc in range(NTILE):
            for k in range(NVR):
                ibuf[b, tc, pl.ds(16 * k, 16)] = vs[k] + 8 * tc
        for cp in gathers(i, b):
            cp.start()

    lanes = lax.iota(jnp.int32, 16)
    tail_cols = 992 + lanes
    tail_mask = lanes < 8

    def drain(i, b):
        for cp in gathers(i, b):
            cp.wait()

        def row_move(r, carry):
            for k in range(6):
                obufs[b][r, pl.ds(896 + 16 * k, 16)] = tbuf[b, r, pl.ds(16 * k, 16)]
            x = tbuf[b, r, pl.ds(96, 16)]
            rvec = jnp.full((16,), r, jnp.int32)
            plsc.store_scatter(obufs[b], [rvec, tail_cols], x, mask=tail_mask)
            return carry

        lax.fori_loop(0, CHUNK, row_move, 0)
        outcopy(i, b).start()

    for b in range(3):
        issue(b, b)
    drain(0, 0)

    def body(p, carry):
        for b in range(3):
            i = 3 * p + b + 1
            bg = (b + 1) % 3

            @pl.when(i + 2 < NCHUNK)
            def _():
                outcopy(i - 1, b).wait()
                issue(i + 2, b)

            @pl.when(i < NCHUNK)
            def _():
                drain(i, bg)
        return carry

    lax.fori_loop(0, (NCHUNK + 1) // 3, body, 0)

    for j in range(NCHUNK - 3, NCHUNK):
        outcopy(j, j % 3).wait()


def kernel(idx, token_embedding_table):
    pad = jnp.pad(token_embedding_table, ((0, 0), (0, VPAD - VOCAB)))
    table_r = pad.reshape(VOCAB // 8, 8, NTILE, 128).transpose(0, 2, 1, 3)
    table_r = table_r.reshape(VOCAB * NTILE, 128)
    flat_idx = idx.reshape(N).astype(jnp.int32)
    base_idx = (flat_idx // 8) * 64 + flat_idx % 8
    flat = _gather_rows(base_idx, table_r)
    return flat.reshape(B, T, VOCAB)

# --- scband reference (transcript-rebuilt; emitter-appended) ---
"""Pipeline reference for scband-bigram-language-model-78348793414199 (READ-ONLY COPY).

The authoritative reference and input builder live on the scoring server;
editing this copy changes nothing except your own understanding.
"""

import jax, jax.numpy as jnp
import numpy as np

VOCAB = 1000
B, T = 1024, 200

def setup_inputs(seed: int = 0) -> dict:
    key = jax.random.key(seed)
    k_idx, k_tab = jax.random.split(key)
    idx = jax.random.randint(k_idx, (B, T), 0, VOCAB, dtype=jnp.int64 if jax.config.jax_enable_x64 else jnp.int32)
    # token_embedding_table: nn.Embedding(vocab_size, vocab_size) ~ N(0, 1)
    token_embedding_table = jax.random.normal(k_tab, (VOCAB, VOCAB), dtype=jnp.float32)
    return {"idx": idx, "token_embedding_table": token_embedding_table}

def reference(idx, token_embedding_table):
    # logits = self.token_embedding_table(idx)  -> [B, T, vocab]
    logits = jnp.take(token_embedding_table, idx, axis=0)
    return logits

if __name__ == "__main__":
    import jax
    _d = setup_inputs()
    print(jax.jit(kernel)(*tuple(_d.values())))

</pallas_src>

<mosaic_0001>
#map = affine_map<(d0, d1) -> (0)>
#map1 = affine_map<(d0, d1) -> (0, 0)>
module attributes {stable_mosaic.version = 14 : i64} {
  func.func @_gather_rows(%arg0: i32, %arg1: i32, %arg2: memref<204800xi32, #tpu.memory_space<hbm>>, %arg3: memref<8000x128xf32, #tpu.memory_space<hbm>>, %arg4: memref<204800x1000xf32, #tpu.memory_space<hbm>>, %arg5: memref<6400xi32, #tpu.memory_space<vmem>>, %arg6: memref<3x8x32xi32, #tpu.memory_space<vmem>>, %arg7: memref<32x1000xf32, #tpu.memory_space<vmem>>, %arg8: memref<32x1000xf32, #tpu.memory_space<vmem>>, %arg9: memref<32x1000xf32, #tpu.memory_space<vmem>>, %arg10: memref<3x32x128xf32, #tpu.memory_space<vmem>>, %arg11: memref<!tpu.dma_semaphore, #tpu.memory_space<semaphore_mem>>, %arg12: memref<!tpu.dma_semaphore, #tpu.memory_space<semaphore_mem>>, %arg13: memref<!tpu.dma_semaphore, #tpu.memory_space<semaphore_mem>>, %arg14: memref<!tpu.dma_semaphore, #tpu.memory_space<semaphore_mem>>, %arg15: memref<!tpu.dma_semaphore, #tpu.memory_space<semaphore_mem>>, %arg16: memref<!tpu.dma_semaphore, #tpu.memory_space<semaphore_mem>>) attributes {dimension_semantics = [#tpu.dimension_semantics<core_parallel>, #tpu.dimension_semantics<subcore_parallel>], iteration_bounds = array<i64: 2, 16>, scalar_prefetch = 0 : i64, scratch_operands = 12 : i64, tpu.core_type = #tpu.core_type<sc_vector_subcore>, window_params = [{transform_indices = #map}, {transform_indices = #map1}, {transform_indices = #map1}]} {
    %mul3A = arith.constant 2 : i32
    %mul3A_0 = arith.muli %arg1, %mul3A : i32
    %add3A = arith.addi %mul3A_0, %arg0 : i32
    %mul3A_1 = arith.constant 6400 : i32
    %mul3A_2 = arith.muli %add3A, %mul3A_1 : i32
    "tpu.region"() ({
      %run_scoped3A = tpu.sem_alloc : memref<!tpu.dma_semaphore, #tpu.memory_space<semaphore_mem>>
      %dma_start3A_843 = tpu.memref_slice %arg2[%mul3A_2] : memref<204800xi32, #tpu.memory_space<hbm>> -> memref<6400xi32, #tpu.memory_space<hbm>>
      %dma_start3A_844 = tpu.memref_slice %arg2[%mul3A_2] : memref<204800xi32, #tpu.memory_space<hbm>> -> memref<6400xi32, #tpu.memory_space<hbm>>
      tpu.enqueue_dma source(%dma_start3A_844 : memref<6400xi32, #tpu.memory_space<hbm>>) target(%arg5 : memref<6400xi32, #tpu.memory_space<vmem>>) target_semaphore(%run_scoped3A : memref<!tpu.dma_semaphore, #tpu.memory_space<semaphore_mem>>)
      %dma_wait3A_845 = tpu.memref_slice %arg2[%mul3A_2] : memref<204800xi32, #tpu.memory_space<hbm>> -> memref<6400xi32, #tpu.memory_space<hbm>>
      %dma_wait3A_846 = tpu.memref_slice %arg2[%mul3A_2] : memref<204800xi32, #tpu.memory_space<hbm>> -> memref<6400xi32, #tpu.memory_space<hbm>>
      tpu.wait_dma2 semaphore(%run_scoped3A : memref<!tpu.dma_semaphore, #tpu.memory_space<semaphore_mem>>) src(%dma_wait3A_846 : memref<6400xi32, #tpu.memory_space<hbm>>) dst(%arg5 : memref<6400xi32, #tpu.memory_space<vmem>>)
      tpu.yield
    }) : () -> ()
    %iota3A = tpu.iota {dimensions = array<i32: 0>} : vector<16xi32>
    %add3A_3 = arith.constant 992 : i32
    %add3A_4 = vector.broadcast %add3A_3 : i32 to vector<16xi32>
    %add3A_5 = arith.addi %add3A_4, %iota3A : vector<16xi32>
    %lt3A = arith.constant 8 : i32
    %lt3A_6 = vector.broadcast %lt3A : i32 to vector<16xi32>
    %lt3A_7 = arith.cmpi slt, %iota3A, %lt3A_6 : vector<16xi32>
    %get3A = arith.constant 0 : index
    %get3A_8 = tpu.vector_load %arg5[%get3A] {strides = array<i32>} : memref<6400xi32, #tpu.memory_space<vmem>>, vector<16xi32>,
    %get3A_9 = arith.constant 16 : index
    %get3A_10 = tpu.vector_load %arg5[%get3A_9] {strides = array<i32>} : memref<6400xi32, #tpu.memory_space<vmem>>, vector<16xi32>,
    %add3A_11 = arith.constant 0 : i32
    %add3A_12 = vector.broadcast %add3A_11 : i32 to vector<16xi32>
    %add3A_13 = arith.addi %get3A_8, %add3A_12 : vector<16xi32>
    %swap3A = arith.constant 0 : i32
    %swap3A_14 = arith.constant 0 : i32
    %swap3A_15 = arith.index_cast %swap3A : i32 to index
    %swap3A_16 = arith.index_cast %swap3A_14 : i32 to index
    %swap3A_17 = arith.constant 0 : index
    %swap3A_18 = tpu.vector_load %arg6[%swap3A_15, %swap3A_16, %swap3A_17] {strides = array<i32>} : memref<3x8x32xi32, #tpu.memory_space<vmem>>, vector<16xi32>,
    tpu.vector_store %arg6[%swap3A_15, %swap3A_16, %swap3A_17], %add3A_13 {strides = array<i32>} : memref<3x8x32xi32, #tpu.memory_space<vmem>>, vector<16xi32>,
    %add3A_19 = arith.constant 0 : i32
    %add3A_20 = vector.broadcast %add3A_19 : i32 to vector<16xi32>
    %add3A_21 = arith.addi %get3A_10, %add3A_20 : vector<16xi32>
    %swap3A_22 = arith.constant 0 : i32
    %swap3A_23 = arith.constant 0 : i32
    %swap3A_24 = arith.index_cast %swap3A_22 : i32 to index
    %swap3A_25 = arith.index_cast %swap3A_23 : i32 to index
    %swap3A_26 = arith.constant 16 : index
    %swap3A_27 = tpu.vector_load %arg6[%swap3A_24, %swap3A_25, %swap3A_26] {strides = array<i32>} : memref<3x8x32xi32, #tpu.memory_space<vmem>>, vector<16xi32>,
    tpu.vector_store %arg6[%swap3A_24, %swap3A_25, %swap3A_26], %add3A_21 {strides = array<i32>} : memref<3x8x32xi32, #tpu.memory_space<vmem>>, vector<16xi32>,
    %add3A_28 = arith.constant 8 : i32
    %add3A_29 = vector.broadcast %add3A_28 : i32 to vector<16xi32>
    %add3A_30 = arith.addi %get3A_8, %add3A_29 : vector<16xi32>
    %swap3A_31 = arith.constant 0 : i32
    %swap3A_32 = arith.constant 1 : i32
    %swap3A_33 = arith.index_cast %swap3A_31 : i32 to index
    %swap3A_34 = arith.index_cast %swap3A_32 : i32 to index
    %swap3A_35 = arith.constant 0 : index
    %swap3A_36 = tpu.vector_load %arg6[%swap3A_33, %swap3A_34, %swap3A_35] {strides = array<i32>} : memref<3x8x32xi32, #tpu.memory_space<vmem>>, vector<16xi32>,
    tpu.vector_store %arg6[%swap3A_33, %swap3A_34, %swap3A_35], %add3A_30 {strides = array<i32>} : memref<3x8x32xi32, #tpu.memory_space<vmem>>, vector<16xi32>,
    %add3A_37 = arith.constant 8 : i32
    %add3A_38 = vector.broadcast %add3A_37 : i32 to vector<16xi32>
    %add3A_39 = arith.addi %get3A_10, %add3A_38 : vector<16xi32>
    %swap3A_40 = arith.constant 0 : i32
    %swap3A_41 = arith.constant 1 : i32
    %swap3A_42 = arith.index_cast %swap3A_40 : i32 to index
    %swap3A_43 = arith.index_cast %swap3A_41 : i32 to index
    %swap3A_44 = arith.constant 16 : index
    %swap3A_45 = tpu.vector_load %arg6[%swap3A_42, %swap3A_43, %swap3A_44] {strides = array<i32>} : memref<3x8x32xi32, #tpu.memory_space<vmem>>, vector<16xi32>,
    tpu.vector_store %arg6[%swap3A_42, %swap3A_43, %swap3A_44], %add3A_39 {strides = array<i32>} : memref<3x8x32xi32, #tpu.memory_space<vmem>>, vector<16xi32>,
    %add3A_46 = arith.constant 16 : i32
    %add3A_47 = vector.broadcast %add3A_46 : i32 to vector<16xi32>
    %add3A_48 = arith.addi %get3A_8, %add3A_47 : vector<16xi32>
    %swap3A_49 = arith.constant 0 : i32
    %swap3A_50 = arith.constant 2 : i32
    %swap3A_51 = arith.index_cast %swap3A_49 : i32 to index
    %swap3A_52 = arith.index_cast %swap3A_50 : i32 to index
    %swap3A_53 = arith.constant 0 : index
    %swap3A_54 = tpu.vector_load %arg6[%swap3A_51, %swap3A_52, %swap3A_53] {strides = array<i32>} : memref<3x8x32xi32, #tpu.memory_space<vmem>>, vector<16xi32>,
    tpu.vector_store %arg6[%swap3A_51, %swap3A_52, %swap3A_53], %add3A_48 {strides = array<i32>} : memref<3x8x32xi32, #tpu.memory_space<vmem>>, vector<16xi32>,
    %add3A_55 = arith.constant 16 : i32
    %add3A_56 = vector.broadcast %add3A_55 : i32 to vector<16xi32>
    %add3A_57 = arith.addi %get3A_10, %add3A_56 : vector<16xi32>
    %swap3A_58 = arith.constant 0 : i32
    %swap3A_59 = arith.constant 2 : i32
    %swap3A_60 = arith.index_cast %swap3A_58 : i32 to index
    %swap3A_61 = arith.index_cast %swap3A_59 : i32 to index
    %swap3A_62 = arith.constant 16 : index
    %swap3A_63 = tpu.vector_load %arg6[%swap3A_60, %swap3A_61, %swap3A_62] {strides = array<i32>} : memref<3x8x32xi32, #tpu.memory_space<vmem>>, vector<16xi32>,
    tpu.vector_store %arg6[%swap3A_60, %swap3A_61, %swap3A_62], %add3A_57 {strides = array<i32>} : memref<3x8x32xi32, #tpu.memory_space<vmem>>, vector<16xi32>,
    %add3A_64 = arith.constant 24 : i32
    %add3A_65 = vector.broadcast %add3A_64 : i32 to vector<16xi32>
    %add3A_66 = arith.addi %get3A_8, %add3A_65 : vector<16xi32>
    %swap3A_67 = arith.constant 0 : i32
    %swap3A_68 = arith.constant 3 : i32
    %swap3A_69 = arith.index_cast %swap3A_67 : i32 to index
    %swap3A_70 = arith.index_cast %swap3A_68 : i32 to index
    %swap3A_71 = arith.constant 0 : index
    %swap3A_72 = tpu.vector_load %arg6[%swap3A_69, %swap3A_70, %swap3A_71] {strides = array<i32>} : memref<3x8x32xi32, #tpu.memory_space<vmem>>, vector<16xi32>,
    tpu.vector_store %arg6[%swap3A_69, %swap3A_70, %swap3A_71], %add3A_66 {strides = array<i32>} : memref<3x8x32xi32, #tpu.memory_space<vmem>>, vector<16xi32>,
    %add3A_73 = arith.constant 24 : i32
    %add3A_74 = vector.broadcast %add3A_73 : i32 to vector<16xi32>
    %add3A_75 = arith.addi %get3A_10, %add3A_74 : vector<16xi32>
    %swap3A_76 = arith.constant 0 : i32
    %swap3A_77 = arith.constant 3 : i32
    %swap3A_78 = arith.index_cast %swap3A_76 : i32 to index
    %swap3A_79 = arith.index_cast %swap3A_77 : i32 to index
    %swap3A_80 = arith.constant 16 : index
    %swap3A_81 = tpu.vector_load %arg6[%swap3A_78, %swap3A_79, %swap3A_80] {strides = array<i32>} : memref<3x8x32xi32, #tpu.memory_space<vmem>>, vector<16xi32>,
    tpu.vector_store %arg6[%swap3A_78, %swap3A_79, %swap3A_80], %add3A_75 {strides = array<i32>} : memref<3x8x32xi32, #tpu.memory_space<vmem>>, vector<16xi32>,
    %add3A_82 = arith.constant 32 : i32
    %add3A_83 = vector.broadcast %add3A_82 : i32 to vector<16xi32>
    %add3A_84 = arith.addi %get3A_8, %add3A_83 : vector<16xi32>
    %swap3A_85 = arith.constant 0 : i32
    %swap3A_86 = arith.constant 4 : i32
    %swap3A_87 = arith.index_cast %swap3A_85 : i32 to index
    %swap3A_88 = arith.index_cast %swap3A_86 : i32 to index
    %swap3A_89 = arith.constant 0 : index
    %swap3A_90 = tpu.vector_load %arg6[%swap3A_87, %swap3A_88, %swap3A_89] {strides = array<i32>} : memref<3x8x32xi32, #tpu.memory_space<vmem>>, vector<16xi32>,
    tpu.vector_store %arg6[%swap3A_87, %swap3A_88, %swap3A_89], %add3A_84 {strides = array<i32>} : memref<3x8x32xi32, #tpu.memory_space<vmem>>, vector<16xi32>,
    %add3A_91 = arith.constant 32 : i32
    %add3A_92 = vector.broadcast %add3A_91 : i32 to vector<16xi32>
    %add3A_93 = arith.addi %get3A_10, %add3A_92 : vector<16xi32>
    %swap3A_94 = arith.constant 0 : i32
    %swap3A_95 = arith.constant 4 : i32
    %swap3A_96 = arith.index_cast %swap3A_94 : i32 to index
    %swap3A_97 = arith.index_cast %swap3A_95 : i32 to index
    %swap3A_98 = arith.constant 16 : index
    %swap3A_99 = tpu.vector_load %arg6[%swap3A_96, %swap3A_97, %swap3A_98] {strides = array<i32>} : memref<3x8x32xi32, #tpu.memory_space<vmem>>, vector<16xi32>,
    tpu.vector_store %arg6[%swap3A_96, %swap3A_97, %swap3A_98], %add3A_93 {strides = array<i32>} : memref<3x8x32xi32, #tpu.memory_space<vmem>>, vector<16xi32>,
    %add3A_100 = arith.constant 40 : i32
    %add3A_101 = vector.broadcast %add3A_100 : i32 to vector<16xi32>
    %add3A_102 = arith.addi %get3A_8, %add3A_101 : vector<16xi32>
    %swap3A_103 = arith.constant 0 : i32
    %swap3A_104 = arith.constant 5 : i32
    %swap3A_105 = arith.index_cast %swap3A_103 : i32 to index
    %swap3A_106 = arith.index_cast %swap3A_104 : i32 to index
    %swap3A_107 = arith.constant 0 : index
    %swap3A_108 = tpu.vector_load %arg6[%swap3A_105, %swap3A_106, %swap3A_107] {strides = array<i32>} : memref<3x8x32xi32, #tpu.memory_space<vmem>>, vector<16xi32>,
    tpu.vector_store %arg6[%swap3A_105, %swap3A_106, %swap3A_107], %add3A_102 {strides = array<i32>} : memref<3x8x32xi32, #tpu.memory_space<vmem>>, vector<16xi32>,
    %add3A_109 = arith.constant 40 : i32
    %add3A_110 = vector.broadcast %add3A_109 : i32 to vector<16xi32>
    %add3A_111 = arith.addi %get3A_10, %add3A_110 : vector<16xi32>
    %swap3A_112 = arith.constant 0 : i32
    %swap3A_113 = arith.constant 5 : i32
    %swap3A_114 = arith.index_cast %swap3A_112 : i32 to index
    %swap3A_115 = arith.index_cast %swap3A_113 : i32 to index
    %swap3A_116 = arith.constant 16 : index
    %swap3A_117 = tpu.vector_load %arg6[%swap3A_114, %swap3A_115, %swap3A_116] {strides = array<i32>} : memref<3x8x32xi32, #tpu.memory_space<vmem>>, vector<16xi32>,
    tpu.vector_store %arg6[%swap3A_114, %swap3A_115, %swap3A_116], %add3A_111 {strides = array<i32>} : memref<3x8x32xi32, #tpu.memory_space<vmem>>, vector<16xi32>,
    %add3A_118 = arith.constant 48 : i32
    %add3A_119 = vector.broadcast %add3A_118 : i32 to vector<16xi32>
    %add3A_120 = arith.addi %get3A_8, %add3A_119 : vector<16xi32>
    %swap3A_121 = arith.constant 0 : i32
    %swap3A_122 = arith.constant 6 : i32
    %swap3A_123 = arith.index_cast %swap3A_121 : i32 to index
    %swap3A_124 = arith.index_cast %swap3A_122 : i32 to index
    %swap3A_125 = arith.constant 0 : index
    %swap3A_126 = tpu.vector_load %arg6[%swap3A_123, %swap3A_124, %swap3A_125] {strides = array<i32>} : memref<3x8x32xi32, #tpu.memory_space<vmem>>, vector<16xi32>,
    tpu.vector_store %arg6[%swap3A_123, %swap3A_124, %swap3A_125], %add3A_120 {strides = array<i32>} : memref<3x8x32xi32, #tpu.memory_space<vmem>>, vector<16xi32>,
    %add3A_127 = arith.constant 48 : i32
    %add3A_128 = vector.broadcast %add3A_127 : i32 to vector<16xi32>
    %add3A_129 = arith.addi %get3A_10, %add3A_128 : vector<16xi32>
    %swap3A_130 = arith.constant 0 : i32
    %swap3A_131 = arith.constant 6 : i32
    %swap3A_132 = arith.index_cast %swap3A_130 : i32 to index
    %swap3A_133 = arith.index_cast %swap3A_131 : i32 to index
    %swap3A_134 = arith.constant 16 : index
    %swap3A_135 = tpu.vector_load %arg6[%swap3A_132, %swap3A_133, %swap3A_134] {strides = array<i32>} : memref<3x8x32xi32, #tpu.memory_space<vmem>>, vector<16xi32>,
    tpu.vector_store %arg6[%swap3A_132, %swap3A_133, %swap3A_134], %add3A_129 {strides = array<i32>} : memref<3x8x32xi32, #tpu.memory_space<vmem>>, vector<16xi32>,
    %add3A_136 = arith.constant 56 : i32
    %add3A_137 = vector.broadcast %add3A_136 : i32 to vector<16xi32>
    %add3A_138 = arith.addi %get3A_8, %add3A_137 : vector<16xi32>
    %swap3A_139 = arith.constant 0 : i32
    %swap3A_140 = arith.constant 7 : i32
    %swap3A_141 = arith.index_cast %swap3A_139 : i32 to index
    %swap3A_142 = arith.index_cast %swap3A_140 : i32 to index
    %swap3A_143 = arith.constant 0 : index
    %swap3A_144 = tpu.vector_load %arg6[%swap3A_141, %swap3A_142, %swap3A_143] {strides = array<i32>} : memref<3x8x32xi32, #tpu.memory_space<vmem>>, vector<16xi32>,
    tpu.vector_store %arg6[%swap3A_141, %swap3A_142, %swap3A_143], %add3A_138 {strides = array<i32>} : memref<3x8x32xi32, #tpu.memory_space<vmem>>, vector<16xi32>,
    %add3A_145 = arith.constant 56 : i32
    %add3A_146 = vector.broadcast %add3A_145 : i32 to vector<16xi32>
    %add3A_147 = arith.addi %get3A_10, %add3A_146 : vector<16xi32>
    %swap3A_148 = arith.constant 0 : i32
    %swap3A_149 = arith.constant 7 : i32
    %swap3A_150 = arith.index_cast %swap3A_148 : i32 to index
    %swap3A_151 = arith.index_cast %swap3A_149 : i32 to index
    %swap3A_152 = arith.constant 16 : index
    %swap3A_153 = tpu.vector_load %arg6[%swap3A_150, %swap3A_151, %swap3A_152] {strides = array<i32>} : memref<3x8x32xi32, #tpu.memory_space<vmem>>, vector<16xi32>,
    tpu.vector_store %arg6[%swap3A_150, %swap3A_151, %swap3A_152], %add3A_147 {strides = array<i32>} : memref<3x8x32xi32, #tpu.memory_space<vmem>>, vector<16xi32>,
    %dma_start3A = arith.constant 0 : i32
    %dma_start3A_154 = arith.constant 0 : i32
    %dma_start3A_155 = arith.constant 0 : i32
    %dma_start3A_156 = arith.constant 0 : i32
    %dma_start3A_157 = tpu.memref_slice %arg7[%dma_start3A_155, %dma_start3A_156] : memref<32x1000xf32, #tpu.memory_space<vmem>> -> memref<32x128xf32, #tpu.memory_space<vmem>>
    %dma_start3A_158 = arith.constant 0 : i32
    %dma_start3A_159 = tpu.memref_slice %arg6[%dma_start3A, %dma_start3A_154, %dma_start3A_158] : memref<3x8x32xi32, #tpu.memory_space<vmem>> -> memref<1x1x32xi32, #tpu.memory_space<vmem>>
    %dma_start3A_160 = tpu.memref_squeeze %dma_start3A_159 : memref<1x1x32xi32, #tpu.memory_space<vmem>> -> memref<32xi32, #tpu.memory_space<vmem>>
    %dma_start3A_161 = arith.constant 0 : i32
    %dma_start3A_162 = arith.constant 0 : i32
    %dma_start3A_163 = tpu.memref_slice %arg3[%dma_start3A_161, %dma_start3A_162] : memref<8000x128xf32, #tpu.memory_space<hbm>> -> memref<8000x128xf32, #tpu.memory_space<hbm>>
    tpu.enqueue_indirect_dma source(%dma_start3A_163 : memref<8000x128xf32, #tpu.memory_space<hbm>>) target(%dma_start3A_157 : memref<32x128xf32, #tpu.memory_space<vmem>>) offsets(%dma_start3A_160 : memref<32xi32, #tpu.memory_space<vmem>>) semaphore(%arg11 : memref<!tpu.dma_semaphore, #tpu.memory_space<semaphore_mem>>)
    %dma_start3A_164 = arith.constant 0 : i32
    %dma_start3A_165 = arith.constant 1 : i32
    %dma_start3A_166 = arith.constant 0 : i32
    %dma_start3A_167 = arith.constant 128 : i32
    %dma_start3A_168 = tpu.memref_slice %arg7[%dma_start3A_166, %dma_start3A_167] : memref<32x1000xf32, #tpu.memory_space<vmem>> -> memref<32x128xf32, #tpu.memory_space<vmem>>
    %dma_start3A_169 = arith.constant 0 : i32
    %dma_start3A_170 = tpu.memref_slice %arg6[%dma_start3A_164, %dma_start3A_165, %dma_start3A_169] : memref<3x8x32xi32, #tpu.memory_space<vmem>> -> memref<1x1x32xi32, #tpu.memory_space<vmem>>
    %dma_start3A_171 = tpu.memref_squeeze %dma_start3A_170 : memref<1x1x32xi32, #tpu.memory_space<vmem>> -> memref<32xi32, #tpu.memory_space<vmem>>
    %dma_start3A_172 = arith.constant 0 : i32
    %dma_start3A_173 = arith.constant 0 : i32
    %dma_start3A_174 = tpu.memref_slice %arg3[%dma_start3A_172, %dma_start3A_173] : memref<8000x128xf32, #tpu.memory_space<hbm>> -> memref<8000x128xf32, #tpu.memory_space<hbm>>
    tpu.enqueue_indirect_dma source(%dma_start3A_174 : memref<8000x128xf32, #tpu.memory_space<hbm>>) target(%dma_start3A_168 : memref<32x128xf32, #tpu.memory_space<vmem>>) offsets(%dma_start3A_171 : memref<32xi32, #tpu.memory_space<vmem>>) semaphore(%arg11 : memref<!tpu.dma_semaphore, #tpu.memory_space<semaphore_mem>>)
    %dma_start3A_175 = arith.constant 0 : i32
    %dma_start3A_176 = arith.constant 2 : i32
    %dma_start3A_177 = arith.constant 0 : i32
    %dma_start3A_178 = arith.constant 256 : i32
    %dma_start3A_179 = tpu.memref_slice %arg7[%dma_start3A_177, %dma_start3A_178] : memref<32x1000xf32, #tpu.memory_space<vmem>> -> memref<32x128xf32, #tpu.memory_space<vmem>>
    %dma_start3A_180 = arith.constant 0 : i32
    %dma_start3A_181 = tpu.memref_slice %arg6[%dma_start3A_175, %dma_start3A_176, %dma_start3A_180] : memref<3x8x32xi32, #tpu.memory_space<vmem>> -> memref<1x1x32xi32, #tpu.memory_space<vmem>>
    %dma_start3A_182 = tpu.memref_squeeze %dma_start3A_181 : memref<1x1x32xi32, #tpu.memory_space<vmem>> -> memref<32xi32, #tpu.memory_space<vmem>>
    %dma_start3A_183 = arith.constant 0 : i32
    %dma_start3A_184 = arith.constant 0 : i32
    %dma_start3A_185 = tpu.memref_slice %arg3[%dma_start3A_183, %dma_start3A_184] : memref<8000x128xf32, #tpu.memory_space<hbm>> -> memref<8000x128xf32, #tpu.memory_space<hbm>>
    tpu.enqueue_indirect_dma source(%dma_start3A_185 : memref<8000x128xf32, #tpu.memory_space<hbm>>) target(%dma_start3A_179 : memref<32x128xf32, #tpu.memory_space<vmem>>) offsets(%dma_start3A_182 : memref<32xi32, #tpu.memory_space<vmem>>) semaphore(%arg11 : memref<!tpu.dma_semaphore, #tpu.memory_space<semaphore_mem>>)
    %dma_start3A_186 = arith.constant 0 : i32
    %dma_start3A_187 = arith.constant 3 : i32
    %dma_start3A_188 = arith.constant 0 : i32
    %dma_start3A_189 = arith.constant 384 : i32
    %dma_start3A_190 = tpu.memref_slice %arg7[%dma_start3A_188, %dma_start3A_189] : memref<32x1000xf32, #tpu.memory_space<vmem>> -> memref<32x128xf32, #tpu.memory_space<vmem>>
    %dma_start3A_191 = arith.constant 0 : i32
    %dma_start3A_192 = tpu.memref_slice %arg6[%dma_start3A_186, %dma_start3A_187, %dma_start3A_191] : memref<3x8x32xi32, #tpu.memory_space<vmem>> -> memref<1x1x32xi32, #tpu.memory_space<vmem>>
    %dma_start3A_193 = tpu.memref_squeeze %dma_start3A_192 : memref<1x1x32xi32, #tpu.memory_space<vmem>> -> memref<32xi32, #tpu.memory_space<vmem>>
    %dma_start3A_194 = arith.constant 0 : i32
    %dma_start3A_195 = arith.constant 0 : i32
    %dma_start3A_196 = tpu.memref_slice %arg3[%dma_start3A_194, %dma_start3A_195] : memref<8000x128xf32, #tpu.memory_space<hbm>> -> memref<8000x128xf32, #tpu.memory_space<hbm>>
    tpu.enqueue_indirect_dma source(%dma_start3A_196 : memref<8000x128xf32, #tpu.memory_space<hbm>>) target(%dma_start3A_190 : memref<32x128xf32, #tpu.memory_space<vmem>>) offsets(%dma_start3A_193 : memref<32xi32, #tpu.memory_space<vmem>>) semaphore(%arg11 : memref<!tpu.dma_semaphore, #tpu.memory_space<semaphore_mem>>)
    %dma_start3A_197 = arith.constant 0 : i32
    %dma_start3A_198 = arith.constant 4 : i32
    %dma_start3A_199 = arith.constant 0 : i32
    %dma_start3A_200 = arith.constant 512 : i32
    %dma_start3A_201 = tpu.memref_slice %arg7[%dma_start3A_199, %dma_start3A_200] : memref<32x1000xf32, #tpu.memory_space<vmem>> -> memref<32x128xf32, #tpu.memory_space<vmem>>
    %dma_start3A_202 = arith.constant 0 : i32
    %dma_start3A_203 = tpu.memref_slice %arg6[%dma_start3A_197, %dma_start3A_198, %dma_start3A_202] : memref<3x8x32xi32, #tpu.memory_space<vmem>> -> memref<1x1x32xi32, #tpu.memory_space<vmem>>
    %dma_start3A_204 = tpu.memref_squeeze %dma_start3A_203 : memref<1x1x32xi32, #tpu.memory_space<vmem>> -> memref<32xi32, #tpu.memory_space<vmem>>
    %dma_start3A_205 = arith.constant 0 : i32
    %dma_start3A_206 = arith.constant 0 : i32
    %dma_start3A_207 = tpu.memref_slice %arg3[%dma_start3A_205, %dma_start3A_206] : memref<8000x128xf32, #tpu.memory_space<hbm>> -> memref<8000x128xf32, #tpu.memory_space<hbm>>
    tpu.enqueue_indirect_dma source(%dma_start3A_207 : memref<8000x128xf32, #tpu.memory_space<hbm>>) target(%dma_start3A_201 : memref<32x128xf32, #tpu.memory_space<vmem>>) offsets(%dma_start3A_204 : memref<32xi32, #tpu.memory_space<vmem>>) semaphore(%arg11 : memref<!tpu.dma_semaphore, #tpu.memory_space<semaphore_mem>>)
    %dma_start3A_208 = arith.constant 0 : i32
    %dma_start3A_209 = arith.constant 5 : i32
    %dma_start3A_210 = arith.constant 0 : i32
    %dma_start3A_211 = arith.constant 640 : i32
    %dma_start3A_212 = tpu.memref_slice %arg7[%dma_start3A_210, %dma_start3A_211] : memref<32x1000xf32, #tpu.memory_space<vmem>> -> memref<32x128xf32, #tpu.memory_space<vmem>>
    %dma_start3A_213 = arith.constant 0 : i32
    %dma_start3A_214 = tpu.memref_slice %arg6[%dma_start3A_208, %dma_start3A_209, %dma_start3A_213] : memref<3x8x32xi32, #tpu.memory_space<vmem>> -> memref<1x1x32xi32, #tpu.memory_space<vmem>>
    %dma_start3A_215 = tpu.memref_squeeze %dma_start3A_214 : memref<1x1x32xi32, #tpu.memory_space<vmem>> -> memref<32xi32, #tpu.memory_space<vmem>>
    %dma_start3A_216 = arith.constant 0 : i32
    %dma_start3A_217 = arith.constant 0 : i32
    %dma_start3A_218 = tpu.memref_slice %arg3[%dma_start3A_216, %dma_start3A_217] : memref<8000x128xf32, #tpu.memory_space<hbm>> -> memref<8000x128xf32, #tpu.memory_space<hbm>>
    tpu.enqueue_indirect_dma source(%dma_start3A_218 : memref<8000x128xf32, #tpu.memory_space<hbm>>) target(%dma_start3A_212 : memref<32x128xf32, #tpu.memory_space<vmem>>) offsets(%dma_start3A_215 : memref<32xi32, #tpu.memory_space<vmem>>) semaphore(%arg11 : memref<!tpu.dma_semaphore, #tpu.memory_space<semaphore_mem>>)
    %dma_start3A_219 = arith.constant 0 : i32
    %dma_start3A_220 = arith.constant 6 : i32
    %dma_start3A_221 = arith.constant 0 : i32
    %dma_start3A_222 = arith.constant 768 : i32
    %dma_start3A_223 = tpu.memref_slice %arg7[%dma_start3A_221, %dma_start3A_222] : memref<32x1000xf32, #tpu.memory_space<vmem>> -> memref<32x128xf32, #tpu.memory_space<vmem>>
    %dma_start3A_224 = arith.constant 0 : i32
    %dma_start3A_225 = tpu.memref_slice %arg6[%dma_start3A_219, %dma_start3A_220, %dma_start3A_224] : memref<3x8x32xi32, #tpu.memory_space<vmem>> -> memref<1x1x32xi32, #tpu.memory_space<vmem>>
    %dma_start3A_226 = tpu.memref_squeeze %dma_start3A_225 : memref<1x1x32xi32, #tpu.memory_space<vmem>> -> memref<32xi32, #tpu.memory_space<vmem>>
    %dma_start3A_227 = arith.constant 0 : i32
    %dma_start3A_228 = arith.constant 0 : i32
    %dma_start3A_229 = tpu.memref_slice %arg3[%dma_start3A_227, %dma_start3A_228] : memref<8000x128xf32, #tpu.memory_space<hbm>> -> memref<8000x128xf32, #tpu.memory_space<hbm>>
    tpu.enqueue_indirect_dma source(%dma_start3A_229 : memref<8000x128xf32, #tpu.memory_space<hbm>>) target(%dma_start3A_223 : memref<32x128xf32, #tpu.memory_space<vmem>>) offsets(%dma_start3A_226 : memref<32xi32, #tpu.memory_space<vmem>>) semaphore(%arg11 : memref<!tpu.dma_semaphore, #tpu.memory_space<semaphore_mem>>)
    %dma_start3A_230 = arith.constant 0 : i32
    %dma_start3A_231 = arith.constant 7 : i32
    %dma_start3A_232 = arith.constant 0 : i32
    %dma_start3A_233 = arith.constant 0 : i32
    %dma_start3A_234 = arith.constant 0 : i32
    %dma_start3A_235 = tpu.memref_slice %arg10[%dma_start3A_232, %dma_start3A_233, %dma_start3A_234] : memref<3x32x128xf32, #tpu.memory_space<vmem>> -> memref<1x32x128xf32, #tpu.memory_space<vmem>>
    %dma_start3A_236 = tpu.memref_squeeze %dma_start3A_235 : memref<1x32x128xf32, #tpu.memory_space<vmem>> -> memref<32x128xf32, #tpu.memory_space<vmem>>
    %dma_start3A_237 = arith.constant 0 : i32
    %dma_start3A_238 = tpu.memref_slice %arg6[%dma_start3A_230, %dma_start3A_231, %dma_start3A_237] : memref<3x8x32xi32, #tpu.memory_space<vmem>> -> memref<1x1x32xi32, #tpu.memory_space<vmem>>
    %dma_start3A_239 = tpu.memref_squeeze %dma_start3A_238 : memref<1x1x32xi32, #tpu.memory_space<vmem>> -> memref<32xi32, #tpu.memory_space<vmem>>
    %dma_start3A_240 = arith.constant 0 : i32
    %dma_start3A_241 = arith.constant 0 : i32
    %dma_start3A_242 = tpu.memref_slice %arg3[%dma_start3A_240, %dma_start3A_241] : memref<8000x128xf32, #tpu.memory_space<hbm>> -> memref<8000x128xf32, #tpu.memory_space<hbm>>
    tpu.enqueue_indirect_dma source(%dma_start3A_242 : memref<8000x128xf32, #tpu.memory_space<hbm>>) target(%dma_start3A_236 : memref<32x128xf32, #tpu.memory_space<vmem>>) offsets(%dma_start3A_239 : memref<32xi32, #tpu.memory_space<vmem>>) semaphore(%arg11 : memref<!tpu.dma_semaphore, #tpu.memory_space<semaphore_mem>>)
    %get3A_243 = arith.constant 32 : index
    %get3A_244 = tpu.vector_load %arg5[%get3A_243] {strides = array<i32>} : memref<6400xi32, #tpu.memory_space<vmem>>, vector<16xi32>,
    %get3A_245 = arith.constant 48 : index
    %get3A_246 = tpu.vector_load %arg5[%get3A_245] {strides = array<i32>} : memref<6400xi32, #tpu.memory_space<vmem>>, vector<16xi32>,
    %add3A_247 = arith.constant 0 : i32
    %add3A_248 = vector.broadcast %add3A_247 : i32 to vector<16xi32>
    %add3A_249 = arith.addi %get3A_244, %add3A_248 : vector<16xi32>
    %swap3A_250 = arith.constant 1 : i32
    %swap3A_251 = arith.constant 0 : i32
    %swap3A_252 = arith.index_cast %swap3A_250 : i32 to index
    %swap3A_253 = arith.index_cast %swap3A_251 : i32 to index
    %swap3A_254 = arith.constant 0 : index
    %swap3A_255 = tpu.vector_load %arg6[%swap3A_252, %swap3A_253, %swap3A_254] {strides = array<i32>} : memref<3x8x32xi32, #tpu.memory_space<vmem>>, vector<16xi32>,
    tpu.vector_store %arg6[%swap3A_252, %swap3A_253, %swap3A_254], %add3A_249 {strides = array<i32>} : memref<3x8x32xi32, #tpu.memory_space<vmem>>, vector<16xi32>,
    %add3A_256 = arith.constant 0 : i32
    %add3A_257 = vector.broadcast %add3A_256 : i32 to vector<16xi32>
    %add3A_258 = arith.addi %get3A_246, %add3A_257 : vector<16xi32>
    %swap3A_259 = arith.constant 1 : i32
    %swap3A_260 = arith.constant 0 : i32
    %swap3A_261 = arith.index_cast %swap3A_259 : i32 to index
    %swap3A_262 = arith.index_cast %swap3A_260 : i32 to index
    %swap3A_263 = arith.constant 16 : index
    %swap3A_264 = tpu.vector_load %arg6[%swap3A_261, %swap3A_262, %swap3A_263] {strides = array<i32>} : memref<3x8x32xi32, #tpu.memory_space<vmem>>, vector<16xi32>,
    tpu.vector_store %arg6[%swap3A_261, %swap3A_262, %swap3A_263], %add3A_258 {strides = array<i32>} : memref<3x8x32xi32, #tpu.memory_space<vmem>>, vector<16xi32>,
    %add3A_265 = arith.constant 8 : i32
    %add3A_266 = vector.broadcast %add3A_265 : i32 to vector<16xi32>
    %add3A_267 = arith.addi %get3A_244, %add3A_266 : vector<16xi32>
    %swap3A_268 = arith.constant 1 : i32
    %swap3A_269 = arith.constant 1 : i32
    %swap3A_270 = arith.index_cast %swap3A_268 : i32 to index
    %swap3A_271 = arith.index_cast %swap3A_269 : i32 to index
    %swap3A_272 = arith.constant 0 : index
    %swap3A_273 = tpu.vector_load %arg6[%swap3A_270, %swap3A_271, %swap3A_272] {strides = array<i32>} : memref<3x8x32xi32, #tpu.memory_space<vmem>>, vector<16xi32>,
    tpu.vector_store %arg6[%swap3A_270, %swap3A_271, %swap3A_272], %add3A_267 {strides = array<i32>} : memref<3x8x32xi32, #tpu.memory_space<vmem>>, vector<16xi32>,
    %add3A_274 = arith.constant 8 : i32
    %add3A_275 = vector.broadcast %add3A_274 : i32 to vector<16xi32>
    %add3A_276 = arith.addi %get3A_246, %add3A_275 : vector<16xi32>
    %swap3A_277 = arith.constant 1 : i32
    %swap3A_278 = arith.constant 1 : i32
    %swap3A_279 = arith.index_cast %swap3A_277 : i32 to index
    %swap3A_280 = arith.index_cast %swap3A_278 : i32 to index
    %swap3A_281 = arith.constant 16 : index
    %swap3A_282 = tpu.vector_load %arg6[%swap3A_279, %swap3A_280, %swap3A_281] {strides = array<i32>} : memref<3x8x32xi32, #tpu.memory_space<vmem>>, vector<16xi32>,
    tpu.vector_store %arg6[%swap3A_279, %swap3A_280, %swap3A_281], %add3A_276 {strides = array<i32>} : memref<3x8x32xi32, #tpu.memory_space<vmem>>, vector<16xi32>,
    %add3A_283 = arith.constant 16 : i32
    %add3A_284 = vector.broadcast %add3A_283 : i32 to vector<16xi32>
    %add3A_285 = arith.addi %get3A_244, %add3A_284 : vector<16xi32>
    %swap3A_286 = arith.constant 1 : i32
    %swap3A_287 = arith.constant 2 : i32
    %swap3A_288 = arith.index_cast %swap3A_286 : i32 to index
    %swap3A_289 = arith.index_cast %swap3A_287 : i32 to index
    %swap3A_290 = arith.constant 0 : index
    %swap3A_291 = tpu.vector_load %arg6[%swap3A_288, %swap3A_289, %swap3A_290] {strides = array<i32>} : memref<3x8x32xi32, #tpu.memory_space<vmem>>, vector<16xi32>,
    tpu.vector_store %arg6[%swap3A_288, %swap3A_289, %swap3A_290], %add3A_285 {strides = array<i32>} : memref<3x8x32xi32, #tpu.memory_space<vmem>>, vector<16xi32>,
    %add3A_292 = arith.constant 16 : i32
    %add3A_293 = vector.broadcast %add3A_292 : i32 to vector<16xi32>
    %add3A_294 = arith.addi %get3A_246, %add3A_293 : vector<16xi32>
    %swap3A_295 = arith.constant 1 : i32
    %swap3A_296 = arith.constant 2 : i32
    %swap3A_297 = arith.index_cast %swap3A_295 : i32 to index
    %swap3A_298 = arith.index_cast %swap3A_296 : i32 to index
    %swap3A_299 = arith.constant 16 : index
    %swap3A_300 = tpu.vector_load %arg6[%swap3A_297, %swap3A_298, %swap3A_299] {strides = array<i32>} : memref<3x8x32xi32, #tpu.memory_space<vmem>>, vector<16xi32>,
    tpu.vector_store %arg6[%swap3A_297, %swap3A_298, %swap3A_299], %add3A_294 {strides = array<i32>} : memref<3x8x32xi32, #tpu.memory_space<vmem>>, vector<16xi32>,
    %add3A_301 = arith.constant 24 : i32
    %add3A_302 = vector.broadcast %add3A_301 : i32 to vector<16xi32>
    %add3A_303 = arith.addi %get3A_244, %add3A_302 : vector<16xi32>
    %swap3A_304 = arith.constant 1 : i32
    %swap3A_305 = arith.constant 3 : i32
    %swap3A_306 = arith.index_cast %swap3A_304 : i32 to index
    %swap3A_307 = arith.index_cast %swap3A_305 : i32 to index
    %swap3A_308 = arith.constant 0 : index
    %swap3A_309 = tpu.vector_load %arg6[%swap3A_306, %swap3A_307, %swap3A_308] {strides = array<i32>} : memref<3x8x32xi32, #tpu.memory_space<vmem>>, vector<16xi32>,
    tpu.vector_store %arg6[%swap3A_306, %swap3A_307, %swap3A_308], %add3A_303 {strides = array<i32>} : memref<3x8x32xi32, #tpu.memory_space<vmem>>, vector<16xi32>,
    %add3A_310 = arith.constant 24 : i32
    %add3A_311 = vector.broadcast %add3A_310 : i32 to vector<16xi32>
    %add3A_312 = arith.addi %get3A_246, %add3A_311 : vector<16xi32>
    %swap3A_313 = arith.constant 1 : i32
    %swap3A_314 = arith.constant 3 : i32
    %swap3A_315 = arith.index_cast %swap3A_313 : i32 to index
    %swap3A_316 = arith.index_cast %swap3A_314 : i32 to index
    %swap3A_317 = arith.constant 16 : index
    %swap3A_318 = tpu.vector_load %arg6[%swap3A_315, %swap3A_316, %swap3A_317] {strides = array<i32>} : memref<3x8x32xi32, #tpu.memory_space<vmem>>, vector<16xi32>,
    tpu.vector_store %arg6[%swap3A_315, %swap3A_316, %swap3A_317], %add3A_312 {strides = array<i32>} : memref<3x8x32xi32, #tpu.memory_space<vmem>>, vector<16xi32>,
    %add3A_319 = arith.constant 32 : i32
    %add3A_320 = vector.broadcast %add3A_319 : i32 to vector<16xi32>
    %add3A_321 = arith.addi %get3A_244, %add3A_320 : vector<16xi32>
    %swap3A_322 = arith.constant 1 : i32
    %swap3A_323 = arith.constant 4 : i32
    %swap3A_324 = arith.index_cast %swap3A_322 : i32 to index
    %swap3A_325 = arith.index_cast %swap3A_323 : i32 to index
    %swap3A_326 = arith.constant 0 : index
    %swap3A_327 = tpu.vector_load %arg6[%swap3A_324, %swap3A_325, %swap3A_326] {strides = array<i32>} : memref<3x8x32xi32, #tpu.memory_space<vmem>>, vector<16xi32>,
    tpu.vector_store %arg6[%swap3A_324, %swap3A_325, %swap3A_326], %add3A_321 {strides = array<i32>} : memref<3x8x32xi32, #tpu.memory_space<vmem>>, vector<16xi32>,
    %add3A_328 = arith.constant 32 : i32
    %add3A_329 = vector.broadcast %add3A_328 : i32 to vector<16xi32>
    %add3A_330 = arith.addi %get3A_246, %add3A_329 : vector<16xi32>
    %swap3A_331 = arith.constant 1 : i32
    %swap3A_332 = arith.constant 4 : i32
    %swap3A_333 = arith.index_cast %swap3A_331 : i32 to index
    %swap3A_334 = arith.index_cast %swap3A_332 : i32 to index
    %swap3A_335 = arith.constant 16 : index
    %swap3A_336 = tpu.vector_load %arg6[%swap3A_333, %swap3A_334, %swap3A_335] {strides = array<i32>} : memref<3x8x32xi32, #tpu.memory_space<vmem>>, vector<16xi32>,
    tpu.vector_store %arg6[%swap3A_333, %swap3A_334, %swap3A_335], %add3A_330 {strides = array<i32>} : memref<3x8x32xi32, #tpu.memory_space<vmem>>, vector<16xi32>,
    %add3A_337 = arith.constant 40 : i32
    %add3A_338 = vector.broadcast %add3A_337 : i32 to vector<16xi32>
    %add3A_339 = arith.addi %get3A_244, %add3A_338 : vector<16xi32>
    %swap3A_340 = arith.constant 1 : i32
    %swap3A_341 = arith.constant 5 : i32
    %swap3A_342 = arith.index_cast %swap3A_340 : i32 to index
    %swap3A_343 = arith.index_cast %swap3A_341 : i32 to index
    %swap3A_344 = arith.constant 0 : index
    %swap3A_345 = tpu.vector_load %arg6[%swap3A_342, %swap3A_343, %swap3A_344] {strides = array<i32>} : memref<3x8x32xi32, #tpu.memory_space<vmem>>, vector<16xi32>,
    tpu.vector_store %arg6[%swap3A_342, %swap3A_343, %swap3A_344], %add3A_339 {strides = array<i32>} : memref<3x8x32xi32, #tpu.memory_space<vmem>>, vector<16xi32>,
    %add3A_346 = arith.constant 40 : i32
    %add3A_347 = vector.broadcast %add3A_346 : i32 to vector<16xi32>
    %add3A_348 = arith.addi %get3A_246, %add3A_347 : vector<16xi32>
    %swap3A_349 = arith.constant 1 : i32
    %swap3A_350 = arith.constant 5 : i32
    %swap3A_351 = arith.index_cast %swap3A_349 : i32 to index
    %swap3A_352 = arith.index_cast %swap3A_350 : i32 to index
    %swap3A_353 = arith.constant 16 : index
    %swap3A_354 = tpu.vector_load %arg6[%swap3A_351, %swap3A_352, %swap3A_353] {strides = array<i32>} : memref<3x8x32xi32, #tpu.memory_space<vmem>>, vector<16xi32>,
    tpu.vector_store %arg6[%swap3A_351, %swap3A_352, %swap3A_353], %add3A_348 {strides = array<i32>} : memref<3x8x32xi32, #tpu.memory_space<vmem>>, vector<16xi32>,
    %add3A_355 = arith.constant 48 : i32
    %add3A_356 = vector.broadcast %add3A_355 : i32 to vector<16xi32>
    %add3A_357 = arith.addi %get3A_244, %add3A_356 : vector<16xi32>
    %swap3A_358 = arith.constant 1 : i32
    %swap3A_359 = arith.constant 6 : i32
    %swap3A_360 = arith.index_cast %swap3A_358 : i32 to index
    %swap3A_361 = arith.index_cast %swap3A_359 : i32 to index
    %swap3A_362 = arith.constant 0 : index
    %swap3A_363 = tpu.vector_load %arg6[%swap3A_360, %swap3A_361, %swap3A_362] {strides = array<i32>} : memref<3x8x32xi32, #tpu.memory_space<vmem>>, vector<16xi32>,
    tpu.vector_store %arg6[%swap3A_360, %swap3A_361, %swap3A_362], %add3A_357 {strides = array<i32>} : memref<3x8x32xi32, #tpu.memory_space<vmem>>, vector<16xi32>,
    %add3A_364 = arith.constant 48 : i32
    %add3A_365 = vector.broadcast %add3A_364 : i32 to vector<16xi32>
    %add3A_366 = arith.addi %get3A_246, %add3A_365 : vector<16xi32>
    %swap3A_367 = arith.constant 1 : i32
    %swap3A_368 = arith.constant 6 : i32
    %swap3A_369 = arith.index_cast %swap3A_367 : i32 to index
    %swap3A_370 = arith.index_cast %swap3A_368 : i32 to index
    %swap3A_371 = arith.constant 16 : index
    %swap3A_372 = tpu.vector_load %arg6[%swap3A_369, %swap3A_370, %swap3A_371] {strides = array<i32>} : memref<3x8x32xi32, #tpu.memory_space<vmem>>, vector<16xi32>,
    tpu.vector_store %arg6[%swap3A_369, %swap3A_370, %swap3A_371], %add3A_366 {strides = array<i32>} : memref<3x8x32xi32, #tpu.memory_space<vmem>>, vector<16xi32>,
    %add3A_373 = arith.constant 56 : i32
    %add3A_374 = vector.broadcast %add3A_373 : i32 to vector<16xi32>
    %add3A_375 = arith.addi %get3A_244, %add3A_374 : vector<16xi32>
    %swap3A_376 = arith.constant 1 : i32
    %swap3A_377 = arith.constant 7 : i32
    %swap3A_378 = arith.index_cast %swap3A_376 : i32 to index
    %swap3A_379 = arith.index_cast %swap3A_377 : i32 to index
    %swap3A_380 = arith.constant 0 : index
    %swap3A_381 = tpu.vector_load %arg6[%swap3A_378, %swap3A_379, %swap3A_380] {strides = array<i32>} : memref<3x8x32xi32, #tpu.memory_space<vmem>>, vector<16xi32>,
    tpu.vector_store %arg6[%swap3A_378, %swap3A_379, %swap3A_380], %add3A_375 {strides = array<i32>} : memref<3x8x32xi32, #tpu.memory_space<vmem>>, vector<16xi32>,
    %add3A_382 = arith.constant 56 : i32
    %add3A_383 = vector.broadcast %add3A_382 : i32 to vector<16xi32>
    %add3A_384 = arith.addi %get3A_246, %add3A_383 : vector<16xi32>
    %swap3A_385 = arith.constant 1 : i32
    %swap3A_386 = arith.constant 7 : i32
    %swap3A_387 = arith.index_cast %swap3A_385 : i32 to index
    %swap3A_388 = arith.index_cast %swap3A_386 : i32 to index
    %swap3A_389 = arith.constant 16 : index
    %swap3A_390 = tpu.vector_load %arg6[%swap3A_387, %swap3A_388, %swap3A_389] {strides = array<i32>} : memref<3x8x32xi32, #tpu.memory_space<vmem>>, vector<16xi32>,
    tpu.vector_store %arg6[%swap3A_387, %swap3A_388, %swap3A_389], %add3A_384 {strides = array<i32>} : memref<3x8x32xi32, #tpu.memory_space<vmem>>, vector<16xi32>,
    %dma_start3A_391 = arith.constant 1 : i32
    %dma_start3A_392 = arith.constant 0 : i32
    %dma_start3A_393 = arith.constant 0 : i32
    %dma_start3A_394 = arith.constant 0 : i32
    %dma_start3A_395 = tpu.memref_slice %arg8[%dma_start3A_393, %dma_start3A_394] : memref<32x1000xf32, #tpu.memory_space<vmem>> -> memref<32x128xf32, #tpu.memory_space<vmem>>
    %dma_start3A_396 = arith.constant 0 : i32
    %dma_start3A_397 = tpu.memref_slice %arg6[%dma_start3A_391, %dma_start3A_392, %dma_start3A_396] : memref<3x8x32xi32, #tpu.memory_space<vmem>> -> memref<1x1x32xi32, #tpu.memory_space<vmem>>
    %dma_start3A_398 = tpu.memref_squeeze %dma_start3A_397 : memref<1x1x32xi32, #tpu.memory_space<vmem>> -> memref<32xi32, #tpu.memory_space<vmem>>
    %dma_start3A_399 = arith.constant 0 : i32
    %dma_start3A_400 = arith.constant 0 : i32
    %dma_start3A_401 = tpu.memref_slice %arg3[%dma_start3A_399, %dma_start3A_400] : memref<8000x128xf32, #tpu.memory_space<hbm>> -> memref<8000x128xf32, #tpu.memory_space<hbm>>
    tpu.enqueue_indirect_dma source(%dma_start3A_401 : memref<8000x128xf32, #tpu.memory_space<hbm>>) target(%dma_start3A_395 : memref<32x128xf32, #tpu.memory_space<vmem>>) offsets(%dma_start3A_398 : memref<32xi32, #tpu.memory_space<vmem>>) semaphore(%arg12 : memref<!tpu.dma_semaphore, #tpu.memory_space<semaphore_mem>>)
    %dma_start3A_402 = arith.constant 1 : i32
    %dma_start3A_403 = arith.constant 1 : i32
    %dma_start3A_404 = arith.constant 0 : i32
    %dma_start3A_405 = arith.constant 128 : i32
    %dma_start3A_406 = tpu.memref_slice %arg8[%dma_start3A_404, %dma_start3A_405] : memref<32x1000xf32, #tpu.memory_space<vmem>> -> memref<32x128xf32, #tpu.memory_space<vmem>>
    %dma_start3A_407 = arith.constant 0 : i32
    %dma_start3A_408 = tpu.memref_slice %arg6[%dma_start3A_402, %dma_start3A_403, %dma_start3A_407] : memref<3x8x32xi32, #tpu.memory_space<vmem>> -> memref<1x1x32xi32, #tpu.memory_space<vmem>>
    %dma_start3A_409 = tpu.memref_squeeze %dma_start3A_408 : memref<1x1x32xi32, #tpu.memory_space<vmem>> -> memref<32xi32, #tpu.memory_space<vmem>>
    %dma_start3A_410 = arith.constant 0 : i32
    %dma_start3A_411 = arith.constant 0 : i32
    %dma_start3A_412 = tpu.memref_slice %arg3[%dma_start3A_410, %dma_start3A_411] : memref<8000x128xf32, #tpu.memory_space<hbm>> -> memref<8000x128xf32, #tpu.memory_space<hbm>>
    tpu.enqueue_indirect_dma source(%dma_start3A_412 : memref<8000x128xf32, #tpu.memory_space<hbm>>) target(%dma_start3A_406 : memref<32x128xf32, #tpu.memory_space<vmem>>) offsets(%dma_start3A_409 : memref<32xi32, #tpu.memory_space<vmem>>) semaphore(%arg12 : memref<!tpu.dma_semaphore, #tpu.memory_space<semaphore_mem>>)
    %dma_start3A_413 = arith.constant 1 : i32
    %dma_start3A_414 = arith.constant 2 : i32
    %dma_start3A_415 = arith.constant 0 : i32
    %dma_start3A_416 = arith.constant 256 : i32
    %dma_start3A_417 = tpu.memref_slice %arg8[%dma_start3A_415, %dma_start3A_416] : memref<32x1000xf32, #tpu.memory_space<vmem>> -> memref<32x128xf32, #tpu.memory_space<vmem>>
    %dma_start3A_418 = arith.constant 0 : i32
    %dma_start3A_419 = tpu.memref_slice %arg6[%dma_start3A_413, %dma_start3A_414, %dma_start3A_418] : memref<3x8x32xi32, #tpu.memory_space<vmem>> -> memref<1x1x32xi32, #tpu.memory_space<vmem>>
    %dma_start3A_420 = tpu.memref_squeeze %dma_start3A_419 : memref<1x1x32xi32, #tpu.memory_space<vmem>> -> memref<32xi32, #tpu.memory_space<vmem>>
    %dma_start3A_421 = arith.constant 0 : i32
    %dma_start3A_422 = arith.constant 0 : i32
    %dma_start3A_423 = tpu.memref_slice %arg3[%dma_start3A_421, %dma_start3A_422] : memref<8000x128xf32, #tpu.memory_space<hbm>> -> memref<8000x128xf32, #tpu.memory_space<hbm>>
    tpu.enqueue_indirect_dma source(%dma_start3A_423 : memref<8000x128xf32, #tpu.memory_space<hbm>>) target(%dma_start3A_417 : memref<32x128xf32, #tpu.memory_space<vmem>>) offsets(%dma_start3A_420 : memref<32xi32, #tpu.memory_space<vmem>>) semaphore(%arg12 : memref<!tpu.dma_semaphore, #tpu.memory_space<semaphore_mem>>)
    %dma_start3A_424 = arith.constant 1 : i32
    %dma_start3A_425 = arith.constant 3 : i32
    %dma_start3A_426 = arith.constant 0 : i32
    %dma_start3A_427 = arith.constant 384 : i32
    %dma_start3A_428 = tpu.memref_slice %arg8[%dma_start3A_426, %dma_start3A_427] : memref<32x1000xf32, #tpu.memory_space<vmem>> -> memref<32x128xf32, #tpu.memory_space<vmem>>
    %dma_start3A_429 = arith.constant 0 : i32
    %dma_start3A_430 = tpu.memref_slice %arg6[%dma_start3A_424, %dma_start3A_425, %dma_start3A_429] : memref<3x8x32xi32, #tpu.memory_space<vmem>> -> memref<1x1x32xi32, #tpu.memory_space<vmem>>
    %dma_start3A_431 = tpu.memref_squeeze %dma_start3A_430 : memref<1x1x32xi32, #tpu.memory_space<vmem>> -> memref<32xi32, #tpu.memory_space<vmem>>
    %dma_start3A_432 = arith.constant 0 : i32
    %dma_start3A_433 = arith.constant 0 : i32
    %dma_start3A_434 = tpu.memref_slice %arg3[%dma_start3A_432, %dma_start3A_433] : memref<8000x128xf32, #tpu.memory_space<hbm>> -> memref<8000x128xf32, #tpu.memory_space<hbm>>
    tpu.enqueue_indirect_dma source(%dma_start3A_434 : memref<8000x128xf32, #tpu.memory_space<hbm>>) target(%dma_start3A_428 : memref<32x128xf32, #tpu.memory_space<vmem>>) offsets(%dma_start3A_431 : memref<32xi32, #tpu.memory_space<vmem>>) semaphore(%arg12 : memref<!tpu.dma_semaphore, #tpu.memory_space<semaphore_mem>>)
    %dma_start3A_435 = arith.constant 1 : i32
    %dma_start3A_436 = arith.constant 4 : i32
    %dma_start3A_437 = arith.constant 0 : i32
    %dma_start3A_438 = arith.constant 512 : i32
    %dma_start3A_439 = tpu.memref_slice %arg8[%dma_start3A_437, %dma_start3A_438] : memref<32x1000xf32, #tpu.memory_space<vmem>> -> memref<32x128xf32, #tpu.memory_space<vmem>>
    %dma_start3A_440 = arith.constant 0 : i32
    %dma_start3A_441 = tpu.memref_slice %arg6[%dma_start3A_435, %dma_start3A_436, %dma_start3A_440] : memref<3x8x32xi32, #tpu.memory_space<vmem>> -> memref<1x1x32xi32, #tpu.memory_space<vmem>>
    %dma_start3A_442 = tpu.memref_squeeze %dma_start3A_441 : memref<1x1x32xi32, #tpu.memory_space<vmem>> -> memref<32xi32, #tpu.memory_space<vmem>>
    %dma_start3A_443 = arith.constant 0 : i32
    %dma_start3A_444 = arith.constant 0 : i32
    %dma_start3A_445 = tpu.memref_slice %arg3[%dma_start3A_443, %dma_start3A_444] : memref<8000x128xf32, #tpu.memory_space<hbm>> -> memref<8000x128xf32, #tpu.memory_space<hbm>>
    tpu.enqueue_indirect_dma source(%dma_start3A_445 : memref<8000x128xf32, #tpu.memory_space<hbm>>) target(%dma_start3A_439 : memref<32x128xf32, #tpu.memory_space<vmem>>) offsets(%dma_start3A_442 : memref<32xi32, #tpu.memory_space<vmem>>) semaphore(%arg12 : memref<!tpu.dma_semaphore, #tpu.memory_space<semaphore_mem>>)
    %dma_start3A_446 = arith.constant 1 : i32
    %dma_start3A_447 = arith.constant 5 : i32
    %dma_start3A_448 = arith.constant 0 : i32
    %dma_start3A_449 = arith.constant 640 : i32
    %dma_start3A_450 = tpu.memref_slice %arg8[%dma_start3A_448, %dma_start3A_449] : memref<32x1000xf32, #tpu.memory_space<vmem>> -> memref<32x128xf32, #tpu.memory_space<vmem>>
    %dma_start3A_451 = arith.constant 0 : i32
    %dma_start3A_452 = tpu.memref_slice %arg6[%dma_start3A_446, %dma_start3A_447, %dma_start3A_451] : memref<3x8x32xi32, #tpu.memory_space<vmem>> -> memref<1x1x32xi32, #tpu.memory_space<vmem>>
    %dma_start3A_453 = tpu.memref_squeeze %dma_start3A_452 : memref<1x1x32xi32, #tpu.memory_space<vmem>> -> memref<32xi32, #tpu.memory_space<vmem>>
    %dma_start3A_454 = arith.constant 0 : i32
    %dma_start3A_455 = arith.constant 0 : i32
    %dma_start3A_456 = tpu.memref_slice %arg3[%dma_start3A_454, %dma_start3A_455] : memref<8000x128xf32, #tpu.memory_space<hbm>> -> memref<8000x128xf32, #tpu.memory_space<hbm>>
    tpu.enqueue_indirect_dma source(%dma_start3A_456 : memref<8000x128xf32, #tpu.memory_space<hbm>>) target(%dma_start3A_450 : memref<32x128xf32, #tpu.memory_space<vmem>>) offsets(%dma_start3A_453 : memref<32xi32, #tpu.memory_space<vmem>>) semaphore(%arg12 : memref<!tpu.dma_semaphore, #tpu.memory_space<semaphore_mem>>)
    %dma_start3A_457 = arith.constant 1 : i32
    %dma_start3A_458 = arith.constant 6 : i32
    %dma_start3A_459 = arith.constant 0 : i32
    %dma_start3A_460 = arith.constant 768 : i32
    %dma_start3A_461 = tpu.memref_slice %arg8[%dma_start3A_459, %dma_start3A_460] : memref<32x1000xf32, #tpu.memory_space<vmem>> -> memref<32x128xf32, #tpu.memory_space<vmem>>
    %dma_start3A_462 = arith.constant 0 : i32
    %dma_start3A_463 = tpu.memref_slice %arg6[%dma_start3A_457, %dma_start3A_458, %dma_start3A_462] : memref<3x8x32xi32, #tpu.memory_space<vmem>> -> memref<1x1x32xi32, #tpu.memory_space<vmem>>
    %dma_start3A_464 = tpu.memref_squeeze %dma_start3A_463 : memref<1x1x32xi32, #tpu.memory_space<vmem>> -> memref<32xi32, #tpu.memory_space<vmem>>
    %dma_start3A_465 = arith.constant 0 : i32
    %dma_start3A_466 = arith.constant 0 : i32
    %dma_start3A_467 = tpu.memref_slice %arg3[%dma_start3A_465, %dma_start3A_466] : memref<8000x128xf32, #tpu.memory_space<hbm>> -> memref<8000x128xf32, #tpu.memory_space<hbm>>
    tpu.enqueue_indirect_dma source(%dma_start3A_467 : memref<8000x128xf32, #tpu.memory_space<hbm>>) target(%dma_start3A_461 : memref<32x128xf32, #tpu.memory_space<vmem>>) offsets(%dma_start3A_464 : memref<32xi32, #tpu.memory_space<vmem>>) semaphore(%arg12 : memref<!tpu.dma_semaphore, #tpu.memory_space<semaphore_mem>>)
    %dma_start3A_468 = arith.constant 1 : i32
    %dma_start3A_469 = arith.constant 7 : i32
    %dma_start3A_470 = arith.constant 1 : i32
    %dma_start3A_471 = arith.constant 0 : i32
    %dma_start3A_472 = arith.constant 0 : i32
    %dma_start3A_473 = tpu.memref_slice %arg10[%dma_start3A_470, %dma_start3A_471, %dma_start3A_472] : memref<3x32x128xf32, #tpu.memory_space<vmem>> -> memref<1x32x128xf32, #tpu.memory_space<vmem>>
    %dma_start3A_474 = tpu.memref_squeeze %dma_start3A_473 : memref<1x32x128xf32, #tpu.memory_space<vmem>> -> memref<32x128xf32, #tpu.memory_space<vmem>>
    %dma_start3A_475 = arith.constant 0 : i32
    %dma_start3A_476 = tpu.memref_slice %arg6[%dma_start3A_468, %dma_start3A_469, %dma_start3A_475] : memref<3x8x32xi32, #tpu.memory_space<vmem>> -> memref<1x1x32xi32, #tpu.memory_space<vmem>>
    %dma_start3A_477 = tpu.memref_squeeze %dma_start3A_476 : memref<1x1x32xi32, #tpu.memory_space<vmem>> -> memref<32xi32, #tpu.memory_space<vmem>>
    %dma_start3A_478 = arith.constant 0 : i32
    %dma_start3A_479 = arith.constant 0 : i32
    %dma_start3A_480 = tpu.memref_slice %arg3[%dma_start3A_478, %dma_start3A_479] : memref<8000x128xf32, #tpu.memory_space<hbm>> -> memref<8000x128xf32, #tpu.memory_space<hbm>>
    tpu.enqueue_indirect_dma source(%dma_start3A_480 : memref<8000x128xf32, #tpu.memory_space<hbm>>) target(%dma_start3A_474 : memref<32x128xf32, #tpu.memory_space<vmem>>) offsets(%dma_start3A_477 : memref<32xi32, #tpu.memory_space<vmem>>) semaphore(%arg12 : memref<!tpu.dma_semaphore, #tpu.memory_space<semaphore_mem>>)
    %get3A_481 = arith.constant 64 : index
    %get3A_482 = tpu.vector_load %arg5[%get3A_481] {strides = array<i32>} : memref<6400xi32, #tpu.memory_space<vmem>>, vector<16xi32>,
    %get3A_483 = arith.constant 80 : index
    %get3A_484 = tpu.vector_load %arg5[%get3A_483] {strides = array<i32>} : memref<6400xi32, #tpu.memory_space<vmem>>, vector<16xi32>,
    %add3A_485 = arith.constant 0 : i32
    %add3A_486 = vector.broadcast %add3A_485 : i32 to vector<16xi32>
    %add3A_487 = arith.addi %get3A_482, %add3A_486 : vector<16xi32>
    %swap3A_488 = arith.constant 2 : i32
    %swap3A_489 = arith.constant 0 : i32
    %swap3A_490 = arith.index_cast %swap3A_488 : i32 to index
    %swap3A_491 = arith.index_cast %swap3A_489 : i32 to index
    %swap3A_492 = arith.constant 0 : index
    %swap3A_493 = tpu.vector_load %arg6[%swap3A_490, %swap3A_491, %swap3A_492] {strides = array<i32>} : memref<3x8x32xi32, #tpu.memory_space<vmem>>, vector<16xi32>,
    tpu.vector_store %arg6[%swap3A_490, %swap3A_491, %swap3A_492], %add3A_487 {strides = array<i32>} : memref<3x8x32xi32, #tpu.memory_space<vmem>>, vector<16xi32>,
    %add3A_494 = arith.constant 0 : i32
    %add3A_495 = vector.broadcast %add3A_494 : i32 to vector<16xi32>
    %add3A_496 = arith.addi %get3A_484, %add3A_495 : vector<16xi32>
    %swap3A_497 = arith.constant 2 : i32
    %swap3A_498 = arith.constant 0 : i32
    %swap3A_499 = arith.index_cast %swap3A_497 : i32 to index
    %swap3A_500 = arith.index_cast %swap3A_498 : i32 to index
    %swap3A_501 = arith.constant 16 : index
    %swap3A_502 = tpu.vector_load %arg6[%swap3A_499, %swap3A_500, %swap3A_501] {strides = array<i32>} : memref<3x8x32xi32, #tpu.memory_space<vmem>>, vector<16xi32>,
    tpu.vector_store %arg6[%swap3A_499, %swap3A_500, %swap3A_501], %add3A_496 {strides = array<i32>} : memref<3x8x32xi32, #tpu.memory_space<vmem>>, vector<16xi32>,
    %add3A_503 = arith.constant 8 : i32
    %add3A_504 = vector.broadcast %add3A_503 : i32 to vector<16xi32>
    %add3A_505 = arith.addi %get3A_482, %add3A_504 : vector<16xi32>
    %swap3A_506 = arith.constant 2 : i32
    %swap3A_507 = arith.constant 1 : i32
    %swap3A_508 = arith.index_cast %swap3A_506 : i32 to index
    %swap3A_509 = arith.index_cast %swap3A_507 : i32 to index
    %swap3A_510 = arith.constant 0 : index
    %swap3A_511 = tpu.vector_load %arg6[%swap3A_508, %swap3A_509, %swap3A_510] {strides = array<i32>} : memref<3x8x32xi32, #tpu.memory_space<vmem>>, vector<16xi32>,
    tpu.vector_store %arg6[%swap3A_508, %swap3A_509, %swap3A_510], %add3A_505 {strides = array<i32>} : memref<3x8x32xi32, #tpu.memory_space<vmem>>, vector<16xi32>,
    %add3A_512 = arith.constant 8 : i32
    %add3A_513 = vector.broadcast %add3A_512 : i32 to vector<16xi32>
    %add3A_514 = arith.addi %get3A_484, %add3A_513 : vector<16xi32>
    %swap3A_515 = arith.constant 2 : i32
    %swap3A_516 = arith.constant 1 : i32
    %swap3A_517 = arith.index_cast %swap3A_515 : i32 to index
    %swap3A_518 = arith.index_cast %swap3A_516 : i32 to index
    %swap3A_519 = arith.constant 16 : index
    %swap3A_520 = tpu.vector_load %arg6[%swap3A_517, %swap3A_518, %swap3A_519] {strides = array<i32>} : memref<3x8x32xi32, #tpu.memory_space<vmem>>, vector<16xi32>,
    tpu.vector_store %arg6[%swap3A_517, %swap3A_518, %swap3A_519], %add3A_514 {strides = array<i32>} : memref<3x8x32xi32, #tpu.memory_space<vmem>>, vector<16xi32>,
    %add3A_521 = arith.constant 16 : i32
    %add3A_522 = vector.broadcast %add3A_521 : i32 to vector<16xi32>
    %add3A_523 = arith.addi %get3A_482, %add3A_522 : vector<16xi32>
    %swap3A_524 = arith.constant 2 : i32
    %swap3A_525 = arith.constant 2 : i32
    %swap3A_526 = arith.index_cast %swap3A_524 : i32 to index
    %swap3A_527 = arith.index_cast %swap3A_525 : i32 to index
    %swap3A_528 = arith.constant 0 : index
    %swap3A_529 = tpu.vector_load %arg6[%swap3A_526, %swap3A_527, %swap3A_528] {strides = array<i32>} : memref<3x8x32xi32, #tpu.memory_space<vmem>>, vector<16xi32>,
    tpu.vector_store %arg6[%swap3A_526, %swap3A_527, %swap3A_528], %add3A_523 {strides = array<i32>} : memref<3x8x32xi32, #tpu.memory_space<vmem>>, vector<16xi32>,
    %add3A_530 = arith.constant 16 : i32
    %add3A_531 = vector.broadcast %add3A_530 : i32 to vector<16xi32>
    %add3A_532 = arith.addi %get3A_484, %add3A_531 : vector<16xi32>
    %swap3A_533 = arith.constant 2 : i32
    %swap3A_534 = arith.constant 2 : i32
    %swap3A_535 = arith.index_cast %swap3A_533 : i32 to index
    %swap3A_536 = arith.index_cast %swap3A_534 : i32 to index
    %swap3A_537 = arith.constant 16 : index
    %swap3A_538 = tpu.vector_load %arg6[%swap3A_535, %swap3A_536, %swap3A_537] {strides = array<i32>} : memref<3x8x32xi32, #tpu.memory_space<vmem>>, vector<16xi32>,
    tpu.vector_store %arg6[%swap3A_535, %swap3A_536, %swap3A_537], %add3A_532 {strides = array<i32>} : memref<3x8x32xi32, #tpu.memory_space<vmem>>, vector<16xi32>,
    %add3A_539 = arith.constant 24 : i32
    %add3A_540 = vector.broadcast %add3A_539 : i32 to vector<16xi32>
    %add3A_541 = arith.addi %get3A_482, %add3A_540 : vector<16xi32>
    %swap3A_542 = arith.constant 2 : i32
    %swap3A_543 = arith.constant 3 : i32
    %swap3A_544 = arith.index_cast %swap3A_542 : i32 to index
    %swap3A_545 = arith.index_cast %swap3A_543 : i32 to index
    %swap3A_546 = arith.constant 0 : index
    %swap3A_547 = tpu.vector_load %arg6[%swap3A_544, %swap3A_545, %swap3A_546] {strides = array<i32>} : memref<3x8x32xi32, #tpu.memory_space<vmem>>, vector<16xi32>,
    tpu.vector_store %arg6[%swap3A_544, %swap3A_545, %swap3A_546], %add3A_541 {strides = array<i32>} : memref<3x8x32xi32, #tpu.memory_space<vmem>>, vector<16xi32>,
    %add3A_548 = arith.constant 24 : i32
    %add3A_549 = vector.broadcast %add3A_548 : i32 to vector<16xi32>
    %add3A_550 = arith.addi %get3A_484, %add3A_549 : vector<16xi32>
    %swap3A_551 = arith.constant 2 : i32
    %swap3A_552 = arith.constant 3 : i32
    %swap3A_553 = arith.index_cast %swap3A_551 : i32 to index
    %swap3A_554 = arith.index_cast %swap3A_552 : i32 to index
    %swap3A_555 = arith.constant 16 : index
    %swap3A_556 = tpu.vector_load %arg6[%swap3A_553, %swap3A_554, %swap3A_555] {strides = array<i32>} : memref<3x8x32xi32, #tpu.memory_space<vmem>>, vector<16xi32>,
    tpu.vector_store %arg6[%swap3A_553, %swap3A_554, %swap3A_555], %add3A_550 {strides = array<i32>} : memref<3x8x32xi32, #tpu.memory_space<vmem>>, vector<16xi32>,
    %add3A_557 = arith.constant 32 : i32
    %add3A_558 = vector.broadcast %add3A_557 : i32 to vector<16xi32>
    %add3A_559 = arith.addi %get3A_482, %add3A_558 : vector<16xi32>
    %swap3A_560 = arith.constant 2 : i32
    %swap3A_561 = arith.constant 4 : i32
    %swap3A_562 = arith.index_cast %swap3A_560 : i32 to index
    %swap3A_563 = arith.index_cast %swap3A_561 : i32 to index
    %swap3A_564 = arith.constant 0 : index
    %swap3A_565 = tpu.vector_load %arg6[%swap3A_562, %swap3A_563, %swap3A_564] {strides = array<i32>} : memref<3x8x32xi32, #tpu.memory_space<vmem>>, vector<16xi32>,
    tpu.vector_store %arg6[%swap3A_562, %swap3A_563, %swap3A_564], %add3A_559 {strides = array<i32>} : memref<3x8x32xi32, #tpu.memory_space<vmem>>, vector<16xi32>,
    %add3A_566 = arith.constant 32 : i32
    %add3A_567 = vector.broadcast %add3A_566 : i32 to vector<16xi32>
    %add3A_568 = arith.addi %get3A_484, %add3A_567 : vector<16xi32>
    %swap3A_569 = arith.constant 2 : i32
    %swap3A_570 = arith.constant 4 : i32
    %swap3A_571 = arith.index_cast %swap3A_569 : i32 to index
    %swap3A_572 = arith.index_cast %swap3A_570 : i32 to index
    %swap3A_573 = arith.constant 16 : index
    %swap3A_574 = tpu.vector_load %arg6[%swap3A_571, %swap3A_572, %swap3A_573] {strides = array<i32>} : memref<3x8x32xi32, #tpu.memory_space<vmem>>, vector<16xi32>,
    tpu.vector_store %arg6[%swap3A_571, %swap3A_572, %swap3A_573], %add3A_568 {strides = array<i32>} : memref<3x8x32xi32, #tpu.memory_space<vmem>>, vector<16xi32>,
    %add3A_575 = arith.constant 40 : i32
    %add3A_576 = vector.broadcast %add3A_575 : i32 to vector<16xi32>
    %add3A_577 = arith.addi %get3A_482, %add3A_576 : vector<16xi32>
    %swap3A_578 = arith.constant 2 : i32
    %swap3A_579 = arith.constant 5 : i32
    %swap3A_580 = arith.index_cast %swap3A_578 : i32 to index
    %swap3A_581 = arith.index_cast %swap3A_579 : i32 to index
    %swap3A_582 = arith.constant 0 : index
    %swap3A_583 = tpu.vector_load %arg6[%swap3A_580, %swap3A_581, %swap3A_582] {strides = array<i32>} : memref<3x8x32xi32, #tpu.memory_space<vmem>>, vector<16xi32>,
    tpu.vector_store %arg6[%swap3A_580, %swap3A_581, %swap3A_582], %add3A_577 {strides = array<i32>} : memref<3x8x32xi32, #tpu.memory_space<vmem>>, vector<16xi32>,
    %add3A_584 = arith.constant 40 : i32
    %add3A_585 = vector.broadcast %add3A_584 : i32 to vector<16xi32>
    %add3A_586 = arith.addi %get3A_484, %add3A_585 : vector<16xi32>
    %swap3A_587 = arith.constant 2 : i32
    %swap3A_588 = arith.constant 5 : i32
    %swap3A_589 = arith.index_cast %swap3A_587 : i32 to index
    %swap3A_590 = arith.index_cast %swap3A_588 : i32 to index
    %swap3A_591 = arith.constant 16 : index
    %swap3A_592 = tpu.vector_load %arg6[%swap3A_589, %swap3A_590, %swap3A_591] {strides = array<i32>} : memref<3x8x32xi32, #tpu.memory_space<vmem>>, vector<16xi32>,
    tpu.vector_store %arg6[%swap3A_589, %swap3A_590, %swap3A_591], %add3A_586 {strides = array<i32>} : memref<3x8x32xi32, #tpu.memory_space<vmem>>, vector<16xi32>,
    %add3A_593 = arith.constant 48 : i32
    %add3A_594 = vector.broadcast %add3A_593 : i32 to vector<16xi32>
    %add3A_595 = arith.addi %get3A_482, %add3A_594 : vector<16xi32>
    %swap3A_596 = arith.constant 2 : i32
    %swap3A_597 = arith.constant 6 : i32
    %swap3A_598 = arith.index_cast %swap3A_596 : i32 to index
    %swap3A_599 = arith.index_cast %swap3A_597 : i32 to index
    %swap3A_600 = arith.constant 0 : index
    %swap3A_601 = tpu.vector_load %arg6[%swap3A_598, %swap3A_599, %swap3A_600] {strides = array<i32>} : memref<3x8x32xi32, #tpu.memory_space<vmem>>, vector<16xi32>,
    tpu.vector_store %arg6[%swap3A_598, %swap3A_599, %swap3A_600], %add3A_595 {strides = array<i32>} : memref<3x8x32xi32, #tpu.memory_space<vmem>>, vector<16xi32>,
    %add3A_602 = arith.constant 48 : i32
    %add3A_603 = vector.broadcast %add3A_602 : i32 to vector<16xi32>
    %add3A_604 = arith.addi %get3A_484, %add3A_603 : vector<16xi32>
    %swap3A_605 = arith.constant 2 : i32
    %swap3A_606 = arith.constant 6 : i32
    %swap3A_607 = arith.index_cast %swap3A_605 : i32 to index
    %swap3A_608 = arith.index_cast %swap3A_606 : i32 to index
    %swap3A_609 = arith.constant 16 : index
    %swap3A_610 = tpu.vector_load %arg6[%swap3A_607, %swap3A_608, %swap3A_609] {strides = array<i32>} : memref<3x8x32xi32, #tpu.memory_space<vmem>>, vector<16xi32>,
    tpu.vector_store %arg6[%swap3A_607, %swap3A_608, %swap3A_609], %add3A_604 {strides = array<i32>} : memref<3x8x32xi32, #tpu.memory_space<vmem>>, vector<16xi32>,
    %add3A_611 = arith.constant 56 : i32
    %add3A_612 = vector.broadcast %add3A_611 : i32 to vector<16xi32>
    %add3A_613 = arith.addi %get3A_482, %add3A_612 : vector<16xi32>
    %swap3A_614 = arith.constant 2 : i32
    %swap3A_615 = arith.constant 7 : i32
    %swap3A_616 = arith.index_cast %swap3A_614 : i32 to index
    %swap3A_617 = arith.index_cast %swap3A_615 : i32 to index
    %swap3A_618 = arith.constant 0 : index
    %swap3A_619 = tpu.vector_load %arg6[%swap3A_616, %swap3A_617, %swap3A_618] {strides = array<i32>} : memref<3x8x32xi32, #tpu.memory_space<vmem>>, vector<16xi32>,
    tpu.vector_store %arg6[%swap3A_616, %swap3A_617, %swap3A_618], %add3A_613 {strides = array<i32>} : memref<3x8x32xi32, #tpu.memory_space<vmem>>, vector<16xi32>,
    %add3A_620 = arith.constant 56 : i32
    %add3A_621 = vector.broadcast %add3A_620 : i32 to vector<16xi32>
    %add3A_622 = arith.addi %get3A_484, %add3A_621 : vector<16xi32>
    %swap3A_623 = arith.constant 2 : i32
    %swap3A_624 = arith.constant 7 : i32
    %swap3A_625 = arith.index_cast %swap3A_623 : i32 to index
    %swap3A_626 = arith.index_cast %swap3A_624 : i32 to index
    %swap3A_627 = arith.constant 16 : index
    %swap3A_628 = tpu.vector_load %arg6[%swap3A_625, %swap3A_626, %swap3A_627] {strides = array<i32>} : memref<3x8x32xi32, #tpu.memory_space<vmem>>, vector<16xi32>,
    tpu.vector_store %arg6[%swap3A_625, %swap3A_626, %swap3A_627], %add3A_622 {strides = array<i32>} : memref<3x8x32xi32, #tpu.memory_space<vmem>>, vector<16xi32>,
    %dma_start3A_629 = arith.constant 2 : i32
    %dma_start3A_630 = arith.constant 0 : i32
    %dma_start3A_631 = arith.constant 0 : i32
    %dma_start3A_632 = arith.constant 0 : i32
    %dma_start3A_633 = tpu.memref_slice %arg9[%dma_start3A_631, %dma_start3A_632] : memref<32x1000xf32, #tpu.memory_space<vmem>> -> memref<32x128xf32, #tpu.memory_space<vmem>>
    %dma_start3A_634 = arith.constant 0 : i32
    %dma_start3A_635 = tpu.memref_slice %arg6[%dma_start3A_629, %dma_start3A_630, %dma_start3A_634] : memref<3x8x32xi32, #tpu.memory_space<vmem>> -> memref<1x1x32xi32, #tpu.memory_space<vmem>>
    %dma_start3A_636 = tpu.memref_squeeze %dma_start3A_635 : memref<1x1x32xi32, #tpu.memory_space<vmem>> -> memref<32xi32, #tpu.memory_space<vmem>>
    %dma_start3A_637 = arith.constant 0 : i32
    %dma_start3A_638 = arith.constant 0 : i32
    %dma_start3A_639 = tpu.memref_slice %arg3[%dma_start3A_637, %dma_start3A_638] : memref<8000x128xf32, #tpu.memory_space<hbm>> -> memref<8000x128xf32, #tpu.memory_space<hbm>>
    tpu.enqueue_indirect_dma source(%dma_start3A_639 : memref<8000x128xf32, #tpu.memory_space<hbm>>) target(%dma_start3A_633 : memref<32x128xf32, #tpu.memory_space<vmem>>) offsets(%dma_start3A_636 : memref<32xi32, #tpu.memory_space<vmem>>) semaphore(%arg13 : memref<!tpu.dma_semaphore, #tpu.memory_space<semaphore_mem>>)
    %dma_start3A_640 = arith.constant 2 : i32
    %dma_start3A_641 = arith.constant 1 : i32
    %dma_start3A_642 = arith.constant 0 : i32
    %dma_start3A_643 = arith.constant 128 : i32
    %dma_start3A_644 = tpu.memref_slice %arg9[%dma_start3A_642, %dma_start3A_643] : memref<32x1000xf32, #tpu.memory_space<vmem>> -> memref<32x128xf32, #tpu.memory_space<vmem>>
    %dma_start3A_645 = arith.constant 0 : i32
    %dma_start3A_646 = tpu.memref_slice %arg6[%dma_start3A_640, %dma_start3A_641, %dma_start3A_645] : memref<3x8x32xi32, #tpu.memory_space<vmem>> -> memref<1x1x32xi32, #tpu.memory_space<vmem>>
    %dma_start3A_647 = tpu.memref_squeeze %dma_start3A_646 : memref<1x1x32xi32, #tpu.memory_space<vmem>> -> memref<32xi32, #tpu.memory_space<vmem>>
    %dma_start3A_648 = arith.constant 0 : i32
    %dma_start3A_649 = arith.constant 0 : i32
    %dma_start3A_650 = tpu.memref_slice %arg3[%dma_start3A_648, %dma_start3A_649] : memref<8000x128xf32, #tpu.memory_space<hbm>> -> memref<8000x128xf32, #tpu.memory_space<hbm>>
    tpu.enqueue_indirect_dma source(%dma_start3A_650 : memref<8000x128xf32, #tpu.memory_space<hbm>>) target(%dma_start3A_644 : memref<32x128xf32, #tpu.memory_space<vmem>>) offsets(%dma_start3A_647 : memref<32xi32, #tpu.memory_space<vmem>>) semaphore(%arg13 : memref<!tpu.dma_semaphore, #tpu.memory_space<semaphore_mem>>)
    %dma_start3A_651 = arith.constant 2 : i32
    %dma_start3A_652 = arith.constant 2 : i32
    %dma_start3A_653 = arith.constant 0 : i32
    %dma_start3A_654 = arith.constant 256 : i32
    %dma_start3A_655 = tpu.memref_slice %arg9[%dma_start3A_653, %dma_start3A_654] : memref<32x1000xf32, #tpu.memory_space<vmem>> -> memref<32x128xf32, #tpu.memory_space<vmem>>
    %dma_start3A_656 = arith.constant 0 : i32
    %dma_start3A_657 = tpu.memref_slice %arg6[%dma_start3A_651, %dma_start3A_652, %dma_start3A_656] : memref<3x8x32xi32, #tpu.memory_space<vmem>> -> memref<1x1x32xi32, #tpu.memory_space<vmem>>
    %dma_start3A_658 = tpu.memref_squeeze %dma_start3A_657 : memref<1x1x32xi32, #tpu.memory_space<vmem>> -> memref<32xi32, #tpu.memory_space<vmem>>
    %dma_start3A_659 = arith.constant 0 : i32
    %dma_start3A_660 = arith.constant 0 : i32
    %dma_start3A_661 = tpu.memref_slice %arg3[%dma_start3A_659, %dma_start3A_660] : memref<8000x128xf32, #tpu.memory_space<hbm>> -> memref<8000x128xf32, #tpu.memory_space<hbm>>
    tpu.enqueue_indirect_dma source(%dma_start3A_661 : memref<8000x128xf32, #tpu.memory_space<hbm>>) target(%dma_start3A_655 : memref<32x128xf32, #tpu.memory_space<vmem>>) offsets(%dma_start3A_658 : memref<32xi32, #tpu.memory_space<vmem>>) semaphore(%arg13 : memref<!tpu.dma_semaphore, #tpu.memory_space<semaphore_mem>>)
    %dma_start3A_662 = arith.constant 2 : i32
    %dma_start3A_663 = arith.constant 3 : i32
    %dma_start3A_664 = arith.constant 0 : i32
    %dma_start3A_665 = arith.constant 384 : i32
    %dma_start3A_666 = tpu.memref_slice %arg9[%dma_start3A_664, %dma_start3A_665] : memref<32x1000xf32, #tpu.memory_space<vmem>> -> memref<32x128xf32, #tpu.memory_space<vmem>>
    %dma_start3A_667 = arith.constant 0 : i32
    %dma_start3A_668 = tpu.memref_slice %arg6[%dma_start3A_662, %dma_start3A_663, %dma_start3A_667] : memref<3x8x32xi32, #tpu.memory_space<vmem>> -> memref<1x1x32xi32, #tpu.memory_space<vmem>>
    %dma_start3A_669 = tpu.memref_squeeze %dma_start3A_668 : memref<1x1x32xi32, #tpu.memory_space<vmem>> -> memref<32xi32, #tpu.memory_space<vmem>>
    %dma_start3A_670 = arith.constant 0 : i32
    %dma_start3A_671 = arith.constant 0 : i32
    %dma_start3A_672 = tpu.memref_slice %arg3[%dma_start3A_670, %dma_start3A_671] : memref<8000x128xf32, #tpu.memory_space<hbm>> -> memref<8000x128xf32, #tpu.memory_space<hbm>>
    tpu.enqueue_indirect_dma source(%dma_start3A_672 : memref<8000x128xf32, #tpu.memory_space<hbm>>) target(%dma_start3A_666 : memref<32x128xf32, #tpu.memory_space<vmem>>) offsets(%dma_start3A_669 : memref<32xi32, #tpu.memory_space<vmem>>) semaphore(%arg13 : memref<!tpu.dma_semaphore, #tpu.memory_space<semaphore_mem>>)
    %dma_start3A_673 = arith.constant 2 : i32
    %dma_start3A_674 = arith.constant 4 : i32
    %dma_start3A_675 = arith.constant 0 : i32
    %dma_start3A_676 = arith.constant 512 : i32
    %dma_start3A_677 = tpu.memref_slice %arg9[%dma_start3A_675, %dma_start3A_676] : memref<32x1000xf32, #tpu.memory_space<vmem>> -> memref<32x128xf32, #tpu.memory_space<vmem>>
    %dma_start3A_678 = arith.constant 0 : i32
    %dma_start3A_679 = tpu.memref_slice %arg6[%dma_start3A_673, %dma_start3A_674, %dma_start3A_678] : memref<3x8x32xi32, #tpu.memory_space<vmem>> -> memref<1x1x32xi32, #tpu.memory_space<vmem>>
    %dma_start3A_680 = tpu.memref_squeeze %dma_start3A_679 : memref<1x1x32xi32, #tpu.memory_space<vmem>> -> memref<32xi32, #tpu.memory_space<vmem>>
    %dma_start3A_681 = arith.constant 0 : i32
    %dma_start3A_682 = arith.constant 0 : i32
    %dma_start3A_683 = tpu.memref_slice %arg3[%dma_start3A_681, %dma_start3A_682] : memref<8000x128xf32, #tpu.memory_space<hbm>> -> memref<8000x128xf32, #tpu.memory_space<hbm>>
    tpu.enqueue_indirect_dma source(%dma_start3A_683 : memref<8000x128xf32, #tpu.memory_space<hbm>>) target(%dma_start3A_677 : memref<32x128xf32, #tpu.memory_space<vmem>>) offsets(%dma_start3A_680 : memref<32xi32, #tpu.memory_space<vmem>>) semaphore(%arg13 : memref<!tpu.dma_semaphore, #tpu.memory_space<semaphore_mem>>)
    %dma_start3A_684 = arith.constant 2 : i32
    %dma_start3A_685 = arith.constant 5 : i32
    %dma_start3A_686 = arith.constant 0 : i32
    %dma_start3A_687 = arith.constant 640 : i32
    %dma_start3A_688 = tpu.memref_slice %arg9[%dma_start3A_686, %dma_start3A_687] : memref<32x1000xf32, #tpu.memory_space<vmem>> -> memref<32x128xf32, #tpu.memory_space<vmem>>
    %dma_start3A_689 = arith.constant 0 : i32
    %dma_start3A_690 = tpu.memref_slice %arg6[%dma_start3A_684, %dma_start3A_685, %dma_start3A_689] : memref<3x8x32xi32, #tpu.memory_space<vmem>> -> memref<1x1x32xi32, #tpu.memory_space<vmem>>
    %dma_start3A_691 = tpu.memref_squeeze %dma_start3A_690 : memref<1x1x32xi32, #tpu.memory_space<vmem>> -> memref<32xi32, #tpu.memory_space<vmem>>
    %dma_start3A_692 = arith.constant 0 : i32
    %dma_start3A_693 = arith.constant 0 : i32
    %dma_start3A_694 = tpu.memref_slice %arg3[%dma_start3A_692, %dma_start3A_693] : memref<8000x128xf32, #tpu.memory_space<hbm>> -> memref<8000x128xf32, #tpu.memory_space<hbm>>
    tpu.enqueue_indirect_dma source(%dma_start3A_694 : memref<8000x128xf32, #tpu.memory_space<hbm>>) target(%dma_start3A_688 : memref<32x128xf32, #tpu.memory_space<vmem>>) offsets(%dma_start3A_691 : memref<32xi32, #tpu.memory_space<vmem>>) semaphore(%arg13 : memref<!tpu.dma_semaphore, #tpu.memory_space<semaphore_mem>>)
    %dma_start3A_695 = arith.constant 2 : i32
    %dma_start3A_696 = arith.constant 6 : i32
    %dma_start3A_697 = arith.constant 0 : i32
    %dma_start3A_698 = arith.constant 768 : i32
    %dma_start3A_699 = tpu.memref_slice %arg9[%dma_start3A_697, %dma_start3A_698] : memref<32x1000xf32, #tpu.memory_space<vmem>> -> memref<32x128xf32, #tpu.memory_space<vmem>>
    %dma_start3A_700 = arith.constant 0 : i32
    %dma_start3A_701 = tpu.memref_slice %arg6[%dma_start3A_695, %dma_start3A_696, %dma_start3A_700] : memref<3x8x32xi32, #tpu.memory_space<vmem>> -> memref<1x1x32xi32, #tpu.memory_space<vmem>>
    %dma_start3A_702 = tpu.memref_squeeze %dma_start3A_701 : memref<1x1x32xi32, #tpu.memory_space<vmem>> -> memref<32xi32, #tpu.memory_space<vmem>>
    %dma_start3A_703 = arith.constant 0 : i32
    %dma_start3A_704 = arith.constant 0 : i32
    %dma_start3A_705 = tpu.memref_slice %arg3[%dma_start3A_703, %dma_start3A_704] : memref<8000x128xf32, #tpu.memory_space<hbm>> -> memref<8000x128xf32, #tpu.memory_space<hbm>>
    tpu.enqueue_indirect_dma source(%dma_start3A_705 : memref<8000x128xf32, #tpu.memory_space<hbm>>) target(%dma_start3A_699 : memref<32x128xf32, #tpu.memory_space<vmem>>) offsets(%dma_start3A_702 : memref<32xi32, #tpu.memory_space<vmem>>) semaphore(%arg13 : memref<!tpu.dma_semaphore, #tpu.memory_space<semaphore_mem>>)
    %dma_start3A_706 = arith.constant 2 : i32
    %dma_start3A_707 = arith.constant 7 : i32
    %dma_start3A_708 = arith.constant 2 : i32
    %dma_start3A_709 = arith.constant 0 : i32
    %dma_start3A_710 = arith.constant 0 : i32
    %dma_start3A_711 = tpu.memref_slice %arg10[%dma_start3A_708, %dma_start3A_709, %dma_start3A_710] : memref<3x32x128xf32, #tpu.memory_space<vmem>> -> memref<1x32x128xf32, #tpu.memory_space<vmem>>
    %dma_start3A_712 = tpu.memref_squeeze %dma_start3A_711 : memref<1x32x128xf32, #tpu.memory_space<vmem>> -> memref<32x128xf32, #tpu.memory_space<vmem>>
    %dma_start3A_713 = arith.constant 0 : i32
    %dma_start3A_714 = tpu.memref_slice %arg6[%dma_start3A_706, %dma_start3A_707, %dma_start3A_713] : memref<3x8x32xi32, #tpu.memory_space<vmem>> -> memref<1x1x32xi32, #tpu.memory_space<vmem>>
    %dma_start3A_715 = tpu.memref_squeeze %dma_start3A_714 : memref<1x1x32xi32, #tpu.memory_space<vmem>> -> memref<32xi32, #tpu.memory_space<vmem>>
    %dma_start3A_716 = arith.constant 0 : i32
    %dma_start3A_717 = arith.constant 0 : i32
    %dma_start3A_718 = tpu.memref_slice %arg3[%dma_start3A_716, %dma_start3A_717] : memref<8000x128xf32, #tpu.memory_space<hbm>> -> memref<8000x128xf32, #tpu.memory_space<hbm>>
    tpu.enqueue_indirect_dma source(%dma_start3A_718 : memref<8000x128xf32, #tpu.memory_space<hbm>>) target(%dma_start3A_712 : memref<32x128xf32, #tpu.memory_space<vmem>>) offsets(%dma_start3A_715 : memref<32xi32, #tpu.memory_space<vmem>>) semaphore(%arg13 : memref<!tpu.dma_semaphore, #tpu.memory_space<semaphore_mem>>)
    %dma_wait3A = arith.constant 0 : i32
    %dma_wait3A_719 = arith.constant 0 : i32
    %dma_wait3A_720 = arith.constant 0 : i32
    %dma_wait3A_721 = arith.constant 0 : i32
    %dma_wait3A_722 = tpu.memref_slice %arg7[%dma_wait3A_720, %dma_wait3A_721] : memref<32x1000xf32, #tpu.memory_space<vmem>> -> memref<32x128xf32, #tpu.memory_space<vmem>>
    %dma_wait3A_723 = arith.constant 0 : i32
    %dma_wait3A_724 = tpu.memref_slice %arg6[%dma_wait3A, %dma_wait3A_719, %dma_wait3A_723] : memref<3x8x32xi32, #tpu.memory_space<vmem>> -> memref<1x1x32xi32, #tpu.memory_space<vmem>>
    %dma_wait3A_725 = tpu.memref_squeeze %dma_wait3A_724 : memref<1x1x32xi32, #tpu.memory_space<vmem>> -> memref<32xi32, #tpu.memory_space<vmem>>
    %dma_wait3A_726 = arith.constant 0 : i32
    %dma_wait3A_727 = arith.constant 0 : i32
    %dma_wait3A_728 = tpu.memref_slice %arg3[%dma_wait3A_726, %dma_wait3A_727] : memref<8000x128xf32, #tpu.memory_space<hbm>> -> memref<8000x128xf32, #tpu.memory_space<hbm>>
    tpu.wait_indirect_dma semaphore(%arg11 : memref<!tpu.dma_semaphore, #tpu.memory_space<semaphore_mem>>) src(%dma_wait3A_728 : memref<8000x128xf32, #tpu.memory_space<hbm>>) dst(%dma_wait3A_722 : memref<32x128xf32, #tpu.memory_space<vmem>>)
    %dma_wait3A_729 = arith.constant 0 : i32
    %dma_wait3A_730 = arith.constant 1 : i32
    %dma_wait3A_731 = arith.constant 0 : i32
    %dma_wait3A_732 = arith.constant 128 : i32
    %dma_wait3A_733 = tpu.memref_slice %arg7[%dma_wait3A_731, %dma_wait3A_732] : memref<32x1000xf32, #tpu.memory_space<vmem>> -> memref<32x128xf32, #tpu.memory_space<vmem>>
    %dma_wait3A_734 = arith.constant 0 : i32
    %dma_wait3A_735 = tpu.memref_slice %arg6[%dma_wait3A_729, %dma_wait3A_730, %dma_wait3A_734] : memref<3x8x32xi32, #tpu.memory_space<vmem>> -> memref<1x1x32xi32, #tpu.memory_space<vmem>>
    %dma_wait3A_736 = tpu.memref_squeeze %dma_wait3A_735 : memref<1x1x32xi32, #tpu.memory_space<vmem>> -> memref<32xi32, #tpu.memory_space<vmem>>
    %dma_wait3A_737 = arith.constant 0 : i32
    %dma_wait3A_738 = arith.constant 0 : i32
    %dma_wait3A_739 = tpu.memref_slice %arg3[%dma_wait3A_737, %dma_wait3A_738] : memref<8000x128xf32, #tpu.memory_space<hbm>> -> memref<8000x128xf32, #tpu.memory_space<hbm>>
    tpu.wait_indirect_dma semaphore(%arg11 : memref<!tpu.dma_semaphore, #tpu.memory_space<semaphore_mem>>) src(%dma_wait3A_739 : memref<8000x128xf32, #tpu.memory_space<hbm>>) dst(%dma_wait3A_733 : memref<32x128xf32, #tpu.memory_space<vmem>>)
    %dma_wait3A_740 = arith.constant 0 : i32
    %dma_wait3A_741 = arith.constant 2 : i32
    %dma_wait3A_742 = arith.constant 0 : i32
    %dma_wait3A_743 = arith.constant 256 : i32
    %dma_wait3A_744 = tpu.memref_slice %arg7[%dma_wait3A_742, %dma_wait3A_743] : memref<32x1000xf32, #tpu.memory_space<vmem>> -> memref<32x128xf32, #tpu.memory_space<vmem>>
    %dma_wait3A_745 = arith.constant 0 : i32
    %dma_wait3A_746 = tpu.memref_slice %arg6[%dma_wait3A_740, %dma_wait3A_741, %dma_wait3A_745] : memref<3x8x32xi32, #tpu.memory_space<vmem>> -> memref<1x1x32xi32, #tpu.memory_space<vmem>>
    %dma_wait3A_747 = tpu.memref_squeeze %dma_wait3A_746 : memref<1x1x32xi32, #tpu.memory_space<vmem>> -> memref<32xi32, #tpu.memory_space<vmem>>
    %dma_wait3A_748 = arith.constant 0 : i32
    %dma_wait3A_749 = arith.constant 0 : i32
    %dma_wait3A_750 = tpu.memref_slice %arg3[%dma_wait3A_748, %dma_wait3A_749] : memref<8000x128xf32, #tpu.memory_space<hbm>> -> memref<8000x128xf32, #tpu.memory_space<hbm>>
    tpu.wait_indirect_dma semaphore(%arg11 : memref<!tpu.dma_semaphore, #tpu.memory_space<semaphore_mem>>) src(%dma_wait3A_750 : memref<8000x128xf32, #tpu.memory_space<hbm>>) dst(%dma_wait3A_744 : memref<32x128xf32, #tpu.memory_space<vmem>>)
    %dma_wait3A_751 = arith.constant 0 : i32
    %dma_wait3A_752 = arith.constant 3 : i32
    %dma_wait3A_753 = arith.constant 0 : i32
    %dma_wait3A_754 = arith.constant 384 : i32
    %dma_wait3A_755 = tpu.memref_slice %arg7[%dma_wait3A_753, %dma_wait3A_754] : memref<32x1000xf32, #tpu.memory_space<vmem>> -> memref<32x128xf32, #tpu.memory_space<vmem>>
    %dma_wait3A_756 = arith.constant 0 : i32
    %dma_wait3A_757 = tpu.memref_slice %arg6[%dma_wait3A_751, %dma_wait3A_752, %dma_wait3A_756] : memref<3x8x32xi32, #tpu.memory_space<vmem>> -> memref<1x1x32xi32, #tpu.memory_space<vmem>>
    %dma_wait3A_758 = tpu.memref_squeeze %dma_wait3A_757 : memref<1x1x32xi32, #tpu.memory_space<vmem>> -> memref<32xi32, #tpu.memory_space<vmem>>
    %dma_wait3A_759 = arith.constant 0 : i32
    %dma_wait3A_760 = arith.constant 0 : i32
    %dma_wait3A_761 = tpu.memref_slice %arg3[%dma_wait3A_759, %dma_wait3A_760] : memref<8000x128xf32, #tpu.memory_space<hbm>> -> memref<8000x128xf32, #tpu.memory_space<hbm>>
    tpu.wait_indirect_dma semaphore(%arg11 : memref<!tpu.dma_semaphore, #tpu.memory_space<semaphore_mem>>) src(%dma_wait3A_761 : memref<8000x128xf32, #tpu.memory_space<hbm>>) dst(%dma_wait3A_755 : memref<32x128xf32, #tpu.memory_space<vmem>>)
    %dma_wait3A_762 = arith.constant 0 : i32
    %dma_wait3A_763 = arith.constant 4 : i32
    %dma_wait3A_764 = arith.constant 0 : i32
    %dma_wait3A_765 = arith.constant 512 : i32
    %dma_wait3A_766 = tpu.memref_slice %arg7[%dma_wait3A_764, %dma_wait3A_765] : memref<32x1000xf32, #tpu.memory_space<vmem>> -> memref<32x128xf32, #tpu.memory_space<vmem>>
    %dma_wait3A_767 = arith.constant 0 : i32
    %dma_wait3A_768 = tpu.memref_slice %arg6[%dma_wait3A_762, %dma_wait3A_763, %dma_wait3A_767] : memref<3x8x32xi32, #tpu.memory_space<vmem>> -> memref<1x1x32xi32, #tpu.memory_space<vmem>>
    %dma_wait3A_769 = tpu.memref_squeeze %dma_wait3A_768 : memref<1x1x32xi32, #tpu.memory_space<vmem>> -> memref<32xi32, #tpu.memory_space<vmem>>
    %dma_wait3A_770 = arith.constant 0 : i32
    %dma_wait3A_771 = arith.constant 0 : i32
    %dma_wait3A_772 = tpu.memref_slice %arg3[%dma_wait3A_770, %dma_wait3A_771] : memref<8000x128xf32, #tpu.memory_space<hbm>> -> memref<8000x128xf32, #tpu.memory_space<hbm>>
    tpu.wait_indirect_dma semaphore(%arg11 : memref<!tpu.dma_semaphore, #tpu.memory_space<semaphore_mem>>) src(%dma_wait3A_772 : memref<8000x128xf32, #tpu.memory_space<hbm>>) dst(%dma_wait3A_766 : memref<32x128xf32, #tpu.memory_space<vmem>>)
    %dma_wait3A_773 = arith.constant 0 : i32
    %dma_wait3A_774 = arith.constant 5 : i32
    %dma_wait3A_775 = arith.constant 0 : i32
    %dma_wait3A_776 = arith.constant 640 : i32
    %dma_wait3A_777 = tpu.memref_slice %arg7[%dma_wait3A_775, %dma_wait3A_776] : memref<32x1000xf32, #tpu.memory_space<vmem>> -> memref<32x128xf32, #tpu.memory_space<vmem>>
    %dma_wait3A_778 = arith.constant 0 : i32
    %dma_wait3A_779 = tpu.memref_slice %arg6[%dma_wait3A_773, %dma_wait3A_774, %dma_wait3A_778] : memref<3x8x32xi32, #tpu.memory_space<vmem>> -> memref<1x1x32xi32, #tpu.memory_space<vmem>>
    %dma_wait3A_780 = tpu.memref_squeeze %dma_wait3A_779 : memref<1x1x32xi32, #tpu.memory_space<vmem>> -> memref<32xi32, #tpu.memory_space<vmem>>
    %dma_wait3A_781 = arith.constant 0 : i32
    %dma_wait3A_782 = arith.constant 0 : i32
    %dma_wait3A_783 = tpu.memref_slice %arg3[%dma_wait3A_781, %dma_wait3A_782] : memref<8000x128xf32, #tpu.memory_space<hbm>> -> memref<8000x128xf32, #tpu.memory_space<hbm>>
    tpu.wait_indirect_dma semaphore(%arg11 : memref<!tpu.dma_semaphore, #tpu.memory_space<semaphore_mem>>) src(%dma_wait3A_783 : memref<8000x128xf32, #tpu.memory_space<hbm>>) dst(%dma_wait3A_777 : memref<32x128xf32, #tpu.memory_space<vmem>>)
    %dma_wait3A_784 = arith.constant 0 : i32
    %dma_wait3A_785 = arith.constant 6 : i32
    %dma_wait3A_786 = arith.constant 0 : i32
    %dma_wait3A_787 = arith.constant 768 : i32
    %dma_wait3A_788 = tpu.memref_slice %arg7[%dma_wait3A_786, %dma_wait3A_787] : memref<32x1000xf32, #tpu.memory_space<vmem>> -> memref<32x128xf32, #tpu.memory_space<vmem>>
    %dma_wait3A_789 = arith.constant 0 : i32
    %dma_wait3A_790 = tpu.memref_slice %arg6[%dma_wait3A_784, %dma_wait3A_785, %dma_wait3A_789] : memref<3x8x32xi32, #tpu.memory_space<vmem>> -> memref<1x1x32xi32, #tpu.memory_space<vmem>>
    %dma_wait3A_791 = tpu.memref_squeeze %dma_wait3A_790 : memref<1x1x32xi32, #tpu.memory_space<vmem>> -> memref<32xi32, #tpu.memory_space<vmem>>
    %dma_wait3A_792 = arith.constant 0 : i32
    %dma_wait3A_793 = arith.constant 0 : i32
    %dma_wait3A_794 = tpu.memref_slice %arg3[%dma_wait3A_792, %dma_wait3A_793] : memref<8000x128xf32, #tpu.memory_space<hbm>> -> memref<8000x128xf32, #tpu.memory_space<hbm>>
    tpu.wait_indirect_dma semaphore(%arg11 : memref<!tpu.dma_semaphore, #tpu.memory_space<semaphore_mem>>) src(%dma_wait3A_794 : memref<8000x128xf32, #tpu.memory_space<hbm>>) dst(%dma_wait3A_788 : memref<32x128xf32, #tpu.memory_space<vmem>>)
    %dma_wait3A_795 = arith.constant 0 : i32
    %dma_wait3A_796 = arith.constant 7 : i32
    %dma_wait3A_797 = arith.constant 0 : i32
    %dma_wait3A_798 = arith.constant 0 : i32
    %dma_wait3A_799 = arith.constant 0 : i32
    %dma_wait3A_800 = tpu.memref_slice %arg10[%dma_wait3A_797, %dma_wait3A_798, %dma_wait3A_799] : memref<3x32x128xf32, #tpu.memory_space<vmem>> -> memref<1x32x128xf32, #tpu.memory_space<vmem>>
    %dma_wait3A_801 = tpu.memref_squeeze %dma_wait3A_800 : memref<1x32x128xf32, #tpu.memory_space<vmem>> -> memref<32x128xf32, #tpu.memory_space<vmem>>
    %dma_wait3A_802 = arith.constant 0 : i32
    %dma_wait3A_803 = tpu.memref_slice %arg6[%dma_wait3A_795, %dma_wait3A_796, %dma_wait3A_802] : memref<3x8x32xi32, #tpu.memory_space<vmem>> -> memref<1x1x32xi32, #tpu.memory_space<vmem>>
    %dma_wait3A_804 = tpu.memref_squeeze %dma_wait3A_803 : memref<1x1x32xi32, #tpu.memory_space<vmem>> -> memref<32xi32, #tpu.memory_space<vmem>>
    %dma_wait3A_805 = arith.constant 0 : i32
    %dma_wait3A_806 = arith.constant 0 : i32
    %dma_wait3A_807 = tpu.memref_slice %arg3[%dma_wait3A_805, %dma_wait3A_806] : memref<8000x128xf32, #tpu.memory_space<hbm>> -> memref<8000x128xf32, #tpu.memory_space<hbm>>
    tpu.wait_indirect_dma semaphore(%arg11 : memref<!tpu.dma_semaphore, #tpu.memory_space<semaphore_mem>>) src(%dma_wait3A_807 : memref<8000x128xf32, #tpu.memory_space<hbm>>) dst(%dma_wait3A_801 : memref<32x128xf32, #tpu.memory_space<vmem>>)
    %scan3A = arith.constant 0 : i32
    %scan3A_808 = arith.constant 0 : i32
    %scan3A_809 = arith.constant 32 : i32
    %scan3A_810 = arith.addi %scan3A_808, %scan3A_809 : i32
    %scan3A_811 = arith.constant 1 : i32
    scf.for %scan3A_843 = %scan3A_808 to %scan3A_810 step %scan3A_811  : i32 {
      %get3A_844 = arith.constant 0 : i32
      %get3A_845 = arith.index_cast %get3A_844 : i32 to index
      %get3A_846 = arith.index_cast %scan3A_843 : i32 to index
      %get3A_847 = arith.constant 0 : index
      %get3A_848 = tpu.vector_load %arg10[%get3A_845, %get3A_846, %get3A_847] {strides = array<i32>} : memref<3x32x128xf32, #tpu.memory_space<vmem>>, vector<16xf32>,
      %swap3A_849 = arith.index_cast %scan3A_843 : i32 to index
      %swap3A_850 = arith.constant 896 : index
      %swap3A_851 = tpu.vector_load %arg7[%swap3A_849, %swap3A_850] {strides = array<i32>} : memref<32x1000xf32, #tpu.memory_space<vmem>>, vector<16xf32>,
      tpu.vector_store %arg7[%swap3A_849, %swap3A_850], %get3A_848 {strides = array<i32>} : memref<32x1000xf32, #tpu.memory_space<vmem>>, vector<16xf32>,
      %get3A_852 = arith.constant 0 : i32
      %get3A_853 = arith.index_cast %get3A_852 : i32 to index
      %get3A_854 = arith.index_cast %scan3A_843 : i32 to index
      %get3A_855 = arith.constant 16 : index
      %get3A_856 = tpu.vector_load %arg10[%get3A_853, %get3A_854, %get3A_855] {strides = array<i32>} : memref<3x32x128xf32, #tpu.memory_space<vmem>>, vector<16xf32>,
      %swap3A_857 = arith.index_cast %scan3A_843 : i32 to index
      %swap3A_858 = arith.constant 912 : index
      %swap3A_859 = tpu.vector_load %arg7[%swap3A_857, %swap3A_858] {strides = array<i32>} : memref<32x1000xf32, #tpu.memory_space<vmem>>, vector<16xf32>,
      tpu.vector_store %arg7[%swap3A_857, %swap3A_858], %get3A_856 {strides = array<i32>} : memref<32x1000xf32, #tpu.memory_space<vmem>>, vector<16xf32>,
      %get3A_860 = arith.constant 0 : i32
      %get3A_861 = arith.index_cast %get3A_860 : i32 to index
      %get3A_862 = arith.index_cast %scan3A_843 : i32 to index
      %get3A_863 = arith.constant 32 : index
      %get3A_864 = tpu.vector_load %arg10[%get3A_861, %get3A_862, %get3A_863] {strides = array<i32>} : memref<3x32x128xf32, #tpu.memory_space<vmem>>, vector<16xf32>,
      %swap3A_865 = arith.index_cast %scan3A_843 : i32 to index
      %swap3A_866 = arith.constant 928 : index
      %swap3A_867 = tpu.vector_load %arg7[%swap3A_865, %swap3A_866] {strides = array<i32>} : memref<32x1000xf32, #tpu.memory_space<vmem>>, vector<16xf32>,
      tpu.vector_store %arg7[%swap3A_865, %swap3A_866], %get3A_864 {strides = array<i32>} : memref<32x1000xf32, #tpu.memory_space<vmem>>, vector<16xf32>,
      %get3A_868 = arith.constant 0 : i32
      %get3A_869 = arith.index_cast %get3A_868 : i32 to index
      %get3A_870 = arith.index_cast %scan3A_843 : i32 to index
      %get3A_871 = arith.constant 48 : index
      %get3A_872 = tpu.vector_load %arg10[%get3A_869, %get3A_870, %get3A_871] {strides = array<i32>} : memref<3x32x128xf32, #tpu.memory_space<vmem>>, vector<16xf32>,
      %swap3A_873 = arith.index_cast %scan3A_843 : i32 to index
      %swap3A_874 = arith.constant 944 : index
      %swap3A_875 = tpu.vector_load %arg7[%swap3A_873, %swap3A_874] {strides = array<i32>} : memref<32x1000xf32, #tpu.memory_space<vmem>>, vector<16xf32>,
      tpu.vector_store %arg7[%swap3A_873, %swap3A_874], %get3A_872 {strides = array<i32>} : memref<32x1000xf32, #tpu.memory_space<vmem>>, vector<16xf32>,
      %get3A_876 = arith.constant 0 : i32
      %get3A_877 = arith.index_cast %get3A_876 : i32 to index
      %get3A_878 = arith.index_cast %scan3A_843 : i32 to index
      %get3A_879 = arith.constant 64 : index
      %get3A_880 = tpu.vector_load %arg10[%get3A_877, %get3A_878, %get3A_879] {strides = array<i32>} : memref<3x32x128xf32, #tpu.memory_space<vmem>>, vector<16xf32>,
      %swap3A_881 = arith.index_cast %scan3A_843 : i32 to index
      %swap3A_882 = arith.constant 960 : index
      %swap3A_883 = tpu.vector_load %arg7[%swap3A_881, %swap3A_882] {strides = array<i32>} : memref<32x1000xf32, #tpu.memory_space<vmem>>, vector<16xf32>,
      tpu.vector_store %arg7[%swap3A_881, %swap3A_882], %get3A_880 {strides = array<i32>} : memref<32x1000xf32, #tpu.memory_space<vmem>>, vector<16xf32>,
      %get3A_884 = arith.constant 0 : i32
      %get3A_885 = arith.index_cast %get3A_884 : i32 to index
      %get3A_886 = arith.index_cast %scan3A_843 : i32 to index
      %get3A_887 = arith.constant 80 : index
      %get3A_888 = tpu.vector_load %arg10[%get3A_885, %get3A_886, %get3A_887] {strides = array<i32>} : memref<3x32x128xf32, #tpu.memory_space<vmem>>, vector<16xf32>,
      %swap3A_889 = arith.index_cast %scan3A_843 : i32 to index
      %swap3A_890 = arith.constant 976 : index
      %swap3A_891 = tpu.vector_load %arg7[%swap3A_889, %swap3A_890] {strides = array<i32>} : memref<32x1000xf32, #tpu.memory_space<vmem>>, vector<16xf32>,
      tpu.vector_store %arg7[%swap3A_889, %swap3A_890], %get3A_888 {strides = array<i32>} : memref<32x1000xf32, #tpu.memory_space<vmem>>, vector<16xf32>,
      %get3A_892 = arith.constant 0 : i32
      %get3A_893 = arith.index_cast %get3A_892 : i32 to index
      %get3A_894 = arith.index_cast %scan3A_843 : i32 to index
      %get3A_895 = arith.constant 96 : index
      %get3A_896 = tpu.vector_load %arg10[%get3A_893, %get3A_894, %get3A_895] {strides = array<i32>} : memref<3x32x128xf32, #tpu.memory_space<vmem>>, vector<16xf32>,
      %broadcast_in_dim3A = vector.broadcast %scan3A_843 : i32 to vector<16xi32>
      tpu.vector_store_idx %arg7[%broadcast_in_dim3A, %add3A_5], %get3A_896 masked %lt3A_7 : memref<32x1000xf32, #tpu.memory_space<vmem>>[vector<16xi32>, vector<16xi32>], vector<16xf32>, vector<16xi1>
    }
    %scan3A_812 = arith.constant 32 : i32
    %add3A_813 = arith.constant 0 : i32
    %add3A_814 = arith.addi %mul3A_2, %add3A_813 : i32
    %dma_start3A_815 = arith.constant 0 : i32
    %dma_start3A_816 = tpu.memref_slice %arg4[%add3A_814, %dma_start3A_815] : memref<204800x1000xf32, #tpu.memory_space<hbm>> -> memref<32x1000xf32, #tpu.memory_space<hbm>>
    %dma_start3A_817 = arith.constant 0 : i32
    %dma_start3A_818 = tpu.memref_slice %arg4[%add3A_814, %dma_start3A_817] : memref<204800x1000xf32, #tpu.memory_space<hbm>> -> memref<32x1000xf32, #tpu.memory_space<hbm>>
    tpu.enqueue_dma source(%arg7 : memref<32x1000xf32, #tpu.memory_space<vmem>>) target(%dma_start3A_818 : memref<32x1000xf32, #tpu.memory_space<hbm>>) target_semaphore(%arg14 : memref<!tpu.dma_semaphore, #tpu.memory_space<semaphore_mem>>)
    %scan3A_819 = arith.constant 0 : i32
    %scan3A_820 = arith.constant 0 : i32
    %scan3A_821 = arith.constant 67 : i32
    %scan3A_822 = arith.addi %scan3A_820, %scan3A_821 : i32
    %scan3A_823 = arith.constant 1 : i32
    scf.for %scan3A_843 = %scan3A_820 to %scan3A_822 step %scan3A_823  : i32 {
      %mul3A_844 = arith.constant 3 : i32
      %mul3A_845 = arith.muli %mul3A_844, %scan3A_843 : i32
      %add3A_846 = arith.constant 0 : i32
      %add3A_847 = arith.addi %mul3A_845, %add3A_846 : i32
      %add3A_848 = arith.constant 1 : i32
      %add3A_849 = arith.addi %add3A_847, %add3A_848 : i32
      %add3A_850 = arith.constant 2 : i32
      %add3A_851 = arith.addi %add3A_849, %add3A_850 : i32
      %lt3A_852 = arith.constant 200 : i32
      %lt3A_853 = arith.cmpi slt, %add3A_851, %lt3A_852 : i32
      %convert_element_type3A = arith.extui %lt3A_853 : i1 to i32
      %cond3A = arith.constant 0 : i32
      %cond3A_854 = arith.cmpi ne, %convert_element_type3A, %cond3A : i32
      scf.if %cond3A_854 {
        %sub3A = arith.constant 1 : i32
        %sub3A_896 = arith.subi %add3A_849, %sub3A : i32
        %mul3A_897 = arith.constant 32 : i32
        %mul3A_898 = arith.muli %sub3A_896, %mul3A_897 : i32
        %add3A_899 = arith.addi %mul3A_2, %mul3A_898 : i32
        %dma_wait3A_900 = arith.constant 0 : i32
        %dma_wait3A_901 = tpu.memref_slice %arg4[%add3A_899, %dma_wait3A_900] : memref<204800x1000xf32, #tpu.memory_space<hbm>> -> memref<32x1000xf32, #tpu.memory_space<hbm>>
        %dma_wait3A_902 = arith.constant 0 : i32
        %dma_wait3A_903 = tpu.memref_slice %arg4[%add3A_899, %dma_wait3A_902] : memref<204800x1000xf32, #tpu.memory_space<hbm>> -> memref<32x1000xf32, #tpu.memory_space<hbm>>
        tpu.wait_dma2 semaphore(%arg14 : memref<!tpu.dma_semaphore, #tpu.memory_space<semaphore_mem>>) src(%arg7 : memref<32x1000xf32, #tpu.memory_space<vmem>>) dst(%dma_wait3A_903 : memref<32x1000xf32, #tpu.memory_space<hbm>>)
        %add3A_904 = arith.constant 2 : i32
        %add3A_905 = arith.addi %add3A_849, %add3A_904 : i32
        %mul3A_906 = arith.constant 32 : i32
        %mul3A_907 = arith.muli %add3A_905, %mul3A_906 : i32
        %add3A_908 = arith.constant 0 : i32
        %add3A_909 = arith.addi %mul3A_907, %add3A_908 : i32
        %get3A_910 = arith.index_cast %add3A_909 : i32 to index
        %get3A_911 = tpu.vector_load %arg5[%get3A_910] {strides = array<i32>} : memref<6400xi32, #tpu.memory_space<vmem>>, vector<16xi32>,
        %mul3A_912 = arith.constant 32 : i32
        %mul3A_913 = arith.muli %add3A_905, %mul3A_912 : i32
        %add3A_914 = arith.constant 16 : i32
        %add3A_915 = arith.addi %mul3A_913, %add3A_914 : i32
        %get3A_916 = arith.index_cast %add3A_915 : i32 to index
        %get3A_917 = tpu.vector_load %arg5[%get3A_916] {strides = array<i32>} : memref<6400xi32, #tpu.memory_space<vmem>>, vector<16xi32>,
        %add3A_918 = arith.constant 0 : i32
        %add3A_919 = vector.broadcast %add3A_918 : i32 to vector<16xi32>
        %add3A_920 = arith.addi %get3A_911, %add3A_919 : vector<16xi32>
        %swap3A_921 = arith.constant 0 : i32
        %swap3A_922 = arith.constant 0 : i32
        %swap3A_923 = arith.index_cast %swap3A_921 : i32 to index
        %swap3A_924 = arith.index_cast %swap3A_922 : i32 to index
        %swap3A_925 = arith.constant 0 : index
        %swap3A_926 = tpu.vector_load %arg6[%swap3A_923, %swap3A_924, %swap3A_925] {strides = array<i32>} : memref<3x8x32xi32, #tpu.memory_space<vmem>>, vector<16xi32>,
        tpu.vector_store %arg6[%swap3A_923, %swap3A_924, %swap3A_925], %add3A_920 {strides = array<i32>} : memref<3x8x32xi32, #tpu.memory_space<vmem>>, vector<16xi32>,
        %add3A_927 = arith.constant 0 : i32
        %add3A_928 = vector.broadcast %add3A_927 : i32 to vector<16xi32>
        %add3A_929 = arith.addi %get3A_917, %add3A_928 : vector<16xi32>
        %swap3A_930 = arith.constant 0 : i32
        %swap3A_931 = arith.constant 0 : i32
        %swap3A_932 = arith.index_cast %swap3A_930 : i32 to index
        %swap3A_933 = arith.index_cast %swap3A_931 : i32 to index
        %swap3A_934 = arith.constant 16 : index
        %swap3A_935 = tpu.vector_load %arg6[%swap3A_932, %swap3A_933, %swap3A_934] {strides = array<i32>} : memref<3x8x32xi32, #tpu.memory_space<vmem>>, vector<16xi32>,
        tpu.vector_store %arg6[%swap3A_932, %swap3A_933, %swap3A_934], %add3A_929 {strides = array<i32>} : memref<3x8x32xi32, #tpu.memory_space<vmem>>, vector<16xi32>,
        %add3A_936 = arith.constant 8 : i32
        %add3A_937 = vector.broadcast %add3A_936 : i32 to vector<16xi32>
        %add3A_938 = arith.addi %get3A_911, %add3A_937 : vector<16xi32>
        %swap3A_939 = arith.constant 0 : i32
        %swap3A_940 = arith.constant 1 : i32
        %swap3A_941 = arith.index_cast %swap3A_939 : i32 to index
        %swap3A_942 = arith.index_cast %swap3A_940 : i32 to index
        %swap3A_943 = arith.constant 0 : index
        %swap3A_944 = tpu.vector_load %arg6[%swap3A_941, %swap3A_942, %swap3A_943] {strides = array<i32>} : memref<3x8x32xi32, #tpu.memory_space<vmem>>, vector<16xi32>,
        tpu.vector_store %arg6[%swap3A_941, %swap3A_942, %swap3A_943], %add3A_938 {strides = array<i32>} : memref<3x8x32xi32, #tpu.memory_space<vmem>>, vector<16xi32>,
        %add3A_945 = arith.constant 8 : i32
        %add3A_946 = vector.broadcast %add3A_945 : i32 to vector<16xi32>
        %add3A_947 = arith.addi %get3A_917, %add3A_946 : vector<16xi32>
        %swap3A_948 = arith.constant 0 : i32
        %swap3A_949 = arith.constant 1 : i32
        %swap3A_950 = arith.index_cast %swap3A_948 : i32 to index
        %swap3A_951 = arith.index_cast %swap3A_949 : i32 to index
        %swap3A_952 = arith.constant 16 : index
        %swap3A_953 = tpu.vector_load %arg6[%swap3A_950, %swap3A_951, %swap3A_952] {strides = array<i32>} : memref<3x8x32xi32, #tpu.memory_space<vmem>>, vector<16xi32>,
        tpu.vector_store %arg6[%swap3A_950, %swap3A_951, %swap3A_952], %add3A_947 {strides = array<i32>} : memref<3x8x32xi32, #tpu.memory_space<vmem>>, vector<16xi32>,
        %add3A_954 = arith.constant 16 : i32
        %add3A_955 = vector.broadcast %add3A_954 : i32 to vector<16xi32>
        %add3A_956 = arith.addi %get3A_911, %add3A_955 : vector<16xi32>
        %swap3A_957 = arith.constant 0 : i32
        %swap3A_958 = arith.constant 2 : i32
        %swap3A_959 = arith.index_cast %swap3A_957 : i32 to index
        %swap3A_960 = arith.index_cast %swap3A_958 : i32 to index
        %swap3A_961 = arith.constant 0 : index
        %swap3A_962 = tpu.vector_load %arg6[%swap3A_959, %swap3A_960, %swap3A_961] {strides = array<i32>} : memref<3x8x32xi32, #tpu.memory_space<vmem>>, vector<16xi32>,
        tpu.vector_store %arg6[%swap3A_959, %swap3A_960, %swap3A_961], %add3A_956 {strides = array<i32>} : memref<3x8x32xi32, #tpu.memory_space<vmem>>, vector<16xi32>,
        %add3A_963 = arith.constant 16 : i32
        %add3A_964 = vector.broadcast %add3A_963 : i32 to vector<16xi32>
        %add3A_965 = arith.addi %get3A_917, %add3A_964 : vector<16xi32>
        %swap3A_966 = arith.constant 0 : i32
        %swap3A_967 = arith.constant 2 : i32
        %swap3A_968 = arith.index_cast %swap3A_966 : i32 to index
        %swap3A_969 = arith.index_cast %swap3A_967 : i32 to index
        %swap3A_970 = arith.constant 16 : index
        %swap3A_971 = tpu.vector_load %arg6[%swap3A_968, %swap3A_969, %swap3A_970] {strides = array<i32>} : memref<3x8x32xi32, #tpu.memory_space<vmem>>, vector<16xi32>,
        tpu.vector_store %arg6[%swap3A_968, %swap3A_969, %swap3A_970], %add3A_965 {strides = array<i32>} : memref<3x8x32xi32, #tpu.memory_space<vmem>>, vector<16xi32>,
        %add3A_972 = arith.constant 24 : i32
        %add3A_973 = vector.broadcast %add3A_972 : i32 to vector<16xi32>
        %add3A_974 = arith.addi %get3A_911, %add3A_973 : vector<16xi32>
        %swap3A_975 = arith.constant 0 : i32
        %swap3A_976 = arith.constant 3 : i32
        %swap3A_977 = arith.index_cast %swap3A_975 : i32 to index
        %swap3A_978 = arith.index_cast %swap3A_976 : i32 to index
        %swap3A_979 = arith.constant 0 : index
        %swap3A_980 = tpu.vector_load %arg6[%swap3A_977, %swap3A_978, %swap3A_979] {strides = array<i32>} : memref<3x8x32xi32, #tpu.memory_space<vmem>>, vector<16xi32>,
        tpu.vector_store %arg6[%swap3A_977, %swap3A_978, %swap3A_979], %add3A_974 {strides = array<i32>} : memref<3x8x32xi32, #tpu.memory_space<vmem>>, vector<16xi32>,
        %add3A_981 = arith.constant 24 : i32
        %add3A_982 = vector.broadcast %add3A_981 : i32 to vector<16xi32>
        %add3A_983 = arith.addi %get3A_917, %add3A_982 : vector<16xi32>
        %swap3A_984 = arith.constant 0 : i32
        %swap3A_985 = arith.constant 3 : i32
        %swap3A_986 = arith.index_cast %swap3A_984 : i32 to index
        %swap3A_987 = arith.index_cast %swap3A_985 : i32 to index
        %swap3A_988 = arith.constant 16 : index
        %swap3A_989 = tpu.vector_load %arg6[%swap3A_986, %swap3A_987, %swap3A_988] {strides = array<i32>} : memref<3x8x32xi32, #tpu.memory_space<vmem>>, vector<16xi32>,
        tpu.vector_store %arg6[%swap3A_986, %swap3A_987, %swap3A_988], %add3A_983 {strides = array<i32>} : memref<3x8x32xi32, #tpu.memory_space<vmem>>, vector<16xi32>,
        %add3A_990 = arith.constant 32 : i32
        %add3A_991 = vector.broadcast %add3A_990 : i32 to vector<16xi32>
        %add3A_992 = arith.addi %get3A_911, %add3A_991 : vector<16xi32>
        %swap3A_993 = arith.constant 0 : i32
        %swap3A_994 = arith.constant 4 : i32
        %swap3A_995 = arith.index_cast %swap3A_993 : i32 to index
        %swap3A_996 = arith.index_cast %swap3A_994 : i32 to index
        %swap3A_997 = arith.constant 0 : index
        %swap3A_998 = tpu.vector_load %arg6[%swap3A_995, %swap3A_996, %swap3A_997] {strides = array<i32>} : memref<3x8x32xi32, #tpu.memory_space<vmem>>, vector<16xi32>,
        tpu.vector_store %arg6[%swap3A_995, %swap3A_996, %swap3A_997], %add3A_992 {strides = array<i32>} : memref<3x8x32xi32, #tpu.memory_space<vmem>>, vector<16xi32>,
        %add3A_999 = arith.constant 32 : i32
        %add3A_1000 = vector.broadcast %add3A_999 : i32 to vector<16xi32>
        %add3A_1001 = arith.addi %get3A_917, %add3A_1000 : vector<16xi32>
        %swap3A_1002 = arith.constant 0 : i32
        %swap3A_1003 = arith.constant 4 : i32
        %swap3A_1004 = arith.index_cast %swap3A_1002 : i32 to index
        %swap3A_1005 = arith.index_cast %swap3A_1003 : i32 to index
        %swap3A_1006 = arith.constant 16 : index
        %swap3A_1007 = tpu.vector_load %arg6[%swap3A_1004, %swap3A_1005, %swap3A_1006] {strides = array<i32>} : memref<3x8x32xi32, #tpu.memory_space<vmem>>, vector<16xi32>,
        tpu.vector_store %arg6[%swap3A_1004, %swap3A_1005, %swap3A_1006], %add3A_1001 {strides = array<i32>} : memref<3x8x32xi32, #tpu.memory_space<vmem>>, vector<16xi32>,
        %add3A_1008 = arith.constant 40 : i32
        %add3A_1009 = vector.broadcast %add3A_1008 : i32 to vector<16xi32>
        %add3A_1010 = arith.addi %get3A_911, %add3A_1009 : vector<16xi32>
        %swap3A_1011 = arith.constant 0 : i32
        %swap3A_1012 = arith.constant 5 : i32
        %swap3A_1013 = arith.index_cast %swap3A_1011 : i32 to index
        %swap3A_1014 = arith.index_cast %swap3A_1012 : i32 to index
        %swap3A_1015 = arith.constant 0 : index
        %swap3A_1016 = tpu.vector_load %arg6[%swap3A_1013, %swap3A_1014, %swap3A_1015] {strides = array<i32>} : memref<3x8x32xi32, #tpu.memory_space<vmem>>, vector<16xi32>,
        tpu.vector_store %arg6[%swap3A_1013, %swap3A_1014, %swap3A_1015], %add3A_1010 {strides = array<i32>} : memref<3x8x32xi32, #tpu.memory_space<vmem>>, vector<16xi32>,
        %add3A_1017 = arith.constant 40 : i32
        %add3A_1018 = vector.broadcast %add3A_1017 : i32 to vector<16xi32>
        %add3A_1019 = arith.addi %get3A_917, %add3A_1018 : vector<16xi32>
        %swap3A_1020 = arith.constant 0 : i32
        %swap3A_1021 = arith.constant 5 : i32
        %swap3A_1022 = arith.index_cast %swap3A_1020 : i32 to index
        %swap3A_1023 = arith.index_cast %swap3A_1021 : i32 to index
        %swap3A_1024 = arith.constant 16 : index
        %swap3A_1025 = tpu.vector_load %arg6[%swap3A_1022, %swap3A_1023, %swap3A_1024] {strides = array<i32>} : memref<3x8x32xi32, #tpu.memory_space<vmem>>, vector<16xi32>,
        tpu.vector_store %arg6[%swap3A_1022, %swap3A_1023, %swap3A_1024], %add3A_1019 {strides = array<i32>} : memref<3x8x32xi32, #tpu.memory_space<vmem>>, vector<16xi32>,
        %add3A_1026 = arith.constant 48 : i32
        %add3A_1027 = vector.broadcast %add3A_1026 : i32 to vector<16xi32>
        %add3A_1028 = arith.addi %get3A_911, %add3A_1027 : vector<16xi32>
        %swap3A_1029 = arith.constant 0 : i32
        %swap3A_1030 = arith.constant 6 : i32
        %swap3A_1031 = arith.index_cast %swap3A_1029 : i32 to index
        %swap3A_1032 = arith.index_cast %swap3A_1030 : i32 to index
        %swap3A_1033 = arith.constant 0 : index
        %swap3A_1034 = tpu.vector_load %arg6[%swap3A_1031, %swap3A_1032, %swap3A_1033] {strides = array<i32>} : memref<3x8x32xi32, #tpu.memory_space<vmem>>, vector<16xi32>,
        tpu.vector_store %arg6[%swap3A_1031, %swap3A_1032, %swap3A_1033], %add3A_1028 {strides = array<i32>} : memref<3x8x32xi32, #tpu.memory_space<vmem>>, vector<16xi32>,
        %add3A_1035 = arith.constant 48 : i32
        %add3A_1036 = vector.broadcast %add3A_1035 : i32 to vector<16xi32>
        %add3A_1037 = arith.addi %get3A_917, %add3A_1036 : vector<16xi32>
        %swap3A_1038 = arith.constant 0 : i32
        %swap3A_1039 = arith.constant 6 : i32
        %swap3A_1040 = arith.index_cast %swap3A_1038 : i32 to index
        %swap3A_1041 = arith.index_cast %swap3A_1039 : i32 to index
        %swap3A_1042 = arith.constant 16 : index
        %swap3A_1043 = tpu.vector_load %arg6[%swap3A_1040, %swap3A_1041, %swap3A_1042] {strides = array<i32>} : memref<3x8x32xi32, #tpu.memory_space<vmem>>, vector<16xi32>,
        tpu.vector_store %arg6[%swap3A_1040, %swap3A_1041, %swap3A_1042], %add3A_1037 {strides = array<i32>} : memref<3x8x32xi32, #tpu.memory_space<vmem>>, vector<16xi32>,
        %add3A_1044 = arith.constant 56 : i32
        %add3A_1045 = vector.broadcast %add3A_1044 : i32 to vector<16xi32>
        %add3A_1046 = arith.addi %get3A_911, %add3A_1045 : vector<16xi32>
        %swap3A_1047 = arith.constant 0 : i32
        %swap3A_1048 = arith.constant 7 : i32
        %swap3A_1049 = arith.index_cast %swap3A_1047 : i32 to index
        %swap3A_1050 = arith.index_cast %swap3A_1048 : i32 to index
        %swap3A_1051 = arith.constant 0 : index
        %swap3A_1052 = tpu.vector_load %arg6[%swap3A_1049, %swap3A_1050, %swap3A_1051] {strides = array<i32>} : memref<3x8x32xi32, #tpu.memory_space<vmem>>, vector<16xi32>,
        tpu.vector_store %arg6[%swap3A_1049, %swap3A_1050, %swap3A_1051], %add3A_1046 {strides = array<i32>} : memref<3x8x32xi32, #tpu.memory_space<vmem>>, vector<16xi32>,
        %add3A_1053 = arith.constant 56 : i32
        %add3A_1054 = vector.broadcast %add3A_1053 : i32 to vector<16xi32>
        %add3A_1055 = arith.addi %get3A_917, %add3A_1054 : vector<16xi32>
        %swap3A_1056 = arith.constant 0 : i32
        %swap3A_1057 = arith.constant 7 : i32
        %swap3A_1058 = arith.index_cast %swap3A_1056 : i32 to index
        %swap3A_1059 = arith.index_cast %swap3A_1057 : i32 to index
        %swap3A_1060 = arith.constant 16 : index
        %swap3A_1061 = tpu.vector_load %arg6[%swap3A_1058, %swap3A_1059, %swap3A_1060] {strides = array<i32>} : memref<3x8x32xi32, #tpu.memory_space<vmem>>, vector<16xi32>,
        tpu.vector_store %arg6[%swap3A_1058, %swap3A_1059, %swap3A_1060], %add3A_1055 {strides = array<i32>} : memref<3x8x32xi32, #tpu.memory_space<vmem>>, vector<16xi32>,
        %dma_start3A_1062 = arith.constant 0 : i32
        %dma_start3A_1063 = arith.constant 0 : i32
        %dma_start3A_1064 = arith.constant 0 : i32
        %dma_start3A_1065 = arith.constant 0 : i32
        %dma_start3A_1066 = tpu.memref_slice %arg7[%dma_start3A_1064, %dma_start3A_1065] : memref<32x1000xf32, #tpu.memory_space<vmem>> -> memref<32x128xf32, #tpu.memory_space<vmem>>
        %dma_start3A_1067 = arith.constant 0 : i32
        %dma_start3A_1068 = tpu.memref_slice %arg6[%dma_start3A_1062, %dma_start3A_1063, %dma_start3A_1067] : memref<3x8x32xi32, #tpu.memory_space<vmem>> -> memref<1x1x32xi32, #tpu.memory_space<vmem>>
        %dma_start3A_1069 = tpu.memref_squeeze %dma_start3A_1068 : memref<1x1x32xi32, #tpu.memory_space<vmem>> -> memref<32xi32, #tpu.memory_space<vmem>>
        %dma_start3A_1070 = arith.constant 0 : i32
        %dma_start3A_1071 = arith.constant 0 : i32
        %dma_start3A_1072 = tpu.memref_slice %arg3[%dma_start3A_1070, %dma_start3A_1071] : memref<8000x128xf32, #tpu.memory_space<hbm>> -> memref<8000x128xf32, #tpu.memory_space<hbm>>
        tpu.enqueue_indirect_dma source(%dma_start3A_1072 : memref<8000x128xf32, #tpu.memory_space<hbm>>) target(%dma_start3A_1066 : memref<32x128xf32, #tpu.memory_space<vmem>>) offsets(%dma_start3A_1069 : memref<32xi32, #tpu.memory_space<vmem>>) semaphore(%arg11 : memref<!tpu.dma_semaphore, #tpu.memory_space<semaphore_mem>>)
        %dma_start3A_1073 = arith.constant 0 : i32
        %dma_start3A_1074 = arith.constant 1 : i32
        %dma_start3A_1075 = arith.constant 0 : i32
        %dma_start3A_1076 = arith.constant 128 : i32
        %dma_start3A_1077 = tpu.memref_slice %arg7[%dma_start3A_1075, %dma_start3A_1076] : memref<32x1000xf32, #tpu.memory_space<vmem>> -> memref<32x128xf32, #tpu.memory_space<vmem>>
        %dma_start3A_1078 = arith.constant 0 : i32
        %dma_start3A_1079 = tpu.memref_slice %arg6[%dma_start3A_1073, %dma_start3A_1074, %dma_start3A_1078] : memref<3x8x32xi32, #tpu.memory_space<vmem>> -> memref<1x1x32xi32, #tpu.memory_space<vmem>>
        %dma_start3A_1080 = tpu.memref_squeeze %dma_start3A_1079 : memref<1x1x32xi32, #tpu.memory_space<vmem>> -> memref<32xi32, #tpu.memory_space<vmem>>
        %dma_start3A_1081 = arith.constant 0 : i32
        %dma_start3A_1082 = arith.constant 0 : i32
        %dma_start3A_1083 = tpu.memref_slice %arg3[%dma_start3A_1081, %dma_start3A_1082] : memref<8000x128xf32, #tpu.memory_space<hbm>> -> memref<8000x128xf32, #tpu.memory_space<hbm>>
        tpu.enqueue_indirect_dma source(%dma_start3A_1083 : memref<8000x128xf32, #tpu.memory_space<hbm>>) target(%dma_start3A_1077 : memref<32x128xf32, #tpu.memory_space<vmem>>) offsets(%dma_start3A_1080 : memref<32xi32, #tpu.memory_space<vmem>>) semaphore(%arg11 : memref<!tpu.dma_semaphore, #tpu.memory_space<semaphore_mem>>)
        %dma_start3A_1084 = arith.constant 0 : i32
        %dma_start3A_1085 = arith.constant 2 : i32
        %dma_start3A_1086 = arith.constant 0 : i32
        %dma_start3A_1087 = arith.constant 256 : i32
        %dma_start3A_1088 = tpu.memref_slice %arg7[%dma_start3A_1086, %dma_start3A_1087] : memref<32x1000xf32, #tpu.memory_space<vmem>> -> memref<32x128xf32, #tpu.memory_space<vmem>>
        %dma_start3A_1089 = arith.constant 0 : i32
        %dma_start3A_1090 = tpu.memref_slice %arg6[%dma_start3A_1084, %dma_start3A_1085, %dma_start3A_1089] : memref<3x8x32xi32, #tpu.memory_space<vmem>> -> memref<1x1x32xi32, #tpu.memory_space<vmem>>
        %dma_start3A_1091 = tpu.memref_squeeze %dma_start3A_1090 : memref<1x1x32xi32, #tpu.memory_space<vmem>> -> memref<32xi32, #tpu.memory_space<vmem>>
        %dma_start3A_1092 = arith.constant 0 : i32
        %dma_start3A_1093 = arith.constant 0 : i32
        %dma_start3A_1094 = tpu.memref_slice %arg3[%dma_start3A_1092, %dma_start3A_1093] : memref<8000x128xf32, #tpu.memory_space<hbm>> -> memref<8000x128xf32, #tpu.memory_space<hbm>>
        tpu.enqueue_indirect_dma source(%dma_start3A_1094 : memref<8000x128xf32, #tpu.memory_space<hbm>>) target(%dma_start3A_1088 : memref<32x128xf32, #tpu.memory_space<vmem>>) offsets(%dma_start3A_1091 : memref<32xi32, #tpu.memory_space<vmem>>) semaphore(%arg11 : memref<!tpu.dma_semaphore, #tpu.memory_space<semaphore_mem>>)
        %dma_start3A_1095 = arith.constant 0 : i32
        %dma_start3A_1096 = arith.constant 3 : i32
        %dma_start3A_1097 = arith.constant 0 : i32
        %dma_start3A_1098 = arith.constant 384 : i32
        %dma_start3A_1099 = tpu.memref_slice %arg7[%dma_start3A_1097, %dma_start3A_1098] : memref<32x1000xf32, #tpu.memory_space<vmem>> -> memref<32x128xf32, #tpu.memory_space<vmem>>
        %dma_start3A_1100 = arith.constant 0 : i32
        %dma_start3A_1101 = tpu.memref_slice %arg6[%dma_start3A_1095, %dma_start3A_1096, %dma_start3A_1100] : memref<3x8x32xi32, #tpu.memory_space<vmem>> -> memref<1x1x32xi32, #tpu.memory_space<vmem>>
        %dma_start3A_1102 = tpu.memref_squeeze %dma_start3A_1101 : memref<1x1x32xi32, #tpu.memory_space<vmem>> -> memref<32xi32, #tpu.memory_space<vmem>>
        %dma_start3A_1103 = arith.constant 0 : i32
        %dma_start3A_1104 = arith.constant 0 : i32
        %dma_start3A_1105 = tpu.memref_slice %arg3[%dma_start3A_1103, %dma_start3A_1104] : memref<8000x128xf32, #tpu.memory_space<hbm>> -> memref<8000x128xf32, #tpu.memory_space<hbm>>
        tpu.enqueue_indirect_dma source(%dma_start3A_1105 : memref<8000x128xf32, #tpu.memory_space<hbm>>) target(%dma_start3A_1099 : memref<32x128xf32, #tpu.memory_space<vmem>>) offsets(%dma_start3A_1102 : memref<32xi32, #tpu.memory_space<vmem>>) semaphore(%arg11 : memref<!tpu.dma_semaphore, #tpu.memory_space<semaphore_mem>>)
        %dma_start3A_1106 = arith.constant 0 : i32
        %dma_start3A_1107 = arith.constant 4 : i32
        %dma_start3A_1108 = arith.constant 0 : i32
        %dma_start3A_1109 = arith.constant 512 : i32
        %dma_start3A_1110 = tpu.memref_slice %arg7[%dma_start3A_1108, %dma_start3A_1109] : memref<32x1000xf32, #tpu.memory_space<vmem>> -> memref<32x128xf32, #tpu.memory_space<vmem>>
        %dma_start3A_1111 = arith.constant 0 : i32
        %dma_start3A_1112 = tpu.memref_slice %arg6[%dma_start3A_1106, %dma_start3A_1107, %dma_start3A_1111] : memref<3x8x32xi32, #tpu.memory_space<vmem>> -> memref<1x1x32xi32, #tpu.memory_space<vmem>>
        %dma_start3A_1113 = tpu.memref_squeeze %dma_start3A_1112 : memref<1x1x32xi32, #tpu.memory_space<vmem>> -> memref<32xi32, #tpu.memory_space<vmem>>
        %dma_start3A_1114 = arith.constant 0 : i32
        %dma_start3A_1115 = arith.constant 0 : i32
        %dma_start3A_1116 = tpu.memref_slice %arg3[%dma_start3A_1114, %dma_start3A_1115] : memref<8000x128xf32, #tpu.memory_space<hbm>> -> memref<8000x128xf32, #tpu.memory_space<hbm>>
        tpu.enqueue_indirect_dma source(%dma_start3A_1116 : memref<8000x128xf32, #tpu.memory_space<hbm>>) target(%dma_start3A_1110 : memref<32x128xf32, #tpu.memory_space<vmem>>) offsets(%dma_start3A_1113 : memref<32xi32, #tpu.memory_space<vmem>>) semaphore(%arg11 : memref<!tpu.dma_semaphore, #tpu.memory_space<semaphore_mem>>)
        %dma_start3A_1117 = arith.constant 0 : i32
        %dma_start3A_1118 = arith.constant 5 : i32
        %dma_start3A_1119 = arith.constant 0 : i32
        %dma_start3A_1120 = arith.constant 640 : i32
        %dma_start3A_1121 = tpu.memref_slice %arg7[%dma_start3A_1119, %dma_start3A_1120] : memref<32x1000xf32, #tpu.memory_space<vmem>> -> memref<32x128xf32, #tpu.memory_space<vmem>>
        %dma_start3A_1122 = arith.constant 0 : i32
        %dma_start3A_1123 = tpu.memref_slice %arg6[%dma_start3A_1117, %dma_start3A_1118, %dma_start3A_1122] : memref<3x8x32xi32, #tpu.memory_space<vmem>> -> memref<1x1x32xi32, #tpu.memory_space<vmem>>
        %dma_start3A_1124 = tpu.memref_squeeze %dma_start3A_1123 : memref<1x1x32xi32, #tpu.memory_space<vmem>> -> memref<32xi32, #tpu.memory_space<vmem>>
        %dma_start3A_1125 = arith.constant 0 : i32
        %dma_start3A_1126 = arith.constant 0 : i32
        %dma_start3A_1127 = tpu.memref_slice %arg3[%dma_start3A_1125, %dma_start3A_1126] : memref<8000x128xf32, #tpu.memory_space<hbm>> -> memref<8000x128xf32, #tpu.memory_space<hbm>>
        tpu.enqueue_indirect_dma source(%dma_start3A_1127 : memref<8000x128xf32, #tpu.memory_space<hbm>>) target(%dma_start3A_1121 : memref<32x128xf32, #tpu.memory_space<vmem>>) offsets(%dma_start3A_1124 : memref<32xi32, #tpu.memory_space<vmem>>) semaphore(%arg11 : memref<!tpu.dma_semaphore, #tpu.memory_space<semaphore_mem>>)
        %dma_start3A_1128 = arith.constant 0 : i32
        %dma_start3A_1129 = arith.constant 6 : i32
        %dma_start3A_1130 = arith.constant 0 : i32
        %dma_start3A_1131 = arith.constant 768 : i32
        %dma_start3A_1132 = tpu.memref_slice %arg7[%dma_start3A_1130, %dma_start3A_1131] : memref<32x1000xf32, #tpu.memory_space<vmem>> -> memref<32x128xf32, #tpu.memory_space<vmem>>
        %dma_start3A_1133 = arith.constant 0 : i32
        %dma_start3A_1134 = tpu.memref_slice %arg6[%dma_start3A_1128, %dma_start3A_1129, %dma_start3A_1133] : memref<3x8x32xi32, #tpu.memory_space<vmem>> -> memref<1x1x32xi32, #tpu.memory_space<vmem>>
        %dma_start3A_1135 = tpu.memref_squeeze %dma_start3A_1134 : memref<1x1x32xi32, #tpu.memory_space<vmem>> -> memref<32xi32, #tpu.memory_space<vmem>>
        %dma_start3A_1136 = arith.constant 0 : i32
        %dma_start3A_1137 = arith.constant 0 : i32
        %dma_start3A_1138 = tpu.memref_slice %arg3[%dma_start3A_1136, %dma_start3A_1137] : memref<8000x128xf32, #tpu.memory_space<hbm>> -> memref<8000x128xf32, #tpu.memory_space<hbm>>
        tpu.enqueue_indirect_dma source(%dma_start3A_1138 : memref<8000x128xf32, #tpu.memory_space<hbm>>) target(%dma_start3A_1132 : memref<32x128xf32, #tpu.memory_space<vmem>>) offsets(%dma_start3A_1135 : memref<32xi32, #tpu.memory_space<vmem>>) semaphore(%arg11 : memref<!tpu.dma_semaphore, #tpu.memory_space<semaphore_mem>>)
        %dma_start3A_1139 = arith.constant 0 : i32
        %dma_start3A_1140 = arith.constant 7 : i32
        %dma_start3A_1141 = arith.constant 0 : i32
        %dma_start3A_1142 = arith.constant 0 : i32
        %dma_start3A_1143 = arith.constant 0 : i32
        %dma_start3A_1144 = tpu.memref_slice %arg10[%dma_start3A_1141, %dma_start3A_1142, %dma_start3A_1143] : memref<3x32x128xf32, #tpu.memory_space<vmem>> -> memref<1x32x128xf32, #tpu.memory_space<vmem>>
        %dma_start3A_1145 = tpu.memref_squeeze %dma_start3A_1144 : memref<1x32x128xf32, #tpu.memory_space<vmem>> -> memref<32x128xf32, #tpu.memory_space<vmem>>
        %dma_start3A_1146 = arith.constant 0 : i32
        %dma_start3A_1147 = tpu.memref_slice %arg6[%dma_start3A_1139, %dma_start3A_1140, %dma_start3A_1146] : memref<3x8x32xi32, #tpu.memory_space<vmem>> -> memref<1x1x32xi32, #tpu.memory_space<vmem>>
        %dma_start3A_1148 = tpu.memref_squeeze %dma_start3A_1147 : memref<1x1x32xi32, #tpu.memory_space<vmem>> -> memref<32xi32, #tpu.memory_space<vmem>>
        %dma_start3A_1149 = arith.constant 0 : i32
        %dma_start3A_1150 = arith.constant 0 : i32
        %dma_start3A_1151 = tpu.memref_slice %arg3[%dma_start3A_1149, %dma_start3A_1150] : memref<8000x128xf32, #tpu.memory_space<hbm>> -> memref<8000x128xf32, #tpu.memory_space<hbm>>
        tpu.enqueue_indirect_dma source(%dma_start3A_1151 : memref<8000x128xf32, #tpu.memory_space<hbm>>) target(%dma_start3A_1145 : memref<32x128xf32, #tpu.memory_space<vmem>>) offsets(%dma_start3A_1148 : memref<32xi32, #tpu.memory_space<vmem>>) semaphore(%arg11 : memref<!tpu.dma_semaphore, #tpu.memory_space<semaphore_mem>>)
      } else {
      }
      %lt3A_855 = arith.constant 200 : i32
      %lt3A_856 = arith.cmpi slt, %add3A_849, %lt3A_855 : i32
      %convert_element_type3A_857 = arith.extui %lt3A_856 : i1 to i32
      %cond3A_858 = arith.constant 0 : i32
      %cond3A_859 = arith.cmpi ne, %convert_element_type3A_857, %cond3A_858 : i32
      scf.if %cond3A_859 {
        %dma_wait3A_896 = arith.constant 1 : i32
        %dma_wait3A_897 = arith.constant 0 : i32
        %dma_wait3A_898 = arith.constant 0 : i32
        %dma_wait3A_899 = arith.constant 0 : i32
        %dma_wait3A_900 = tpu.memref_slice %arg8[%dma_wait3A_898, %dma_wait3A_899] : memref<32x1000xf32, #tpu.memory_space<vmem>> -> memref<32x128xf32, #tpu.memory_space<vmem>>
        %dma_wait3A_901 = arith.constant 0 : i32
        %dma_wait3A_902 = tpu.memref_slice %arg6[%dma_wait3A_896, %dma_wait3A_897, %dma_wait3A_901] : memref<3x8x32xi32, #tpu.memory_space<vmem>> -> memref<1x1x32xi32, #tpu.memory_space<vmem>>
        %dma_wait3A_903 = tpu.memref_squeeze %dma_wait3A_902 : memref<1x1x32xi32, #tpu.memory_space<vmem>> -> memref<32xi32, #tpu.memory_space<vmem>>
        %dma_wait3A_904 = arith.constant 0 : i32
        %dma_wait3A_905 = arith.constant 0 : i32
        %dma_wait3A_906 = tpu.memref_slice %arg3[%dma_wait3A_904, %dma_wait3A_905] : memref<8000x128xf32, #tpu.memory_space<hbm>> -> memref<8000x128xf32, #tpu.memory_space<hbm>>
        tpu.wait_indirect_dma semaphore(%arg12 : memref<!tpu.dma_semaphore, #tpu.memory_space<semaphore_mem>>) src(%dma_wait3A_906 : memref<8000x128xf32, #tpu.memory_space<hbm>>) dst(%dma_wait3A_900 : memref<32x128xf32, #tpu.memory_space<vmem>>)
        %dma_wait3A_907 = arith.constant 1 : i32
        %dma_wait3A_908 = arith.constant 1 : i32
        %dma_wait3A_909 = arith.constant 0 : i32
        %dma_wait3A_910 = arith.constant 128 : i32
        %dma_wait3A_911 = tpu.memref_slice %arg8[%dma_wait3A_909, %dma_wait3A_910] : memref<32x1000xf32, #tpu.memory_space<vmem>> -> memref<32x128xf32, #tpu.memory_space<vmem>>
        %dma_wait3A_912 = arith.constant 0 : i32
        %dma_wait3A_913 = tpu.memref_slice %arg6[%dma_wait3A_907, %dma_wait3A_908, %dma_wait3A_912] : memref<3x8x32xi32, #tpu.memory_space<vmem>> -> memref<1x1x32xi32, #tpu.memory_space<vmem>>
        %dma_wait3A_914 = tpu.memref_squeeze %dma_wait3A_913 : memref<1x1x32xi32, #tpu.memory_space<vmem>> -> memref<32xi32, #tpu.memory_space<vmem>>
        %dma_wait3A_915 = arith.constant 0 : i32
        %dma_wait3A_916 = arith.constant 0 : i32
        %dma_wait3A_917 = tpu.memref_slice %arg3[%dma_wait3A_915, %dma_wait3A_916] : memref<8000x128xf32, #tpu.memory_space<hbm>> -> memref<8000x128xf32, #tpu.memory_space<hbm>>
        tpu.wait_indirect_dma semaphore(%arg12 : memref<!tpu.dma_semaphore, #tpu.memory_space<semaphore_mem>>) src(%dma_wait3A_917 : memref<8000x128xf32, #tpu.memory_space<hbm>>) dst(%dma_wait3A_911 : memref<32x128xf32, #tpu.memory_space<vmem>>)
        %dma_wait3A_918 = arith.constant 1 : i32
        %dma_wait3A_919 = arith.constant 2 : i32
        %dma_wait3A_920 = arith.constant 0 : i32
        %dma_wait3A_921 = arith.constant 256 : i32
        %dma_wait3A_922 = tpu.memref_slice %arg8[%dma_wait3A_920, %dma_wait3A_921] : memref<32x1000xf32, #tpu.memory_space<vmem>> -> memref<32x128xf32, #tpu.memory_space<vmem>>
        %dma_wait3A_923 = arith.constant 0 : i32
        %dma_wait3A_924 = tpu.memref_slice %arg6[%dma_wait3A_918, %dma_wait3A_919, %dma_wait3A_923] : memref<3x8x32xi32, #tpu.memory_space<vmem>> -> memref<1x1x32xi32, #tpu.memory_space<vmem>>
        %dma_wait3A_925 = tpu.memref_squeeze %dma_wait3A_924 : memref<1x1x32xi32, #tpu.memory_space<vmem>> -> memref<32xi32, #tpu.memory_space<vmem>>
        %dma_wait3A_926 = arith.constant 0 : i32
        %dma_wait3A_927 = arith.constant 0 : i32
        %dma_wait3A_928 = tpu.memref_slice %arg3[%dma_wait3A_926, %dma_wait3A_927] : memref<8000x128xf32, #tpu.memory_space<hbm>> -> memref<8000x128xf32, #tpu.memory_space<hbm>>
        tpu.wait_indirect_dma semaphore(%arg12 : memref<!tpu.dma_semaphore, #tpu.memory_space<semaphore_mem>>) src(%dma_wait3A_928 : memref<8000x128xf32, #tpu.memory_space<hbm>>) dst(%dma_wait3A_922 : memref<32x128xf32, #tpu.memory_space<vmem>>)
        %dma_wait3A_929 = arith.constant 1 : i32
        %dma_wait3A_930 = arith.constant 3 : i32
        %dma_wait3A_931 = arith.constant 0 : i32
        %dma_wait3A_932 = arith.constant 384 : i32
        %dma_wait3A_933 = tpu.memref_slice %arg8[%dma_wait3A_931, %dma_wait3A_932] : memref<32x1000xf32, #tpu.memory_space<vmem>> -> memref<32x128xf32, #tpu.memory_space<vmem>>
        %dma_wait3A_934 = arith.constant 0 : i32
        %dma_wait3A_935 = tpu.memref_slice %arg6[%dma_wait3A_929, %dma_wait3A_930, %dma_wait3A_934] : memref<3x8x32xi32, #tpu.memory_space<vmem>> -> memref<1x1x32xi32, #tpu.memory_space<vmem>>
        %dma_wait3A_936 = tpu.memref_squeeze %dma_wait3A_935 : memref<1x1x32xi32, #tpu.memory_space<vmem>> -> memref<32xi32, #tpu.memory_space<vmem>>
        %dma_wait3A_937 = arith.constant 0 : i32
        %dma_wait3A_938 = arith.constant 0 : i32
        %dma_wait3A_939 = tpu.memref_slice %arg3[%dma_wait3A_937, %dma_wait3A_938] : memref<8000x128xf32, #tpu.memory_space<hbm>> -> memref<8000x128xf32, #tpu.memory_space<hbm>>
        tpu.wait_indirect_dma semaphore(%arg12 : memref<!tpu.dma_semaphore, #tpu.memory_space<semaphore_mem>>) src(%dma_wait3A_939 : memref<8000x128xf32, #tpu.memory_space<hbm>>) dst(%dma_wait3A_933 : memref<32x128xf32, #tpu.memory_space<vmem>>)
        %dma_wait3A_940 = arith.constant 1 : i32
        %dma_wait3A_941 = arith.constant 4 : i32
        %dma_wait3A_942 = arith.constant 0 : i32
        %dma_wait3A_943 = arith.constant 512 : i32
        %dma_wait3A_944 = tpu.memref_slice %arg8[%dma_wait3A_942, %dma_wait3A_943] : memref<32x1000xf32, #tpu.memory_space<vmem>> -> memref<32x128xf32, #tpu.memory_space<vmem>>
        %dma_wait3A_945 = arith.constant 0 : i32
        %dma_wait3A_946 = tpu.memref_slice %arg6[%dma_wait3A_940, %dma_wait3A_941, %dma_wait3A_945] : memref<3x8x32xi32, #tpu.memory_space<vmem>> -> memref<1x1x32xi32, #tpu.memory_space<vmem>>
        %dma_wait3A_947 = tpu.memref_squeeze %dma_wait3A_946 : memref<1x1x32xi32, #tpu.memory_space<vmem>> -> memref<32xi32, #tpu.memory_space<vmem>>
        %dma_wait3A_948 = arith.constant 0 : i32
        %dma_wait3A_949 = arith.constant 0 : i32
        %dma_wait3A_950 = tpu.memref_slice %arg3[%dma_wait3A_948, %dma_wait3A_949] : memref<8000x128xf32, #tpu.memory_space<hbm>> -> memref<8000x128xf32, #tpu.memory_space<hbm>>
        tpu.wait_indirect_dma semaphore(%arg12 : memref<!tpu.dma_semaphore, #tpu.memory_space<semaphore_mem>>) src(%dma_wait3A_950 : memref<8000x128xf32, #tpu.memory_space<hbm>>) dst(%dma_wait3A_944 : memref<32x128xf32, #tpu.memory_space<vmem>>)
        %dma_wait3A_951 = arith.constant 1 : i32
        %dma_wait3A_952 = arith.constant 5 : i32
        %dma_wait3A_953 = arith.constant 0 : i32
        %dma_wait3A_954 = arith.constant 640 : i32
        %dma_wait3A_955 = tpu.memref_slice %arg8[%dma_wait3A_953, %dma_wait3A_954] : memref<32x1000xf32, #tpu.memory_space<vmem>> -> memref<32x128xf32, #tpu.memory_space<vmem>>
        %dma_wait3A_956 = arith.constant 0 : i32
        %dma_wait3A_957 = tpu.memref_slice %arg6[%dma_wait3A_951, %dma_wait3A_952, %dma_wait3A_956] : memref<3x8x32xi32, #tpu.memory_space<vmem>> -> memref<1x1x32xi32, #tpu.memory_space<vmem>>
        %dma_wait3A_958 = tpu.memref_squeeze %dma_wait3A_957 : memref<1x1x32xi32, #tpu.memory_space<vmem>> -> memref<32xi32, #tpu.memory_space<vmem>>
        %dma_wait3A_959 = arith.constant 0 : i32
        %dma_wait3A_960 = arith.constant 0 : i32
        %dma_wait3A_961 = tpu.memref_slice %arg3[%dma_wait3A_959, %dma_wait3A_960] : memref<8000x128xf32, #tpu.memory_space<hbm>> -> memref<8000x128xf32, #tpu.memory_space<hbm>>
        tpu.wait_indirect_dma semaphore(%arg12 : memref<!tpu.dma_semaphore, #tpu.memory_space<semaphore_mem>>) src(%dma_wait3A_961 : memref<8000x128xf32, #tpu.memory_space<hbm>>) dst(%dma_wait3A_955 : memref<32x128xf32, #tpu.memory_space<vmem>>)
        %dma_wait3A_962 = arith.constant 1 : i32
        %dma_wait3A_963 = arith.constant 6 : i32
        %dma_wait3A_964 = arith.constant 0 : i32
        %dma_wait3A_965 = arith.constant 768 : i32
        %dma_wait3A_966 = tpu.memref_slice %arg8[%dma_wait3A_964, %dma_wait3A_965] : memref<32x1000xf32, #tpu.memory_space<vmem>> -> memref<32x128xf32, #tpu.memory_space<vmem>>
        %dma_wait3A_967 = arith.constant 0 : i32
        %dma_wait3A_968 = tpu.memref_slice %arg6[%dma_wait3A_962, %dma_wait3A_963, %dma_wait3A_967] : memref<3x8x32xi32, #tpu.memory_space<vmem>> -> memref<1x1x32xi32, #tpu.memory_space<vmem>>
        %dma_wait3A_969 = tpu.memref_squeeze %dma_wait3A_968 : memref<1x1x32xi32, #tpu.memory_space<vmem>> -> memref<32xi32, #tpu.memory_space<vmem>>
        %dma_wait3A_970 = arith.constant 0 : i32
        %dma_wait3A_971 = arith.constant 0 : i32
        %dma_wait3A_972 = tpu.memref_slice %arg3[%dma_wait3A_970, %dma_wait3A_971] : memref<8000x128xf32, #tpu.memory_space<hbm>> -> memref<8000x128xf32, #tpu.memory_space<hbm>>
        tpu.wait_indirect_dma semaphore(%arg12 : memref<!tpu.dma_semaphore, #tpu.memory_space<semaphore_mem>>) src(%dma_wait3A_972 : memref<8000x128xf32, #tpu.memory_space<hbm>>) dst(%dma_wait3A_966 : memref<32x128xf32, #tpu.memory_space<vmem>>)
        %dma_wait3A_973 = arith.constant 1 : i32
        %dma_wait3A_974 = arith.constant 7 : i32
        %dma_wait3A_975 = arith.constant 1 : i32
        %dma_wait3A_976 = arith.constant 0 : i32
        %dma_wait3A_977 = arith.constant 0 : i32
        %dma_wait3A_978 = tpu.memref_slice %arg10[%dma_wait3A_975, %dma_wait3A_976, %dma_wait3A_977] : memref<3x32x128xf32, #tpu.memory_space<vmem>> -> memref<1x32x128xf32, #tpu.memory_space<vmem>>
        %dma_wait3A_979 = tpu.memref_squeeze %dma_wait3A_978 : memref<1x32x128xf32, #tpu.memory_space<vmem>> -> memref<32x128xf32, #tpu.memory_space<vmem>>
        %dma_wait3A_980 = arith.constant 0 : i32
        %dma_wait3A_981 = tpu.memref_slice %arg6[%dma_wait3A_973, %dma_wait3A_974, %dma_wait3A_980] : memref<3x8x32xi32, #tpu.memory_space<vmem>> -> memref<1x1x32xi32, #tpu.memory_space<vmem>>
        %dma_wait3A_982 = tpu.memref_squeeze %dma_wait3A_981 : memref<1x1x32xi32, #tpu.memory_space<vmem>> -> memref<32xi32, #tpu.memory_space<vmem>>
        %dma_wait3A_983 = arith.constant 0 : i32
        %dma_wait3A_984 = arith.constant 0 : i32
        %dma_wait3A_985 = tpu.memref_slice %arg3[%dma_wait3A_983, %dma_wait3A_984] : memref<8000x128xf32, #tpu.memory_space<hbm>> -> memref<8000x128xf32, #tpu.memory_space<hbm>>
        tpu.wait_indirect_dma semaphore(%arg12 : memref<!tpu.dma_semaphore, #tpu.memory_space<semaphore_mem>>) src(%dma_wait3A_985 : memref<8000x128xf32, #tpu.memory_space<hbm>>) dst(%dma_wait3A_979 : memref<32x128xf32, #tpu.memory_space<vmem>>)
        %scan3A_986 = arith.constant 0 : i32
        %scan3A_987 = arith.constant 0 : i32
        %scan3A_988 = arith.constant 32 : i32
        %scan3A_989 = arith.addi %scan3A_987, %scan3A_988 : i32
        %scan3A_990 = arith.constant 1 : i32
        scf.for %scan3A_999 = %scan3A_987 to %scan3A_989 step %scan3A_990  : i32 {
          %get3A_1000 = arith.constant 1 : i32
          %get3A_1001 = arith.index_cast %get3A_1000 : i32 to index
          %get3A_1002 = arith.index_cast %scan3A_999 : i32 to index
          %get3A_1003 = arith.constant 0 : index
          %get3A_1004 = tpu.vector_load %arg10[%get3A_1001, %get3A_1002, %get3A_1003] {strides = array<i32>} : memref<3x32x128xf32, #tpu.memory_space<vmem>>, vector<16xf32>,
          %swap3A_1005 = arith.index_cast %scan3A_999 : i32 to index
          %swap3A_1006 = arith.constant 896 : index
          %swap3A_1007 = tpu.vector_load %arg8[%swap3A_1005, %swap3A_1006] {strides = array<i32>} : memref<32x1000xf32, #tpu.memory_space<vmem>>, vector<16xf32>,
          tpu.vector_store %arg8[%swap3A_1005, %swap3A_1006], %get3A_1004 {strides = array<i32>} : memref<32x1000xf32, #tpu.memory_space<vmem>>, vector<16xf32>,
          %get3A_1008 = arith.constant 1 : i32
          %get3A_1009 = arith.index_cast %get3A_1008 : i32 to index
          %get3A_1010 = arith.index_cast %scan3A_999 : i32 to index
          %get3A_1011 = arith.constant 16 : index
          %get3A_1012 = tpu.vector_load %arg10[%get3A_1009, %get3A_1010, %get3A_1011] {strides = array<i32>} : memref<3x32x128xf32, #tpu.memory_space<vmem>>, vector<16xf32>,
          %swap3A_1013 = arith.index_cast %scan3A_999 : i32 to index
          %swap3A_1014 = arith.constant 912 : index
          %swap3A_1015 = tpu.vector_load %arg8[%swap3A_1013, %swap3A_1014] {strides = array<i32>} : memref<32x1000xf32, #tpu.memory_space<vmem>>, vector<16xf32>,
          tpu.vector_store %arg8[%swap3A_1013, %swap3A_1014], %get3A_1012 {strides = array<i32>} : memref<32x1000xf32, #tpu.memory_space<vmem>>, vector<16xf32>,
          %get3A_1016 = arith.constant 1 : i32
          %get3A_1017 = arith.index_cast %get3A_1016 : i32 to index
          %get3A_1018 = arith.index_cast %scan3A_999 : i32 to index
          %get3A_1019 = arith.constant 32 : index
          %get3A_1020 = tpu.vector_load %arg10[%get3A_1017, %get3A_1018, %get3A_1019] {strides = array<i32>} : memref<3x32x128xf32, #tpu.memory_space<vmem>>, vector<16xf32>,
          %swap3A_1021 = arith.index_cast %scan3A_999 : i32 to index
          %swap3A_1022 = arith.constant 928 : index
          %swap3A_1023 = tpu.vector_load %arg8[%swap3A_1021, %swap3A_1022] {strides = array<i32>} : memref<32x1000xf32, #tpu.memory_space<vmem>>, vector<16xf32>,
          tpu.vector_store %arg8[%swap3A_1021, %swap3A_1022], %get3A_1020 {strides = array<i32>} : memref<32x1000xf32, #tpu.memory_space<vmem>>, vector<16xf32>,
          %get3A_1024 = arith.constant 1 : i32
          %get3A_1025 = arith.index_cast %get3A_1024 : i32 to index
          %get3A_1026 = arith.index_cast %scan3A_999 : i32 to index
          %get3A_1027 = arith.constant 48 : index
          %get3A_1028 = tpu.vector_load %arg10[%get3A_1025, %get3A_1026, %get3A_1027] {strides = array<i32>} : memref<3x32x128xf32, #tpu.memory_space<vmem>>, vector<16xf32>,
          %swap3A_1029 = arith.index_cast %scan3A_999 : i32 to index
          %swap3A_1030 = arith.constant 944 : index
          %swap3A_1031 = tpu.vector_load %arg8[%swap3A_1029, %swap3A_1030] {strides = array<i32>} : memref<32x1000xf32, #tpu.memory_space<vmem>>, vector<16xf32>,
          tpu.vector_store %arg8[%swap3A_1029, %swap3A_1030], %get3A_1028 {strides = array<i32>} : memref<32x1000xf32, #tpu.memory_space<vmem>>, vector<16xf32>,
          %get3A_1032 = arith.constant 1 : i32
          %get3A_1033 = arith.index_cast %get3A_1032 : i32 to index
          %get3A_1034 = arith.index_cast %scan3A_999 : i32 to index
          %get3A_1035 = arith.constant 64 : index
          %get3A_1036 = tpu.vector_load %arg10[%get3A_1033, %get3A_1034, %get3A_1035] {strides = array<i32>} : memref<3x32x128xf32, #tpu.memory_space<vmem>>, vector<16xf32>,
          %swap3A_1037 = arith.index_cast %scan3A_999 : i32 to index
          %swap3A_1038 = arith.constant 960 : index
          %swap3A_1039 = tpu.vector_load %arg8[%swap3A_1037, %swap3A_1038] {strides = array<i32>} : memref<32x1000xf32, #tpu.memory_space<vmem>>, vector<16xf32>,
          tpu.vector_store %arg8[%swap3A_1037, %swap3A_1038], %get3A_1036 {strides = array<i32>} : memref<32x1000xf32, #tpu.memory_space<vmem>>, vector<16xf32>,
          %get3A_1040 = arith.constant 1 : i32
          %get3A_1041 = arith.index_cast %get3A_1040 : i32 to index
          %get3A_1042 = arith.index_cast %scan3A_999 : i32 to index
          %get3A_1043 = arith.constant 80 : index
          %get3A_1044 = tpu.vector_load %arg10[%get3A_1041, %get3A_1042, %get3A_1043] {strides = array<i32>} : memref<3x32x128xf32, #tpu.memory_space<vmem>>, vector<16xf32>,
          %swap3A_1045 = arith.index_cast %scan3A_999 : i32 to index
          %swap3A_1046 = arith.constant 976 : index
          %swap3A_1047 = tpu.vector_load %arg8[%swap3A_1045, %swap3A_1046] {strides = array<i32>} : memref<32x1000xf32, #tpu.memory_space<vmem>>, vector<16xf32>,
          tpu.vector_store %arg8[%swap3A_1045, %swap3A_1046], %get3A_1044 {strides = array<i32>} : memref<32x1000xf32, #tpu.memory_space<vmem>>, vector<16xf32>,
          %get3A_1048 = arith.constant 1 : i32
          %get3A_1049 = arith.index_cast %get3A_1048 : i32 to index
          %get3A_1050 = arith.index_cast %scan3A_999 : i32 to index
          %get3A_1051 = arith.constant 96 : index
          %get3A_1052 = tpu.vector_load %arg10[%get3A_1049, %get3A_1050, %get3A_1051] {strides = array<i32>} : memref<3x32x128xf32, #tpu.memory_space<vmem>>, vector<16xf32>,
          %broadcast_in_dim3A = vector.broadcast %scan3A_999 : i32 to vector<16xi32>
          tpu.vector_store_idx %arg8[%broadcast_in_dim3A, %add3A_5], %get3A_1052 masked %lt3A_7 : memref<32x1000xf32, #tpu.memory_space<vmem>>[vector<16xi32>, vector<16xi32>], vector<16xf32>, vector<16xi1>
        }
        %scan3A_991 = arith.constant 32 : i32
        %mul3A_992 = arith.constant 32 : i32
        %mul3A_993 = arith.muli %add3A_849, %mul3A_992 : i32
        %add3A_994 = arith.addi %mul3A_2, %mul3A_993 : i32
        %dma_start3A_995 = arith.constant 0 : i32
        %dma_start3A_996 = tpu.memref_slice %arg4[%add3A_994, %dma_start3A_995] : memref<204800x1000xf32, #tpu.memory_space<hbm>> -> memref<32x1000xf32, #tpu.memory_space<hbm>>
        %dma_start3A_997 = arith.constant 0 : i32
        %dma_start3A_998 = tpu.memref_slice %arg4[%add3A_994, %dma_start3A_997] : memref<204800x1000xf32, #tpu.memory_space<hbm>> -> memref<32x1000xf32, #tpu.memory_space<hbm>>
        tpu.enqueue_dma source(%arg8 : memref<32x1000xf32, #tpu.memory_space<vmem>>) target(%dma_start3A_998 : memref<32x1000xf32, #tpu.memory_space<hbm>>) target_semaphore(%arg15 : memref<!tpu.dma_semaphore, #tpu.memory_space<semaphore_mem>>)
      } else {
      }
      %mul3A_860 = arith.constant 3 : i32
      %mul3A_861 = arith.muli %mul3A_860, %scan3A_843 : i32
      %add3A_862 = arith.constant 1 : i32
      %add3A_863 = arith.addi %mul3A_861, %add3A_862 : i32
      %add3A_864 = arith.constant 1 : i32
      %add3A_865 = arith.addi %add3A_863, %add3A_864 : i32
      %add3A_866 = arith.constant 2 : i32
      %add3A_867 = arith.addi %add3A_865, %add3A_866 : i32
      %lt3A_868 = arith.constant 200 : i32
      %lt3A_869 = arith.cmpi slt, %add3A_867, %lt3A_868 : i32
      %convert_element_type3A_870 = arith.extui %lt3A_869 : i1 to i32
      %cond3A_871 = arith.constant 0 : i32
      %cond3A_872 = arith.cmpi ne, %convert_element_type3A_870, %cond3A_871 : i32
      scf.if %cond3A_872 {
        %sub3A = arith.constant 1 : i32
        %sub3A_896 = arith.subi %add3A_865, %sub3A : i32
        %mul3A_897 = arith.constant 32 : i32
        %mul3A_898 = arith.muli %sub3A_896, %mul3A_897 : i32
        %add3A_899 = arith.addi %mul3A_2, %mul3A_898 : i32
        %dma_wait3A_900 = arith.constant 0 : i32
        %dma_wait3A_901 = tpu.memref_slice %arg4[%add3A_899, %dma_wait3A_900] : memref<204800x1000xf32, #tpu.memory_space<hbm>> -> memref<32x1000xf32, #tpu.memory_space<hbm>>
        %dma_wait3A_902 = arith.constant 0 : i32
        %dma_wait3A_903 = tpu.memref_slice %arg4[%add3A_899, %dma_wait3A_902] : memref<204800x1000xf32, #tpu.memory_space<hbm>> -> memref<32x1000xf32, #tpu.memory_space<hbm>>
        tpu.wait_dma2 semaphore(%arg15 : memref<!tpu.dma_semaphore, #tpu.memory_space<semaphore_mem>>) src(%arg8 : memref<32x1000xf32, #tpu.memory_space<vmem>>) dst(%dma_wait3A_903 : memref<32x1000xf32, #tpu.memory_space<hbm>>)
        %add3A_904 = arith.constant 2 : i32
        %add3A_905 = arith.addi %add3A_865, %add3A_904 : i32
        %mul3A_906 = arith.constant 32 : i32
        %mul3A_907 = arith.muli %add3A_905, %mul3A_906 : i32
        %add3A_908 = arith.constant 0 : i32
        %add3A_909 = arith.addi %mul3A_907, %add3A_908 : i32
        %get3A_910 = arith.index_cast %add3A_909 : i32 to index
        %get3A_911 = tpu.vector_load %arg5[%get3A_910] {strides = array<i32>} : memref<6400xi32, #tpu.memory_space<vmem>>, vector<16xi32>,
        %mul3A_912 = arith.constant 32 : i32
        %mul3A_913 = arith.muli %add3A_905, %mul3A_912 : i32
        %add3A_914 = arith.constant 16 : i32
        %add3A_915 = arith.addi %mul3A_913, %add3A_914 : i32
        %get3A_916 = arith.index_cast %add3A_915 : i32 to index
        %get3A_917 = tpu.vector_load %arg5[%get3A_916] {strides = array<i32>} : memref<6400xi32, #tpu.memory_space<vmem>>, vector<16xi32>,
        %add3A_918 = arith.constant 0 : i32
        %add3A_919 = vector.broadcast %add3A_918 : i32 to vector<16xi32>
        %add3A_920 = arith.addi %get3A_911, %add3A_919 : vector<16xi32>
        %swap3A_921 = arith.constant 1 : i32
        %swap3A_922 = arith.constant 0 : i32
        %swap3A_923 = arith.index_cast %swap3A_921 : i32 to index
        %swap3A_924 = arith.index_cast %swap3A_922 : i32 to index
        %swap3A_925 = arith.constant 0 : index
        %swap3A_926 = tpu.vector_load %arg6[%swap3A_923, %swap3A_924, %swap3A_925] {strides = array<i32>} : memref<3x8x32xi32, #tpu.memory_space<vmem>>, vector<16xi32>,
        tpu.vector_store %arg6[%swap3A_923, %swap3A_924, %swap3A_925], %add3A_920 {strides = array<i32>} : memref<3x8x32xi32, #tpu.memory_space<vmem>>, vector<16xi32>,
        %add3A_927 = arith.constant 0 : i32
        %add3A_928 = vector.broadcast %add3A_927 : i32 to vector<16xi32>
        %add3A_929 = arith.addi %get3A_917, %add3A_928 : vector<16xi32>
        %swap3A_930 = arith.constant 1 : i32
        %swap3A_931 = arith.constant 0 : i32
        %swap3A_932 = arith.index_cast %swap3A_930 : i32 to index
        %swap3A_933 = arith.index_cast %swap3A_931 : i32 to index
        %swap3A_934 = arith.constant 16 : index
        %swap3A_935 = tpu.vector_load %arg6[%swap3A_932, %swap3A_933, %swap3A_934] {strides = array<i32>} : memref<3x8x32xi32, #tpu.memory_space<vmem>>, vector<16xi32>,
        tpu.vector_store %arg6[%swap3A_932, %swap3A_933, %swap3A_934], %add3A_929 {strides = array<i32>} : memref<3x8x32xi32, #tpu.memory_space<vmem>>, vector<16xi32>,
        %add3A_936 = arith.constant 8 : i32
        %add3A_937 = vector.broadcast %add3A_936 : i32 to vector<16xi32>
        %add3A_938 = arith.addi %get3A_911, %add3A_937 : vector<16xi32>
        %swap3A_939 = arith.constant 1 : i32
        %swap3A_940 = arith.constant 1 : i32
        %swap3A_941 = arith.index_cast %swap3A_939 : i32 to index
        %swap3A_942 = arith.index_cast %swap3A_940 : i32 to index
        %swap3A_943 = arith.constant 0 : index
        %swap3A_944 = tpu.vector_load %arg6[%swap3A_941, %swap3A_942, %swap3A_943] {strides = array<i32>} : memref<3x8x32xi32, #tpu.memory_space<vmem>>, vector<16xi32>,
        tpu.vector_store %arg6[%swap3A_941, %swap3A_942, %swap3A_943], %add3A_938 {strides = array<i32>} : memref<3x8x32xi32, #tpu.memory_space<vmem>>, vector<16xi32>,
        %add3A_945 = arith.constant 8 : i32
        %add3A_946 = vector.broadcast %add3A_945 : i32 to vector<16xi32>
        %add3A_947 = arith.addi %get3A_917, %add3A_946 : vector<16xi32>
        %swap3A_948 = arith.constant 1 : i32
        %swap3A_949 = arith.constant 1 : i32
        %swap3A_950 = arith.index_cast %swap3A_948 : i32 to index
        %swap3A_951 = arith.index_cast %swap3A_949 : i32 to index
        %swap3A_952 = arith.constant 16 : index
        %swap3A_953 = tpu.vector_load %arg6[%swap3A_950, %swap3A_951, %swap3A_952] {strides = array<i32>} : memref<3x8x32xi32, #tpu.memory_space<vmem>>, vector<16xi32>,
        tpu.vector_store %arg6[%swap3A_950, %swap3A_951, %swap3A_952], %add3A_947 {strides = array<i32>} : memref<3x8x32xi32, #tpu.memory_space<vmem>>, vector<16xi32>,
        %add3A_954 = arith.constant 16 : i32
        %add3A_955 = vector.broadcast %add3A_954 : i32 to vector<16xi32>
        %add3A_956 = arith.addi %get3A_911, %add3A_955 : vector<16xi32>
        %swap3A_957 = arith.constant 1 : i32
        %swap3A_958 = arith.constant 2 : i32
        %swap3A_959 = arith.index_cast %swap3A_957 : i32 to index
        %swap3A_960 = arith.index_cast %swap3A_958 : i32 to index
        %swap3A_961 = arith.constant 0 : index
        %swap3A_962 = tpu.vector_load %arg6[%swap3A_959, %swap3A_960, %swap3A_961] {strides = array<i32>} : memref<3x8x32xi32, #tpu.memory_space<vmem>>, vector<16xi32>,
        tpu.vector_store %arg6[%swap3A_959, %swap3A_960, %swap3A_961], %add3A_956 {strides = array<i32>} : memref<3x8x32xi32, #tpu.memory_space<vmem>>, vector<16xi32>,
        %add3A_963 = arith.constant 16 : i32
        %add3A_964 = vector.broadcast %add3A_963 : i32 to vector<16xi32>
        %add3A_965 = arith.addi %get3A_917, %add3A_964 : vector<16xi32>
        %swap3A_966 = arith.constant 1 : i32
        %swap3A_967 = arith.constant 2 : i32
        %swap3A_968 = arith.index_cast %swap3A_966 : i32 to index
        %swap3A_969 = arith.index_cast %swap3A_967 : i32 to index
        %swap3A_970 = arith.constant 16 : index
        %swap3A_971 = tpu.vector_load %arg6[%swap3A_968, %swap3A_969, %swap3A_970] {strides = array<i32>} : memref<3x8x32xi32, #tpu.memory_space<vmem>>, vector<16xi32>,
        tpu.vector_store %arg6[%swap3A_968, %swap3A_969, %swap3A_970], %add3A_965 {strides = array<i32>} : memref<3x8x32xi32, #tpu.memory_space<vmem>>, vector<16xi32>,
        %add3A_972 = arith.constant 24 : i32
        %add3A_973 = vector.broadcast %add3A_972 : i32 to vector<16xi32>
        %add3A_974 = arith.addi %get3A_911, %add3A_973 : vector<16xi32>
        %swap3A_975 = arith.constant 1 : i32
        %swap3A_976 = arith.constant 3 : i32
        %swap3A_977 = arith.index_cast %swap3A_975 : i32 to index
        %swap3A_978 = arith.index_cast %swap3A_976 : i32 to index
        %swap3A_979 = arith.constant 0 : index
        %swap3A_980 = tpu.vector_load %arg6[%swap3A_977, %swap3A_978, %swap3A_979] {strides = array<i32>} : memref<3x8x32xi32, #tpu.memory_space<vmem>>, vector<16xi32>,
        tpu.vector_store %arg6[%swap3A_977, %swap3A_978, %swap3A_979], %add3A_974 {strides = array<i32>} : memref<3x8x32xi32, #tpu.memory_space<vmem>>, vector<16xi32>,
        %add3A_981 = arith.constant 24 : i32
        %add3A_982 = vector.broadcast %add3A_981 : i32 to vector<16xi32>
        %add3A_983 = arith.addi %get3A_917, %add3A_982 : vector<16xi32>
        %swap3A_984 = arith.constant 1 : i32
        %swap3A_985 = arith.constant 3 : i32
        %swap3A_986 = arith.index_cast %swap3A_984 : i32 to index
        %swap3A_987 = arith.index_cast %swap3A_985 : i32 to index
        %swap3A_988 = arith.constant 16 : index
        %swap3A_989 = tpu.vector_load %arg6[%swap3A_986, %swap3A_987, %swap3A_988] {strides = array<i32>} : memref<3x8x32xi32, #tpu.memory_space<vmem>>, vector<16xi32>,
        tpu.vector_store %arg6[%swap3A_986, %swap3A_987, %swap3A_988], %add3A_983 {strides = array<i32>} : memref<3x8x32xi32, #tpu.memory_space<vmem>>, vector<16xi32>,
        %add3A_990 = arith.constant 32 : i32
        %add3A_991 = vector.broadcast %add3A_990 : i32 to vector<16xi32>
        %add3A_992 = arith.addi %get3A_911, %add3A_991 : vector<16xi32>
        %swap3A_993 = arith.constant 1 : i32
        %swap3A_994 = arith.constant 4 : i32
        %swap3A_995 = arith.index_cast %swap3A_993 : i32 to index
        %swap3A_996 = arith.index_cast %swap3A_994 : i32 to index
        %swap3A_997 = arith.constant 0 : index
        %swap3A_998 = tpu.vector_load %arg6[%swap3A_995, %swap3A_996, %swap3A_997] {strides = array<i32>} : memref<3x8x32xi32, #tpu.memory_space<vmem>>, vector<16xi32>,
        tpu.vector_store %arg6[%swap3A_995, %swap3A_996, %swap3A_997], %add3A_992 {strides = array<i32>} : memref<3x8x32xi32, #tpu.memory_space<vmem>>, vector<16xi32>,
        %add3A_999 = arith.constant 32 : i32
        %add3A_1000 = vector.broadcast %add3A_999 : i32 to vector<16xi32>
        %add3A_1001 = arith.addi %get3A_917, %add3A_1000 : vector<16xi32>
        %swap3A_1002 = arith.constant 1 : i32
        %swap3A_1003 = arith.constant 4 : i32
        %swap3A_1004 = arith.index_cast %swap3A_1002 : i32 to index
        %swap3A_1005 = arith.index_cast %swap3A_1003 : i32 to index
        %swap3A_1006 = arith.constant 16 : index
        %swap3A_1007 = tpu.vector_load %arg6[%swap3A_1004, %swap3A_1005, %swap3A_1006] {strides = array<i32>} : memref<3x8x32xi32, #tpu.memory_space<vmem>>, vector<16xi32>,
        tpu.vector_store %arg6[%swap3A_1004, %swap3A_1005, %swap3A_1006], %add3A_1001 {strides = array<i32>} : memref<3x8x32xi32, #tpu.memory_space<vmem>>, vector<16xi32>,
        %add3A_1008 = arith.constant 40 : i32
        %add3A_1009 = vector.broadcast %add3A_1008 : i32 to vector<16xi32>
        %add3A_1010 = arith.addi %get3A_911, %add3A_1009 : vector<16xi32>
        %swap3A_1011 = arith.constant 1 : i32
        %swap3A_1012 = arith.constant 5 : i32
        %swap3A_1013 = arith.index_cast %swap3A_1011 : i32 to index
        %swap3A_1014 = arith.index_cast %swap3A_1012 : i32 to index
        %swap3A_1015 = arith.constant 0 : index
        %swap3A_1016 = tpu.vector_load %arg6[%swap3A_1013, %swap3A_1014, %swap3A_1015] {strides = array<i32>} : memref<3x8x32xi32, #tpu.memory_space<vmem>>, vector<16xi32>,
        tpu.vector_store %arg6[%swap3A_1013, %swap3A_1014, %swap3A_1015], %add3A_1010 {strides = array<i32>} : memref<3x8x32xi32, #tpu.memory_space<vmem>>, vector<16xi32>,
        %add3A_1017 = arith.constant 40 : i32
        %add3A_1018 = vector.broadcast %add3A_1017 : i32 to vector<16xi32>
        %add3A_1019 = arith.addi %get3A_917, %add3A_1018 : vector<16xi32>
        %swap3A_1020 = arith.constant 1 : i32
        %swap3A_1021 = arith.constant 5 : i32
        %swap3A_1022 = arith.index_cast %swap3A_1020 : i32 to index
        %swap3A_1023 = arith.index_cast %swap3A_1021 : i32 to index
        %swap3A_1024 = arith.constant 16 : index
        %swap3A_1025 = tpu.vector_load %arg6[%swap3A_1022, %swap3A_1023, %swap3A_1024] {strides = array<i32>} : memref<3x8x32xi32, #tpu.memory_space<vmem>>, vector<16xi32>,
        tpu.vector_store %arg6[%swap3A_1022, %swap3A_1023, %swap3A_1024], %add3A_1019 {strides = array<i32>} : memref<3x8x32xi32, #tpu.memory_space<vmem>>, vector<16xi32>,
        %add3A_1026 = arith.constant 48 : i32
        %add3A_1027 = vector.broadcast %add3A_1026 : i32 to vector<16xi32>
        %add3A_1028 = arith.addi %get3A_911, %add3A_1027 : vector<16xi32>
        %swap3A_1029 = arith.constant 1 : i32
        %swap3A_1030 = arith.constant 6 : i32
        %swap3A_1031 = arith.index_cast %swap3A_1029 : i32 to index
        %swap3A_1032 = arith.index_cast %swap3A_1030 : i32 to index
        %swap3A_1033 = arith.constant 0 : index
        %swap3A_1034 = tpu.vector_load %arg6[%swap3A_1031, %swap3A_1032, %swap3A_1033] {strides = array<i32>} : memref<3x8x32xi32, #tpu.memory_space<vmem>>, vector<16xi32>,
        tpu.vector_store %arg6[%swap3A_1031, %swap3A_1032, %swap3A_1033], %add3A_1028 {strides = array<i32>} : memref<3x8x32xi32, #tpu.memory_space<vmem>>, vector<16xi32>,
        %add3A_1035 = arith.constant 48 : i32
        %add3A_1036 = vector.broadcast %add3A_1035 : i32 to vector<16xi32>
        %add3A_1037 = arith.addi %get3A_917, %add3A_1036 : vector<16xi32>
        %swap3A_1038 = arith.constant 1 : i32
        %swap3A_1039 = arith.constant 6 : i32
        %swap3A_1040 = arith.index_cast %swap3A_1038 : i32 to index
        %swap3A_1041 = arith.index_cast %swap3A_1039 : i32 to index
        %swap3A_1042 = arith.constant 16 : index
        %swap3A_1043 = tpu.vector_load %arg6[%swap3A_1040, %swap3A_1041, %swap3A_1042] {strides = array<i32>} : memref<3x8x32xi32, #tpu.memory_space<vmem>>, vector<16xi32>,
        tpu.vector_store %arg6[%swap3A_1040, %swap3A_1041, %swap3A_1042], %add3A_1037 {strides = array<i32>} : memref<3x8x32xi32, #tpu.memory_space<vmem>>, vector<16xi32>,
        %add3A_1044 = arith.constant 56 : i32
        %add3A_1045 = vector.broadcast %add3A_1044 : i32 to vector<16xi32>
        %add3A_1046 = arith.addi %get3A_911, %add3A_1045 : vector<16xi32>
        %swap3A_1047 = arith.constant 1 : i32
        %swap3A_1048 = arith.constant 7 : i32
        %swap3A_1049 = arith.index_cast %swap3A_1047 : i32 to index
        %swap3A_1050 = arith.index_cast %swap3A_1048 : i32 to index
        %swap3A_1051 = arith.constant 0 : index
        %swap3A_1052 = tpu.vector_load %arg6[%swap3A_1049, %swap3A_1050, %swap3A_1051] {strides = array<i32>} : memref<3x8x32xi32, #tpu.memory_space<vmem>>, vector<16xi32>,
        tpu.vector_store %arg6[%swap3A_1049, %swap3A_1050, %swap3A_1051], %add3A_1046 {strides = array<i32>} : memref<3x8x32xi32, #tpu.memory_space<vmem>>, vector<16xi32>,
        %add3A_1053 = arith.constant 56 : i32
        %add3A_1054 = vector.broadcast %add3A_1053 : i32 to vector<16xi32>
        %add3A_1055 = arith.addi %get3A_917, %add3A_1054 : vector<16xi32>
        %swap3A_1056 = arith.constant 1 : i32
        %swap3A_1057 = arith.constant 7 : i32
        %swap3A_1058 = arith.index_cast %swap3A_1056 : i32 to index
        %swap3A_1059 = arith.index_cast %swap3A_1057 : i32 to index
        %swap3A_1060 = arith.constant 16 : index
        %swap3A_1061 = tpu.vector_load %arg6[%swap3A_1058, %swap3A_1059, %swap3A_1060] {strides = array<i32>} : memref<3x8x32xi32, #tpu.memory_space<vmem>>, vector<16xi32>,
        tpu.vector_store %arg6[%swap3A_1058, %swap3A_1059, %swap3A_1060], %add3A_1055 {strides = array<i32>} : memref<3x8x32xi32, #tpu.memory_space<vmem>>, vector<16xi32>,
        %dma_start3A_1062 = arith.constant 1 : i32
        %dma_start3A_1063 = arith.constant 0 : i32
        %dma_start3A_1064 = arith.constant 0 : i32
        %dma_start3A_1065 = arith.constant 0 : i32
        %dma_start3A_1066 = tpu.memref_slice %arg8[%dma_start3A_1064, %dma_start3A_1065] : memref<32x1000xf32, #tpu.memory_space<vmem>> -> memref<32x128xf32, #tpu.memory_space<vmem>>
        %dma_start3A_1067 = arith.constant 0 : i32
        %dma_start3A_1068 = tpu.memref_slice %arg6[%dma_start3A_1062, %dma_start3A_1063, %dma_start3A_1067] : memref<3x8x32xi32, #tpu.memory_space<vmem>> -> memref<1x1x32xi32, #tpu.memory_space<vmem>>
        %dma_start3A_1069 = tpu.memref_squeeze %dma_start3A_1068 : memref<1x1x32xi32, #tpu.memory_space<vmem>> -> memref<32xi32, #tpu.memory_space<vmem>>
        %dma_start3A_1070 = arith.constant 0 : i32
        %dma_start3A_1071 = arith.constant 0 : i32
        %dma_start3A_1072 = tpu.memref_slice %arg3[%dma_start3A_1070, %dma_start3A_1071] : memref<8000x128xf32, #tpu.memory_space<hbm>> -> memref<8000x128xf32, #tpu.memory_space<hbm>>
        tpu.enqueue_indirect_dma source(%dma_start3A_1072 : memref<8000x128xf32, #tpu.memory_space<hbm>>) target(%dma_start3A_1066 : memref<32x128xf32, #tpu.memory_space<vmem>>) offsets(%dma_start3A_1069 : memref<32xi32, #tpu.memory_space<vmem>>) semaphore(%arg12 : memref<!tpu.dma_semaphore, #tpu.memory_space<semaphore_mem>>)
        %dma_start3A_1073 = arith.constant 1 : i32
        %dma_start3A_1074 = arith.constant 1 : i32
        %dma_start3A_1075 = arith.constant 0 : i32
        %dma_start3A_1076 = arith.constant 128 : i32
        %dma_start3A_1077 = tpu.memref_slice %arg8[%dma_start3A_1075, %dma_start3A_1076] : memref<32x1000xf32, #tpu.memory_space<vmem>> -> memref<32x128xf32, #tpu.memory_space<vmem>>
        %dma_start3A_1078 = arith.constant 0 : i32
        %dma_start3A_1079 = tpu.memref_slice %arg6[%dma_start3A_1073, %dma_start3A_1074, %dma_start3A_1078] : memref<3x8x32xi32, #tpu.memory_space<vmem>> -> memref<1x1x32xi32, #tpu.memory_space<vmem>>
        %dma_start3A_1080 = tpu.memref_squeeze %dma_start3A_1079 : memref<1x1x32xi32, #tpu.memory_space<vmem>> -> memref<32xi32, #tpu.memory_space<vmem>>
        %dma_start3A_1081 = arith.constant 0 : i32
        %dma_start3A_1082 = arith.constant 0 : i32
        %dma_start3A_1083 = tpu.memref_slice %arg3[%dma_start3A_1081, %dma_start3A_1082] : memref<8000x128xf32, #tpu.memory_space<hbm>> -> memref<8000x128xf32, #tpu.memory_space<hbm>>
        tpu.enqueue_indirect_dma source(%dma_start3A_1083 : memref<8000x128xf32, #tpu.memory_space<hbm>>) target(%dma_start3A_1077 : memref<32x128xf32, #tpu.memory_space<vmem>>) offsets(%dma_start3A_1080 : memref<32xi32, #tpu.memory_space<vmem>>) semaphore(%arg12 : memref<!tpu.dma_semaphore, #tpu.memory_space<semaphore_mem>>)
        %dma_start3A_1084 = arith.constant 1 : i32
        %dma_start3A_1085 = arith.constant 2 : i32
        %dma_start3A_1086 = arith.constant 0 : i32
        %dma_start3A_1087 = arith.constant 256 : i32
        %dma_start3A_1088 = tpu.memref_slice %arg8[%dma_start3A_1086, %dma_start3A_1087] : memref<32x1000xf32, #tpu.memory_space<vmem>> -> memref<32x128xf32, #tpu.memory_space<vmem>>
        %dma_start3A_1089 = arith.constant 0 : i32
        %dma_start3A_1090 = tpu.memref_slice %arg6[%dma_start3A_1084, %dma_start3A_1085, %dma_start3A_1089] : memref<3x8x32xi32, #tpu.memory_space<vmem>> -> memref<1x1x32xi32, #tpu.memory_space<vmem>>
        %dma_start3A_1091 = tpu.memref_squeeze %dma_start3A_1090 : memref<1x1x32xi32, #tpu.memory_space<vmem>> -> memref<32xi32, #tpu.memory_space<vmem>>
        %dma_start3A_1092 = arith.constant 0 : i32
        %dma_start3A_1093 = arith.constant 0 : i32
        %dma_start3A_1094 = tpu.memref_slice %arg3[%dma_start3A_1092, %dma_start3A_1093] : memref<8000x128xf32, #tpu.memory_space<hbm>> -> memref<8000x128xf32, #tpu.memory_space<hbm>>
        tpu.enqueue_indirect_dma source(%dma_start3A_1094 : memref<8000x128xf32, #tpu.memory_space<hbm>>) target(%dma_start3A_1088 : memref<32x128xf32, #tpu.memory_space<vmem>>) offsets(%dma_start3A_1091 : memref<32xi32, #tpu.memory_space<vmem>>) semaphore(%arg12 : memref<!tpu.dma_semaphore, #tpu.memory_space<semaphore_mem>>)
        %dma_start3A_1095 = arith.constant 1 : i32
        %dma_start3A_1096 = arith.constant 3 : i32
        %dma_start3A_1097 = arith.constant 0 : i32
        %dma_start3A_1098 = arith.constant 384 : i32
        %dma_start3A_1099 = tpu.memref_slice %arg8[%dma_start3A_1097, %dma_start3A_1098] : memref<32x1000xf32, #tpu.memory_space<vmem>> -> memref<32x128xf32, #tpu.memory_space<vmem>>
        %dma_start3A_1100 = arith.constant 0 : i32
        %dma_start3A_1101 = tpu.memref_slice %arg6[%dma_start3A_1095, %dma_start3A_1096, %dma_start3A_1100] : memref<3x8x32xi32, #tpu.memory_space<vmem>> -> memref<1x1x32xi32, #tpu.memory_space<vmem>>
        %dma_start3A_1102 = tpu.memref_squeeze %dma_start3A_1101 : memref<1x1x32xi32, #tpu.memory_space<vmem>> -> memref<32xi32, #tpu.memory_space<vmem>>
        %dma_start3A_1103 = arith.constant 0 : i32
        %dma_start3A_1104 = arith.constant 0 : i32
        %dma_start3A_1105 = tpu.memref_slice %arg3[%dma_start3A_1103, %dma_start3A_1104] : memref<8000x128xf32, #tpu.memory_space<hbm>> -> memref<8000x128xf32, #tpu.memory_space<hbm>>
        tpu.enqueue_indirect_dma source(%dma_start3A_1105 : memref<8000x128xf32, #tpu.memory_space<hbm>>) target(%dma_start3A_1099 : memref<32x128xf32, #tpu.memory_space<vmem>>) offsets(%dma_start3A_1102 : memref<32xi32, #tpu.memory_space<vmem>>) semaphore(%arg12 : memref<!tpu.dma_semaphore, #tpu.memory_space<semaphore_mem>>)
        %dma_start3A_1106 = arith.constant 1 : i32
        %dma_start3A_1107 = arith.constant 4 : i32
        %dma_start3A_1108 = arith.constant 0 : i32
        %dma_start3A_1109 = arith.constant 512 : i32
        %dma_start3A_1110 = tpu.memref_slice %arg8[%dma_start3A_1108, %dma_start3A_1109] : memref<32x1000xf32, #tpu.memory_space<vmem>> -> memref<32x128xf32, #tpu.memory_space<vmem>>
        %dma_start3A_1111 = arith.constant 0 : i32
        %dma_start3A_1112 = tpu.memref_slice %arg6[%dma_start3A_1106, %dma_start3A_1107, %dma_start3A_1111] : memref<3x8x32xi32, #tpu.memory_space<vmem>> -> memref<1x1x32xi32, #tpu.memory_space<vmem>>
        %dma_start3A_1113 = tpu.memref_squeeze %dma_start3A_1112 : memref<1x1x32xi32, #tpu.memory_space<vmem>> -> memref<32xi32, #tpu.memory_space<vmem>>
        %dma_start3A_1114 = arith.constant 0 : i32
        %dma_start3A_1115 = arith.constant 0 : i32
        %dma_start3A_1116 = tpu.memref_slice %arg3[%dma_start3A_1114, %dma_start3A_1115] : memref<8000x128xf32, #tpu.memory_space<hbm>> -> memref<8000x128xf32, #tpu.memory_space<hbm>>
        tpu.enqueue_indirect_dma source(%dma_start3A_1116 : memref<8000x128xf32, #tpu.memory_space<hbm>>) target(%dma_start3A_1110 : memref<32x128xf32, #tpu.memory_space<vmem>>) offsets(%dma_start3A_1113 : memref<32xi32, #tpu.memory_space<vmem>>) semaphore(%arg12 : memref<!tpu.dma_semaphore, #tpu.memory_space<semaphore_mem>>)
        %dma_start3A_1117 = arith.constant 1 : i32
        %dma_start3A_1118 = arith.constant 5 : i32
        %dma_start3A_1119 = arith.constant 0 : i32
        %dma_start3A_1120 = arith.constant 640 : i32
        %dma_start3A_1121 = tpu.memref_slice %arg8[%dma_start3A_1119, %dma_start3A_1120] : memref<32x1000xf32, #tpu.memory_space<vmem>> -> memref<32x128xf32, #tpu.memory_space<vmem>>
        %dma_start3A_1122 = arith.constant 0 : i32
        %dma_start3A_1123 = tpu.memref_slice %arg6[%dma_start3A_1117, %dma_start3A_1118, %dma_start3A_1122] : memref<3x8x32xi32, #tpu.memory_space<vmem>> -> memref<1x1x32xi32, #tpu.memory_space<vmem>>
        %dma_start3A_1124 = tpu.memref_squeeze %dma_start3A_1123 : memref<1x1x32xi32, #tpu.memory_space<vmem>> -> memref<32xi32, #tpu.memory_space<vmem>>
        %dma_start3A_1125 = arith.constant 0 : i32
        %dma_start3A_1126 = arith.constant 0 : i32
        %dma_start3A_1127 = tpu.memref_slice %arg3[%dma_start3A_1125, %dma_start3A_1126] : memref<8000x128xf32, #tpu.memory_space<hbm>> -> memref<8000x128xf32, #tpu.memory_space<hbm>>
        tpu.enqueue_indirect_dma source(%dma_start3A_1127 : memref<8000x128xf32, #tpu.memory_space<hbm>>) target(%dma_start3A_1121 : memref<32x128xf32, #tpu.memory_space<vmem>>) offsets(%dma_start3A_1124 : memref<32xi32, #tpu.memory_space<vmem>>) semaphore(%arg12 : memref<!tpu.dma_semaphore, #tpu.memory_space<semaphore_mem>>)
        %dma_start3A_1128 = arith.constant 1 : i32
        %dma_start3A_1129 = arith.constant 6 : i32
        %dma_start3A_1130 = arith.constant 0 : i32
        %dma_start3A_1131 = arith.constant 768 : i32
        %dma_start3A_1132 = tpu.memref_slice %arg8[%dma_start3A_1130, %dma_start3A_1131] : memref<32x1000xf32, #tpu.memory_space<vmem>> -> memref<32x128xf32, #tpu.memory_space<vmem>>
        %dma_start3A_1133 = arith.constant 0 : i32
        %dma_start3A_1134 = tpu.memref_slice %arg6[%dma_start3A_1128, %dma_start3A_1129, %dma_start3A_1133] : memref<3x8x32xi32, #tpu.memory_space<vmem>> -> memref<1x1x32xi32, #tpu.memory_space<vmem>>
        %dma_start3A_1135 = tpu.memref_squeeze %dma_start3A_1134 : memref<1x1x32xi32, #tpu.memory_space<vmem>> -> memref<32xi32, #tpu.memory_space<vmem>>
        %dma_start3A_1136 = arith.constant 0 : i32
        %dma_start3A_1137 = arith.constant 0 : i32
        %dma_start3A_1138 = tpu.memref_slice %arg3[%dma_start3A_1136, %dma_start3A_1137] : memref<8000x128xf32, #tpu.memory_space<hbm>> -> memref<8000x128xf32, #tpu.memory_space<hbm>>
        tpu.enqueue_indirect_dma source(%dma_start3A_1138 : memref<8000x128xf32, #tpu.memory_space<hbm>>) target(%dma_start3A_1132 : memref<32x128xf32, #tpu.memory_space<vmem>>) offsets(%dma_start3A_1135 : memref<32xi32, #tpu.memory_space<vmem>>) semaphore(%arg12 : memref<!tpu.dma_semaphore, #tpu.memory_space<semaphore_mem>>)
        %dma_start3A_1139 = arith.constant 1 : i32
        %dma_start3A_1140 = arith.constant 7 : i32
        %dma_start3A_1141 = arith.constant 1 : i32
        %dma_start3A_1142 = arith.constant 0 : i32
        %dma_start3A_1143 = arith.constant 0 : i32
        %dma_start3A_1144 = tpu.memref_slice %arg10[%dma_start3A_1141, %dma_start3A_1142, %dma_start3A_1143] : memref<3x32x128xf32, #tpu.memory_space<vmem>> -> memref<1x32x128xf32, #tpu.memory_space<vmem>>
        %dma_start3A_1145 = tpu.memref_squeeze %dma_start3A_1144 : memref<1x32x128xf32, #tpu.memory_space<vmem>> -> memref<32x128xf32, #tpu.memory_space<vmem>>
        %dma_start3A_1146 = arith.constant 0 : i32
        %dma_start3A_1147 = tpu.memref_slice %arg6[%dma_start3A_1139, %dma_start3A_1140, %dma_start3A_1146] : memref<3x8x32xi32, #tpu.memory_space<vmem>> -> memref<1x1x32xi32, #tpu.memory_space<vmem>>
        %dma_start3A_1148 = tpu.memref_squeeze %dma_start3A_1147 : memref<1x1x32xi32, #tpu.memory_space<vmem>> -> memref<32xi32, #tpu.memory_space<vmem>>
        %dma_start3A_1149 = arith.constant 0 : i32
        %dma_start3A_1150 = arith.constant 0 : i32
        %dma_start3A_1151 = tpu.memref_slice %arg3[%dma_start3A_1149, %dma_start3A_1150] : memref<8000x128xf32, #tpu.memory_space<hbm>> -> memref<8000x128xf32, #tpu.memory_space<hbm>>
        tpu.enqueue_indirect_dma source(%dma_start3A_1151 : memref<8000x128xf32, #tpu.memory_space<hbm>>) target(%dma_start3A_1145 : memref<32x128xf32, #tpu.memory_space<vmem>>) offsets(%dma_start3A_1148 : memref<32xi32, #tpu.memory_space<vmem>>) semaphore(%arg12 : memref<!tpu.dma_semaphore, #tpu.memory_space<semaphore_mem>>)
      } else {
      }
      %lt3A_873 = arith.constant 200 : i32
      %lt3A_874 = arith.cmpi slt, %add3A_865, %lt3A_873 : i32
      %convert_element_type3A_875 = arith.extui %lt3A_874 : i1 to i32
      %cond3A_876 = arith.constant 0 : i32
      %cond3A_877 = arith.cmpi ne, %convert_element_type3A_875, %cond3A_876 : i32
      scf.if %cond3A_877 {
        %dma_wait3A_896 = arith.constant 2 : i32
        %dma_wait3A_897 = arith.constant 0 : i32
        %dma_wait3A_898 = arith.constant 0 : i32
        %dma_wait3A_899 = arith.constant 0 : i32
        %dma_wait3A_900 = tpu.memref_slice %arg9[%dma_wait3A_898, %dma_wait3A_899] : memref<32x1000xf32, #tpu.memory_space<vmem>> -> memref<32x128xf32, #tpu.memory_space<vmem>>
        %dma_wait3A_901 = arith.constant 0 : i32
        %dma_wait3A_902 = tpu.memref_slice %arg6[%dma_wait3A_896, %dma_wait3A_897, %dma_wait3A_901] : memref<3x8x32xi32, #tpu.memory_space<vmem>> -> memref<1x1x32xi32, #tpu.memory_space<vmem>>
        %dma_wait3A_903 = tpu.memref_squeeze %dma_wait3A_902 : memref<1x1x32xi32, #tpu.memory_space<vmem>> -> memref<32xi32, #tpu.memory_space<vmem>>
        %dma_wait3A_904 = arith.constant 0 : i32
        %dma_wait3A_905 = arith.constant 0 : i32
        %dma_wait3A_906 = tpu.memref_slice %arg3[%dma_wait3A_904, %dma_wait3A_905] : memref<8000x128xf32, #tpu.memory_space<hbm>> -> memref<8000x128xf32, #tpu.memory_space<hbm>>
        tpu.wait_indirect_dma semaphore(%arg13 : memref<!tpu.dma_semaphore, #tpu.memory_space<semaphore_mem>>) src(%dma_wait3A_906 : memref<8000x128xf32, #tpu.memory_space<hbm>>) dst(%dma_wait3A_900 : memref<32x128xf32, #tpu.memory_space<vmem>>)
        %dma_wait3A_907 = arith.constant 2 : i32
        %dma_wait3A_908 = arith.constant 1 : i32
        %dma_wait3A_909 = arith.constant 0 : i32
        %dma_wait3A_910 = arith.constant 128 : i32
        %dma_wait3A_911 = tpu.memref_slice %arg9[%dma_wait3A_909, %dma_wait3A_910] : memref<32x1000xf32, #tpu.memory_space<vmem>> -> memref<32x128xf32, #tpu.memory_space<vmem>>
        %dma_wait3A_912 = arith.constant 0 : i32
        %dma_wait3A_913 = tpu.memref_slice %arg6[%dma_wait3A_907, %dma_wait3A_908, %dma_wait3A_912] : memref<3x8x32xi32, #tpu.memory_space<vmem>> -> memref<1x1x32xi32, #tpu.memory_space<vmem>>
        %dma_wait3A_914 = tpu.memref_squeeze %dma_wait3A_913 : memref<1x1x32xi32, #tpu.memory_space<vmem>> -> memref<32xi32, #tpu.memory_space<vmem>>
        %dma_wait3A_915 = arith.constant 0 : i32
        %dma_wait3A_916 = arith.constant 0 : i32
        %dma_wait3A_917 = tpu.memref_slice %arg3[%dma_wait3A_915, %dma_wait3A_916] : memref<8000x128xf32, #tpu.memory_space<hbm>> -> memref<8000x128xf32, #tpu.memory_space<hbm>>
        tpu.wait_indirect_dma semaphore(%arg13 : memref<!tpu.dma_semaphore, #tpu.memory_space<semaphore_mem>>) src(%dma_wait3A_917 : memref<8000x128xf32, #tpu.memory_space<hbm>>) dst(%dma_wait3A_911 : memref<32x128xf32, #tpu.memory_space<vmem>>)
        %dma_wait3A_918 = arith.constant 2 : i32
        %dma_wait3A_919 = arith.constant 2 : i32
        %dma_wait3A_920 = arith.constant 0 : i32
        %dma_wait3A_921 = arith.constant 256 : i32
        %dma_wait3A_922 = tpu.memref_slice %arg9[%dma_wait3A_920, %dma_wait3A_921] : memref<32x1000xf32, #tpu.memory_space<vmem>> -> memref<32x128xf32, #tpu.memory_space<vmem>>
        %dma_wait3A_923 = arith.constant 0 : i32
        %dma_wait3A_924 = tpu.memref_slice %arg6[%dma_wait3A_918, %dma_wait3A_919, %dma_wait3A_923] : memref<3x8x32xi32, #tpu.memory_space<vmem>> -> memref<1x1x32xi32, #tpu.memory_space<vmem>>
        %dma_wait3A_925 = tpu.memref_squeeze %dma_wait3A_924 : memref<1x1x32xi32, #tpu.memory_space<vmem>> -> memref<32xi32, #tpu.memory_space<vmem>>
        %dma_wait3A_926 = arith.constant 0 : i32
        %dma_wait3A_927 = arith.constant 0 : i32
        %dma_wait3A_928 = tpu.memref_slice %arg3[%dma_wait3A_926, %dma_wait3A_927] : memref<8000x128xf32, #tpu.memory_space<hbm>> -> memref<8000x128xf32, #tpu.memory_space<hbm>>
        tpu.wait_indirect_dma semaphore(%arg13 : memref<!tpu.dma_semaphore, #tpu.memory_space<semaphore_mem>>) src(%dma_wait3A_928 : memref<8000x128xf32, #tpu.memory_space<hbm>>) dst(%dma_wait3A_922 : memref<32x128xf32, #tpu.memory_space<vmem>>)
        %dma_wait3A_929 = arith.constant 2 : i32
        %dma_wait3A_930 = arith.constant 3 : i32
        %dma_wait3A_931 = arith.constant 0 : i32
        %dma_wait3A_932 = arith.constant 384 : i32
        %dma_wait3A_933 = tpu.memref_slice %arg9[%dma_wait3A_931, %dma_wait3A_932] : memref<32x1000xf32, #tpu.memory_space<vmem>> -> memref<32x128xf32, #tpu.memory_space<vmem>>
        %dma_wait3A_934 = arith.constant 0 : i32
        %dma_wait3A_935 = tpu.memref_slice %arg6[%dma_wait3A_929, %dma_wait3A_930, %dma_wait3A_934] : memref<3x8x32xi32, #tpu.memory_space<vmem>> -> memref<1x1x32xi32, #tpu.memory_space<vmem>>
        %dma_wait3A_936 = tpu.memref_squeeze %dma_wait3A_935 : memref<1x1x32xi32, #tpu.memory_space<vmem>> -> memref<32xi32, #tpu.memory_space<vmem>>
        %dma_wait3A_937 = arith.constant 0 : i32
        %dma_wait3A_938 = arith.constant 0 : i32
        %dma_wait3A_939 = tpu.memref_slice %arg3[%dma_wait3A_937, %dma_wait3A_938] : memref<8000x128xf32, #tpu.memory_space<hbm>> -> memref<8000x128xf32, #tpu.memory_space<hbm>>
        tpu.wait_indirect_dma semaphore(%arg13 : memref<!tpu.dma_semaphore, #tpu.memory_space<semaphore_mem>>) src(%dma_wait3A_939 : memref<8000x128xf32, #tpu.memory_space<hbm>>) dst(%dma_wait3A_933 : memref<32x128xf32, #tpu.memory_space<vmem>>)
        %dma_wait3A_940 = arith.constant 2 : i32
        %dma_wait3A_941 = arith.constant 4 : i32
        %dma_wait3A_942 = arith.constant 0 : i32
        %dma_wait3A_943 = arith.constant 512 : i32
        %dma_wait3A_944 = tpu.memref_slice %arg9[%dma_wait3A_942, %dma_wait3A_943] : memref<32x1000xf32, #tpu.memory_space<vmem>> -> memref<32x128xf32, #tpu.memory_space<vmem>>
        %dma_wait3A_945 = arith.constant 0 : i32
        %dma_wait3A_946 = tpu.memref_slice %arg6[%dma_wait3A_940, %dma_wait3A_941, %dma_wait3A_945] : memref<3x8x32xi32, #tpu.memory_space<vmem>> -> memref<1x1x32xi32, #tpu.memory_space<vmem>>
        %dma_wait3A_947 = tpu.memref_squeeze %dma_wait3A_946 : memref<1x1x32xi32, #tpu.memory_space<vmem>> -> memref<32xi32, #tpu.memory_space<vmem>>
        %dma_wait3A_948 = arith.constant 0 : i32
        %dma_wait3A_949 = arith.constant 0 : i32
        %dma_wait3A_950 = tpu.memref_slice %arg3[%dma_wait3A_948, %dma_wait3A_949] : memref<8000x128xf32, #tpu.memory_space<hbm>> -> memref<8000x128xf32, #tpu.memory_space<hbm>>
        tpu.wait_indirect_dma semaphore(%arg13 : memref<!tpu.dma_semaphore, #tpu.memory_space<semaphore_mem>>) src(%dma_wait3A_950 : memref<8000x128xf32, #tpu.memory_space<hbm>>) dst(%dma_wait3A_944 : memref<32x128xf32, #tpu.memory_space<vmem>>)
        %dma_wait3A_951 = arith.constant 2 : i32
        %dma_wait3A_952 = arith.constant 5 : i32
        %dma_wait3A_953 = arith.constant 0 : i32
        %dma_wait3A_954 = arith.constant 640 : i32
        %dma_wait3A_955 = tpu.memref_slice %arg9[%dma_wait3A_953, %dma_wait3A_954] : memref<32x1000xf32, #tpu.memory_space<vmem>> -> memref<32x128xf32, #tpu.memory_space<vmem>>
        %dma_wait3A_956 = arith.constant 0 : i32
        %dma_wait3A_957 = tpu.memref_slice %arg6[%dma_wait3A_951, %dma_wait3A_952, %dma_wait3A_956] : memref<3x8x32xi32, #tpu.memory_space<vmem>> -> memref<1x1x32xi32, #tpu.memory_space<vmem>>
        %dma_wait3A_958 = tpu.memref_squeeze %dma_wait3A_957 : memref<1x1x32xi32, #tpu.memory_space<vmem>> -> memref<32xi32, #tpu.memory_space<vmem>>
        %dma_wait3A_959 = arith.constant 0 : i32
        %dma_wait3A_960 = arith.constant 0 : i32
        %dma_wait3A_961 = tpu.memref_slice %arg3[%dma_wait3A_959, %dma_wait3A_960] : memref<8000x128xf32, #tpu.memory_space<hbm>> -> memref<8000x128xf32, #tpu.memory_space<hbm>>
        tpu.wait_indirect_dma semaphore(%arg13 : memref<!tpu.dma_semaphore, #tpu.memory_space<semaphore_mem>>) src(%dma_wait3A_961 : memref<8000x128xf32, #tpu.memory_space<hbm>>) dst(%dma_wait3A_955 : memref<32x128xf32, #tpu.memory_space<vmem>>)
        %dma_wait3A_962 = arith.constant 2 : i32
        %dma_wait3A_963 = arith.constant 6 : i32
        %dma_wait3A_964 = arith.constant 0 : i32
        %dma_wait3A_965 = arith.constant 768 : i32
        %dma_wait3A_966 = tpu.memref_slice %arg9[%dma_wait3A_964, %dma_wait3A_965] : memref<32x1000xf32, #tpu.memory_space<vmem>> -> memref<32x128xf32, #tpu.memory_space<vmem>>
        %dma_wait3A_967 = arith.constant 0 : i32
        %dma_wait3A_968 = tpu.memref_slice %arg6[%dma_wait3A_962, %dma_wait3A_963, %dma_wait3A_967] : memref<3x8x32xi32, #tpu.memory_space<vmem>> -> memref<1x1x32xi32, #tpu.memory_space<vmem>>
        %dma_wait3A_969 = tpu.memref_squeeze %dma_wait3A_968 : memref<1x1x32xi32, #tpu.memory_space<vmem>> -> memref<32xi32, #tpu.memory_space<vmem>>
        %dma_wait3A_970 = arith.constant 0 : i32
        %dma_wait3A_971 = arith.constant 0 : i32
        %dma_wait3A_972 = tpu.memref_slice %arg3[%dma_wait3A_970, %dma_wait3A_971] : memref<8000x128xf32, #tpu.memory_space<hbm>> -> memref<8000x128xf32, #tpu.memory_space<hbm>>
        tpu.wait_indirect_dma semaphore(%arg13 : memref<!tpu.dma_semaphore, #tpu.memory_space<semaphore_mem>>) src(%dma_wait3A_972 : memref<8000x128xf32, #tpu.memory_space<hbm>>) dst(%dma_wait3A_966 : memref<32x128xf32, #tpu.memory_space<vmem>>)
        %dma_wait3A_973 = arith.constant 2 : i32
        %dma_wait3A_974 = arith.constant 7 : i32
        %dma_wait3A_975 = arith.constant 2 : i32
        %dma_wait3A_976 = arith.constant 0 : i32
        %dma_wait3A_977 = arith.constant 0 : i32
        %dma_wait3A_978 = tpu.memref_slice %arg10[%dma_wait3A_975, %dma_wait3A_976, %dma_wait3A_977] : memref<3x32x128xf32, #tpu.memory_space<vmem>> -> memref<1x32x128xf32, #tpu.memory_space<vmem>>
        %dma_wait3A_979 = tpu.memref_squeeze %dma_wait3A_978 : memref<1x32x128xf32, #tpu.memory_space<vmem>> -> memref<32x128xf32, #tpu.memory_space<vmem>>
        %dma_wait3A_980 = arith.constant 0 : i32
        %dma_wait3A_981 = tpu.memref_slice %arg6[%dma_wait3A_973, %dma_wait3A_974, %dma_wait3A_980] : memref<3x8x32xi32, #tpu.memory_space<vmem>> -> memref<1x1x32xi32, #tpu.memory_space<vmem>>
        %dma_wait3A_982 = tpu.memref_squeeze %dma_wait3A_981 : memref<1x1x32xi32, #tpu.memory_space<vmem>> -> memref<32xi32, #tpu.memory_space<vmem>>
        %dma_wait3A_983 = arith.constant 0 : i32
        %dma_wait3A_984 = arith.constant 0 : i32
        %dma_wait3A_985 = tpu.memref_slice %arg3[%dma_wait3A_983, %dma_wait3A_984] : memref<8000x128xf32, #tpu.memory_space<hbm>> -> memref<8000x128xf32, #tpu.memory_space<hbm>>
        tpu.wait_indirect_dma semaphore(%arg13 : memref<!tpu.dma_semaphore, #tpu.memory_space<semaphore_mem>>) src(%dma_wait3A_985 : memref<8000x128xf32, #tpu.memory_space<hbm>>) dst(%dma_wait3A_979 : memref<32x128xf32, #tpu.memory_space<vmem>>)
        %scan3A_986 = arith.constant 0 : i32
        %scan3A_987 = arith.constant 0 : i32
        %scan3A_988 = arith.constant 32 : i32
        %scan3A_989 = arith.addi %scan3A_987, %scan3A_988 : i32
        %scan3A_990 = arith.constant 1 : i32
        scf.for %scan3A_999 = %scan3A_987 to %scan3A_989 step %scan3A_990  : i32 {
          %get3A_1000 = arith.constant 2 : i32
          %get3A_1001 = arith.index_cast %get3A_1000 : i32 to index
          %get3A_1002 = arith.index_cast %scan3A_999 : i32 to index
          %get3A_1003 = arith.constant 0 : index
          %get3A_1004 = tpu.vector_load %arg10[%get3A_1001, %get3A_1002, %get3A_1003] {strides = array<i32>} : memref<3x32x128xf32, #tpu.memory_space<vmem>>, vector<16xf32>,
          %swap3A_1005 = arith.index_cast %scan3A_999 : i32 to index
          %swap3A_1006 = arith.constant 896 : index
          %swap3A_1007 = tpu.vector_load %arg9[%swap3A_1005, %swap3A_1006] {strides = array<i32>} : memref<32x1000xf32, #tpu.memory_space<vmem>>, vector<16xf32>,
          tpu.vector_store %arg9[%swap3A_1005, %swap3A_1006], %get3A_1004 {strides = array<i32>} : memref<32x1000xf32, #tpu.memory_space<vmem>>, vector<16xf32>,
          %get3A_1008 = arith.constant 2 : i32
          %get3A_1009 = arith.index_cast %get3A_1008 : i32 to index
          %get3A_1010 = arith.index_cast %scan3A_999 : i32 to index
          %get3A_1011 = arith.constant 16 : index
          %get3A_1012 = tpu.vector_load %arg10[%get3A_1009, %get3A_1010, %get3A_1011] {strides = array<i32>} : memref<3x32x128xf32, #tpu.memory_space<vmem>>, vector<16xf32>,
          %swap3A_1013 = arith.index_cast %scan3A_999 : i32 to index
          %swap3A_1014 = arith.constant 912 : index
          %swap3A_1015 = tpu.vector_load %arg9[%swap3A_1013, %swap3A_1014] {strides = array<i32>} : memref<32x1000xf32, #tpu.memory_space<vmem>>, vector<16xf32>,
          tpu.vector_store %arg9[%swap3A_1013, %swap3A_1014], %get3A_1012 {strides = array<i32>} : memref<32x1000xf32, #tpu.memory_space<vmem>>, vector<16xf32>,
          %get3A_1016 = arith.constant 2 : i32
          %get3A_1017 = arith.index_cast %get3A_1016 : i32 to index
          %get3A_1018 = arith.index_cast %scan3A_999 : i32 to index
          %get3A_1019 = arith.constant 32 : index
          %get3A_1020 = tpu.vector_load %arg10[%get3A_1017, %get3A_1018, %get3A_1019] {strides = array<i32>} : memref<3x32x128xf32, #tpu.memory_space<vmem>>, vector<16xf32>,
          %swap3A_1021 = arith.index_cast %scan3A_999 : i32 to index
          %swap3A_1022 = arith.constant 928 : index
          %swap3A_1023 = tpu.vector_load %arg9[%swap3A_1021, %swap3A_1022] {strides = array<i32>} : memref<32x1000xf32, #tpu.memory_space<vmem>>, vector<16xf32>,
          tpu.vector_store %arg9[%swap3A_1021, %swap3A_1022], %get3A_1020 {strides = array<i32>} : memref<32x1000xf32, #tpu.memory_space<vmem>>, vector<16xf32>,
          %get3A_1024 = arith.constant 2 : i32
          %get3A_1025 = arith.index_cast %get3A_1024 : i32 to index
          %get3A_1026 = arith.index_cast %scan3A_999 : i32 to index
          %get3A_1027 = arith.constant 48 : index
          %get3A_1028 = tpu.vector_load %arg10[%get3A_1025, %get3A_1026, %get3A_1027] {strides = array<i32>} : memref<3x32x128xf32, #tpu.memory_space<vmem>>, vector<16xf32>,
          %swap3A_1029 = arith.index_cast %scan3A_999 : i32 to index
          %swap3A_1030 = arith.constant 944 : index
          %swap3A_1031 = tpu.vector_load %arg9[%swap3A_1029, %swap3A_1030] {strides = array<i32>} : memref<32x1000xf32, #tpu.memory_space<vmem>>, vector<16xf32>,
          tpu.vector_store %arg9[%swap3A_1029, %swap3A_1030], %get3A_1028 {strides = array<i32>} : memref<32x1000xf32, #tpu.memory_space<vmem>>, vector<16xf32>,
          %get3A_1032 = arith.constant 2 : i32
          %get3A_1033 = arith.index_cast %get3A_1032 : i32 to index
          %get3A_1034 = arith.index_cast %scan3A_999 : i32 to index
          %get3A_1035 = arith.constant 64 : index
          %get3A_1036 = tpu.vector_load %arg10[%get3A_1033, %get3A_1034, %get3A_1035] {strides = array<i32>} : memref<3x32x128xf32, #tpu.memory_space<vmem>>, vector<16xf32>,
          %swap3A_1037 = arith.index_cast %scan3A_999 : i32 to index
          %swap3A_1038 = arith.constant 960 : index
          %swap3A_1039 = tpu.vector_load %arg9[%swap3A_1037, %swap3A_1038] {strides = array<i32>} : memref<32x1000xf32, #tpu.memory_space<vmem>>, vector<16xf32>,
          tpu.vector_store %arg9[%swap3A_1037, %swap3A_1038], %get3A_1036 {strides = array<i32>} : memref<32x1000xf32, #tpu.memory_space<vmem>>, vector<16xf32>,
          %get3A_1040 = arith.constant 2 : i32
          %get3A_1041 = arith.index_cast %get3A_1040 : i32 to index
          %get3A_1042 = arith.index_cast %scan3A_999 : i32 to index
          %get3A_1043 = arith.constant 80 : index
          %get3A_1044 = tpu.vector_load %arg10[%get3A_1041, %get3A_1042, %get3A_1043] {strides = array<i32>} : memref<3x32x128xf32, #tpu.memory_space<vmem>>, vector<16xf32>,
          %swap3A_1045 = arith.index_cast %scan3A_999 : i32 to index
          %swap3A_1046 = arith.constant 976 : index
          %swap3A_1047 = tpu.vector_load %arg9[%swap3A_1045, %swap3A_1046] {strides = array<i32>} : memref<32x1000xf32, #tpu.memory_space<vmem>>, vector<16xf32>,
          tpu.vector_store %arg9[%swap3A_1045, %swap3A_1046], %get3A_1044 {strides = array<i32>} : memref<32x1000xf32, #tpu.memory_space<vmem>>, vector<16xf32>,
          %get3A_1048 = arith.constant 2 : i32
          %get3A_1049 = arith.index_cast %get3A_1048 : i32 to index
          %get3A_1050 = arith.index_cast %scan3A_999 : i32 to index
          %get3A_1051 = arith.constant 96 : index
          %get3A_1052 = tpu.vector_load %arg10[%get3A_1049, %get3A_1050, %get3A_1051] {strides = array<i32>} : memref<3x32x128xf32, #tpu.memory_space<vmem>>, vector<16xf32>,
          %broadcast_in_dim3A = vector.broadcast %scan3A_999 : i32 to vector<16xi32>
          tpu.vector_store_idx %arg9[%broadcast_in_dim3A, %add3A_5], %get3A_1052 masked %lt3A_7 : memref<32x1000xf32, #tpu.memory_space<vmem>>[vector<16xi32>, vector<16xi32>], vector<16xf32>, vector<16xi1>
        }
        %scan3A_991 = arith.constant 32 : i32
        %mul3A_992 = arith.constant 32 : i32
        %mul3A_993 = arith.muli %add3A_865, %mul3A_992 : i32
        %add3A_994 = arith.addi %mul3A_2, %mul3A_993 : i32
        %dma_start3A_995 = arith.constant 0 : i32
        %dma_start3A_996 = tpu.memref_slice %arg4[%add3A_994, %dma_start3A_995] : memref<204800x1000xf32, #tpu.memory_space<hbm>> -> memref<32x1000xf32, #tpu.memory_space<hbm>>
        %dma_start3A_997 = arith.constant 0 : i32
        %dma_start3A_998 = tpu.memref_slice %arg4[%add3A_994, %dma_start3A_997] : memref<204800x1000xf32, #tpu.memory_space<hbm>> -> memref<32x1000xf32, #tpu.memory_space<hbm>>
        tpu.enqueue_dma source(%arg9 : memref<32x1000xf32, #tpu.memory_space<vmem>>) target(%dma_start3A_998 : memref<32x1000xf32, #tpu.memory_space<hbm>>) target_semaphore(%arg16 : memref<!tpu.dma_semaphore, #tpu.memory_space<semaphore_mem>>)
      } else {
      }
      %mul3A_878 = arith.constant 3 : i32
      %mul3A_879 = arith.muli %mul3A_878, %scan3A_843 : i32
      %add3A_880 = arith.constant 2 : i32
      %add3A_881 = arith.addi %mul3A_879, %add3A_880 : i32
      %add3A_882 = arith.constant 1 : i32
      %add3A_883 = arith.addi %add3A_881, %add3A_882 : i32
      %add3A_884 = arith.constant 2 : i32
      %add3A_885 = arith.addi %add3A_883, %add3A_884 : i32
      %lt3A_886 = arith.constant 200 : i32
      %lt3A_887 = arith.cmpi slt, %add3A_885, %lt3A_886 : i32
      %convert_element_type3A_888 = arith.extui %lt3A_887 : i1 to i32
      %cond3A_889 = arith.constant 0 : i32
      %cond3A_890 = arith.cmpi ne, %convert_element_type3A_888, %cond3A_889 : i32
      scf.if %cond3A_890 {
        %sub3A = arith.constant 1 : i32
        %sub3A_896 = arith.subi %add3A_883, %sub3A : i32
        %mul3A_897 = arith.constant 32 : i32
        %mul3A_898 = arith.muli %sub3A_896, %mul3A_897 : i32
        %add3A_899 = arith.addi %mul3A_2, %mul3A_898 : i32
        %dma_wait3A_900 = arith.constant 0 : i32
        %dma_wait3A_901 = tpu.memref_slice %arg4[%add3A_899, %dma_wait3A_900] : memref<204800x1000xf32, #tpu.memory_space<hbm>> -> memref<32x1000xf32, #tpu.memory_space<hbm>>
        %dma_wait3A_902 = arith.constant 0 : i32
        %dma_wait3A_903 = tpu.memref_slice %arg4[%add3A_899, %dma_wait3A_902] : memref<204800x1000xf32, #tpu.memory_space<hbm>> -> memref<32x1000xf32, #tpu.memory_space<hbm>>
        tpu.wait_dma2 semaphore(%arg16 : memref<!tpu.dma_semaphore, #tpu.memory_space<semaphore_mem>>) src(%arg9 : memref<32x1000xf32, #tpu.memory_space<vmem>>) dst(%dma_wait3A_903 : memref<32x1000xf32, #tpu.memory_space<hbm>>)
        %add3A_904 = arith.constant 2 : i32
        %add3A_905 = arith.addi %add3A_883, %add3A_904 : i32
        %mul3A_906 = arith.constant 32 : i32
        %mul3A_907 = arith.muli %add3A_905, %mul3A_906 : i32
        %add3A_908 = arith.constant 0 : i32
        %add3A_909 = arith.addi %mul3A_907, %add3A_908 : i32
        %get3A_910 = arith.index_cast %add3A_909 : i32 to index
        %get3A_911 = tpu.vector_load %arg5[%get3A_910] {strides = array<i32>} : memref<6400xi32, #tpu.memory_space<vmem>>, vector<16xi32>,
        %mul3A_912 = arith.constant 32 : i32
        %mul3A_913 = arith.muli %add3A_905, %mul3A_912 : i32
        %add3A_914 = arith.constant 16 : i32
        %add3A_915 = arith.addi %mul3A_913, %add3A_914 : i32
        %get3A_916 = arith.index_cast %add3A_915 : i32 to index
        %get3A_917 = tpu.vector_load %arg5[%get3A_916] {strides = array<i32>} : memref<6400xi32, #tpu.memory_space<vmem>>, vector<16xi32>,
        %add3A_918 = arith.constant 0 : i32
        %add3A_919 = vector.broadcast %add3A_918 : i32 to vector<16xi32>
        %add3A_920 = arith.addi %get3A_911, %add3A_919 : vector<16xi32>
        %swap3A_921 = arith.constant 2 : i32
        %swap3A_922 = arith.constant 0 : i32
        %swap3A_923 = arith.index_cast %swap3A_921 : i32 to index
        %swap3A_924 = arith.index_cast %swap3A_922 : i32 to index
        %swap3A_925 = arith.constant 0 : index
        %swap3A_926 = tpu.vector_load %arg6[%swap3A_923, %swap3A_924, %swap3A_925] {strides = array<i32>} : memref<3x8x32xi32, #tpu.memory_space<vmem>>, vector<16xi32>,
        tpu.vector_store %arg6[%swap3A_923, %swap3A_924, %swap3A_925], %add3A_920 {strides = array<i32>} : memref<3x8x32xi32, #tpu.memory_space<vmem>>, vector<16xi32>,
        %add3A_927 = arith.constant 0 : i32
        %add3A_928 = vector.broadcast %add3A_927 : i32 to vector<16xi32>
        %add3A_929 = arith.addi %get3A_917, %add3A_928 : vector<16xi32>
        %swap3A_930 = arith.constant 2 : i32
        %swap3A_931 = arith.constant 0 : i32
        %swap3A_932 = arith.index_cast %swap3A_930 : i32 to index
        %swap3A_933 = arith.index_cast %swap3A_931 : i32 to index
        %swap3A_934 = arith.constant 16 : index
        %swap3A_935 = tpu.vector_load %arg6[%swap3A_932, %swap3A_933, %swap3A_934] {strides = array<i32>} : memref<3x8x32xi32, #tpu.memory_space<vmem>>, vector<16xi32>,
        tpu.vector_store %arg6[%swap3A_932, %swap3A_933, %swap3A_934], %add3A_929 {strides = array<i32>} : memref<3x8x32xi32, #tpu.memory_space<vmem>>, vector<16xi32>,
        %add3A_936 = arith.constant 8 : i32
        %add3A_937 = vector.broadcast %add3A_936 : i32 to vector<16xi32>
        %add3A_938 = arith.addi %get3A_911, %add3A_937 : vector<16xi32>
        %swap3A_939 = arith.constant 2 : i32
        %swap3A_940 = arith.constant 1 : i32
        %swap3A_941 = arith.index_cast %swap3A_939 : i32 to index
        %swap3A_942 = arith.index_cast %swap3A_940 : i32 to index
        %swap3A_943 = arith.constant 0 : index
        %swap3A_944 = tpu.vector_load %arg6[%swap3A_941, %swap3A_942, %swap3A_943] {strides = array<i32>} : memref<3x8x32xi32, #tpu.memory_space<vmem>>, vector<16xi32>,
        tpu.vector_store %arg6[%swap3A_941, %swap3A_942, %swap3A_943], %add3A_938 {strides = array<i32>} : memref<3x8x32xi32, #tpu.memory_space<vmem>>, vector<16xi32>,
        %add3A_945 = arith.constant 8 : i32
        %add3A_946 = vector.broadcast %add3A_945 : i32 to vector<16xi32>
        %add3A_947 = arith.addi %get3A_917, %add3A_946 : vector<16xi32>
        %swap3A_948 = arith.constant 2 : i32
        %swap3A_949 = arith.constant 1 : i32
        %swap3A_950 = arith.index_cast %swap3A_948 : i32 to index
        %swap3A_951 = arith.index_cast %swap3A_949 : i32 to index
        %swap3A_952 = arith.constant 16 : index
        %swap3A_953 = tpu.vector_load %arg6[%swap3A_950, %swap3A_951, %swap3A_952] {strides = array<i32>} : memref<3x8x32xi32, #tpu.memory_space<vmem>>, vector<16xi32>,
        tpu.vector_store %arg6[%swap3A_950, %swap3A_951, %swap3A_952], %add3A_947 {strides = array<i32>} : memref<3x8x32xi32, #tpu.memory_space<vmem>>, vector<16xi32>,
        %add3A_954 = arith.constant 16 : i32
        %add3A_955 = vector.broadcast %add3A_954 : i32 to vector<16xi32>
        %add3A_956 = arith.addi %get3A_911, %add3A_955 : vector<16xi32>
        %swap3A_957 = arith.constant 2 : i32
        %swap3A_958 = arith.constant 2 : i32
        %swap3A_959 = arith.index_cast %swap3A_957 : i32 to index
        %swap3A_960 = arith.index_cast %swap3A_958 : i32 to index
        %swap3A_961 = arith.constant 0 : index
        %swap3A_962 = tpu.vector_load %arg6[%swap3A_959, %swap3A_960, %swap3A_961] {strides = array<i32>} : memref<3x8x32xi32, #tpu.memory_space<vmem>>, vector<16xi32>,
        tpu.vector_store %arg6[%swap3A_959, %swap3A_960, %swap3A_961], %add3A_956 {strides = array<i32>} : memref<3x8x32xi32, #tpu.memory_space<vmem>>, vector<16xi32>,
        %add3A_963 = arith.constant 16 : i32
        %add3A_964 = vector.broadcast %add3A_963 : i32 to vector<16xi32>
        %add3A_965 = arith.addi %get3A_917, %add3A_964 : vector<16xi32>
        %swap3A_966 = arith.constant 2 : i32
        %swap3A_967 = arith.constant 2 : i32
        %swap3A_968 = arith.index_cast %swap3A_966 : i32 to index
        %swap3A_969 = arith.index_cast %swap3A_967 : i32 to index
        %swap3A_970 = arith.constant 16 : index
        %swap3A_971 = tpu.vector_load %arg6[%swap3A_968, %swap3A_969, %swap3A_970] {strides = array<i32>} : memref<3x8x32xi32, #tpu.memory_space<vmem>>, vector<16xi32>,
        tpu.vector_store %arg6[%swap3A_968, %swap3A_969, %swap3A_970], %add3A_965 {strides = array<i32>} : memref<3x8x32xi32, #tpu.memory_space<vmem>>, vector<16xi32>,
        %add3A_972 = arith.constant 24 : i32
        %add3A_973 = vector.broadcast %add3A_972 : i32 to vector<16xi32>
        %add3A_974 = arith.addi %get3A_911, %add3A_973 : vector<16xi32>
        %swap3A_975 = arith.constant 2 : i32
        %swap3A_976 = arith.constant 3 : i32
        %swap3A_977 = arith.index_cast %swap3A_975 : i32 to index
        %swap3A_978 = arith.index_cast %swap3A_976 : i32 to index
        %swap3A_979 = arith.constant 0 : index
        %swap3A_980 = tpu.vector_load %arg6[%swap3A_977, %swap3A_978, %swap3A_979] {strides = array<i32>} : memref<3x8x32xi32, #tpu.memory_space<vmem>>, vector<16xi32>,
        tpu.vector_store %arg6[%swap3A_977, %swap3A_978, %swap3A_979], %add3A_974 {strides = array<i32>} : memref<3x8x32xi32, #tpu.memory_space<vmem>>, vector<16xi32>,
        %add3A_981 = arith.constant 24 : i32
        %add3A_982 = vector.broadcast %add3A_981 : i32 to vector<16xi32>
        %add3A_983 = arith.addi %get3A_917, %add3A_982 : vector<16xi32>
        %swap3A_984 = arith.constant 2 : i32
        %swap3A_985 = arith.constant 3 : i32
        %swap3A_986 = arith.index_cast %swap3A_984 : i32 to index
        %swap3A_987 = arith.index_cast %swap3A_985 : i32 to index
        %swap3A_988 = arith.constant 16 : index
        %swap3A_989 = tpu.vector_load %arg6[%swap3A_986, %swap3A_987, %swap3A_988] {strides = array<i32>} : memref<3x8x32xi32, #tpu.memory_space<vmem>>, vector<16xi32>,
        tpu.vector_store %arg6[%swap3A_986, %swap3A_987, %swap3A_988], %add3A_983 {strides = array<i32>} : memref<3x8x32xi32, #tpu.memory_space<vmem>>, vector<16xi32>,
        %add3A_990 = arith.constant 32 : i32
        %add3A_991 = vector.broadcast %add3A_990 : i32 to vector<16xi32>
        %add3A_992 = arith.addi %get3A_911, %add3A_991 : vector<16xi32>
        %swap3A_993 = arith.constant 2 : i32
        %swap3A_994 = arith.constant 4 : i32
        %swap3A_995 = arith.index_cast %swap3A_993 : i32 to index
        %swap3A_996 = arith.index_cast %swap3A_994 : i32 to index
        %swap3A_997 = arith.constant 0 : index
        %swap3A_998 = tpu.vector_load %arg6[%swap3A_995, %swap3A_996, %swap3A_997] {strides = array<i32>} : memref<3x8x32xi32, #tpu.memory_space<vmem>>, vector<16xi32>,
        tpu.vector_store %arg6[%swap3A_995, %swap3A_996, %swap3A_997], %add3A_992 {strides = array<i32>} : memref<3x8x32xi32, #tpu.memory_space<vmem>>, vector<16xi32>,
        %add3A_999 = arith.constant 32 : i32
        %add3A_1000 = vector.broadcast %add3A_999 : i32 to vector<16xi32>
        %add3A_1001 = arith.addi %get3A_917, %add3A_1000 : vector<16xi32>
        %swap3A_1002 = arith.constant 2 : i32
        %swap3A_1003 = arith.constant 4 : i32
        %swap3A_1004 = arith.index_cast %swap3A_1002 : i32 to index
        %swap3A_1005 = arith.index_cast %swap3A_1003 : i32 to index
        %swap3A_1006 = arith.constant 16 : index
        %swap3A_1007 = tpu.vector_load %arg6[%swap3A_1004, %swap3A_1005, %swap3A_1006] {strides = array<i32>} : memref<3x8x32xi32, #tpu.memory_space<vmem>>, vector<16xi32>,
        tpu.vector_store %arg6[%swap3A_1004, %swap3A_1005, %swap3A_1006], %add3A_1001 {strides = array<i32>} : memref<3x8x32xi32, #tpu.memory_space<vmem>>, vector<16xi32>,
        %add3A_1008 = arith.constant 40 : i32
        %add3A_1009 = vector.broadcast %add3A_1008 : i32 to vector<16xi32>
        %add3A_1010 = arith.addi %get3A_911, %add3A_1009 : vector<16xi32>
        %swap3A_1011 = arith.constant 2 : i32
        %swap3A_1012 = arith.constant 5 : i32
        %swap3A_1013 = arith.index_cast %swap3A_1011 : i32 to index
        %swap3A_1014 = arith.index_cast %swap3A_1012 : i32 to index
        %swap3A_1015 = arith.constant 0 : index
        %swap3A_1016 = tpu.vector_load %arg6[%swap3A_1013, %swap3A_1014, %swap3A_1015] {strides = array<i32>} : memref<3x8x32xi32, #tpu.memory_space<vmem>>, vector<16xi32>,
        tpu.vector_store %arg6[%swap3A_1013, %swap3A_1014, %swap3A_1015], %add3A_1010 {strides = array<i32>} : memref<3x8x32xi32, #tpu.memory_space<vmem>>, vector<16xi32>,
        %add3A_1017 = arith.constant 40 : i32
        %add3A_1018 = vector.broadcast %add3A_1017 : i32 to vector<16xi32>
        %add3A_1019 = arith.addi %get3A_917, %add3A_1018 : vector<16xi32>
        %swap3A_1020 = arith.constant 2 : i32
        %swap3A_1021 = arith.constant 5 : i32
        %swap3A_1022 = arith.index_cast %swap3A_1020 : i32 to index
        %swap3A_1023 = arith.index_cast %swap3A_1021 : i32 to index
        %swap3A_1024 = arith.constant 16 : index
        %swap3A_1025 = tpu.vector_load %arg6[%swap3A_1022, %swap3A_1023, %swap3A_1024] {strides = array<i32>} : memref<3x8x32xi32, #tpu.memory_space<vmem>>, vector<16xi32>,
        tpu.vector_store %arg6[%swap3A_1022, %swap3A_1023, %swap3A_1024], %add3A_1019 {strides = array<i32>} : memref<3x8x32xi32, #tpu.memory_space<vmem>>, vector<16xi32>,
        %add3A_1026 = arith.constant 48 : i32
        %add3A_1027 = vector.broadcast %add3A_1026 : i32 to vector<16xi32>
        %add3A_1028 = arith.addi %get3A_911, %add3A_1027 : vector<16xi32>
        %swap3A_1029 = arith.constant 2 : i32
        %swap3A_1030 = arith.constant 6 : i32
        %swap3A_1031 = arith.index_cast %swap3A_1029 : i32 to index
        %swap3A_1032 = arith.index_cast %swap3A_1030 : i32 to index
        %swap3A_1033 = arith.constant 0 : index
        %swap3A_1034 = tpu.vector_load %arg6[%swap3A_1031, %swap3A_1032, %swap3A_1033] {strides = array<i32>} : memref<3x8x32xi32, #tpu.memory_space<vmem>>, vector<16xi32>,
        tpu.vector_store %arg6[%swap3A_1031, %swap3A_1032, %swap3A_1033], %add3A_1028 {strides = array<i32>} : memref<3x8x32xi32, #tpu.memory_space<vmem>>, vector<16xi32>,
        %add3A_1035 = arith.constant 48 : i32
        %add3A_1036 = vector.broadcast %add3A_1035 : i32 to vector<16xi32>
        %add3A_1037 = arith.addi %get3A_917, %add3A_1036 : vector<16xi32>
        %swap3A_1038 = arith.constant 2 : i32
        %swap3A_1039 = arith.constant 6 : i32
        %swap3A_1040 = arith.index_cast %swap3A_1038 : i32 to index
        %swap3A_1041 = arith.index_cast %swap3A_1039 : i32 to index
        %swap3A_1042 = arith.constant 16 : index
        %swap3A_1043 = tpu.vector_load %arg6[%swap3A_1040, %swap3A_1041, %swap3A_1042] {strides = array<i32>} : memref<3x8x32xi32, #tpu.memory_space<vmem>>, vector<16xi32>,
        tpu.vector_store %arg6[%swap3A_1040, %swap3A_1041, %swap3A_1042], %add3A_1037 {strides = array<i32>} : memref<3x8x32xi32, #tpu.memory_space<vmem>>, vector<16xi32>,
        %add3A_1044 = arith.constant 56 : i32
        %add3A_1045 = vector.broadcast %add3A_1044 : i32 to vector<16xi32>
        %add3A_1046 = arith.addi %get3A_911, %add3A_1045 : vector<16xi32>
        %swap3A_1047 = arith.constant 2 : i32
        %swap3A_1048 = arith.constant 7 : i32
        %swap3A_1049 = arith.index_cast %swap3A_1047 : i32 to index
        %swap3A_1050 = arith.index_cast %swap3A_1048 : i32 to index
        %swap3A_1051 = arith.constant 0 : index
        %swap3A_1052 = tpu.vector_load %arg6[%swap3A_1049, %swap3A_1050, %swap3A_1051] {strides = array<i32>} : memref<3x8x32xi32, #tpu.memory_space<vmem>>, vector<16xi32>,
        tpu.vector_store %arg6[%swap3A_1049, %swap3A_1050, %swap3A_1051], %add3A_1046 {strides = array<i32>} : memref<3x8x32xi32, #tpu.memory_space<vmem>>, vector<16xi32>,
        %add3A_1053 = arith.constant 56 : i32
        %add3A_1054 = vector.broadcast %add3A_1053 : i32 to vector<16xi32>
        %add3A_1055 = arith.addi %get3A_917, %add3A_1054 : vector<16xi32>
        %swap3A_1056 = arith.constant 2 : i32
        %swap3A_1057 = arith.constant 7 : i32
        %swap3A_1058 = arith.index_cast %swap3A_1056 : i32 to index
        %swap3A_1059 = arith.index_cast %swap3A_1057 : i32 to index
        %swap3A_1060 = arith.constant 16 : index
        %swap3A_1061 = tpu.vector_load %arg6[%swap3A_1058, %swap3A_1059, %swap3A_1060] {strides = array<i32>} : memref<3x8x32xi32, #tpu.memory_space<vmem>>, vector<16xi32>,
        tpu.vector_store %arg6[%swap3A_1058, %swap3A_1059, %swap3A_1060], %add3A_1055 {strides = array<i32>} : memref<3x8x32xi32, #tpu.memory_space<vmem>>, vector<16xi32>,
        %dma_start3A_1062 = arith.constant 2 : i32
        %dma_start3A_1063 = arith.constant 0 : i32
        %dma_start3A_1064 = arith.constant 0 : i32
        %dma_start3A_1065 = arith.constant 0 : i32
        %dma_start3A_1066 = tpu.memref_slice %arg9[%dma_start3A_1064, %dma_start3A_1065] : memref<32x1000xf32, #tpu.memory_space<vmem>> -> memref<32x128xf32, #tpu.memory_space<vmem>>
        %dma_start3A_1067 = arith.constant 0 : i32
        %dma_start3A_1068 = tpu.memref_slice %arg6[%dma_start3A_1062, %dma_start3A_1063, %dma_start3A_1067] : memref<3x8x32xi32, #tpu.memory_space<vmem>> -> memref<1x1x32xi32, #tpu.memory_space<vmem>>
        %dma_start3A_1069 = tpu.memref_squeeze %dma_start3A_1068 : memref<1x1x32xi32, #tpu.memory_space<vmem>> -> memref<32xi32, #tpu.memory_space<vmem>>
        %dma_start3A_1070 = arith.constant 0 : i32
        %dma_start3A_1071 = arith.constant 0 : i32
        %dma_start3A_1072 = tpu.memref_slice %arg3[%dma_start3A_1070, %dma_start3A_1071] : memref<8000x128xf32, #tpu.memory_space<hbm>> -> memref<8000x128xf32, #tpu.memory_space<hbm>>
        tpu.enqueue_indirect_dma source(%dma_start3A_1072 : memref<8000x128xf32, #tpu.memory_space<hbm>>) target(%dma_start3A_1066 : memref<32x128xf32, #tpu.memory_space<vmem>>) offsets(%dma_start3A_1069 : memref<32xi32, #tpu.memory_space<vmem>>) semaphore(%arg13 : memref<!tpu.dma_semaphore, #tpu.memory_space<semaphore_mem>>)
        %dma_start3A_1073 = arith.constant 2 : i32
        %dma_start3A_1074 = arith.constant 1 : i32
        %dma_start3A_1075 = arith.constant 0 : i32
        %dma_start3A_1076 = arith.constant 128 : i32
        %dma_start3A_1077 = tpu.memref_slice %arg9[%dma_start3A_1075, %dma_start3A_1076] : memref<32x1000xf32, #tpu.memory_space<vmem>> -> memref<32x128xf32, #tpu.memory_space<vmem>>
        %dma_start3A_1078 = arith.constant 0 : i32
        %dma_start3A_1079 = tpu.memref_slice %arg6[%dma_start3A_1073, %dma_start3A_1074, %dma_start3A_1078] : memref<3x8x32xi32, #tpu.memory_space<vmem>> -> memref<1x1x32xi32, #tpu.memory_space<vmem>>
        %dma_start3A_1080 = tpu.memref_squeeze %dma_start3A_1079 : memref<1x1x32xi32, #tpu.memory_space<vmem>> -> memref<32xi32, #tpu.memory_space<vmem>>
        %dma_start3A_1081 = arith.constant 0 : i32
        %dma_start3A_1082 = arith.constant 0 : i32
        %dma_start3A_1083 = tpu.memref_slice %arg3[%dma_start3A_1081, %dma_start3A_1082] : memref<8000x128xf32, #tpu.memory_space<hbm>> -> memref<8000x128xf32, #tpu.memory_space<hbm>>
        tpu.enqueue_indirect_dma source(%dma_start3A_1083 : memref<8000x128xf32, #tpu.memory_space<hbm>>) target(%dma_start3A_1077 : memref<32x128xf32, #tpu.memory_space<vmem>>) offsets(%dma_start3A_1080 : memref<32xi32, #tpu.memory_space<vmem>>) semaphore(%arg13 : memref<!tpu.dma_semaphore, #tpu.memory_space<semaphore_mem>>)
        %dma_start3A_1084 = arith.constant 2 : i32
        %dma_start3A_1085 = arith.constant 2 : i32
        %dma_start3A_1086 = arith.constant 0 : i32
        %dma_start3A_1087 = arith.constant 256 : i32
        %dma_start3A_1088 = tpu.memref_slice %arg9[%dma_start3A_1086, %dma_start3A_1087] : memref<32x1000xf32, #tpu.memory_space<vmem>> -> memref<32x128xf32, #tpu.memory_space<vmem>>
        %dma_start3A_1089 = arith.constant 0 : i32
        %dma_start3A_1090 = tpu.memref_slice %arg6[%dma_start3A_1084, %dma_start3A_1085, %dma_start3A_1089] : memref<3x8x32xi32, #tpu.memory_space<vmem>> -> memref<1x1x32xi32, #tpu.memory_space<vmem>>
        %dma_start3A_1091 = tpu.memref_squeeze %dma_start3A_1090 : memref<1x1x32xi32, #tpu.memory_space<vmem>> -> memref<32xi32, #tpu.memory_space<vmem>>
        %dma_start3A_1092 = arith.constant 0 : i32
        %dma_start3A_1093 = arith.constant 0 : i32
        %dma_start3A_1094 = tpu.memref_slice %arg3[%dma_start3A_1092, %dma_start3A_1093] : memref<8000x128xf32, #tpu.memory_space<hbm>> -> memref<8000x128xf32, #tpu.memory_space<hbm>>
        tpu.enqueue_indirect_dma source(%dma_start3A_1094 : memref<8000x128xf32, #tpu.memory_space<hbm>>) target(%dma_start3A_1088 : memref<32x128xf32, #tpu.memory_space<vmem>>) offsets(%dma_start3A_1091 : memref<32xi32, #tpu.memory_space<vmem>>) semaphore(%arg13 : memref<!tpu.dma_semaphore, #tpu.memory_space<semaphore_mem>>)
        %dma_start3A_1095 = arith.constant 2 : i32
        %dma_start3A_1096 = arith.constant 3 : i32
        %dma_start3A_1097 = arith.constant 0 : i32
        %dma_start3A_1098 = arith.constant 384 : i32
        %dma_start3A_1099 = tpu.memref_slice %arg9[%dma_start3A_1097, %dma_start3A_1098] : memref<32x1000xf32, #tpu.memory_space<vmem>> -> memref<32x128xf32, #tpu.memory_space<vmem>>
        %dma_start3A_1100 = arith.constant 0 : i32
        %dma_start3A_1101 = tpu.memref_slice %arg6[%dma_start3A_1095, %dma_start3A_1096, %dma_start3A_1100] : memref<3x8x32xi32, #tpu.memory_space<vmem>> -> memref<1x1x32xi32, #tpu.memory_space<vmem>>
        %dma_start3A_1102 = tpu.memref_squeeze %dma_start3A_1101 : memref<1x1x32xi32, #tpu.memory_space<vmem>> -> memref<32xi32, #tpu.memory_space<vmem>>
        %dma_start3A_1103 = arith.constant 0 : i32
        %dma_start3A_1104 = arith.constant 0 : i32
        %dma_start3A_1105 = tpu.memref_slice %arg3[%dma_start3A_1103, %dma_start3A_1104] : memref<8000x128xf32, #tpu.memory_space<hbm>> -> memref<8000x128xf32, #tpu.memory_space<hbm>>
        tpu.enqueue_indirect_dma source(%dma_start3A_1105 : memref<8000x128xf32, #tpu.memory_space<hbm>>) target(%dma_start3A_1099 : memref<32x128xf32, #tpu.memory_space<vmem>>) offsets(%dma_start3A_1102 : memref<32xi32, #tpu.memory_space<vmem>>) semaphore(%arg13 : memref<!tpu.dma_semaphore, #tpu.memory_space<semaphore_mem>>)
        %dma_start3A_1106 = arith.constant 2 : i32
        %dma_start3A_1107 = arith.constant 4 : i32
        %dma_start3A_1108 = arith.constant 0 : i32
        %dma_start3A_1109 = arith.constant 512 : i32
        %dma_start3A_1110 = tpu.memref_slice %arg9[%dma_start3A_1108, %dma_start3A_1109] : memref<32x1000xf32, #tpu.memory_space<vmem>> -> memref<32x128xf32, #tpu.memory_space<vmem>>
        %dma_start3A_1111 = arith.constant 0 : i32
        %dma_start3A_1112 = tpu.memref_slice %arg6[%dma_start3A_1106, %dma_start3A_1107, %dma_start3A_1111] : memref<3x8x32xi32, #tpu.memory_space<vmem>> -> memref<1x1x32xi32, #tpu.memory_space<vmem>>
        %dma_start3A_1113 = tpu.memref_squeeze %dma_start3A_1112 : memref<1x1x32xi32, #tpu.memory_space<vmem>> -> memref<32xi32, #tpu.memory_space<vmem>>
        %dma_start3A_1114 = arith.constant 0 : i32
        %dma_start3A_1115 = arith.constant 0 : i32
        %dma_start3A_1116 = tpu.memref_slice %arg3[%dma_start3A_1114, %dma_start3A_1115] : memref<8000x128xf32, #tpu.memory_space<hbm>> -> memref<8000x128xf32, #tpu.memory_space<hbm>>
        tpu.enqueue_indirect_dma source(%dma_start3A_1116 : memref<8000x128xf32, #tpu.memory_space<hbm>>) target(%dma_start3A_1110 : memref<32x128xf32, #tpu.memory_space<vmem>>) offsets(%dma_start3A_1113 : memref<32xi32, #tpu.memory_space<vmem>>) semaphore(%arg13 : memref<!tpu.dma_semaphore, #tpu.memory_space<semaphore_mem>>)
        %dma_start3A_1117 = arith.constant 2 : i32
        %dma_start3A_1118 = arith.constant 5 : i32
        %dma_start3A_1119 = arith.constant 0 : i32
        %dma_start3A_1120 = arith.constant 640 : i32
        %dma_start3A_1121 = tpu.memref_slice %arg9[%dma_start3A_1119, %dma_start3A_1120] : memref<32x1000xf32, #tpu.memory_space<vmem>> -> memref<32x128xf32, #tpu.memory_space<vmem>>
        %dma_start3A_1122 = arith.constant 0 : i32
        %dma_start3A_1123 = tpu.memref_slice %arg6[%dma_start3A_1117, %dma_start3A_1118, %dma_start3A_1122] : memref<3x8x32xi32, #tpu.memory_space<vmem>> -> memref<1x1x32xi32, #tpu.memory_space<vmem>>
        %dma_start3A_1124 = tpu.memref_squeeze %dma_start3A_1123 : memref<1x1x32xi32, #tpu.memory_space<vmem>> -> memref<32xi32, #tpu.memory_space<vmem>>
        %dma_start3A_1125 = arith.constant 0 : i32
        %dma_start3A_1126 = arith.constant 0 : i32
        %dma_start3A_1127 = tpu.memref_slice %arg3[%dma_start3A_1125, %dma_start3A_1126] : memref<8000x128xf32, #tpu.memory_space<hbm>> -> memref<8000x128xf32, #tpu.memory_space<hbm>>
        tpu.enqueue_indirect_dma source(%dma_start3A_1127 : memref<8000x128xf32, #tpu.memory_space<hbm>>) target(%dma_start3A_1121 : memref<32x128xf32, #tpu.memory_space<vmem>>) offsets(%dma_start3A_1124 : memref<32xi32, #tpu.memory_space<vmem>>) semaphore(%arg13 : memref<!tpu.dma_semaphore, #tpu.memory_space<semaphore_mem>>)
        %dma_start3A_1128 = arith.constant 2 : i32
        %dma_start3A_1129 = arith.constant 6 : i32
        %dma_start3A_1130 = arith.constant 0 : i32
        %dma_start3A_1131 = arith.constant 768 : i32
        %dma_start3A_1132 = tpu.memref_slice %arg9[%dma_start3A_1130, %dma_start3A_1131] : memref<32x1000xf32, #tpu.memory_space<vmem>> -> memref<32x128xf32, #tpu.memory_space<vmem>>
        %dma_start3A_1133 = arith.constant 0 : i32
        %dma_start3A_1134 = tpu.memref_slice %arg6[%dma_start3A_1128, %dma_start3A_1129, %dma_start3A_1133] : memref<3x8x32xi32, #tpu.memory_space<vmem>> -> memref<1x1x32xi32, #tpu.memory_space<vmem>>
        %dma_start3A_1135 = tpu.memref_squeeze %dma_start3A_1134 : memref<1x1x32xi32, #tpu.memory_space<vmem>> -> memref<32xi32, #tpu.memory_space<vmem>>
        %dma_start3A_1136 = arith.constant 0 : i32
        %dma_start3A_1137 = arith.constant 0 : i32
        %dma_start3A_1138 = tpu.memref_slice %arg3[%dma_start3A_1136, %dma_start3A_1137] : memref<8000x128xf32, #tpu.memory_space<hbm>> -> memref<8000x128xf32, #tpu.memory_space<hbm>>
        tpu.enqueue_indirect_dma source(%dma_start3A_1138 : memref<8000x128xf32, #tpu.memory_space<hbm>>) target(%dma_start3A_1132 : memref<32x128xf32, #tpu.memory_space<vmem>>) offsets(%dma_start3A_1135 : memref<32xi32, #tpu.memory_space<vmem>>) semaphore(%arg13 : memref<!tpu.dma_semaphore, #tpu.memory_space<semaphore_mem>>)
        %dma_start3A_1139 = arith.constant 2 : i32
        %dma_start3A_1140 = arith.constant 7 : i32
        %dma_start3A_1141 = arith.constant 2 : i32
        %dma_start3A_1142 = arith.constant 0 : i32
        %dma_start3A_1143 = arith.constant 0 : i32
        %dma_start3A_1144 = tpu.memref_slice %arg10[%dma_start3A_1141, %dma_start3A_1142, %dma_start3A_1143] : memref<3x32x128xf32, #tpu.memory_space<vmem>> -> memref<1x32x128xf32, #tpu.memory_space<vmem>>
        %dma_start3A_1145 = tpu.memref_squeeze %dma_start3A_1144 : memref<1x32x128xf32, #tpu.memory_space<vmem>> -> memref<32x128xf32, #tpu.memory_space<vmem>>
        %dma_start3A_1146 = arith.constant 0 : i32
        %dma_start3A_1147 = tpu.memref_slice %arg6[%dma_start3A_1139, %dma_start3A_1140, %dma_start3A_1146] : memref<3x8x32xi32, #tpu.memory_space<vmem>> -> memref<1x1x32xi32, #tpu.memory_space<vmem>>
        %dma_start3A_1148 = tpu.memref_squeeze %dma_start3A_1147 : memref<1x1x32xi32, #tpu.memory_space<vmem>> -> memref<32xi32, #tpu.memory_space<vmem>>
        %dma_start3A_1149 = arith.constant 0 : i32
        %dma_start3A_1150 = arith.constant 0 : i32
        %dma_start3A_1151 = tpu.memref_slice %arg3[%dma_start3A_1149, %dma_start3A_1150] : memref<8000x128xf32, #tpu.memory_space<hbm>> -> memref<8000x128xf32, #tpu.memory_space<hbm>>
        tpu.enqueue_indirect_dma source(%dma_start3A_1151 : memref<8000x128xf32, #tpu.memory_space<hbm>>) target(%dma_start3A_1145 : memref<32x128xf32, #tpu.memory_space<vmem>>) offsets(%dma_start3A_1148 : memref<32xi32, #tpu.memory_space<vmem>>) semaphore(%arg13 : memref<!tpu.dma_semaphore, #tpu.memory_space<semaphore_mem>>)
      } else {
      }
      %lt3A_891 = arith.constant 200 : i32
      %lt3A_892 = arith.cmpi slt, %add3A_883, %lt3A_891 : i32
      %convert_element_type3A_893 = arith.extui %lt3A_892 : i1 to i32
      %cond3A_894 = arith.constant 0 : i32
      %cond3A_895 = arith.cmpi ne, %convert_element_type3A_893, %cond3A_894 : i32
      scf.if %cond3A_895 {
        %dma_wait3A_896 = arith.constant 0 : i32
        %dma_wait3A_897 = arith.constant 0 : i32
        %dma_wait3A_898 = arith.constant 0 : i32
        %dma_wait3A_899 = arith.constant 0 : i32
        %dma_wait3A_900 = tpu.memref_slice %arg7[%dma_wait3A_898, %dma_wait3A_899] : memref<32x1000xf32, #tpu.memory_space<vmem>> -> memref<32x128xf32, #tpu.memory_space<vmem>>
        %dma_wait3A_901 = arith.constant 0 : i32
        %dma_wait3A_902 = tpu.memref_slice %arg6[%dma_wait3A_896, %dma_wait3A_897, %dma_wait3A_901] : memref<3x8x32xi32, #tpu.memory_space<vmem>> -> memref<1x1x32xi32, #tpu.memory_space<vmem>>
        %dma_wait3A_903 = tpu.memref_squeeze %dma_wait3A_902 : memref<1x1x32xi32, #tpu.memory_space<vmem>> -> memref<32xi32, #tpu.memory_space<vmem>>
        %dma_wait3A_904 = arith.constant 0 : i32
        %dma_wait3A_905 = arith.constant 0 : i32
        %dma_wait3A_906 = tpu.memref_slice %arg3[%dma_wait3A_904, %dma_wait3A_905] : memref<8000x128xf32, #tpu.memory_space<hbm>> -> memref<8000x128xf32, #tpu.memory_space<hbm>>
        tpu.wait_indirect_dma semaphore(%arg11 : memref<!tpu.dma_semaphore, #tpu.memory_space<semaphore_mem>>) src(%dma_wait3A_906 : memref<8000x128xf32, #tpu.memory_space<hbm>>) dst(%dma_wait3A_900 : memref<32x128xf32, #tpu.memory_space<vmem>>)
        %dma_wait3A_907 = arith.constant 0 : i32
        %dma_wait3A_908 = arith.constant 1 : i32
        %dma_wait3A_909 = arith.constant 0 : i32
        %dma_wait3A_910 = arith.constant 128 : i32
        %dma_wait3A_911 = tpu.memref_slice %arg7[%dma_wait3A_909, %dma_wait3A_910] : memref<32x1000xf32, #tpu.memory_space<vmem>> -> memref<32x128xf32, #tpu.memory_space<vmem>>
        %dma_wait3A_912 = arith.constant 0 : i32
        %dma_wait3A_913 = tpu.memref_slice %arg6[%dma_wait3A_907, %dma_wait3A_908, %dma_wait3A_912] : memref<3x8x32xi32, #tpu.memory_space<vmem>> -> memref<1x1x32xi32, #tpu.memory_space<vmem>>
        %dma_wait3A_914 = tpu.memref_squeeze %dma_wait3A_913 : memref<1x1x32xi32, #tpu.memory_space<vmem>> -> memref<32xi32, #tpu.memory_space<vmem>>
        %dma_wait3A_915 = arith.constant 0 : i32
        %dma_wait3A_916 = arith.constant 0 : i32
        %dma_wait3A_917 = tpu.memref_slice %arg3[%dma_wait3A_915, %dma_wait3A_916] : memref<8000x128xf32, #tpu.memory_space<hbm>> -> memref<8000x128xf32, #tpu.memory_space<hbm>>
        tpu.wait_indirect_dma semaphore(%arg11 : memref<!tpu.dma_semaphore, #tpu.memory_space<semaphore_mem>>) src(%dma_wait3A_917 : memref<8000x128xf32, #tpu.memory_space<hbm>>) dst(%dma_wait3A_911 : memref<32x128xf32, #tpu.memory_space<vmem>>)
        %dma_wait3A_918 = arith.constant 0 : i32
        %dma_wait3A_919 = arith.constant 2 : i32
        %dma_wait3A_920 = arith.constant 0 : i32
        %dma_wait3A_921 = arith.constant 256 : i32
        %dma_wait3A_922 = tpu.memref_slice %arg7[%dma_wait3A_920, %dma_wait3A_921] : memref<32x1000xf32, #tpu.memory_space<vmem>> -> memref<32x128xf32, #tpu.memory_space<vmem>>
        %dma_wait3A_923 = arith.constant 0 : i32
        %dma_wait3A_924 = tpu.memref_slice %arg6[%dma_wait3A_918, %dma_wait3A_919, %dma_wait3A_923] : memref<3x8x32xi32, #tpu.memory_space<vmem>> -> memref<1x1x32xi32, #tpu.memory_space<vmem>>
        %dma_wait3A_925 = tpu.memref_squeeze %dma_wait3A_924 : memref<1x1x32xi32, #tpu.memory_space<vmem>> -> memref<32xi32, #tpu.memory_space<vmem>>
        %dma_wait3A_926 = arith.constant 0 : i32
        %dma_wait3A_927 = arith.constant 0 : i32
        %dma_wait3A_928 = tpu.memref_slice %arg3[%dma_wait3A_926, %dma_wait3A_927] : memref<8000x128xf32, #tpu.memory_space<hbm>> -> memref<8000x128xf32, #tpu.memory_space<hbm>>
        tpu.wait_indirect_dma semaphore(%arg11 : memref<!tpu.dma_semaphore, #tpu.memory_space<semaphore_mem>>) src(%dma_wait3A_928 : memref<8000x128xf32, #tpu.memory_space<hbm>>) dst(%dma_wait3A_922 : memref<32x128xf32, #tpu.memory_space<vmem>>)
        %dma_wait3A_929 = arith.constant 0 : i32
        %dma_wait3A_930 = arith.constant 3 : i32
        %dma_wait3A_931 = arith.constant 0 : i32
        %dma_wait3A_932 = arith.constant 384 : i32
        %dma_wait3A_933 = tpu.memref_slice %arg7[%dma_wait3A_931, %dma_wait3A_932] : memref<32x1000xf32, #tpu.memory_space<vmem>> -> memref<32x128xf32, #tpu.memory_space<vmem>>
        %dma_wait3A_934 = arith.constant 0 : i32
        %dma_wait3A_935 = tpu.memref_slice %arg6[%dma_wait3A_929, %dma_wait3A_930, %dma_wait3A_934] : memref<3x8x32xi32, #tpu.memory_space<vmem>> -> memref<1x1x32xi32, #tpu.memory_space<vmem>>
        %dma_wait3A_936 = tpu.memref_squeeze %dma_wait3A_935 : memref<1x1x32xi32, #tpu.memory_space<vmem>> -> memref<32xi32, #tpu.memory_space<vmem>>
        %dma_wait3A_937 = arith.constant 0 : i32
        %dma_wait3A_938 = arith.constant 0 : i32
        %dma_wait3A_939 = tpu.memref_slice %arg3[%dma_wait3A_937, %dma_wait3A_938] : memref<8000x128xf32, #tpu.memory_space<hbm>> -> memref<8000x128xf32, #tpu.memory_space<hbm>>
        tpu.wait_indirect_dma semaphore(%arg11 : memref<!tpu.dma_semaphore, #tpu.memory_space<semaphore_mem>>) src(%dma_wait3A_939 : memref<8000x128xf32, #tpu.memory_space<hbm>>) dst(%dma_wait3A_933 : memref<32x128xf32, #tpu.memory_space<vmem>>)
        %dma_wait3A_940 = arith.constant 0 : i32
        %dma_wait3A_941 = arith.constant 4 : i32
        %dma_wait3A_942 = arith.constant 0 : i32
        %dma_wait3A_943 = arith.constant 512 : i32
        %dma_wait3A_944 = tpu.memref_slice %arg7[%dma_wait3A_942, %dma_wait3A_943] : memref<32x1000xf32, #tpu.memory_space<vmem>> -> memref<32x128xf32, #tpu.memory_space<vmem>>
        %dma_wait3A_945 = arith.constant 0 : i32
        %dma_wait3A_946 = tpu.memref_slice %arg6[%dma_wait3A_940, %dma_wait3A_941, %dma_wait3A_945] : memref<3x8x32xi32, #tpu.memory_space<vmem>> -> memref<1x1x32xi32, #tpu.memory_space<vmem>>
        %dma_wait3A_947 = tpu.memref_squeeze %dma_wait3A_946 : memref<1x1x32xi32, #tpu.memory_space<vmem>> -> memref<32xi32, #tpu.memory_space<vmem>>
        %dma_wait3A_948 = arith.constant 0 : i32
        %dma_wait3A_949 = arith.constant 0 : i32
        %dma_wait3A_950 = tpu.memref_slice %arg3[%dma_wait3A_948, %dma_wait3A_949] : memref<8000x128xf32, #tpu.memory_space<hbm>> -> memref<8000x128xf32, #tpu.memory_space<hbm>>
        tpu.wait_indirect_dma semaphore(%arg11 : memref<!tpu.dma_semaphore, #tpu.memory_space<semaphore_mem>>) src(%dma_wait3A_950 : memref<8000x128xf32, #tpu.memory_space<hbm>>) dst(%dma_wait3A_944 : memref<32x128xf32, #tpu.memory_space<vmem>>)
        %dma_wait3A_951 = arith.constant 0 : i32
        %dma_wait3A_952 = arith.constant 5 : i32
        %dma_wait3A_953 = arith.constant 0 : i32
        %dma_wait3A_954 = arith.constant 640 : i32
        %dma_wait3A_955 = tpu.memref_slice %arg7[%dma_wait3A_953, %dma_wait3A_954] : memref<32x1000xf32, #tpu.memory_space<vmem>> -> memref<32x128xf32, #tpu.memory_space<vmem>>
        %dma_wait3A_956 = arith.constant 0 : i32
        %dma_wait3A_957 = tpu.memref_slice %arg6[%dma_wait3A_951, %dma_wait3A_952, %dma_wait3A_956] : memref<3x8x32xi32, #tpu.memory_space<vmem>> -> memref<1x1x32xi32, #tpu.memory_space<vmem>>
        %dma_wait3A_958 = tpu.memref_squeeze %dma_wait3A_957 : memref<1x1x32xi32, #tpu.memory_space<vmem>> -> memref<32xi32, #tpu.memory_space<vmem>>
        %dma_wait3A_959 = arith.constant 0 : i32
        %dma_wait3A_960 = arith.constant 0 : i32
        %dma_wait3A_961 = tpu.memref_slice %arg3[%dma_wait3A_959, %dma_wait3A_960] : memref<8000x128xf32, #tpu.memory_space<hbm>> -> memref<8000x128xf32, #tpu.memory_space<hbm>>
        tpu.wait_indirect_dma semaphore(%arg11 : memref<!tpu.dma_semaphore, #tpu.memory_space<semaphore_mem>>) src(%dma_wait3A_961 : memref<8000x128xf32, #tpu.memory_space<hbm>>) dst(%dma_wait3A_955 : memref<32x128xf32, #tpu.memory_space<vmem>>)
        %dma_wait3A_962 = arith.constant 0 : i32
        %dma_wait3A_963 = arith.constant 6 : i32
        %dma_wait3A_964 = arith.constant 0 : i32
        %dma_wait3A_965 = arith.constant 768 : i32
        %dma_wait3A_966 = tpu.memref_slice %arg7[%dma_wait3A_964, %dma_wait3A_965] : memref<32x1000xf32, #tpu.memory_space<vmem>> -> memref<32x128xf32, #tpu.memory_space<vmem>>
        %dma_wait3A_967 = arith.constant 0 : i32
        %dma_wait3A_968 = tpu.memref_slice %arg6[%dma_wait3A_962, %dma_wait3A_963, %dma_wait3A_967] : memref<3x8x32xi32, #tpu.memory_space<vmem>> -> memref<1x1x32xi32, #tpu.memory_space<vmem>>
        %dma_wait3A_969 = tpu.memref_squeeze %dma_wait3A_968 : memref<1x1x32xi32, #tpu.memory_space<vmem>> -> memref<32xi32, #tpu.memory_space<vmem>>
        %dma_wait3A_970 = arith.constant 0 : i32
        %dma_wait3A_971 = arith.constant 0 : i32
        %dma_wait3A_972 = tpu.memref_slice %arg3[%dma_wait3A_970, %dma_wait3A_971] : memref<8000x128xf32, #tpu.memory_space<hbm>> -> memref<8000x128xf32, #tpu.memory_space<hbm>>
        tpu.wait_indirect_dma semaphore(%arg11 : memref<!tpu.dma_semaphore, #tpu.memory_space<semaphore_mem>>) src(%dma_wait3A_972 : memref<8000x128xf32, #tpu.memory_space<hbm>>) dst(%dma_wait3A_966 : memref<32x128xf32, #tpu.memory_space<vmem>>)
        %dma_wait3A_973 = arith.constant 0 : i32
        %dma_wait3A_974 = arith.constant 7 : i32
        %dma_wait3A_975 = arith.constant 0 : i32
        %dma_wait3A_976 = arith.constant 0 : i32
        %dma_wait3A_977 = arith.constant 0 : i32
        %dma_wait3A_978 = tpu.memref_slice %arg10[%dma_wait3A_975, %dma_wait3A_976, %dma_wait3A_977] : memref<3x32x128xf32, #tpu.memory_space<vmem>> -> memref<1x32x128xf32, #tpu.memory_space<vmem>>
        %dma_wait3A_979 = tpu.memref_squeeze %dma_wait3A_978 : memref<1x32x128xf32, #tpu.memory_space<vmem>> -> memref<32x128xf32, #tpu.memory_space<vmem>>
        %dma_wait3A_980 = arith.constant 0 : i32
        %dma_wait3A_981 = tpu.memref_slice %arg6[%dma_wait3A_973, %dma_wait3A_974, %dma_wait3A_980] : memref<3x8x32xi32, #tpu.memory_space<vmem>> -> memref<1x1x32xi32, #tpu.memory_space<vmem>>
        %dma_wait3A_982 = tpu.memref_squeeze %dma_wait3A_981 : memref<1x1x32xi32, #tpu.memory_space<vmem>> -> memref<32xi32, #tpu.memory_space<vmem>>
        %dma_wait3A_983 = arith.constant 0 : i32
        %dma_wait3A_984 = arith.constant 0 : i32
        %dma_wait3A_985 = tpu.memref_slice %arg3[%dma_wait3A_983, %dma_wait3A_984] : memref<8000x128xf32, #tpu.memory_space<hbm>> -> memref<8000x128xf32, #tpu.memory_space<hbm>>
        tpu.wait_indirect_dma semaphore(%arg11 : memref<!tpu.dma_semaphore, #tpu.memory_space<semaphore_mem>>) src(%dma_wait3A_985 : memref<8000x128xf32, #tpu.memory_space<hbm>>) dst(%dma_wait3A_979 : memref<32x128xf32, #tpu.memory_space<vmem>>)
        %scan3A_986 = arith.constant 0 : i32
        %scan3A_987 = arith.constant 0 : i32
        %scan3A_988 = arith.constant 32 : i32
        %scan3A_989 = arith.addi %scan3A_987, %scan3A_988 : i32
        %scan3A_990 = arith.constant 1 : i32
        scf.for %scan3A_999 = %scan3A_987 to %scan3A_989 step %scan3A_990  : i32 {
          %get3A_1000 = arith.constant 0 : i32
          %get3A_1001 = arith.index_cast %get3A_1000 : i32 to index
          %get3A_1002 = arith.index_cast %scan3A_999 : i32 to index
          %get3A_1003 = arith.constant 0 : index
          %get3A_1004 = tpu.vector_load %arg10[%get3A_1001, %get3A_1002, %get3A_1003] {strides = array<i32>} : memref<3x32x128xf32, #tpu.memory_space<vmem>>, vector<16xf32>,
          %swap3A_1005 = arith.index_cast %scan3A_999 : i32 to index
          %swap3A_1006 = arith.constant 896 : index
          %swap3A_1007 = tpu.vector_load %arg7[%swap3A_1005, %swap3A_1006] {strides = array<i32>} : memref<32x1000xf32, #tpu.memory_space<vmem>>, vector<16xf32>,
          tpu.vector_store %arg7[%swap3A_1005, %swap3A_1006], %get3A_1004 {strides = array<i32>} : memref<32x1000xf32, #tpu.memory_space<vmem>>, vector<16xf32>,
          %get3A_1008 = arith.constant 0 : i32
          %get3A_1009 = arith.index_cast %get3A_1008 : i32 to index
          %get3A_1010 = arith.index_cast %scan3A_999 : i32 to index
          %get3A_1011 = arith.constant 16 : index
          %get3A_1012 = tpu.vector_load %arg10[%get3A_1009, %get3A_1010, %get3A_1011] {strides = array<i32>} : memref<3x32x128xf32, #tpu.memory_space<vmem>>, vector<16xf32>,
          %swap3A_1013 = arith.index_cast %scan3A_999 : i32 to index
          %swap3A_1014 = arith.constant 912 : index
          %swap3A_1015 = tpu.vector_load %arg7[%swap3A_1013, %swap3A_1014] {strides = array<i32>} : memref<32x1000xf32, #tpu.memory_space<vmem>>, vector<16xf32>,
          tpu.vector_store %arg7[%swap3A_1013, %swap3A_1014], %get3A_1012 {strides = array<i32>} : memref<32x1000xf32, #tpu.memory_space<vmem>>, vector<16xf32>,
          %get3A_1016 = arith.constant 0 : i32
          %get3A_1017 = arith.index_cast %get3A_1016 : i32 to index
          %get3A_1018 = arith.index_cast %scan3A_999 : i32 to index
          %get3A_1019 = arith.constant 32 : index
          %get3A_1020 = tpu.vector_load %arg10[%get3A_1017, %get3A_1018, %get3A_1019] {strides = array<i32>} : memref<3x32x128xf32, #tpu.memory_space<vmem>>, vector<16xf32>,
          %swap3A_1021 = arith.index_cast %scan3A_999 : i32 to index
          %swap3A_1022 = arith.constant 928 : index
          %swap3A_1023 = tpu.vector_load %arg7[%swap3A_1021, %swap3A_1022] {strides = array<i32>} : memref<32x1000xf32, #tpu.memory_space<vmem>>, vector<16xf32>,
          tpu.vector_store %arg7[%swap3A_1021, %swap3A_1022], %get3A_1020 {strides = array<i32>} : memref<32x1000xf32, #tpu.memory_space<vmem>>, vector<16xf32>,
          %get3A_1024 = arith.constant 0 : i32
          %get3A_1025 = arith.index_cast %get3A_1024 : i32 to index
          %get3A_1026 = arith.index_cast %scan3A_999 : i32 to index
          %get3A_1027 = arith.constant 48 : index
          %get3A_1028 = tpu.vector_load %arg10[%get3A_1025, %get3A_1026, %get3A_1027] {strides = array<i32>} : memref<3x32x128xf32, #tpu.memory_space<vmem>>, vector<16xf32>,
          %swap3A_1029 = arith.index_cast %scan3A_999 : i32 to index
          %swap3A_1030 = arith.constant 944 : index
          %swap3A_1031 = tpu.vector_load %arg7[%swap3A_1029, %swap3A_1030] {strides = array<i32>} : memref<32x1000xf32, #tpu.memory_space<vmem>>, vector<16xf32>,
          tpu.vector_store %arg7[%swap3A_1029, %swap3A_1030], %get3A_1028 {strides = array<i32>} : memref<32x1000xf32, #tpu.memory_space<vmem>>, vector<16xf32>,
          %get3A_1032 = arith.constant 0 : i32
          %get3A_1033 = arith.index_cast %get3A_1032 : i32 to index
          %get3A_1034 = arith.index_cast %scan3A_999 : i32 to index
          %get3A_1035 = arith.constant 64 : index
          %get3A_1036 = tpu.vector_load %arg10[%get3A_1033, %get3A_1034, %get3A_1035] {strides = array<i32>} : memref<3x32x128xf32, #tpu.memory_space<vmem>>, vector<16xf32>,
          %swap3A_1037 = arith.index_cast %scan3A_999 : i32 to index
          %swap3A_1038 = arith.constant 960 : index
          %swap3A_1039 = tpu.vector_load %arg7[%swap3A_1037, %swap3A_1038] {strides = array<i32>} : memref<32x1000xf32, #tpu.memory_space<vmem>>, vector<16xf32>,
          tpu.vector_store %arg7[%swap3A_1037, %swap3A_1038], %get3A_1036 {strides = array<i32>} : memref<32x1000xf32, #tpu.memory_space<vmem>>, vector<16xf32>,
          %get3A_1040 = arith.constant 0 : i32
          %get3A_1041 = arith.index_cast %get3A_1040 : i32 to index
          %get3A_1042 = arith.index_cast %scan3A_999 : i32 to index
          %get3A_1043 = arith.constant 80 : index
          %get3A_1044 = tpu.vector_load %arg10[%get3A_1041, %get3A_1042, %get3A_1043] {strides = array<i32>} : memref<3x32x128xf32, #tpu.memory_space<vmem>>, vector<16xf32>,
          %swap3A_1045 = arith.index_cast %scan3A_999 : i32 to index
          %swap3A_1046 = arith.constant 976 : index
          %swap3A_1047 = tpu.vector_load %arg7[%swap3A_1045, %swap3A_1046] {strides = array<i32>} : memref<32x1000xf32, #tpu.memory_space<vmem>>, vector<16xf32>,
          tpu.vector_store %arg7[%swap3A_1045, %swap3A_1046], %get3A_1044 {strides = array<i32>} : memref<32x1000xf32, #tpu.memory_space<vmem>>, vector<16xf32>,
          %get3A_1048 = arith.constant 0 : i32
          %get3A_1049 = arith.index_cast %get3A_1048 : i32 to index
          %get3A_1050 = arith.index_cast %scan3A_999 : i32 to index
          %get3A_1051 = arith.constant 96 : index
          %get3A_1052 = tpu.vector_load %arg10[%get3A_1049, %get3A_1050, %get3A_1051] {strides = array<i32>} : memref<3x32x128xf32, #tpu.memory_space<vmem>>, vector<16xf32>,
          %broadcast_in_dim3A = vector.broadcast %scan3A_999 : i32 to vector<16xi32>
          tpu.vector_store_idx %arg7[%broadcast_in_dim3A, %add3A_5], %get3A_1052 masked %lt3A_7 : memref<32x1000xf32, #tpu.memory_space<vmem>>[vector<16xi32>, vector<16xi32>], vector<16xf32>, vector<16xi1>
        }
        %scan3A_991 = arith.constant 32 : i32
        %mul3A_992 = arith.constant 32 : i32
        %mul3A_993 = arith.muli %add3A_883, %mul3A_992 : i32
        %add3A_994 = arith.addi %mul3A_2, %mul3A_993 : i32
        %dma_start3A_995 = arith.constant 0 : i32
        %dma_start3A_996 = tpu.memref_slice %arg4[%add3A_994, %dma_start3A_995] : memref<204800x1000xf32, #tpu.memory_space<hbm>> -> memref<32x1000xf32, #tpu.memory_space<hbm>>
        %dma_start3A_997 = arith.constant 0 : i32
        %dma_start3A_998 = tpu.memref_slice %arg4[%add3A_994, %dma_start3A_997] : memref<204800x1000xf32, #tpu.memory_space<hbm>> -> memref<32x1000xf32, #tpu.memory_space<hbm>>
        tpu.enqueue_dma source(%arg7 : memref<32x1000xf32, #tpu.memory_space<vmem>>) target(%dma_start3A_998 : memref<32x1000xf32, #tpu.memory_space<hbm>>) target_semaphore(%arg14 : memref<!tpu.dma_semaphore, #tpu.memory_space<semaphore_mem>>)
      } else {
      }
    }
    %scan3A_824 = arith.constant 67 : i32
    %add3A_825 = arith.constant 6304 : i32
    %add3A_826 = arith.addi %mul3A_2, %add3A_825 : i32
    %dma_wait3A_827 = arith.constant 0 : i32
    %dma_wait3A_828 = tpu.memref_slice %arg4[%add3A_826, %dma_wait3A_827] : memref<204800x1000xf32, #tpu.memory_space<hbm>> -> memref<32x1000xf32, #tpu.memory_space<hbm>>
    %dma_wait3A_829 = arith.constant 0 : i32
    %dma_wait3A_830 = tpu.memref_slice %arg4[%add3A_826, %dma_wait3A_829] : memref<204800x1000xf32, #tpu.memory_space<hbm>> -> memref<32x1000xf32, #tpu.memory_space<hbm>>
    tpu.wait_dma2 semaphore(%arg16 : memref<!tpu.dma_semaphore, #tpu.memory_space<semaphore_mem>>) src(%arg9 : memref<32x1000xf32, #tpu.memory_space<vmem>>) dst(%dma_wait3A_830 : memref<32x1000xf32, #tpu.memory_space<hbm>>)
    %add3A_831 = arith.constant 6336 : i32
    %add3A_832 = arith.addi %mul3A_2, %add3A_831 : i32
    %dma_wait3A_833 = arith.constant 0 : i32
    %dma_wait3A_834 = tpu.memref_slice %arg4[%add3A_832, %dma_wait3A_833] : memref<204800x1000xf32, #tpu.memory_space<hbm>> -> memref<32x1000xf32, #tpu.memory_space<hbm>>
    %dma_wait3A_835 = arith.constant 0 : i32
    %dma_wait3A_836 = tpu.memref_slice %arg4[%add3A_832, %dma_wait3A_835] : memref<204800x1000xf32, #tpu.memory_space<hbm>> -> memref<32x1000xf32, #tpu.memory_space<hbm>>
    tpu.wait_dma2 semaphore(%arg14 : memref<!tpu.dma_semaphore, #tpu.memory_space<semaphore_mem>>) src(%arg7 : memref<32x1000xf32, #tpu.memory_space<vmem>>) dst(%dma_wait3A_836 : memref<32x1000xf32, #tpu.memory_space<hbm>>)
    %add3A_837 = arith.constant 6368 : i32
    %add3A_838 = arith.addi %mul3A_2, %add3A_837 : i32
    %dma_wait3A_839 = arith.constant 0 : i32
    %dma_wait3A_840 = tpu.memref_slice %arg4[%add3A_838, %dma_wait3A_839] : memref<204800x1000xf32, #tpu.memory_space<hbm>> -> memref<32x1000xf32, #tpu.memory_space<hbm>>
    %dma_wait3A_841 = arith.constant 0 : i32
    %dma_wait3A_842 = tpu.memref_slice %arg4[%add3A_838, %dma_wait3A_841] : memref<204800x1000xf32, #tpu.memory_space<hbm>> -> memref<32x1000xf32, #tpu.memory_space<hbm>>
    tpu.wait_dma2 semaphore(%arg15 : memref<!tpu.dma_semaphore, #tpu.memory_space<semaphore_mem>>) src(%arg8 : memref<32x1000xf32, #tpu.memory_space<vmem>>) dst(%dma_wait3A_842 : memref<32x1000xf32, #tpu.memory_space<hbm>>)
    return
  }
}

</mosaic_0001>

<sc_bundles>
// kernel: kernel.3.cloned.1.call-start
scs
__scs_entry_jumppad:
0x0: {  	(pc) =	sbr.rel $0x88, $3  }
0x1: {  	(tag) =	ssettag $0x0;
	lr =	simm.s32 $0x1  }
0x2: {  	[smem:$0x3F9F] =	sst lr;
	_ =	strace $0xD0000000  }
0x3: {  	_ = 	snop  }
0x4: {  	_ = 	snop  }
0x5: {  	_ = 	snop  }
0x6: {  	_ = 	snop  }
0x7: {  	_ = 	snop  }
__scs_overlays_trampoline_lowered:
0x8: {  	[smem:$0x3FAE] =	sst s0  }
0x9: {  	[smem:$0x3FAF] =	sst s1  }
0xa: {  	[smem:$0x3FB0] =	sst s2  }
0xb: {  	[smem:$0x3FB1] =	sst s3  }
0xc: {  	[smem:$0x3FB2] =	sst s4  }
0xd: {  	[smem:$0x3FB3] =	sst s5  }
0xe: {  	[smem:$0x3FB4] =	sst s6  }
0xf: {  	[smem:$0x3FB5] =	sst s7  }
0x10: {  	[smem:$0x3FB6] =	sst s8  }
0x11: {  	[smem:$0x3FB7] =	sst s9;
	s0 =	simm.s32 @!p0 $0x0  }
0x12: {  	s1 =	sld [smem:$0x3F9D];
	s0 =	simm.s32 @p0 $0x1  }
0x13: {  	[smem:$0x3FB8] =	sst s0;
	s0 =	simm.s32 @!p1 $0x0  }
0x14: {  	s2 =	sld [smem:$0x3F9C];
	s0 =	simm.s32 @p1 $0x1  }
0x15: {  	[smem:$0x3FB9] =	sst s0;
	s0 =	simm.s32 @!p2 $0x0  }
0x16: {  	s3 =	sld [smem:$0x3FDB];
	s0 =	simm.s32 @p2 $0x1  }
0x17: {  	s4 =	simm.s32 $0x1BF5;
	[smem:$0x3FBB] =	sst s0  }
0x18: {  	s0 =	sld [smem:$0x3F9E];
	_ =	swait.ge [sflag:s4], $0x0  }
0x19: {  	s7 =	sld [smem:$0x3F9F]  }
0x1a: {  	s8 =	sadd.s32 $0xFFFFE003, lr  }
0x1b: {  	s9 =	sadd.s32 $0xFFFFFEF7, lr;
	s5 =	simm.s32 $0xFFFFFFFF;
	p2 =	slt.u32 s8, $0xFFFFF086  }
0x1c: {  	p1 =	slt.u32 s9, $0xF7A;
	s5 =	simm.s32 @!p2 $0x0  }
0x1d: {  	s5 =	simm.s32 @p1 $0x1;
	p0 =	seq.s32 s7, s2  }
0x1e: {  	s7 =	smul.u32 @!p0 $0xF7A, s2;
	p2 =	seq.s32 @!p0 s5, $0x0  }
0x1f: {  	s9 =	smul.u32 $0xF7A, s1;
	s8 =	simm.s32 @!p0 $0x1BF5;
	p2 =	por !p2, p0  }
0x20: {  	[sflag:s8] =	ssyncset.s32 @!p0 $0xFFFFF086;
	s6 =	sadd.s32 @!p0 s3, s7;
	s7 =	simm.s32 @!p0 $0x108  }
0x21: {  	s3 =	sadd.s32 s3, s9;
	s6 =	sadd.s32 @!p0 $0x88, s6;
	s7 =	simm.s32 @p2 $0x1082  }
0x22: {  	[simem:s7], [sflag:s8] =	dma.local @!p0 [hbm:s6], $0xF7A  }
0x23: {  	s9 =	sor.u32 $0xD0000000, s2;
	s6 =	simm.s32 $0x108;
	_ =	swait.ge @!p0 [sflag:s8], $0x0  }
0x24: {  	s3 =	sadd.s32 $0x88, s3;
	s6 =	simm.s32 @!p1 $0x1082;
	[sflag:s4] =	ssyncset.s32 $0xFFFFF086  }
0x25: {  	[simem:s6], [sflag:s4] =	dma.local [hbm:s3], $0xF7A  }
0x26: {  	[smem:$0x3F9F] =	sst s1;
	(tag) =	ssettag s2;
	_ =	strace s9  }
0x27: {  	s1 =	sld [smem:$0x3FAF]  }
0x28: {  	s2 =	sld [smem:$0x3FB0]  }
0x29: {  	s4 =	sld [smem:$0x3FB2]  }
0x2a: {  	p0 =	seq.s32 s5, $0x0;
	s5 =	sld [smem:$0x3FB3]  }
0x2b: {  	s6 =	sld [smem:$0x3FB4]  }
0x2c: {  	s7 =	sld [smem:$0x3FB5]  }
0x2d: {  	s3 =	simm.s32 $0x108;
	s8 =	sld [smem:$0x3FB6]  }
0x2e: {  	s3 =	simm.s32 @!p0 $0x1082;
	s9 =	sld [smem:$0x3FB7]  }
0x2f: {  	lr =	sadd.s32 s0, s3;
	s0 =	sld [smem:$0x3FAE]  }
0x30: {  	s3 =	sld [smem:$0x3FB1]  }
0x31: {  	[smem:$0x3FBA] =	sst s10  }
0x32: {  	s10 =	sld [smem:$0x3FB8];
	_ =	sdelay $0x3  }
0x33: {  	p0 =	seq.s32 s10, $0x1;
	s10 =	sld [smem:$0x3FBA];
	_ =	sdelay $0x3  }
0x34: {  	[smem:$0x3FBA] =	sst s10  }
0x35: {  	s10 =	sld [smem:$0x3FB9];
	_ =	sdelay $0x3  }
0x36: {  	p1 =	seq.s32 s10, $0x1;
	s10 =	sld [smem:$0x3FBA];
	_ =	sdelay $0x3  }
0x37: {  	[smem:$0x3FBA] =	sst s10  }
0x38: {  	s10 =	sld [smem:$0x3FBB]  }
0x39: {  	_ = 	snop;
	(pc) =	sbr.ind lr, $3  }
0x3a: {  	_ = 	snop  }
0x3b: {  	_ = 	snop  }
0x3c: {  	p2 =	seq.s32 s10, $0x1;
	s10 =	sld [smem:$0x3FBA]  }
0x3d: {  	_ =	shalt  }
0x3e: {  	_ =	shalt  }
0x3f: {  	_ =	shalt  }
0x40: {  	_ =	shalt  }
0x41: {  	_ =	shalt  }
0x42: {  	_ =	shalt  }
0x43: {  	_ =	shalt  }
0x44: {  	_ =	shalt  }
0x45: {  	_ =	shalt  }
0x46: {  	_ =	shalt  }
0x47: {  	_ =	shalt  }
0x48: {  	_ =	shalt  }
0x49: {  	_ =	shalt  }
0x4a: {  	_ =	shalt  }
0x4b: {  	_ =	shalt  }
0x4c: {  	_ =	shalt  }
0x4d: {  	_ =	shalt  }
0x4e: {  	_ =	shalt  }
0x4f: {  	_ =	shalt  }
0x50: {  	_ =	shalt  }
0x51: {  	_ =	shalt  }
0x52: {  	_ =	shalt  }
0x53: {  	_ =	shalt  }
0x54: {  	_ =	shalt  }
0x55: {  	_ =	shalt  }
0x56: {  	_ =	shalt  }
0x57: {  	_ =	shalt  }
0x58: {  	_ =	shalt  }
0x59: {  	_ =	shalt  }
0x5a: {  	_ =	shalt  }
0x5b: {  	_ =	shalt  }
0x5c: {  	_ =	shalt  }
0x5d: {  	_ =	shalt  }
0x5e: {  	_ =	shalt  }
0x5f: {  	_ =	shalt  }
0x60: {  	_ =	shalt  }
0x61: {  	_ =	shalt  }
0x62: {  	_ =	shalt  }
0x63: {  	_ =	shalt  }
0x64: {  	_ =	shalt  }
0x65: {  	_ =	shalt  }
0x66: {  	_ =	shalt  }
0x67: {  	_ =	shalt  }
0x68: {  	_ =	shalt  }
0x69: {  	_ =	shalt  }
0x6a: {  	_ =	shalt  }
0x6b: {  	_ =	shalt  }
0x6c: {  	_ =	shalt  }
0x6d: {  	_ =	shalt  }
0x6e: {  	_ =	shalt  }
0x6f: {  	_ =	shalt  }
0x70: {  	_ =	shalt  }
0x71: {  	_ =	shalt  }
0x72: {  	_ =	shalt  }
0x73: {  	_ =	shalt  }
0x74: {  	_ =	shalt  }
0x75: {  	_ =	shalt  }
0x76: {  	_ =	shalt  }
0x77: {  	_ =	shalt  }
0x78: {  	_ =	shalt  }
0x79: {  	_ =	shalt  }
0x7a: {  	_ =	shalt  }
0x7b: {  	_ =	shalt  }
0x7c: {  	_ =	shalt  }
0x7d: {  	_ =	shalt  }
0x7e: {  	_ =	shalt  }
0x7f: {  	_ =	shalt  }
0x80: {  	_ =	shalt  }
0x81: {  	_ =	shalt  }
0x82: {  	_ =	shalt  }
0x83: {  	_ =	shalt  }
0x84: {  	_ =	shalt  }
0x85: {  	_ =	shalt  }
0x86: {  	_ =	shalt  }
0x87: {  	_ =	shalt  }
.Lfunc_end0:
.L_simem_size_0:
called_computation.1_lowered:
.L_overlay_start_0:
0x88: {  	s2 =	sld [smem:$0x3FD9]  }
0x89: {  	s3 =	sld [smem:$0x3FFE];
	_ =	sdelay $0x1  }
0x8a: {  	s1 =	srdreg.scid  }
0x8b: {  	s0 =	sand.u32 $0x1, s1  }
0x8c: {  	s17 =	sshll.u32 s0, $0xA;
	s2 =	sadd.s32 s3, s2  }
0x8d: {  	s2 =	sadd.s32 s2, s17  }
0x8e: {  	[smem:$0x3FC6] =	sst s2  }
0x8f: {  	_ = 	snop  }
0x90: {  	s2 =	sld [smem:$0x3FD0];
	(tm) =	ssettm $0x1  }
0x91: {  	s18 =	sld [smem:$0x3FFB];
	_ =	sdelay $0x3  }
0x92: {  	_ =	strace s18  }
0x93: {  	s3 =	sld [smem:$0x3FFC];
	_ =	sdelay $0x3  }
0x94: {  	_ =	strace s3  }
0x95: {  	s3 =	sld [smem:$0x3FFD];
	_ =	sdelay $0x3  }
0x96: {  	_ =	strace s3  }
0x97: {  	_ =	strace $0x8FFFFFFF  }
0x98: {  	s19 =	sld [smem:$0x3FDB];
	_ =	sdelay $0x1  }
0x99: {  	s4 =	simm.s32 $_scs_section_size  }
0x9a: {  	s5 =	simm.s32 $_size__tile_overlayer_lowered;
	s6 =	simm.s32 $_tile_overlayer_lowered  }
0x9b: {  	s22 =	simm.s32 $0x1BFF;
	s21 =	sshll.u32 s6, $0x1;
	s3 =	sadd.s32 s4, s19  }
0x9c: {  	s7 =	simm.s32 $0x0;
	s20 =	sshll.u32 s5, $0x1;
	s5 =	sadd.s32 s21, s3  }
0x9d: {  	[timem:s7], [sflag:s22] =	dma.local [hbm:s5], s20  }
0x9e: {  	_ =	swait.ge [sflag:s22], s20  }
0x9f: {  	s4 =	ssub.s32 $0x0, s20;
	[sflag:s22] =	ssyncset.done $0x0  }
0xa0: {  	[sflag:s22] =	ssyncadd.s32 s4;
	_ =	sdelay $0x1  }
0xa1: {  	s23 =	simm.s32 $0x1B8B  }
0xa2: {  	_ =	swait.ge [sflag:s23], $0x1  }
0xa3: {  	[sflag:s23] =	ssyncset.done $0x0  }
0xa4: {  	s25 =	simm.s32 $0x1B8E;
	s24 =	sld [smem:$0x3FFE];
	[sflag:s23] =	ssyncadd.s32 $0xFFFFFFFF  }
0xa5: {  	s26 =	simm.s32 $execute0_lowered;
	[smem:$0x3FD2] =	sst s25  }
0xa6: {  	s5 =	sshll.u32 s26, $0x1;
	_ =	strace $0x80000046;
	[dreg:$0x1] =	wrdreg $0xFFFFFFFF  }
0xa7: {  	s28 =	simm.s32 $_size_execute0_lowered;
	s3 =	sadd.s32 s3, s5;
	[dreg:$0x0] =	wrdreg $0x0  }
0xa8: {  	s5 =	sshll.u32 s28, $0x1;
	[dreg:$0x2] =	wrdreg s3  }
0xa9: {  	[dreg:$0x3] =	wrdreg s5  }
0xaa: {  	[dreg:$0x4] =	wrdreg $0xC0  }
0xab: {  	_ =	task [dreg:s7], $0x5FFFF  }
0xac: {  	[dreg:$0x1] =	wrdreg $0xFFFFFFFF  }
0xad: {  	[dreg:$0x0] =	wrdreg $0x60  }
0xae: {  	[dreg:$0x2] =	wrdreg s24  }
0xaf: {  	[dreg:$0x3] =	wrdreg s2  }
0xb0: {  	[dreg:$0x4] =	wrdreg $0x9  }
0xb1: {  	_ =	task.clear_ibuf [dreg:s7], $0x5FFFF;
	_ =	strace $0x90000046  }
0xb2: {  	s29 =	simm.s32 $0x9;
	_ =	strace $0x80000048  }
0xb3: {  	_ =	swait.ge [sflag:s29], $0x1  }
0xb4: {  	[sflag:s29] =	ssyncadd.s32 $0xFFFFFFFF  }
0xb5: {  	_ =	strace $0x90000048  }
0xb6: {  	_ =	sfence  }
0xb7: {  	s30 =	sld [smem:$0x0];
	_ =	sdelay $0x2  }
0xb8: {  	s31 =	sshll.u32 s1, $0xD;
	s1 =	sshrl.u32 s1, $0x2  }
0xb9: {  	s3 =	sand.u32 $0x4000, s31;
	s1 =	sadd.s32 s1, s30  }
0xba: {  	s0 =	sor.u32 s3, s0;
	s1 =	sshll.u32 s1, $0x11  }
0xbb: {  	s0 =	sor.u32 s1, s0  }
0xbc: {  	s0 =	sadd.s32 $0x8F2B, s0  }
0xbd: {  	[sflag:s0] =	ssyncadd.remote.s32 $0x1  }
0xbe: {  	_ =	sfence.sel $0xFFFF  }
0xbf: {  	[dreg:$0x0] =	wrdreg $0xFFFFFFFF;
	(pc) =	sbr.abs _section_cstart, $3  }
0xc0: {  	[dreg:$0x1] =	wrdreg $0xFFFFFFFF  }
0xc1: {  	_ =	task.clear_ibuf [dreg:s7], $0x2FFFF;
	_ =	strace $0x9FFFFFFF  }
0xc2: {  	(tm) =	ssettm $0x7FFFFFFF  }
0xc3: {  	_ =	shalt  }
tec
execute0_lowered:
.L_overlay_start_1:
0x0: {  	(tag) =	ssettag $0x1  }
0x1: {  	s0 =	rddreg [dreg:$0x0]  }
0x2: {  	s1 =	srdreg.scid;
	s3 =	stileid.u32  }
0x3: {  	s2 =	rddreg [dreg:$0x1];
	s12 =	simm.s32 $0x2500;
	s16 =	simm.s32 $0x20  }
0x4: {  	s19 =	simm.s32 $0xA500;
	s23 =	simm.s32 $0xFD00;
	s28 =	simm.s32 $0x12500  }
0x5: {  	s29 =	simm.s32 $0x1;
	s1 =	sand.u32 $0x1, s1;
	s4 =	sshll.u32 s3, $0x1  }
0x6: {  	s30 =	simm.s32 $0x2;
	s31 =	simm.s32 $0x6;
	s5 =	sor.u32 s1, s4  }
0x7: {  	s10 =	simm.s32 $0x0;
	s3 =	simm.s32 $0x0;
	s4 =	smul.u32 $0x320, s5  }
0x8: {  	[smem:$0x7FF] =	sst s3;
	s1 =	ssub.s32 $0x2, s1;
	s7 =	smul.u32 $0xC8000, s5  }
0x9: {  	_ =	strace $0x80000047;
	s24 =	sshrl.u32 s1, $0x1;
	s5 =	smul.u32 $0x640000, s5  }
0xa: {  	s6 =	sadd.s32 s4, s0;
	s4 =	sadd.s32 $0x6C00, s0;
	s0 =	ssub.s32 s1, s24  }
.Ltmp0:
0xb: {  	s8 =	sor.u32 $0x8000, s5;
	s25 =	sadd.s32 $0x800, s6;
	(pc) =	sbr.rel .LBB2_1-.Ltmp0, $4  }
0xc: {  	s9 =	sor.u32 $0x10000, s5;
	s26 =	sadd.s32 s4, s7;
	[dreg:$0x3] =	wrdreg s25  }
0xd: {  	v3 =	vlaneseq.u32;
	s24 =	simm.s32 $0x11D00;
	s0 =	smax.u32 s0, $0x1;
	[dreg:$0x4] =	wrdreg s26  }
0xe: {  	vm0 =	vmmov $0xff;
	v1 =	vshrl.u32 v3, $0x3;
	v0 =	vand.u32 $0x7, v3;
	s1 =	simm.s32 $0x4;
	s6 =	simm.s32 $0x3;
	[dreg:$0x5] =	wrdreg s0  }
0xf: {  	v2 =	vor.u32 $0x8, v3;
	v3 =	vor.u32 $0x1C60, v3;
	v1 =	vmul.u32 $0x8, v1;
	s25 =	simm.s32 $0x2080;
	s26 =	simm.s32 $0x1B500;
	s0 =	simm.s32 $0x5  }
.LBB2_16:
0x10: {  	_ =	swait.ge [sflag:s31], $0x8000  }
0x11: {  	[sflag:s31] =	ssyncset.done $0x0  }
0x12: {  	[sflag:s31] =	ssyncadd.s32 $0xFFFF8000  }
0x13: {  	_ =	swait.ge [sflag:s1], $0x8000  }
0x14: {  	[sflag:s1] =	ssyncset.done $0x0  }
0x15: {  	[sflag:s1] =	ssyncadd.s32 $0xFFFF8000  }
0x16: {  	_ =	swait.ge [sflag:s0], $0x8000  }
0x17: {  	s10 =	rddreg [dreg:$0x6]  }
0x18: {  	s7 =	rddreg [dreg:$0x5];
	s10 =	sadd.s32 $0x1, s10  }
0x19: {  	p0 =	sne.s32 s10, s7  }
.Ltmp1:
0x1a: {  	_ = 	snop;
	(pc) =	sbr.rel @!p0 .LBB2_17-.Ltmp1, $3  }
0x1b: {  	_ =	sdelay $0x1  }
0x1c: {  	[sflag:s0] =	ssyncset.done $0x0  }
0x1d: {  	[sflag:s0] =	ssyncadd.s32 $0xFFFF8000  }
.LBB2_1:
0x1e: {  	[dreg:$0x6] =	wrdreg s10  }
0x1f: {  	s7 =	rddreg [dreg:$0x3];
	s10 =	simm.s32 $0x7  }
0x20: {  	[tilespmem:s3], [sflag:$0x7] =	stream.linear.gather [hbm4b:s7+s3], $0x1900, $0x38;
	[tilespmem:$0x1D500] =	vst v63  }
0x21: {  	_ =	swait.ge [sflag:s10], $0x1900  }
0x22: {  	[sflag:s10] =	ssyncset.done $0x0  }
0x23: {  	[sflag:s10] =	ssyncadd.s32 $0xFFFFE700  }
0x24: {  	v4 =	vld [tilespmem:$0x0]  }
0x25: {  	v5 =	vld [tilespmem:$0x10];
	_ =	sdelay $0x3  }
0x26: {  	v6 =	vadd.s32 $0x8, v4  }
0x27: {  	[tilespmem:$0x1980] =	vst v6;
	v6 =	vadd.s32 $0x8, v5  }
0x28: {  	[tilespmem:$0x1990] =	vst v6;
	v6 =	vadd.s32 $0x10, v4  }
0x29: {  	[tilespmem:$0x1A00] =	vst v6;
	v6 =	vadd.s32 $0x10, v5  }
0x2a: {  	[tilespmem:$0x1A10] =	vst v6;
	v6 =	vadd.s32 $0x18, v4  }
0x2b: {  	[tilespmem:$0x1A80] =	vst v6;
	v6 =	vadd.s32 $0x18, v5  }
0x2c: {  	[tilespmem:$0x1A90] =	vst v6;
	v6 =	vadd.s32 $0x20, v4  }
0x2d: {  	[tilespmem:$0x1B00] =	vst v6;
	v6 =	vadd.s32 $0x20, v5  }
0x2e: {  	[tilespmem:$0x1B10] =	vst v6;
	v6 =	vadd.s32 $0x28, v4  }
0x2f: {  	[tilespmem:$0x1B80] =	vst v6;
	v6 =	vadd.s32 $0x28, v5  }
0x30: {  	v7 =	vperm.xlane v4, v0;
	[tilespmem:$0x1B90] =	vst v6;
	v6 =	vadd.s32 $0x30, v4  }
0x31: {  	[tilespmem:$0x1C00] =	vst v6;
	v6 =	vadd.s32 $0x30, v5  }
0x32: {  	[tilespmem:$0x1C10] =	vst v6;
	v6 =	vadd.s32 v1, v7;
	v7 =	vperm.xlane v4, v2  }
0x33: {  	[tilespmem:$0x1900] =	vst v4  }
0x34: {  	[tilespmem:$0x1910] =	vst v5;
	v4 =	vadd.s32 $0x38, v4;
	v7 =	vadd.s32 v1, v7  }
0x35: {  	[tilespmem:$0x1C80] =	vst v4;
	v4 =	vadd.s32 $0x38, v5  }
0x36: {  	[tilespmem:$0x1C90] =	vst v4  }
0x37: {  	[tilespmem:s12], [sflag:$0x1] =	stream.indirect_vreg.gather [hbm4b:s2+s3], $0x80, v6, vm0, $0xb8;
	[tilespmem:$0x1D500] =	vst v63  }
0x38: {  	s11 =	simm.s32 $0x4500  }
0x39: {  	[tilespmem:s11], [sflag:$0x1] =	stream.indirect_vreg.gather [hbm4b:s2+s3], $0x80, v7, vm0, $0xb8;
	[tilespmem:$0x1D500] =	vst v63  }
0x3a: {  	v4 =	vld [tilespmem:$0x1910];
	_ =	sdelay $0x4  }
0x3b: {  	v5 =	vperm.xlane v4, v0;
	_ =	sdelay $0x1  }
0x3c: {  	v4 =	vperm.xlane v4, v2;
	v5 =	vadd.s32 v1, v5;
	_ =	sdelay $0x1  }
0x3d: {  	v4 =	vadd.s32 v1, v4;
	_ =	sdelay $0x1  }
0x3e: {  	s13 =	simm.s32 $0x6500  }
0x3f: {  	[tilespmem:s13], [sflag:$0x1] =	stream.indirect_vreg.gather [hbm4b:s2+s3], $0x80, v5, vm0, $0xb8;
	[tilespmem:$0x1D500] =	vst v63  }
0x40: {  	s14 =	simm.s32 $0x8500  }
0x41: {  	[tilespmem:s14], [sflag:$0x1] =	stream.indirect_vreg.gather [hbm4b:s2+s3], $0x80, v4, vm0, $0xb8;
	[tilespmem:$0x1D500] =	vst v63  }
0x42: {  	v4 =	vld [tilespmem:$0x1980];
	_ =	sdelay $0x4  }
0x43: {  	v5 =	vperm.xlane v4, v0;
	_ =	sdelay $0x1  }
0x44: {  	v4 =	vperm.xlane v4, v2;
	v5 =	vadd.s32 v1, v5;
	_ =	sdelay $0x1  }
0x45: {  	v4 =	vadd.s32 v1, v4;
	_ =	sdelay $0x1  }
0x46: {  	s15 =	simm.s32 $0x2900  }
0x47: {  	[tilespmem:s15], [sflag:$0x1] =	stream.indirect_vreg.gather [hbm4b:s2+s3], $0x80, v5, vm0, $0xb8;
	[tilespmem:$0x1D500] =	vst v63  }
0x48: {  	s17 =	simm.s32 $0x4900  }
0x49: {  	[tilespmem:s17], [sflag:$0x1] =	stream.indirect_vreg.gather [hbm4b:s2+s3], $0x80, v4, vm0, $0xb8;
	[tilespmem:$0x1D500] =	vst v63  }
0x4a: {  	v4 =	vld [tilespmem:$0x1990];
	_ =	sdelay $0x4  }
0x4b: {  	v5 =	vperm.xlane v4, v0;
	_ =	sdelay $0x1  }
0x4c: {  	v4 =	vperm.xlane v4, v2;
	v5 =	vadd.s32 v1, v5;
	_ =	sdelay $0x1  }
0x4d: {  	v4 =	vadd.s32 v1, v4;
	_ =	sdelay $0x1  }
0x4e: {  	s18 =	simm.s32 $0x6900  }
0x4f: {  	[tilespmem:s18], [sflag:$0x1] =	stream.indirect_vreg.gather [hbm4b:s2+s3], $0x80, v5, vm0, $0xb8;
	[tilespmem:$0x1D500] =	vst v63  }
0x50: {  	s20 =	simm.s32 $0x8900  }
0x51: {  	[tilespmem:s20], [sflag:$0x1] =	stream.indirect_vreg.gather [hbm4b:s2+s3], $0x80, v4, vm0, $0xb8;
	[tilespmem:$0x1D500] =	vst v63  }
0x52: {  	v4 =	vld [tilespmem:$0x1A00];
	_ =	sdelay $0x4  }
0x53: {  	v5 =	vperm.xlane v4, v0;
	_ =	sdelay $0x1  }
0x54: {  	v4 =	vperm.xlane v4, v2;
	v5 =	vadd.s32 v1, v5;
	_ =	sdelay $0x1  }
0x55: {  	v4 =	vadd.s32 v1, v4;
	_ =	sdelay $0x1  }
0x56: {  	s21 =	simm.s32 $0x2D00  }
0x57: {  	[tilespmem:s21], [sflag:$0x1] =	stream.indirect_vreg.gather [hbm4b:s2+s3], $0x80, v5, vm0, $0xb8;
	[tilespmem:$0x1D500] =	vst v63  }
0x58: {  	s22 =	simm.s32 $0x4D00  }
0x59: {  	[tilespmem:s22], [sflag:$0x1] =	stream.indirect_vreg.gather [hbm4b:s2+s3], $0x80, v4, vm0, $0xb8;
	[tilespmem:$0x1D500] =	vst v63  }
0x5a: {  	v4 =	vld [tilespmem:$0x1A10];
	_ =	sdelay $0x4  }
0x5b: {  	v5 =	vperm.xlane v4, v0;
	_ =	sdelay $0x1  }
0x5c: {  	v4 =	vperm.xlane v4, v2;
	v5 =	vadd.s32 v1, v5;
	_ =	sdelay $0x1  }
0x5d: {  	v4 =	vadd.s32 v1, v4;
	_ =	sdelay $0x1  }
0x5e: {  	s10 =	simm.s32 $0x6D00  }
0x5f: {  	[tilespmem:s10], [sflag:$0x1] =	stream.indirect_vreg.gather [hbm4b:s2+s3], $0x80, v5, vm0, $0xb8;
	[tilespmem:$0x1D500] =	vst v63  }
0x60: {  	s11 =	simm.s32 $0x8D00  }
0x61: {  	[tilespmem:s11], [sflag:$0x1] =	stream.indirect_vreg.gather [hbm4b:s2+s3], $0x80, v4, vm0, $0xb8;
	[tilespmem:$0x1D500] =	vst v63  }
0x62: {  	v4 =	vld [tilespmem:$0x1A80];
	_ =	sdelay $0x4  }
0x63: {  	v5 =	vperm.xlane v4, v0;
	_ =	sdelay $0x1  }
0x64: {  	v4 =	vperm.xlane v4, v2;
	v5 =	vadd.s32 v1, v5;
	_ =	sdelay $0x1  }
0x65: {  	v4 =	vadd.s32 v1, v4;
	_ =	sdelay $0x1  }
0x66: {  	s13 =	simm.s32 $0x3100  }
0x67: {  	[tilespmem:s13], [sflag:$0x1] =	stream.indirect_vreg.gather [hbm4b:s2+s3], $0x80, v5, vm0, $0xb8;
	[tilespmem:$0x1D500] =	vst v63  }
0x68: {  	s14 =	simm.s32 $0x5100  }
0x69: {  	[tilespmem:s14], [sflag:$0x1] =	stream.indirect_vreg.gather [hbm4b:s2+s3], $0x80, v4, vm0, $0xb8;
	[tilespmem:$0x1D500] =	vst v63  }
0x6a: {  	v4 =	vld [tilespmem:$0x1A90];
	_ =	sdelay $0x4  }
0x6b: {  	v5 =	vperm.xlane v4, v0;
	_ =	sdelay $0x1  }
0x6c: {  	v4 =	vperm.xlane v4, v2;
	v5 =	vadd.s32 v1, v5;
	_ =	sdelay $0x1  }
0x6d: {  	v4 =	vadd.s32 v1, v4;
	_ =	sdelay $0x1  }
0x6e: {  	s15 =	simm.s32 $0x7100  }
0x6f: {  	[tilespmem:s15], [sflag:$0x1] =	stream.indirect_vreg.gather [hbm4b:s2+s3], $0x80, v5, vm0, $0xb8;
	[tilespmem:$0x1D500] =	vst v63  }
0x70: {  	s17 =	simm.s32 $0x9100  }
0x71: {  	[tilespmem:s17], [sflag:$0x1] =	stream.indirect_vreg.gather [hbm4b:s2+s3], $0x80, v4, vm0, $0xb8;
	[tilespmem:$0x1D500] =	vst v63  }
0x72: {  	v4 =	vld [tilespmem:$0x1B00];
	_ =	sdelay $0x4  }
0x73: {  	v5 =	vperm.xlane v4, v0;
	_ =	sdelay $0x1  }
0x74: {  	v4 =	vperm.xlane v4, v2;
	v5 =	vadd.s32 v1, v5;
	_ =	sdelay $0x1  }
0x75: {  	v4 =	vadd.s32 v1, v4;
	_ =	sdelay $0x1  }
0x76: {  	s18 =	simm.s32 $0x3500  }
0x77: {  	[tilespmem:s18], [sflag:$0x1] =	stream.indirect_vreg.gather [hbm4b:s2+s3], $0x80, v5, vm0, $0xb8;
	[tilespmem:$0x1D500] =	vst v63  }
0x78: {  	s20 =	simm.s32 $0x5500  }
0x79: {  	[tilespmem:s20], [sflag:$0x1] =	stream.indirect_vreg.gather [hbm4b:s2+s3], $0x80, v4, vm0, $0xb8;
	[tilespmem:$0x1D500] =	vst v63  }
0x7a: {  	v4 =	vld [tilespmem:$0x1B10];
	_ =	sdelay $0x4  }
0x7b: {  	v5 =	vperm.xlane v4, v0;
	_ =	sdelay $0x1  }
0x7c: {  	v4 =	vperm.xlane v4, v2;
	v5 =	vadd.s32 v1, v5;
	_ =	sdelay $0x1  }
0x7d: {  	v4 =	vadd.s32 v1, v4;
	_ =	sdelay $0x1  }
0x7e: {  	s21 =	simm.s32 $0x7500  }
0x7f: {  	[tilespmem:s21], [sflag:$0x1] =	stream.indirect_vreg.gather [hbm4b:s2+s3], $0x80, v5, vm0, $0xb8;
	[tilespmem:$0x1D500] =	vst v63  }
0x80: {  	s22 =	simm.s32 $0x9500  }
0x81: {  	[tilespmem:s22], [sflag:$0x1] =	stream.indirect_vreg.gather [hbm4b:s2+s3], $0x80, v4, vm0, $0xb8;
	[tilespmem:$0x1D500] =	vst v63  }
0x82: {  	v4 =	vld [tilespmem:$0x1B80];
	_ =	sdelay $0x4  }
0x83: {  	v5 =	vperm.xlane v4, v0;
	_ =	sdelay $0x1  }
0x84: {  	v4 =	vperm.xlane v4, v2;
	v5 =	vadd.s32 v1, v5;
	_ =	sdelay $0x1  }
0x85: {  	v4 =	vadd.s32 v1, v4;
	_ =	sdelay $0x1  }
0x86: {  	s10 =	simm.s32 $0x3900  }
0x87: {  	[tilespmem:s10], [sflag:$0x1] =	stream.indirect_vreg.gather [hbm4b:s2+s3], $0x80, v5, vm0, $0xb8;
	[tilespmem:$0x1D500] =	vst v63  }
0x88: {  	s11 =	simm.s32 $0x5900  }
0x89: {  	[tilespmem:s11], [sflag:$0x1] =	stream.indirect_vreg.gather [hbm4b:s2+s3], $0x80, v4, vm0, $0xb8;
	[tilespmem:$0x1D500] =	vst v63  }
0x8a: {  	v4 =	vld [tilespmem:$0x1B90];
	_ =	sdelay $0x4  }
0x8b: {  	v5 =	vperm.xlane v4, v0;
	_ =	sdelay $0x1  }
0x8c: {  	v4 =	vperm.xlane v4, v2;
	v5 =	vadd.s32 v1, v5;
	_ =	sdelay $0x1  }
0x8d: {  	v4 =	vadd.s32 v1, v4;
	_ =	sdelay $0x1  }
0x8e: {  	s13 =	simm.s32 $0x7900  }
0x8f: {  	[tilespmem:s13], [sflag:$0x1] =	stream.indirect_vreg.gather [hbm4b:s2+s3], $0x80, v5, vm0, $0xb8;
	[tilespmem:$0x1D500] =	vst v63  }
0x90: {  	s14 =	simm.s32 $0x9900  }
0x91: {  	[tilespmem:s14], [sflag:$0x1] =	stream.indirect_vreg.gather [hbm4b:s2+s3], $0x80, v4, vm0, $0xb8;
	[tilespmem:$0x1D500] =	vst v63  }
0x92: {  	v4 =	vld [tilespmem:$0x1C00];
	_ =	sdelay $0x4  }
0x93: {  	v5 =	vperm.xlane v4, v0;
	_ =	sdelay $0x1  }
0x94: {  	v4 =	vperm.xlane v4, v2;
	v5 =	vadd.s32 v1, v5;
	_ =	sdelay $0x1  }
0x95: {  	v4 =	vadd.s32 v1, v4;
	_ =	sdelay $0x1  }
0x96: {  	s15 =	simm.s32 $0x3D00  }
0x97: {  	[tilespmem:s15], [sflag:$0x1] =	stream.indirect_vreg.gather [hbm4b:s2+s3], $0x80, v5, vm0, $0xb8;
	[tilespmem:$0x1D500] =	vst v63  }
0x98: {  	s17 =	simm.s32 $0x5D00  }
0x99: {  	[tilespmem:s17], [sflag:$0x1] =	stream.indirect_vreg.gather [hbm4b:s2+s3], $0x80, v4, vm0, $0xb8;
	[tilespmem:$0x1D500] =	vst v63  }
0x9a: {  	v4 =	vld [tilespmem:$0x1C10];
	_ =	sdelay $0x4  }
0x9b: {  	v5 =	vperm.xlane v4, v0;
	_ =	sdelay $0x1  }
0x9c: {  	v4 =	vperm.xlane v4, v2;
	v5 =	vadd.s32 v1, v5;
	_ =	sdelay $0x1  }
0x9d: {  	v4 =	vadd.s32 v1, v4;
	_ =	sdelay $0x1  }
0x9e: {  	s18 =	simm.s32 $0x7D00  }
0x9f: {  	[tilespmem:s18], [sflag:$0x1] =	stream.indirect_vreg.gather [hbm4b:s2+s3], $0x80, v5, vm0, $0xb8;
	[tilespmem:$0x1D500] =	vst v63  }
0xa0: {  	s20 =	simm.s32 $0x9D00  }
0xa1: {  	[tilespmem:s20], [sflag:$0x1] =	stream.indirect_vreg.gather [hbm4b:s2+s3], $0x80, v4, vm0, $0xb8;
	[tilespmem:$0x1D500] =	vst v63  }
0xa2: {  	s21 =	simm.s32 $0x1C80;
	s22 =	simm.s32 $0x1A500  }
0xa3: {  	[tilespmem:s22], [sflag:$0x1] =	stream.indirect.gather [hbm4b:s2+s16], $0x80, s21, s16, $0xb8;
	[tilespmem:$0x1D500] =	vst v63  }
0xa4: {  	v4 =	vld [tilespmem:$0x20]  }
0xa5: {  	v5 =	vld [tilespmem:$0x30];
	_ =	sdelay $0x3  }
0xa6: {  	v6 =	vadd.s32 $0x8, v4  }
0xa7: {  	[tilespmem:$0x1D80] =	vst v6;
	v6 =	vadd.s32 $0x8, v5  }
0xa8: {  	[tilespmem:$0x1D90] =	vst v6;
	v6 =	vadd.s32 $0x10, v4  }
0xa9: {  	[tilespmem:$0x1E00] =	vst v6;
	v6 =	vadd.s32 $0x10, v5  }
0xaa: {  	[tilespmem:$0x1E10] =	vst v6;
	v6 =	vadd.s32 $0x18, v4  }
0xab: {  	[tilespmem:$0x1E80] =	vst v6;
	v6 =	vadd.s32 $0x18, v5  }
0xac: {  	[tilespmem:$0x1E90] =	vst v6;
	v6 =	vadd.s32 $0x20, v4  }
0xad: {  	[tilespmem:$0x1F00] =	vst v6;
	v6 =	vadd.s32 $0x20, v5  }
0xae: {  	[tilespmem:$0x1F10] =	vst v6;
	v6 =	vadd.s32 $0x28, v4  }
0xaf: {  	[tilespmem:$0x1F80] =	vst v6;
	v6 =	vadd.s32 $0x28, v5  }
0xb0: {  	v7 =	vperm.xlane v4, v0;
	[tilespmem:$0x1F90] =	vst v6;
	v6 =	vadd.s32 $0x30, v4  }
0xb1: {  	[tilespmem:$0x2000] =	vst v6;
	v6 =	vadd.s32 $0x30, v5  }
0xb2: {  	[tilespmem:$0x2010] =	vst v6;
	v6 =	vadd.s32 v1, v7;
	v7 =	vperm.xlane v4, v2  }
0xb3: {  	[tilespmem:$0x1D00] =	vst v4  }
0xb4: {  	[tilespmem:$0x1D10] =	vst v5;
	v4 =	vadd.s32 $0x38, v4;
	v7 =	vadd.s32 v1, v7  }
0xb5: {  	[tilespmem:$0x2080] =	vst v4;
	v4 =	vadd.s32 $0x38, v5  }
0xb6: {  	[tilespmem:$0x2090] =	vst v4  }
0xb7: {  	[tilespmem:s19], [sflag:$0x2] =	stream.indirect_vreg.gather [hbm4b:s2+s3], $0x80, v6, vm0, $0xb8;
	[tilespmem:$0x1D500] =	vst v63  }
0xb8: {  	s10 =	simm.s32 $0xC500  }
0xb9: {  	[tilespmem:s10], [sflag:$0x2] =	stream.indirect_vreg.gather [hbm4b:s2+s3], $0x80, v7, vm0, $0xb8;
	[tilespmem:$0x1D500] =	vst v63  }
0xba: {  	v4 =	vld [tilespmem:$0x1D10];
	_ =	sdelay $0x4  }
0xbb: {  	v5 =	vperm.xlane v4, v0;
	_ =	sdelay $0x1  }
0xbc: {  	v4 =	vperm.xlane v4, v2;
	v5 =	vadd.s32 v1, v5;
	_ =	sdelay $0x1  }
0xbd: {  	v4 =	vadd.s32 v1, v4;
	_ =	sdelay $0x1  }
0xbe: {  	s11 =	simm.s32 $0xE500  }
0xbf: {  	[tilespmem:s11], [sflag:$0x2] =	stream.indirect_vreg.gather [hbm4b:s2+s3], $0x80, v5, vm0, $0xb8;
	[tilespmem:$0x1D500] =	vst v63  }
0xc0: {  	s13 =	simm.s32 $0x10500  }
0xc1: {  	[tilespmem:s13], [sflag:$0x2] =	stream.indirect_vreg.gather [hbm4b:s2+s3], $0x80, v4, vm0, $0xb8;
	[tilespmem:$0x1D500] =	vst v63  }
0xc2: {  	v4 =	vld [tilespmem:$0x1D80];
	_ =	sdelay $0x4  }
0xc3: {  	v5 =	vperm.xlane v4, v0;
	_ =	sdelay $0x1  }
0xc4: {  	v4 =	vperm.xlane v4, v2;
	v5 =	vadd.s32 v1, v5;
	_ =	sdelay $0x1  }
0xc5: {  	v4 =	vadd.s32 v1, v4;
	_ =	sdelay $0x1  }
0xc6: {  	s14 =	simm.s32 $0xA900  }
0xc7: {  	[tilespmem:s14], [sflag:$0x2] =	stream.indirect_vreg.gather [hbm4b:s2+s3], $0x80, v5, vm0, $0xb8;
	[tilespmem:$0x1D500] =	vst v63  }
0xc8: {  	s15 =	simm.s32 $0xC900  }
0xc9: {  	[tilespmem:s15], [sflag:$0x2] =	stream.indirect_vreg.gather [hbm4b:s2+s3], $0x80, v4, vm0, $0xb8;
	[tilespmem:$0x1D500] =	vst v63  }
0xca: {  	v4 =	vld [tilespmem:$0x1D90];
	_ =	sdelay $0x4  }
0xcb: {  	v5 =	vperm.xlane v4, v0;
	_ =	sdelay $0x1  }
0xcc: {  	v4 =	vperm.xlane v4, v2;
	v5 =	vadd.s32 v1, v5;
	_ =	sdelay $0x1  }
0xcd: {  	v4 =	vadd.s32 v1, v4;
	_ =	sdelay $0x1  }
0xce: {  	s17 =	simm.s32 $0xE900  }
0xcf: {  	[tilespmem:s17], [sflag:$0x2] =	stream.indirect_vreg.gather [hbm4b:s2+s3], $0x80, v5, vm0, $0xb8;
	[tilespmem:$0x1D500] =	vst v63  }
0xd0: {  	s18 =	simm.s32 $0x10900  }
0xd1: {  	[tilespmem:s18], [sflag:$0x2] =	stream.indirect_vreg.gather [hbm4b:s2+s3], $0x80, v4, vm0, $0xb8;
	[tilespmem:$0x1D500] =	vst v63  }
0xd2: {  	v4 =	vld [tilespmem:$0x1E00];
	_ =	sdelay $0x4  }
0xd3: {  	v5 =	vperm.xlane v4, v0;
	_ =	sdelay $0x1  }
0xd4: {  	v4 =	vperm.xlane v4, v2;
	v5 =	vadd.s32 v1, v5;
	_ =	sdelay $0x1  }
0xd5: {  	v4 =	vadd.s32 v1, v4;
	_ =	sdelay $0x1  }
0xd6: {  	s20 =	simm.s32 $0xAD00  }
0xd7: {  	[tilespmem:s20], [sflag:$0x2] =	stream.indirect_vreg.gather [hbm4b:s2+s3], $0x80, v5, vm0, $0xb8;
	[tilespmem:$0x1D500] =	vst v63  }
0xd8: {  	s21 =	simm.s32 $0xCD00  }
0xd9: {  	[tilespmem:s21], [sflag:$0x2] =	stream.indirect_vreg.gather [hbm4b:s2+s3], $0x80, v4, vm0, $0xb8;
	[tilespmem:$0x1D500] =	vst v63  }
0xda: {  	v4 =	vld [tilespmem:$0x1E10];
	_ =	sdelay $0x4  }
0xdb: {  	v5 =	vperm.xlane v4, v0;
	_ =	sdelay $0x1  }
0xdc: {  	v4 =	vperm.xlane v4, v2;
	v5 =	vadd.s32 v1, v5;
	_ =	sdelay $0x1  }
0xdd: {  	v4 =	vadd.s32 v1, v4;
	_ =	sdelay $0x1  }
0xde: {  	s22 =	simm.s32 $0xED00  }
0xdf: {  	[tilespmem:s22], [sflag:$0x2] =	stream.indirect_vreg.gather [hbm4b:s2+s3], $0x80, v5, vm0, $0xb8;
	[tilespmem:$0x1D500] =	vst v63  }
0xe0: {  	s10 =	simm.s32 $0x10D00  }
0xe1: {  	[tilespmem:s10], [sflag:$0x2] =	stream.indirect_vreg.gather [hbm4b:s2+s3], $0x80, v4, vm0, $0xb8;
	[tilespmem:$0x1D500] =	vst v63  }
0xe2: {  	v4 =	vld [tilespmem:$0x1E80];
	_ =	sdelay $0x4  }
0xe3: {  	v5 =	vperm.xlane v4, v0;
	_ =	sdelay $0x1  }
0xe4: {  	v4 =	vperm.xlane v4, v2;
	v5 =	vadd.s32 v1, v5;
	_ =	sdelay $0x1  }
0xe5: {  	v4 =	vadd.s32 v1, v4;
	_ =	sdelay $0x1  }
0xe6: {  	s11 =	simm.s32 $0xB100  }
0xe7: {  	[tilespmem:s11], [sflag:$0x2] =	stream.indirect_vreg.gather [hbm4b:s2+s3], $0x80, v5, vm0, $0xb8;
	[tilespmem:$0x1D500] =	vst v63  }
0xe8: {  	s13 =	simm.s32 $0xD100  }
0xe9: {  	[tilespmem:s13], [sflag:$0x2] =	stream.indirect_vreg.gather [hbm4b:s2+s3], $0x80, v4, vm0, $0xb8;
	[tilespmem:$0x1D500] =	vst v63  }
0xea: {  	v4 =	vld [tilespmem:$0x1E90];
	_ =	sdelay $0x4  }
0xeb: {  	v5 =	vperm.xlane v4, v0;
	_ =	sdelay $0x1  }
0xec: {  	v4 =	vperm.xlane v4, v2;
	v5 =	vadd.s32 v1, v5;
	_ =	sdelay $0x1  }
0xed: {  	v4 =	vadd.s32 v1, v4;
	_ =	sdelay $0x1  }
0xee: {  	s14 =	simm.s32 $0xF100  }
0xef: {  	[tilespmem:s14], [sflag:$0x2] =	stream.indirect_vreg.gather [hbm4b:s2+s3], $0x80, v5, vm0, $0xb8;
	[tilespmem:$0x1D500] =	vst v63  }
0xf0: {  	s15 =	simm.s32 $0x11100  }
0xf1: {  	[tilespmem:s15], [sflag:$0x2] =	stream.indirect_vreg.gather [hbm4b:s2+s3], $0x80, v4, vm0, $0xb8;
	[tilespmem:$0x1D500] =	vst v63  }
0xf2: {  	v4 =	vld [tilespmem:$0x1F00];
	_ =	sdelay $0x4  }
0xf3: {  	v5 =	vperm.xlane v4, v0;
	_ =	sdelay $0x1  }
0xf4: {  	v4 =	vperm.xlane v4, v2;
	v5 =	vadd.s32 v1, v5;
	_ =	sdelay $0x1  }
0xf5: {  	v4 =	vadd.s32 v1, v4;
	_ =	sdelay $0x1  }
0xf6: {  	s17 =	simm.s32 $0xB500  }
0xf7: {  	[tilespmem:s17], [sflag:$0x2] =	stream.indirect_vreg.gather [hbm4b:s2+s3], $0x80, v5, vm0, $0xb8;
	[tilespmem:$0x1D500] =	vst v63  }
0xf8: {  	s18 =	simm.s32 $0xD500  }
0xf9: {  	[tilespmem:s18], [sflag:$0x2] =	stream.indirect_vreg.gather [hbm4b:s2+s3], $0x80, v4, vm0, $0xb8;
	[tilespmem:$0x1D500] =	vst v63  }
0xfa: {  	v4 =	vld [tilespmem:$0x1F10];
	_ =	sdelay $0x4  }
0xfb: {  	v5 =	vperm.xlane v4, v0;
	_ =	sdelay $0x1  }
0xfc: {  	v4 =	vperm.xlane v4, v2;
	v5 =	vadd.s32 v1, v5;
	_ =	sdelay $0x1  }
0xfd: {  	v4 =	vadd.s32 v1, v4;
	_ =	sdelay $0x1  }
0xfe: {  	s20 =	simm.s32 $0xF500  }
0xff: {  	[tilespmem:s20], [sflag:$0x2] =	stream.indirect_vreg.gather [hbm4b:s2+s3], $0x80, v5, vm0, $0xb8;
	[tilespmem:$0x1D500] =	vst v63  }
0x100: {  	s21 =	simm.s32 $0x11500  }
0x101: {  	[tilespmem:s21], [sflag:$0x2] =	stream.indirect_vreg.gather [hbm4b:s2+s3], $0x80, v4, vm0, $0xb8;
	[tilespmem:$0x1D500] =	vst v63  }
0x102: {  	v4 =	vld [tilespmem:$0x1F80];
	_ =	sdelay $0x4  }
0x103: {  	v5 =	vperm.xlane v4, v0;
	_ =	sdelay $0x1  }
0x104: {  	v4 =	vperm.xlane v4, v2;
	v5 =	vadd.s32 v1, v5;
	_ =	sdelay $0x1  }
0x105: {  	v4 =	vadd.s32 v1, v4;
	_ =	sdelay $0x1  }
0x106: {  	s22 =	simm.s32 $0xB900  }
0x107: {  	[tilespmem:s22], [sflag:$0x2] =	stream.indirect_vreg.gather [hbm4b:s2+s3], $0x80, v5, vm0, $0xb8;
	[tilespmem:$0x1D500] =	vst v63  }
0x108: {  	s10 =	simm.s32 $0xD900  }
0x109: {  	[tilespmem:s10], [sflag:$0x2] =	stream.indirect_vreg.gather [hbm4b:s2+s3], $0x80, v4, vm0, $0xb8;
	[tilespmem:$0x1D500] =	vst v63  }
0x10a: {  	v4 =	vld [tilespmem:$0x1F90];
	_ =	sdelay $0x4  }
0x10b: {  	v5 =	vperm.xlane v4, v0;
	_ =	sdelay $0x1  }
0x10c: {  	v4 =	vperm.xlane v4, v2;
	v5 =	vadd.s32 v1, v5;
	_ =	sdelay $0x1  }
0x10d: {  	v4 =	vadd.s32 v1, v4;
	_ =	sdelay $0x1  }
0x10e: {  	s11 =	simm.s32 $0xF900  }
0x10f: {  	[tilespmem:s11], [sflag:$0x2] =	stream.indirect_vreg.gather [hbm4b:s2+s3], $0x80, v5, vm0, $0xb8;
	[tilespmem:$0x1D500] =	vst v63  }
0x110: {  	s13 =	simm.s32 $0x11900  }
0x111: {  	[tilespmem:s13], [sflag:$0x2] =	stream.indirect_vreg.gather [hbm4b:s2+s3], $0x80, v4, vm0, $0xb8;
	[tilespmem:$0x1D500] =	vst v63  }
0x112: {  	v4 =	vld [tilespmem:$0x2000];
	_ =	sdelay $0x4  }
0x113: {  	v5 =	vperm.xlane v4, v0;
	_ =	sdelay $0x1  }
0x114: {  	v4 =	vperm.xlane v4, v2;
	v5 =	vadd.s32 v1, v5;
	_ =	sdelay $0x1  }
0x115: {  	v4 =	vadd.s32 v1, v4;
	_ =	sdelay $0x1  }
0x116: {  	s14 =	simm.s32 $0xBD00  }
0x117: {  	[tilespmem:s14], [sflag:$0x2] =	stream.indirect_vreg.gather [hbm4b:s2+s3], $0x80, v5, vm0, $0xb8;
	[tilespmem:$0x1D500] =	vst v63  }
0x118: {  	s15 =	simm.s32 $0xDD00  }
0x119: {  	[tilespmem:s15], [sflag:$0x2] =	stream.indirect_vreg.gather [hbm4b:s2+s3], $0x80, v4, vm0, $0xb8;
	[tilespmem:$0x1D500] =	vst v63  }
0x11a: {  	v4 =	vld [tilespmem:$0x2010];
	_ =	sdelay $0x4  }
0x11b: {  	v5 =	vperm.xlane v4, v0;
	_ =	sdelay $0x1  }
0x11c: {  	v4 =	vperm.xlane v4, v2;
	v5 =	vadd.s32 v1, v5;
	_ =	sdelay $0x1  }
0x11d: {  	v4 =	vadd.s32 v1, v4;
	_ =	sdelay $0x2  }
0x11e: {  	[tilespmem:s23], [sflag:$0x2] =	stream.indirect_vreg.gather [hbm4b:s2+s3], $0x80, v5, vm0, $0xb8;
	[tilespmem:$0x1D500] =	vst v63  }
0x11f: {  	_ = 	snop  }
0x120: {  	[tilespmem:s24], [sflag:$0x2] =	stream.indirect_vreg.gather [hbm4b:s2+s3], $0x80, v4, vm0, $0xb8;
	[tilespmem:$0x1D500] =	vst v63  }
0x121: {  	_ = 	snop  }
0x122: {  	[tilespmem:s26], [sflag:$0x2] =	stream.indirect.gather [hbm4b:s2+s16], $0x80, s25, s16, $0xb8;
	[tilespmem:$0x1D500] =	vst v63  }
0x123: {  	v4 =	vld [tilespmem:$0x40]  }
0x124: {  	v5 =	vld [tilespmem:$0x50];
	_ =	sdelay $0x3  }
0x125: {  	v6 =	vadd.s32 $0x8, v4  }
0x126: {  	[tilespmem:$0x2180] =	vst v6;
	v6 =	vadd.s32 $0x8, v5  }
0x127: {  	[tilespmem:$0x2190] =	vst v6;
	v6 =	vadd.s32 $0x10, v4  }
0x128: {  	[tilespmem:$0x2200] =	vst v6;
	v6 =	vadd.s32 $0x10, v5  }
0x129: {  	[tilespmem:$0x2210] =	vst v6;
	v6 =	vadd.s32 $0x18, v4  }
0x12a: {  	[tilespmem:$0x2280] =	vst v6;
	v6 =	vadd.s32 $0x18, v5  }
0x12b: {  	[tilespmem:$0x2290] =	vst v6;
	v6 =	vadd.s32 $0x20, v4  }
0x12c: {  	[tilespmem:$0x2300] =	vst v6;
	v6 =	vadd.s32 $0x20, v5  }
0x12d: {  	[tilespmem:$0x2310] =	vst v6;
	v6 =	vadd.s32 $0x28, v4  }
0x12e: {  	[tilespmem:$0x2380] =	vst v6;
	v6 =	vadd.s32 $0x28, v5  }
0x12f: {  	v7 =	vperm.xlane v4, v0;
	[tilespmem:$0x2390] =	vst v6;
	v6 =	vadd.s32 $0x30, v4  }
0x130: {  	[tilespmem:$0x2400] =	vst v6;
	v6 =	vadd.s32 $0x30, v5  }
0x131: {  	[tilespmem:$0x2410] =	vst v6;
	v6 =	vadd.s32 v1, v7;
	v7 =	vperm.xlane v4, v2  }
0x132: {  	[tilespmem:$0x2100] =	vst v4;
	v4 =	vadd.s32 $0x38, v4  }
0x133: {  	[tilespmem:$0x2480] =	vst v4;
	v4 =	vadd.s32 v1, v7  }
0x134: {  	[tilespmem:$0x2110] =	vst v5;
	v5 =	vadd.s32 $0x38, v5  }
0x135: {  	[tilespmem:$0x2490] =	vst v5  }
0x136: {  	[tilespmem:s28], [sflag:$0x3] =	stream.indirect_vreg.gather [hbm4b:s2+s3], $0x80, v6, vm0, $0xb8;
	[tilespmem:$0x1D500] =	vst v63  }
0x137: {  	s17 =	simm.s32 $0x14500  }
0x138: {  	[tilespmem:s17], [sflag:$0x3] =	stream.indirect_vreg.gather [hbm4b:s2+s3], $0x80, v4, vm0, $0xb8;
	[tilespmem:$0x1D500] =	vst v63  }
0x139: {  	v4 =	vld [tilespmem:$0x2110];
	_ =	sdelay $0x4  }
0x13a: {  	v5 =	vperm.xlane v4, v0;
	_ =	sdelay $0x1  }
0x13b: {  	v4 =	vperm.xlane v4, v2;
	v5 =	vadd.s32 v1, v5;
	_ =	sdelay $0x1  }
0x13c: {  	v4 =	vadd.s32 v1, v4;
	_ =	sdelay $0x1  }
0x13d: {  	s18 =	simm.s32 $0x16500  }
0x13e: {  	[tilespmem:s18], [sflag:$0x3] =	stream.indirect_vreg.gather [hbm4b:s2+s3], $0x80, v5, vm0, $0xb8;
	[tilespmem:$0x1D500] =	vst v63  }
0x13f: {  	s20 =	simm.s32 $0x18500  }
0x140: {  	[tilespmem:s20], [sflag:$0x3] =	stream.indirect_vreg.gather [hbm4b:s2+s3], $0x80, v4, vm0, $0xb8;
	[tilespmem:$0x1D500] =	vst v63  }
0x141: {  	v4 =	vld [tilespmem:$0x2180];
	_ =	sdelay $0x4  }
0x142: {  	v5 =	vperm.xlane v4, v0;
	_ =	sdelay $0x1  }
0x143: {  	v4 =	vperm.xlane v4, v2;
	v5 =	vadd.s32 v1, v5;
	_ =	sdelay $0x1  }
0x144: {  	v4 =	vadd.s32 v1, v4;
	_ =	sdelay $0x1  }
0x145: {  	s21 =	simm.s32 $0x12900  }
0x146: {  	[tilespmem:s21], [sflag:$0x3] =	stream.indirect_vreg.gather [hbm4b:s2+s3], $0x80, v5, vm0, $0xb8;
	[tilespmem:$0x1D500] =	vst v63  }
0x147: {  	s22 =	simm.s32 $0x14900  }
0x148: {  	[tilespmem:s22], [sflag:$0x3] =	stream.indirect_vreg.gather [hbm4b:s2+s3], $0x80, v4, vm0, $0xb8;
	[tilespmem:$0x1D500] =	vst v63  }
0x149: {  	v4 =	vld [tilespmem:$0x2190];
	_ =	sdelay $0x4  }
0x14a: {  	v5 =	vperm.xlane v4, v0;
	_ =	sdelay $0x1  }
0x14b: {  	v4 =	vperm.xlane v4, v2;
	v5 =	vadd.s32 v1, v5;
	_ =	sdelay $0x1  }
0x14c: {  	v4 =	vadd.s32 v1, v4;
	_ =	sdelay $0x1  }
0x14d: {  	s10 =	simm.s32 $0x16900  }
0x14e: {  	[tilespmem:s10], [sflag:$0x3] =	stream.indirect_vreg.gather [hbm4b:s2+s3], $0x80, v5, vm0, $0xb8;
	[tilespmem:$0x1D500] =	vst v63  }
0x14f: {  	s11 =	simm.s32 $0x18900  }
0x150: {  	[tilespmem:s11], [sflag:$0x3] =	stream.indirect_vreg.gather [hbm4b:s2+s3], $0x80, v4, vm0, $0xb8;
	[tilespmem:$0x1D500] =	vst v63  }
0x151: {  	v4 =	vld [tilespmem:$0x2200];
	_ =	sdelay $0x4  }
0x152: {  	v5 =	vperm.xlane v4, v0;
	_ =	sdelay $0x1  }
0x153: {  	v4 =	vperm.xlane v4, v2;
	v5 =	vadd.s32 v1, v5;
	_ =	sdelay $0x1  }
0x154: {  	v4 =	vadd.s32 v1, v4;
	_ =	sdelay $0x1  }
0x155: {  	s13 =	simm.s32 $0x12D00  }
0x156: {  	[tilespmem:s13], [sflag:$0x3] =	stream.indirect_vreg.gather [hbm4b:s2+s3], $0x80, v5, vm0, $0xb8;
	[tilespmem:$0x1D500] =	vst v63  }
0x157: {  	s14 =	simm.s32 $0x14D00  }
0x158: {  	[tilespmem:s14], [sflag:$0x3] =	stream.indirect_vreg.gather [hbm4b:s2+s3], $0x80, v4, vm0, $0xb8;
	[tilespmem:$0x1D500] =	vst v63  }
0x159: {  	v4 =	vld [tilespmem:$0x2210];
	_ =	sdelay $0x4  }
0x15a: {  	v5 =	vperm.xlane v4, v0;
	_ =	sdelay $0x1  }
0x15b: {  	v4 =	vperm.xlane v4, v2;
	v5 =	vadd.s32 v1, v5;
	_ =	sdelay $0x1  }
0x15c: {  	v4 =	vadd.s32 v1, v4;
	_ =	sdelay $0x1  }
0x15d: {  	s15 =	simm.s32 $0x16D00  }
0x15e: {  	[tilespmem:s15], [sflag:$0x3] =	stream.indirect_vreg.gather [hbm4b:s2+s3], $0x80, v5, vm0, $0xb8;
	[tilespmem:$0x1D500] =	vst v63  }
0x15f: {  	s17 =	simm.s32 $0x18D00  }
0x160: {  	[tilespmem:s17], [sflag:$0x3] =	stream.indirect_vreg.gather [hbm4b:s2+s3], $0x80, v4, vm0, $0xb8;
	[tilespmem:$0x1D500] =	vst v63  }
0x161: {  	v4 =	vld [tilespmem:$0x2280];
	_ =	sdelay $0x4  }
0x162: {  	v5 =	vperm.xlane v4, v0;
	_ =	sdelay $0x1  }
0x163: {  	v4 =	vperm.xlane v4, v2;
	v5 =	vadd.s32 v1, v5;
	_ =	sdelay $0x1  }
0x164: {  	v4 =	vadd.s32 v1, v4;
	_ =	sdelay $0x1  }
0x165: {  	s18 =	simm.s32 $0x13100  }
0x166: {  	[tilespmem:s18], [sflag:$0x3] =	stream.indirect_vreg.gather [hbm4b:s2+s3], $0x80, v5, vm0, $0xb8;
	[tilespmem:$0x1D500] =	vst v63  }
0x167: {  	s20 =	simm.s32 $0x15100  }
0x168: {  	[tilespmem:s20], [sflag:$0x3] =	stream.indirect_vreg.gather [hbm4b:s2+s3], $0x80, v4, vm0, $0xb8;
	[tilespmem:$0x1D500] =	vst v63  }
0x169: {  	v4 =	vld [tilespmem:$0x2290];
	_ =	sdelay $0x4  }
0x16a: {  	v5 =	vperm.xlane v4, v0;
	_ =	sdelay $0x1  }
0x16b: {  	v4 =	vperm.xlane v4, v2;
	v5 =	vadd.s32 v1, v5;
	_ =	sdelay $0x1  }
0x16c: {  	v4 =	vadd.s32 v1, v4;
	_ =	sdelay $0x1  }
0x16d: {  	s21 =	simm.s32 $0x17100  }
0x16e: {  	[tilespmem:s21], [sflag:$0x3] =	stream.indirect_vreg.gather [hbm4b:s2+s3], $0x80, v5, vm0, $0xb8;
	[tilespmem:$0x1D500] =	vst v63  }
0x16f: {  	s22 =	simm.s32 $0x19100  }
0x170: {  	[tilespmem:s22], [sflag:$0x3] =	stream.indirect_vreg.gather [hbm4b:s2+s3], $0x80, v4, vm0, $0xb8;
	[tilespmem:$0x1D500] =	vst v63  }
0x171: {  	v4 =	vld [tilespmem:$0x2300];
	_ =	sdelay $0x4  }
0x172: {  	v5 =	vperm.xlane v4, v0;
	_ =	sdelay $0x1  }
0x173: {  	v4 =	vperm.xlane v4, v2;
	v5 =	vadd.s32 v1, v5;
	_ =	sdelay $0x1  }
0x174: {  	v4 =	vadd.s32 v1, v4;
	_ =	sdelay $0x1  }
0x175: {  	s10 =	simm.s32 $0x13500  }
0x176: {  	[tilespmem:s10], [sflag:$0x3] =	stream.indirect_vreg.gather [hbm4b:s2+s3], $0x80, v5, vm0, $0xb8;
	[tilespmem:$0x1D500] =	vst v63  }
0x177: {  	s11 =	simm.s32 $0x15500  }
0x178: {  	[tilespmem:s11], [sflag:$0x3] =	stream.indirect_vreg.gather [hbm4b:s2+s3], $0x80, v4, vm0, $0xb8;
	[tilespmem:$0x1D500] =	vst v63  }
0x179: {  	v4 =	vld [tilespmem:$0x2310];
	_ =	sdelay $0x4  }
0x17a: {  	v5 =	vperm.xlane v4, v0;
	_ =	sdelay $0x1  }
0x17b: {  	v4 =	vperm.xlane v4, v2;
	v5 =	vadd.s32 v1, v5;
	_ =	sdelay $0x1  }
0x17c: {  	v4 =	vadd.s32 v1, v4;
	_ =	sdelay $0x1  }
0x17d: {  	s13 =	simm.s32 $0x17500  }
0x17e: {  	[tilespmem:s13], [sflag:$0x3] =	stream.indirect_vreg.gather [hbm4b:s2+s3], $0x80, v5, vm0, $0xb8;
	[tilespmem:$0x1D500] =	vst v63  }
0x17f: {  	s14 =	simm.s32 $0x19500  }
0x180: {  	[tilespmem:s14], [sflag:$0x3] =	stream.indirect_vreg.gather [hbm4b:s2+s3], $0x80, v4, vm0, $0xb8;
	[tilespmem:$0x1D500] =	vst v63  }
0x181: {  	v4 =	vld [tilespmem:$0x2380];
	_ =	sdelay $0x4  }
0x182: {  	v5 =	vperm.xlane v4, v0;
	_ =	sdelay $0x1  }
0x183: {  	v4 =	vperm.xlane v4, v2;
	v5 =	vadd.s32 v1, v5;
	_ =	sdelay $0x1  }
0x184: {  	v4 =	vadd.s32 v1, v4;
	_ =	sdelay $0x1  }
0x185: {  	s15 =	simm.s32 $0x13900  }
0x186: {  	[tilespmem:s15], [sflag:$0x3] =	stream.indirect_vreg.gather [hbm4b:s2+s3], $0x80, v5, vm0, $0xb8;
	[tilespmem:$0x1D500] =	vst v63  }
0x187: {  	s17 =	simm.s32 $0x15900  }
0x188: {  	[tilespmem:s17], [sflag:$0x3] =	stream.indirect_vreg.gather [hbm4b:s2+s3], $0x80, v4, vm0, $0xb8;
	[tilespmem:$0x1D500] =	vst v63  }
0x189: {  	v4 =	vld [tilespmem:$0x2390];
	_ =	sdelay $0x4  }
0x18a: {  	v5 =	vperm.xlane v4, v0;
	_ =	sdelay $0x1  }
0x18b: {  	v4 =	vperm.xlane v4, v2;
	v5 =	vadd.s32 v1, v5;
	_ =	sdelay $0x1  }
0x18c: {  	v4 =	vadd.s32 v1, v4;
	_ =	sdelay $0x1  }
0x18d: {  	s18 =	simm.s32 $0x17900  }
0x18e: {  	[tilespmem:s18], [sflag:$0x3] =	stream.indirect_vreg.gather [hbm4b:s2+s3], $0x80, v5, vm0, $0xb8;
	[tilespmem:$0x1D500] =	vst v63  }
0x18f: {  	s20 =	simm.s32 $0x19900  }
0x190: {  	[tilespmem:s20], [sflag:$0x3] =	stream.indirect_vreg.gather [hbm4b:s2+s3], $0x80, v4, vm0, $0xb8;
	[tilespmem:$0x1D500] =	vst v63  }
0x191: {  	v4 =	vld [tilespmem:$0x2400];
	_ =	sdelay $0x4  }
0x192: {  	v5 =	vperm.xlane v4, v0;
	_ =	sdelay $0x1  }
0x193: {  	v4 =	vperm.xlane v4, v2;
	v5 =	vadd.s32 v1, v5;
	_ =	sdelay $0x1  }
0x194: {  	v4 =	vadd.s32 v1, v4;
	_ =	sdelay $0x1  }
0x195: {  	s21 =	simm.s32 $0x13D00  }
0x196: {  	[tilespmem:s21], [sflag:$0x3] =	stream.indirect_vreg.gather [hbm4b:s2+s3], $0x80, v5, vm0, $0xb8;
	[tilespmem:$0x1D500] =	vst v63  }
0x197: {  	s22 =	simm.s32 $0x15D00  }
0x198: {  	[tilespmem:s22], [sflag:$0x3] =	stream.indirect_vreg.gather [hbm4b:s2+s3], $0x80, v4, vm0, $0xb8;
	[tilespmem:$0x1D500] =	vst v63  }
0x199: {  	v4 =	vld [tilespmem:$0x2410];
	_ =	sdelay $0x4  }
0x19a: {  	v5 =	vperm.xlane v4, v0;
	_ =	sdelay $0x1  }
0x19b: {  	v4 =	vperm.xlane v4, v2;
	v5 =	vadd.s32 v1, v5;
	_ =	sdelay $0x1  }
0x19c: {  	v4 =	vadd.s32 v1, v4;
	_ =	sdelay $0x1  }
0x19d: {  	s10 =	simm.s32 $0x17D00  }
0x19e: {  	[tilespmem:s10], [sflag:$0x3] =	stream.indirect_vreg.gather [hbm4b:s2+s3], $0x80, v5, vm0, $0xb8;
	[tilespmem:$0x1D500] =	vst v63  }
0x19f: {  	s11 =	simm.s32 $0x19D00  }
0x1a0: {  	[tilespmem:s11], [sflag:$0x3] =	stream.indirect_vreg.gather [hbm4b:s2+s3], $0x80, v4, vm0, $0xb8;
	[tilespmem:$0x1D500] =	vst v63  }
0x1a1: {  	s13 =	simm.s32 $0x2480;
	s14 =	simm.s32 $0x1C500  }
0x1a2: {  	[tilespmem:s14], [sflag:$0x3] =	stream.indirect.gather [hbm4b:s2+s16], $0x80, s13, s16, $0xb8;
	[tilespmem:$0x1D500] =	vst v63  }
0x1a3: {  	_ =	swait.ge [sflag:s29], $0x1000  }
0x1a4: {  	[sflag:s29] =	ssyncset.done $0x0  }
0x1a5: {  	[sflag:s29] =	ssyncadd.s32 $0xFFFFF000  }
0x1a6: {  	_ =	swait.ge [sflag:s29], $0x1000  }
0x1a7: {  	[sflag:s29] =	ssyncset.done $0x0  }
0x1a8: {  	[sflag:s29] =	ssyncadd.s32 $0xFFFFF000  }
0x1a9: {  	_ =	swait.ge [sflag:s29], $0x1000  }
0x1aa: {  	[sflag:s29] =	ssyncset.done $0x0  }
0x1ab: {  	[sflag:s29] =	ssyncadd.s32 $0xFFFFF000  }
0x1ac: {  	_ =	swait.ge [sflag:s29], $0x1000  }
0x1ad: {  	[sflag:s29] =	ssyncset.done $0x0  }
0x1ae: {  	[sflag:s29] =	ssyncadd.s32 $0xFFFFF000  }
0x1af: {  	_ =	swait.ge [sflag:s29], $0x1000  }
0x1b0: {  	[sflag:s29] =	ssyncset.done $0x0  }
0x1b1: {  	[sflag:s29] =	ssyncadd.s32 $0xFFFFF000  }
0x1b2: {  	_ =	swait.ge [sflag:s29], $0x1000  }
0x1b3: {  	[sflag:s29] =	ssyncset.done $0x0  }
0x1b4: {  	[sflag:s29] =	ssyncadd.s32 $0xFFFFF000  }
0x1b5: {  	_ =	swait.ge [sflag:s29], $0x1000  }
0x1b6: {  	[sflag:s29] =	ssyncset.done $0x0  }
0x1b7: {  	[sflag:s29] =	ssyncadd.s32 $0xFFFFF000  }
0x1b8: {  	_ =	swait.ge [sflag:s29], $0x1000  }
0x1b9: {  	[sflag:s29] =	ssyncset.done $0x0  }
0x1ba: {  	s15 =	simm.s32 $0x1A530;
	[sflag:s29] =	ssyncadd.s32 $0xFFFFF000  }
0x1bb: {  	v4 =	vld [tilespmem:s15+$0xFFFFFFD0]  }
0x1bc: {  	s17 =	sand.u32 $0x7, s3  }
0x1bd: {  	s10 =	sshll.u32 s17, $0x7  }
0x1be: {  	s10 =	sadd.s32 $0x0, s10  }
0x1bf: {  	s11 =	sor.u32 $0x1C00, s10  }
0x1c0: {  	[tilespmem:s11+$0x2500] =	vst v4  }
0x1c1: {  	v4 =	vld [tilespmem:s15+$0xFFFFFFE0];
	_ =	sdelay $0x3  }
0x1c2: {  	s18 =	sor.u32 $0x1C10, s10  }
0x1c3: {  	[tilespmem:s18+$0x2500] =	vst v4  }
0x1c4: {  	v4 =	vld [tilespmem:s15+$0xFFFFFFF0];
	_ =	sdelay $0x3  }
0x1c5: {  	s20 =	sor.u32 $0x1C20, s10  }
0x1c6: {  	[tilespmem:s20+$0x2500] =	vst v4  }
0x1c7: {  	v4 =	vld [tilespmem:s15+$0x0];
	_ =	sdelay $0x3  }
0x1c8: {  	s21 =	sor.u32 $0x1C30, s10  }
0x1c9: {  	[tilespmem:s21+$0x2500] =	vst v4  }
0x1ca: {  	v4 =	vld [tilespmem:s15+$0x10];
	_ =	sdelay $0x3  }
0x1cb: {  	s22 =	sor.u32 $0x1C40, s10  }
0x1cc: {  	[tilespmem:s22+$0x2500] =	vst v4  }
0x1cd: {  	v4 =	vld [tilespmem:s15+$0x20];
	_ =	sdelay $0x1  }
0x1ce: {  	v5 =	vmov s3  }
0x1cf: {  	v6 =	vshll.u32 v5, $0x7  }
0x1d0: {  	v5 =	vshll.u32 v5, $0xA;
	s10 =	sor.u32 $0x1C50, s10;
	v6 =	vand.u32 $0x380, v6  }
0x1d1: {  	[tilespmem:s10+$0x2500] =	vst v4;
	v4 =	vor.u32 v6, v5  }
0x1d2: {  	v5 =	vld [tilespmem:s15+$0x30];
	v4 =	vor.u32 v3, v4;
	_ =	sdelay $0x4  }
0x1d3: {  	s7 =	simm.s32 $0x1A5B0;
	s14 =	simm.s32 $0x2;
	[tilespmem:v4+s12+$0x0] =	vst.idx.msk $0xff, v5  }
0x1d4: {  	s13 =	simm.s32 $0x0;
	s11 =	simm.s32 $0x1;
	s10 =	simm.s32 $0x1;
	v4 =	vld [tilespmem:s7+$0xFFFFFFD0]  }
.LBB2_2:
0x1d5: {  	p0 =	sne.s32 s14, $0x1F;
	s15 =	sand.u32 $0x7, s11  }
0x1d6: {  	s13 =	sadd.s32 $0x400, s13;
	s15 =	sshll.u32 s15, $0x7  }
0x1d7: {  	s15 =	sadd.s32 s15, s13  }
0x1d8: {  	s17 =	sor.u32 $0x1C00, s15  }
0x1d9: {  	[tilespmem:s17+$0x2500] =	vst v4  }
0x1da: {  	v4 =	vld [tilespmem:s7+$0xFFFFFFE0];
	_ =	sdelay $0x3  }
0x1db: {  	s17 =	sor.u32 $0x1C10, s15  }
0x1dc: {  	[tilespmem:s17+$0x2500] =	vst v4  }
0x1dd: {  	v4 =	vld [tilespmem:s7+$0xFFFFFFF0];
	_ =	sdelay $0x3  }
0x1de: {  	s17 =	sor.u32 $0x1C20, s15  }
0x1df: {  	[tilespmem:s17+$0x2500] =	vst v4  }
0x1e0: {  	v4 =	vld [tilespmem:s7+$0x0];
	_ =	sdelay $0x3  }
0x1e1: {  	s17 =	sor.u32 $0x1C30, s15  }
0x1e2: {  	[tilespmem:s17+$0x2500] =	vst v4  }
0x1e3: {  	v4 =	vld [tilespmem:s7+$0x10];
	_ =	sdelay $0x3  }
0x1e4: {  	s17 =	sor.u32 $0x1C40, s15  }
0x1e5: {  	[tilespmem:s17+$0x2500] =	vst v4  }
0x1e6: {  	v4 =	vld [tilespmem:s7+$0x20];
	_ =	sdelay $0x1  }
0x1e7: {  	v5 =	vmov s10;
	s10 =	smov.u32 s14  }
0x1e8: {  	v6 =	vshll.u32 v5, $0x7  }
0x1e9: {  	v5 =	vshll.u32 v5, $0xA;
	v6 =	vand.u32 $0x380, v6;
	s15 =	sor.u32 $0x1C50, s15  }
0x1ea: {  	[tilespmem:s15+$0x2500] =	vst v4;
	v4 =	vor.u32 v6, v5  }
0x1eb: {  	v5 =	vld [tilespmem:s7+$0x30];
	v4 =	vor.u32 v3, v4;
	_ =	sdelay $0x1  }
.Ltmp2:
0x1ec: {  	(pc) =	sbr.rel @p0 .LBB2_2-.Ltmp2, $3  }
0x1ed: {  	_ =	sdelay $0x1  }
0x1ee: {  	s7 =	sadd.s32 $0x80, s7;
	[tilespmem:v4+s12+$0x0] =	vst.idx.msk $0xff, v5  }
0x1ef: {  	s14 =	sadd.s32 $0x1, s14;
	s11 =	sadd.s32 $0x1, s11;
	v4 =	vld [tilespmem:s7+$0xFFFFFFD0]  }
0x1f0: {  	s11 =	sand.u32 $0x7, s11  }
0x1f1: {  	s13 =	sadd.s32 $0x400, s13;
	s11 =	sshll.u32 s11, $0x7  }
0x1f2: {  	s11 =	sadd.s32 s11, s13  }
0x1f3: {  	s13 =	sor.u32 $0x1C00, s11  }
0x1f4: {  	[tilespmem:s13+$0x2500] =	vst v4  }
0x1f5: {  	v4 =	vld [tilespmem:s7+$0xFFFFFFE0];
	_ =	sdelay $0x3  }
0x1f6: {  	s15 =	sor.u32 $0x1C10, s11  }
0x1f7: {  	[tilespmem:s15+$0x2500] =	vst v4  }
0x1f8: {  	v4 =	vld [tilespmem:s7+$0xFFFFFFF0];
	_ =	sdelay $0x3  }
0x1f9: {  	s17 =	sor.u32 $0x1C20, s11  }
0x1fa: {  	[tilespmem:s17+$0x2500] =	vst v4  }
0x1fb: {  	v4 =	vld [tilespmem:s7+$0x0];
	_ =	sdelay $0x3  }
0x1fc: {  	s18 =	sor.u32 $0x1C30, s11  }
0x1fd: {  	[tilespmem:s18+$0x2500] =	vst v4  }
0x1fe: {  	v4 =	vld [tilespmem:s7+$0x10];
	_ =	sdelay $0x3  }
0x1ff: {  	s20 =	sor.u32 $0x1C40, s11  }
0x200: {  	[tilespmem:s20+$0x2500] =	vst v4  }
0x201: {  	v4 =	vld [tilespmem:s7+$0x20];
	_ =	sdelay $0x1  }
0x202: {  	v5 =	vmov s10  }
0x203: {  	v6 =	vshll.u32 v5, $0x7  }
0x204: {  	v5 =	vshll.u32 v5, $0xA;
	v6 =	vand.u32 $0x380, v6;
	s21 =	sor.u32 $0x1C50, s11  }
0x205: {  	[tilespmem:s21+$0x2500] =	vst v4;
	v4 =	vor.u32 v6, v5  }
0x206: {  	v5 =	vld [tilespmem:s7+$0x30];
	v4 =	vor.u32 v3, v4;
	_ =	sdelay $0x4  }
0x207: {  	s22 =	rddreg [dreg:$0x4];
	s7 =	simm.s32 $0x0;
	[tilespmem:v4+s12+$0x0] =	vst.idx.msk $0xff, v5  }
0x208: {  	[hbm4b:s22+s7] =	stream.linear.scatter [tilespmem:s12], [sflag:$0x4], $0x8000, $0x38;
	[tilespmem:$0x1D500] =	vst v63  }
.LBB2_4:
0x209: {  	p0 =	seq.s32 s7, $0x42  }
.Ltmp3:
0x20a: {  	_ = 	snop;
	(pc) =	sbr.rel @p0 .LBB2_6-.Ltmp3, $3  }
0x20b: {  	_ = 	snop  }
0x20c: {  	s10 =	smul.u32 $0x3, s7;
	_ =	sdelay $0x1  }
0x20d: {  	s10 =	sadd.s32 $0x3, s10  }
0x20e: {  	_ =	swait.ge [sflag:s1], $0x8000  }
0x20f: {  	s11 =	sshll.u32 s10, $0x5;
	[sflag:s1] =	ssyncset.done $0x0  }
0x210: {  	s11 =	sand.u32 $0x3FFFFFE0, s11;
	[sflag:s1] =	ssyncadd.s32 $0xFFFF8000  }
0x211: {  	v4 =	vld [tilespmem:s11+$0x0]  }
0x212: {  	v5 =	vld [tilespmem:s11+$0x10];
	_ =	sdelay $0x3  }
0x213: {  	[tilespmem:$0x1900] =	vst v4  }
0x214: {  	v6 =	vadd.s32 $0x8, v4;
	[tilespmem:$0x1910] =	vst v5  }
0x215: {  	v51 =	vadd.s32 $0x8, v5;
	[tilespmem:$0x1980] =	vst v6  }
0x216: {  	v52 =	vadd.s32 $0x10, v4;
	[tilespmem:$0x1990] =	vst v51  }
0x217: {  	v53 =	vadd.s32 $0x10, v5;
	[tilespmem:$0x1A00] =	vst v52  }
0x218: {  	v54 =	vadd.s32 $0x18, v4;
	[tilespmem:$0x1A10] =	vst v53  }
0x219: {  	v55 =	vadd.s32 $0x18, v5;
	[tilespmem:$0x1A80] =	vst v54  }
0x21a: {  	v56 =	vadd.s32 $0x20, v4;
	[tilespmem:$0x1A90] =	vst v55  }
0x21b: {  	v57 =	vadd.s32 $0x20, v5;
	[tilespmem:$0x1B00] =	vst v56  }
0x21c: {  	v58 =	vadd.s32 $0x28, v4;
	v7 =	vperm.xlane v4, v0;
	[tilespmem:$0x1B10] =	vst v57  }
0x21d: {  	v59 =	vadd.s32 $0x28, v5;
	[tilespmem:$0x1B80] =	vst v58  }
0x21e: {  	v60 =	vadd.s32 $0x30, v4;
	v63 =	vperm.xlane v4, v2;
	[tilespmem:$0x1B90] =	vst v59;
	v62 =	vadd.s32 v1, v7  }
0x21f: {  	v4 =	vadd.s32 $0x38, v4;
	[tilespmem:$0x1C00] =	vst v60  }
0x220: {  	v61 =	vadd.s32 $0x30, v5;
	[tilespmem:$0x1C80] =	vst v4;
	v4 =	vadd.s32 v1, v63  }
0x221: {  	v5 =	vadd.s32 $0x38, v5;
	[tilespmem:$0x1C10] =	vst v61  }
0x222: {  	[tilespmem:$0x1C90] =	vst v5  }
0x223: {  	[tilespmem:s12], [sflag:$0x1] =	stream.indirect_vreg.gather [hbm4b:s2+s3], $0x80, v62, vm0, $0xb8;
	[tilespmem:$0x1D500] =	vst v63  }
0x224: {  	s18 =	simm.s32 $0x4500  }
0x225: {  	[tilespmem:s18], [sflag:$0x1] =	stream.indirect_vreg.gather [hbm4b:s2+s3], $0x80, v4, vm0, $0xb8;
	[tilespmem:$0x1D500] =	vst v63  }
0x226: {  	v4 =	vld [tilespmem:$0x1910];
	_ =	sdelay $0x4  }
0x227: {  	v5 =	vperm.xlane v4, v0;
	_ =	sdelay $0x1  }
0x228: {  	v4 =	vperm.xlane v4, v2;
	v5 =	vadd.s32 v1, v5;
	_ =	sdelay $0x1  }
0x229: {  	v4 =	vadd.s32 v1, v4;
	_ =	sdelay $0x1  }
0x22a: {  	s20 =	simm.s32 $0x6500  }
0x22b: {  	[tilespmem:s20], [sflag:$0x1] =	stream.indirect_vreg.gather [hbm4b:s2+s3], $0x80, v5, vm0, $0xb8;
	[tilespmem:$0x1D500] =	vst v63  }
0x22c: {  	s21 =	simm.s32 $0x8500  }
0x22d: {  	[tilespmem:s21], [sflag:$0x1] =	stream.indirect_vreg.gather [hbm4b:s2+s3], $0x80, v4, vm0, $0xb8;
	[tilespmem:$0x1D500] =	vst v63  }
0x22e: {  	v4 =	vld [tilespmem:$0x1980];
	_ =	sdelay $0x4  }
0x22f: {  	v5 =	vperm.xlane v4, v0;
	_ =	sdelay $0x1  }
0x230: {  	v4 =	vperm.xlane v4, v2;
	v5 =	vadd.s32 v1, v5;
	_ =	sdelay $0x1  }
0x231: {  	v4 =	vadd.s32 v1, v4;
	_ =	sdelay $0x1  }
0x232: {  	s22 =	simm.s32 $0x2900  }
0x233: {  	[tilespmem:s22], [sflag:$0x1] =	stream.indirect_vreg.gather [hbm4b:s2+s3], $0x80, v5, vm0, $0xb8;
	[tilespmem:$0x1D500] =	vst v63  }
0x234: {  	s13 =	simm.s32 $0x4900  }
0x235: {  	[tilespmem:s13], [sflag:$0x1] =	stream.indirect_vreg.gather [hbm4b:s2+s3], $0x80, v4, vm0, $0xb8;
	[tilespmem:$0x1D500] =	vst v63  }
0x236: {  	v4 =	vld [tilespmem:$0x1990];
	_ =	sdelay $0x4  }
0x237: {  	v5 =	vperm.xlane v4, v0;
	_ =	sdelay $0x1  }
0x238: {  	v4 =	vperm.xlane v4, v2;
	v5 =	vadd.s32 v1, v5;
	_ =	sdelay $0x1  }
0x239: {  	v4 =	vadd.s32 v1, v4;
	_ =	sdelay $0x1  }
0x23a: {  	s14 =	simm.s32 $0x6900  }
0x23b: {  	[tilespmem:s14], [sflag:$0x1] =	stream.indirect_vreg.gather [hbm4b:s2+s3], $0x80, v5, vm0, $0xb8;
	[tilespmem:$0x1D500] =	vst v63  }
0x23c: {  	s15 =	simm.s32 $0x8900  }
0x23d: {  	[tilespmem:s15], [sflag:$0x1] =	stream.indirect_vreg.gather [hbm4b:s2+s3], $0x80, v4, vm0, $0xb8;
	[tilespmem:$0x1D500] =	vst v63  }
0x23e: {  	v4 =	vld [tilespmem:$0x1A00];
	_ =	sdelay $0x4  }
0x23f: {  	v5 =	vperm.xlane v4, v0;
	_ =	sdelay $0x1  }
0x240: {  	v4 =	vperm.xlane v4, v2;
	v5 =	vadd.s32 v1, v5;
	_ =	sdelay $0x1  }
0x241: {  	v4 =	vadd.s32 v1, v4;
	_ =	sdelay $0x1  }
0x242: {  	s17 =	simm.s32 $0x2D00  }
0x243: {  	[tilespmem:s17], [sflag:$0x1] =	stream.indirect_vreg.gather [hbm4b:s2+s3], $0x80, v5, vm0, $0xb8;
	[tilespmem:$0x1D500] =	vst v63  }
0x244: {  	s18 =	simm.s32 $0x4D00  }
0x245: {  	[tilespmem:s18], [sflag:$0x1] =	stream.indirect_vreg.gather [hbm4b:s2+s3], $0x80, v4, vm0, $0xb8;
	[tilespmem:$0x1D500] =	vst v63  }
0x246: {  	v4 =	vld [tilespmem:$0x1A10];
	_ =	sdelay $0x4  }
0x247: {  	v5 =	vperm.xlane v4, v0;
	_ =	sdelay $0x1  }
0x248: {  	v4 =	vperm.xlane v4, v2;
	v5 =	vadd.s32 v1, v5;
	_ =	sdelay $0x1  }
0x249: {  	v4 =	vadd.s32 v1, v4;
	_ =	sdelay $0x1  }
0x24a: {  	s20 =	simm.s32 $0x6D00  }
0x24b: {  	[tilespmem:s20], [sflag:$0x1] =	stream.indirect_vreg.gather [hbm4b:s2+s3], $0x80, v5, vm0, $0xb8;
	[tilespmem:$0x1D500] =	vst v63  }
0x24c: {  	s21 =	simm.s32 $0x8D00  }
0x24d: {  	[tilespmem:s21], [sflag:$0x1] =	stream.indirect_vreg.gather [hbm4b:s2+s3], $0x80, v4, vm0, $0xb8;
	[tilespmem:$0x1D500] =	vst v63  }
0x24e: {  	v4 =	vld [tilespmem:$0x1A80];
	_ =	sdelay $0x4  }
0x24f: {  	v5 =	vperm.xlane v4, v0;
	_ =	sdelay $0x1  }
0x250: {  	v4 =	vperm.xlane v4, v2;
	v5 =	vadd.s32 v1, v5;
	_ =	sdelay $0x1  }
0x251: {  	v4 =	vadd.s32 v1, v4;
	_ =	sdelay $0x1  }
0x252: {  	s22 =	simm.s32 $0x3100  }
0x253: {  	[tilespmem:s22], [sflag:$0x1] =	stream.indirect_vreg.gather [hbm4b:s2+s3], $0x80, v5, vm0, $0xb8;
	[tilespmem:$0x1D500] =	vst v63  }
0x254: {  	s13 =	simm.s32 $0x5100  }
0x255: {  	[tilespmem:s13], [sflag:$0x1] =	stream.indirect_vreg.gather [hbm4b:s2+s3], $0x80, v4, vm0, $0xb8;
	[tilespmem:$0x1D500] =	vst v63  }
0x256: {  	v4 =	vld [tilespmem:$0x1A90];
	_ =	sdelay $0x4  }
0x257: {  	v5 =	vperm.xlane v4, v0;
	_ =	sdelay $0x1  }
0x258: {  	v4 =	vperm.xlane v4, v2;
	v5 =	vadd.s32 v1, v5;
	_ =	sdelay $0x1  }
0x259: {  	v4 =	vadd.s32 v1, v4;
	_ =	sdelay $0x1  }
0x25a: {  	s14 =	simm.s32 $0x7100  }
0x25b: {  	[tilespmem:s14], [sflag:$0x1] =	stream.indirect_vreg.gather [hbm4b:s2+s3], $0x80, v5, vm0, $0xb8;
	[tilespmem:$0x1D500] =	vst v63  }
0x25c: {  	s15 =	simm.s32 $0x9100  }
0x25d: {  	[tilespmem:s15], [sflag:$0x1] =	stream.indirect_vreg.gather [hbm4b:s2+s3], $0x80, v4, vm0, $0xb8;
	[tilespmem:$0x1D500] =	vst v63  }
0x25e: {  	v4 =	vld [tilespmem:$0x1B00];
	_ =	sdelay $0x4  }
0x25f: {  	v5 =	vperm.xlane v4, v0;
	_ =	sdelay $0x1  }
0x260: {  	v4 =	vperm.xlane v4, v2;
	v5 =	vadd.s32 v1, v5;
	_ =	sdelay $0x1  }
0x261: {  	v4 =	vadd.s32 v1, v4;
	_ =	sdelay $0x1  }
0x262: {  	s17 =	simm.s32 $0x3500  }
0x263: {  	[tilespmem:s17], [sflag:$0x1] =	stream.indirect_vreg.gather [hbm4b:s2+s3], $0x80, v5, vm0, $0xb8;
	[tilespmem:$0x1D500] =	vst v63  }
0x264: {  	s18 =	simm.s32 $0x5500  }
0x265: {  	[tilespmem:s18], [sflag:$0x1] =	stream.indirect_vreg.gather [hbm4b:s2+s3], $0x80, v4, vm0, $0xb8;
	[tilespmem:$0x1D500] =	vst v63  }
0x266: {  	v4 =	vld [tilespmem:$0x1B10];
	_ =	sdelay $0x4  }
0x267: {  	v5 =	vperm.xlane v4, v0;
	_ =	sdelay $0x1  }
0x268: {  	v4 =	vperm.xlane v4, v2;
	v5 =	vadd.s32 v1, v5;
	_ =	sdelay $0x1  }
0x269: {  	v4 =	vadd.s32 v1, v4;
	_ =	sdelay $0x1  }
0x26a: {  	s20 =	simm.s32 $0x7500  }
0x26b: {  	[tilespmem:s20], [sflag:$0x1] =	stream.indirect_vreg.gather [hbm4b:s2+s3], $0x80, v5, vm0, $0xb8;
	[tilespmem:$0x1D500] =	vst v63  }
0x26c: {  	s21 =	simm.s32 $0x9500  }
0x26d: {  	[tilespmem:s21], [sflag:$0x1] =	stream.indirect_vreg.gather [hbm4b:s2+s3], $0x80, v4, vm0, $0xb8;
	[tilespmem:$0x1D500] =	vst v63  }
0x26e: {  	v4 =	vld [tilespmem:$0x1B80];
	_ =	sdelay $0x4  }
0x26f: {  	v5 =	vperm.xlane v4, v0;
	_ =	sdelay $0x1  }
0x270: {  	v4 =	vperm.xlane v4, v2;
	v5 =	vadd.s32 v1, v5;
	_ =	sdelay $0x1  }
0x271: {  	v4 =	vadd.s32 v1, v4;
	_ =	sdelay $0x1  }
0x272: {  	s22 =	simm.s32 $0x3900  }
0x273: {  	[tilespmem:s22], [sflag:$0x1] =	stream.indirect_vreg.gather [hbm4b:s2+s3], $0x80, v5, vm0, $0xb8;
	[tilespmem:$0x1D500] =	vst v63  }
0x274: {  	s13 =	simm.s32 $0x5900  }
0x275: {  	[tilespmem:s13], [sflag:$0x1] =	stream.indirect_vreg.gather [hbm4b:s2+s3], $0x80, v4, vm0, $0xb8;
	[tilespmem:$0x1D500] =	vst v63  }
0x276: {  	v4 =	vld [tilespmem:$0x1B90];
	_ =	sdelay $0x4  }
0x277: {  	v5 =	vperm.xlane v4, v0;
	_ =	sdelay $0x1  }
0x278: {  	v4 =	vperm.xlane v4, v2;
	v5 =	vadd.s32 v1, v5;
	_ =	sdelay $0x1  }
0x279: {  	v4 =	vadd.s32 v1, v4;
	_ =	sdelay $0x1  }
0x27a: {  	s14 =	simm.s32 $0x7900  }
0x27b: {  	[tilespmem:s14], [sflag:$0x1] =	stream.indirect_vreg.gather [hbm4b:s2+s3], $0x80, v5, vm0, $0xb8;
	[tilespmem:$0x1D500] =	vst v63  }
0x27c: {  	s15 =	simm.s32 $0x9900  }
0x27d: {  	[tilespmem:s15], [sflag:$0x1] =	stream.indirect_vreg.gather [hbm4b:s2+s3], $0x80, v4, vm0, $0xb8;
	[tilespmem:$0x1D500] =	vst v63  }
0x27e: {  	v4 =	vld [tilespmem:$0x1C00];
	_ =	sdelay $0x4  }
0x27f: {  	v5 =	vperm.xlane v4, v0;
	_ =	sdelay $0x1  }
0x280: {  	v4 =	vperm.xlane v4, v2;
	v5 =	vadd.s32 v1, v5;
	_ =	sdelay $0x1  }
0x281: {  	v4 =	vadd.s32 v1, v4;
	_ =	sdelay $0x1  }
0x282: {  	s17 =	simm.s32 $0x3D00  }
0x283: {  	[tilespmem:s17], [sflag:$0x1] =	stream.indirect_vreg.gather [hbm4b:s2+s3], $0x80, v5, vm0, $0xb8;
	[tilespmem:$0x1D500] =	vst v63  }
0x284: {  	s18 =	simm.s32 $0x5D00  }
0x285: {  	[tilespmem:s18], [sflag:$0x1] =	stream.indirect_vreg.gather [hbm4b:s2+s3], $0x80, v4, vm0, $0xb8;
	[tilespmem:$0x1D500] =	vst v63  }
0x286: {  	v4 =	vld [tilespmem:$0x1C10];
	_ =	sdelay $0x4  }
0x287: {  	v5 =	vperm.xlane v4, v0;
	_ =	sdelay $0x1  }
0x288: {  	v4 =	vperm.xlane v4, v2;
	v5 =	vadd.s32 v1, v5;
	_ =	sdelay $0x1  }
0x289: {  	v4 =	vadd.s32 v1, v4;
	_ =	sdelay $0x1  }
0x28a: {  	s20 =	simm.s32 $0x7D00  }
0x28b: {  	[tilespmem:s20], [sflag:$0x1] =	stream.indirect_vreg.gather [hbm4b:s2+s3], $0x80, v5, vm0, $0xb8;
	[tilespmem:$0x1D500] =	vst v63  }
0x28c: {  	s21 =	simm.s32 $0x9D00  }
0x28d: {  	[tilespmem:s21], [sflag:$0x1] =	stream.indirect_vreg.gather [hbm4b:s2+s3], $0x80, v4, vm0, $0xb8;
	[tilespmem:$0x1D500] =	vst v63  }
0x28e: {  	s22 =	simm.s32 $0x1C80;
	s13 =	simm.s32 $0x1A500  }
0x28f: {  	[tilespmem:s13], [sflag:$0x1] =	stream.indirect.gather [hbm4b:s2+s16], $0x80, s22, s16, $0xb8;
	[tilespmem:$0x1D500] =	vst v63  }
.LBB2_6:
0x290: {  	_ =	swait.ge [sflag:s30], $0x1000  }
0x291: {  	[sflag:s30] =	ssyncset.done $0x0  }
0x292: {  	[sflag:s30] =	ssyncadd.s32 $0xFFFFF000  }
0x293: {  	_ =	swait.ge [sflag:s30], $0x1000  }
0x294: {  	[sflag:s30] =	ssyncset.done $0x0  }
0x295: {  	[sflag:s30] =	ssyncadd.s32 $0xFFFFF000  }
0x296: {  	_ =	swait.ge [sflag:s30], $0x1000  }
0x297: {  	[sflag:s30] =	ssyncset.done $0x0  }
0x298: {  	[sflag:s30] =	ssyncadd.s32 $0xFFFFF000  }
0x299: {  	_ =	swait.ge [sflag:s30], $0x1000  }
0x29a: {  	[sflag:s30] =	ssyncset.done $0x0  }
0x29b: {  	[sflag:s30] =	ssyncadd.s32 $0xFFFFF000  }
0x29c: {  	_ =	swait.ge [sflag:s30], $0x1000  }
0x29d: {  	[sflag:s30] =	ssyncset.done $0x0  }
0x29e: {  	[sflag:s30] =	ssyncadd.s32 $0xFFFFF000  }
0x29f: {  	_ =	swait.ge [sflag:s30], $0x1000  }
0x2a0: {  	[sflag:s30] =	ssyncset.done $0x0  }
0x2a1: {  	[sflag:s30] =	ssyncadd.s32 $0xFFFFF000  }
0x2a2: {  	_ =	swait.ge [sflag:s30], $0x1000  }
0x2a3: {  	[sflag:s30] =	ssyncset.done $0x0  }
0x2a4: {  	[sflag:s30] =	ssyncadd.s32 $0xFFFFF000  }
0x2a5: {  	_ =	swait.ge [sflag:s30], $0x1000  }
0x2a6: {  	[sflag:s30] =	ssyncset.done $0x0  }
0x2a7: {  	s13 =	simm.s32 $0x1B560;
	[sflag:s30] =	ssyncadd.s32 $0xFFFFF000  }
0x2a8: {  	s11 =	simm.s32 $0x0;
	v4 =	vld [tilespmem:s13+$0xFFFFFFA0]  }
0x2a9: {  	s14 =	sand.u32 $0x7, s11  }
0x2aa: {  	s14 =	sshll.u32 s14, $0x7  }
0x2ab: {  	s14 =	sadd.s32 $0x0, s14  }
0x2ac: {  	s15 =	sor.u32 $0x1C00, s14  }
0x2ad: {  	[tilespmem:s15+$0xA500] =	vst v4  }
0x2ae: {  	v4 =	vld [tilespmem:s13+$0xFFFFFFB0];
	_ =	sdelay $0x3  }
0x2af: {  	s18 =	sor.u32 $0x1C10, s14  }
0x2b0: {  	[tilespmem:s18+$0xA500] =	vst v4  }
0x2b1: {  	v4 =	vld [tilespmem:s13+$0xFFFFFFC0];
	_ =	sdelay $0x3  }
0x2b2: {  	s20 =	sor.u32 $0x1C20, s14  }
0x2b3: {  	[tilespmem:s20+$0xA500] =	vst v4  }
0x2b4: {  	v4 =	vld [tilespmem:s13+$0xFFFFFFD0];
	_ =	sdelay $0x3  }
0x2b5: {  	s21 =	sor.u32 $0x1C30, s14  }
0x2b6: {  	[tilespmem:s21+$0xA500] =	vst v4  }
0x2b7: {  	v4 =	vld [tilespmem:s13+$0xFFFFFFE0];
	_ =	sdelay $0x3  }
0x2b8: {  	s22 =	sor.u32 $0x1C40, s14  }
0x2b9: {  	[tilespmem:s22+$0xA500] =	vst v4  }
0x2ba: {  	v4 =	vld [tilespmem:s13+$0xFFFFFFF0];
	_ =	sdelay $0x1  }
0x2bb: {  	v5 =	vmov s11  }
0x2bc: {  	v6 =	vshll.u32 v5, $0x7  }
0x2bd: {  	v5 =	vshll.u32 v5, $0xA;
	v6 =	vand.u32 $0x380, v6;
	s14 =	sor.u32 $0x1C50, s14  }
0x2be: {  	[tilespmem:s14+$0xA500] =	vst v4;
	v4 =	vor.u32 v6, v5  }
0x2bf: {  	v5 =	vld [tilespmem:s13+$0x0];
	v4 =	vor.u32 v3, v4;
	_ =	sdelay $0x4  }
0x2c0: {  	s13 =	simm.s32 $0x1B5E0;
	[tilespmem:v4+s19+$0x0] =	vst.idx.msk $0xff, v5  }
0x2c1: {  	s17 =	simm.s32 $0x2;
	s15 =	simm.s32 $0x1;
	s14 =	simm.s32 $0x1;
	v4 =	vld [tilespmem:s13+$0xFFFFFFA0]  }
.LBB2_7:
0x2c2: {  	p1 =	sne.s32 s17, $0x1F;
	s18 =	sand.u32 $0x7, s15  }
0x2c3: {  	s11 =	sadd.s32 $0x400, s11;
	s18 =	sshll.u32 s18, $0x7  }
0x2c4: {  	s18 =	sadd.s32 s18, s11  }
0x2c5: {  	s20 =	sor.u32 $0x1C00, s18  }
0x2c6: {  	[tilespmem:s20+$0xA500] =	vst v4  }
0x2c7: {  	v4 =	vld [tilespmem:s13+$0xFFFFFFB0];
	_ =	sdelay $0x3  }
0x2c8: {  	s20 =	sor.u32 $0x1C10, s18  }
0x2c9: {  	[tilespmem:s20+$0xA500] =	vst v4  }
0x2ca: {  	v4 =	vld [tilespmem:s13+$0xFFFFFFC0];
	_ =	sdelay $0x3  }
0x2cb: {  	s20 =	sor.u32 $0x1C20, s18  }
0x2cc: {  	[tilespmem:s20+$0xA500] =	vst v4  }
0x2cd: {  	v4 =	vld [tilespmem:s13+$0xFFFFFFD0];
	_ =	sdelay $0x3  }
0x2ce: {  	s20 =	sor.u32 $0x1C30, s18  }
0x2cf: {  	[tilespmem:s20+$0xA500] =	vst v4  }
0x2d0: {  	v4 =	vld [tilespmem:s13+$0xFFFFFFE0];
	_ =	sdelay $0x3  }
0x2d1: {  	s20 =	sor.u32 $0x1C40, s18  }
0x2d2: {  	[tilespmem:s20+$0xA500] =	vst v4  }
0x2d3: {  	v4 =	vld [tilespmem:s13+$0xFFFFFFF0];
	_ =	sdelay $0x1  }
0x2d4: {  	v5 =	vmov s14;
	s14 =	smov.u32 s17  }
0x2d5: {  	v6 =	vshll.u32 v5, $0x7  }
0x2d6: {  	v5 =	vshll.u32 v5, $0xA;
	v6 =	vand.u32 $0x380, v6;
	s18 =	sor.u32 $0x1C50, s18  }
0x2d7: {  	[tilespmem:s18+$0xA500] =	vst v4;
	v4 =	vor.u32 v6, v5  }
0x2d8: {  	v5 =	vld [tilespmem:s13+$0x0];
	v4 =	vor.u32 v3, v4;
	_ =	sdelay $0x1  }
.Ltmp4:
0x2d9: {  	(pc) =	sbr.rel @p1 .LBB2_7-.Ltmp4, $3  }
0x2da: {  	_ =	sdelay $0x1  }
0x2db: {  	s13 =	sadd.s32 $0x80, s13;
	[tilespmem:v4+s19+$0x0] =	vst.idx.msk $0xff, v5  }
0x2dc: {  	s17 =	sadd.s32 $0x1, s17;
	s15 =	sadd.s32 $0x1, s15;
	v4 =	vld [tilespmem:s13+$0xFFFFFFA0]  }
0x2dd: {  	s15 =	sand.u32 $0x7, s15  }
0x2de: {  	s11 =	sadd.s32 $0x400, s11;
	s15 =	sshll.u32 s15, $0x7  }
0x2df: {  	s11 =	sadd.s32 s15, s11  }
0x2e0: {  	s15 =	sor.u32 $0x1C00, s11  }
0x2e1: {  	[tilespmem:s15+$0xA500] =	vst v4  }
0x2e2: {  	v4 =	vld [tilespmem:s13+$0xFFFFFFB0];
	_ =	sdelay $0x3  }
0x2e3: {  	s17 =	sor.u32 $0x1C10, s11  }
0x2e4: {  	[tilespmem:s17+$0xA500] =	vst v4  }
0x2e5: {  	v4 =	vld [tilespmem:s13+$0xFFFFFFC0];
	_ =	sdelay $0x3  }
0x2e6: {  	s18 =	sor.u32 $0x1C20, s11  }
0x2e7: {  	[tilespmem:s18+$0xA500] =	vst v4  }
0x2e8: {  	v4 =	vld [tilespmem:s13+$0xFFFFFFD0];
	_ =	sdelay $0x3  }
0x2e9: {  	s20 =	sor.u32 $0x1C30, s11  }
0x2ea: {  	[tilespmem:s20+$0xA500] =	vst v4  }
0x2eb: {  	v4 =	vld [tilespmem:s13+$0xFFFFFFE0];
	_ =	sdelay $0x3  }
0x2ec: {  	s21 =	sor.u32 $0x1C40, s11  }
0x2ed: {  	[tilespmem:s21+$0xA500] =	vst v4  }
0x2ee: {  	v4 =	vld [tilespmem:s13+$0xFFFFFFF0];
	_ =	sdelay $0x1  }
0x2ef: {  	v5 =	vmov s14  }
0x2f0: {  	v6 =	vshll.u32 v5, $0x7  }
0x2f1: {  	v5 =	vshll.u32 v5, $0xA;
	v6 =	vand.u32 $0x380, v6;
	s11 =	sor.u32 $0x1C50, s11  }
0x2f2: {  	[tilespmem:s11+$0xA500] =	vst v4;
	v4 =	vor.u32 v6, v5  }
0x2f3: {  	v5 =	vld [tilespmem:s13+$0x0];
	v4 =	vor.u32 v3, v4  }
0x2f4: {  	s11 =	smul.u32 $0x18000, s7  }
.Ltmp5:
0x2f5: {  	_ = 	snop;
	(pc) =	sbr.rel @p0 .LBB2_16-.Ltmp5, $4  }
0x2f6: {  	s22 =	sadd.s32 s8, s11  }
0x2f7: {  	s13 =	sshrl.u32 s22, $0x3  }
0x2f8: {  	s13 =	sadd.s32 s4, s13;
	[tilespmem:v4+s19+$0x0] =	vst.idx.msk $0xff, v5  }
0x2f9: {  	[hbm4b:s13+s3] =	stream.linear.scatter [tilespmem:s19], [sflag:$0x5], $0x8000, $0x38;
	[tilespmem:$0x1D500] =	vst v63  }
0x2fa: {  	_ =	swait.ge [sflag:s0], $0x8000;
	s13 =	smul.u32 $0x180, s7  }
0x2fb: {  	[sflag:s0] =	ssyncset.done $0x0  }
0x2fc: {  	[sflag:s0] =	ssyncadd.s32 $0xFFFF8000;
	s13 =	sshra.s32 s13, $0x2  }
0x2fd: {  	v4 =	vld [tilespmem:s13+$0x80]  }
0x2fe: {  	v5 =	vld [tilespmem:s13+$0x90];
	_ =	sdelay $0x3  }
0x2ff: {  	v6 =	vadd.s32 $0x8, v4  }
0x300: {  	[tilespmem:$0x1D80] =	vst v6;
	v6 =	vadd.s32 $0x8, v5  }
0x301: {  	[tilespmem:$0x1D90] =	vst v6;
	v6 =	vadd.s32 $0x10, v4  }
0x302: {  	[tilespmem:$0x1E00] =	vst v6;
	v6 =	vadd.s32 $0x10, v5  }
0x303: {  	[tilespmem:$0x1E10] =	vst v6;
	v6 =	vadd.s32 $0x18, v4  }
0x304: {  	[tilespmem:$0x1E80] =	vst v6;
	v6 =	vadd.s32 $0x18, v5  }
0x305: {  	[tilespmem:$0x1E90] =	vst v6;
	v6 =	vadd.s32 $0x20, v4  }
0x306: {  	[tilespmem:$0x1F00] =	vst v6;
	v6 =	vadd.s32 $0x20, v5  }
0x307: {  	[tilespmem:$0x1F10] =	vst v6;
	v6 =	vadd.s32 $0x28, v4  }
0x308: {  	[tilespmem:$0x1F80] =	vst v6;
	v6 =	vadd.s32 $0x28, v5  }
0x309: {  	v7 =	vperm.xlane v4, v0;
	[tilespmem:$0x1F90] =	vst v6;
	v6 =	vadd.s32 $0x30, v4  }
0x30a: {  	[tilespmem:$0x2000] =	vst v6;
	v6 =	vadd.s32 $0x30, v5  }
0x30b: {  	[tilespmem:$0x2010] =	vst v6;
	v6 =	vadd.s32 v1, v7;
	v7 =	vperm.xlane v4, v2  }
0x30c: {  	[tilespmem:$0x1D00] =	vst v4;
	v4 =	vadd.s32 $0x38, v4  }
0x30d: {  	[tilespmem:$0x2080] =	vst v4;
	v4 =	vadd.s32 v1, v7  }
0x30e: {  	[tilespmem:$0x1D10] =	vst v5;
	v5 =	vadd.s32 $0x38, v5  }
0x30f: {  	s14 =	simm.s32 $0x0;
	[tilespmem:$0x2090] =	vst v5  }
0x310: {  	[tilespmem:s19], [sflag:$0x2] =	stream.indirect_vreg.gather [hbm4b:s2+s14], $0x80, v6, vm0, $0xb8;
	[tilespmem:$0x1D500] =	vst v63  }
0x311: {  	s15 =	simm.s32 $0xC500  }
0x312: {  	[tilespmem:s15], [sflag:$0x2] =	stream.indirect_vreg.gather [hbm4b:s2+s14], $0x80, v4, vm0, $0xb8;
	[tilespmem:$0x1D500] =	vst v63  }
0x313: {  	v4 =	vld [tilespmem:$0x1D10];
	_ =	sdelay $0x4  }
0x314: {  	v5 =	vperm.xlane v4, v0;
	_ =	sdelay $0x1  }
0x315: {  	v4 =	vperm.xlane v4, v2;
	v5 =	vadd.s32 v1, v5;
	_ =	sdelay $0x1  }
0x316: {  	v4 =	vadd.s32 v1, v4;
	_ =	sdelay $0x1  }
0x317: {  	s17 =	simm.s32 $0xE500  }
0x318: {  	[tilespmem:s17], [sflag:$0x2] =	stream.indirect_vreg.gather [hbm4b:s2+s14], $0x80, v5, vm0, $0xb8;
	[tilespmem:$0x1D500] =	vst v63  }
0x319: {  	s18 =	simm.s32 $0x10500  }
0x31a: {  	[tilespmem:s18], [sflag:$0x2] =	stream.indirect_vreg.gather [hbm4b:s2+s14], $0x80, v4, vm0, $0xb8;
	[tilespmem:$0x1D500] =	vst v63  }
0x31b: {  	v4 =	vld [tilespmem:$0x1D80];
	_ =	sdelay $0x4  }
0x31c: {  	v5 =	vperm.xlane v4, v0;
	_ =	sdelay $0x1  }
0x31d: {  	v4 =	vperm.xlane v4, v2;
	v5 =	vadd.s32 v1, v5;
	_ =	sdelay $0x1  }
0x31e: {  	v4 =	vadd.s32 v1, v4;
	_ =	sdelay $0x1  }
0x31f: {  	s20 =	simm.s32 $0xA900  }
0x320: {  	[tilespmem:s20], [sflag:$0x2] =	stream.indirect_vreg.gather [hbm4b:s2+s14], $0x80, v5, vm0, $0xb8;
	[tilespmem:$0x1D500] =	vst v63  }
0x321: {  	s21 =	simm.s32 $0xC900  }
0x322: {  	[tilespmem:s21], [sflag:$0x2] =	stream.indirect_vreg.gather [hbm4b:s2+s14], $0x80, v4, vm0, $0xb8;
	[tilespmem:$0x1D500] =	vst v63  }
0x323: {  	v4 =	vld [tilespmem:$0x1D90];
	_ =	sdelay $0x4  }
0x324: {  	v5 =	vperm.xlane v4, v0;
	_ =	sdelay $0x1  }
0x325: {  	v4 =	vperm.xlane v4, v2;
	v5 =	vadd.s32 v1, v5;
	_ =	sdelay $0x1  }
0x326: {  	v4 =	vadd.s32 v1, v4;
	_ =	sdelay $0x1  }
0x327: {  	s22 =	simm.s32 $0xE900  }
0x328: {  	[tilespmem:s22], [sflag:$0x2] =	stream.indirect_vreg.gather [hbm4b:s2+s14], $0x80, v5, vm0, $0xb8;
	[tilespmem:$0x1D500] =	vst v63  }
0x329: {  	s17 =	simm.s32 $0x10900  }
0x32a: {  	[tilespmem:s17], [sflag:$0x2] =	stream.indirect_vreg.gather [hbm4b:s2+s14], $0x80, v4, vm0, $0xb8;
	[tilespmem:$0x1D500] =	vst v63  }
0x32b: {  	v4 =	vld [tilespmem:$0x1E00];
	_ =	sdelay $0x4  }
0x32c: {  	v5 =	vperm.xlane v4, v0;
	_ =	sdelay $0x1  }
0x32d: {  	v4 =	vperm.xlane v4, v2;
	v5 =	vadd.s32 v1, v5;
	_ =	sdelay $0x1  }
0x32e: {  	v4 =	vadd.s32 v1, v4;
	_ =	sdelay $0x1  }
0x32f: {  	s18 =	simm.s32 $0xAD00  }
0x330: {  	[tilespmem:s18], [sflag:$0x2] =	stream.indirect_vreg.gather [hbm4b:s2+s14], $0x80, v5, vm0, $0xb8;
	[tilespmem:$0x1D500] =	vst v63  }
0x331: {  	s20 =	simm.s32 $0xCD00  }
0x332: {  	[tilespmem:s20], [sflag:$0x2] =	stream.indirect_vreg.gather [hbm4b:s2+s14], $0x80, v4, vm0, $0xb8;
	[tilespmem:$0x1D500] =	vst v63  }
0x333: {  	v4 =	vld [tilespmem:$0x1E10];
	_ =	sdelay $0x4  }
0x334: {  	v5 =	vperm.xlane v4, v0;
	_ =	sdelay $0x1  }
0x335: {  	v4 =	vperm.xlane v4, v2;
	v5 =	vadd.s32 v1, v5;
	_ =	sdelay $0x1  }
0x336: {  	v4 =	vadd.s32 v1, v4;
	_ =	sdelay $0x1  }
0x337: {  	s21 =	simm.s32 $0xED00  }
0x338: {  	[tilespmem:s21], [sflag:$0x2] =	stream.indirect_vreg.gather [hbm4b:s2+s14], $0x80, v5, vm0, $0xb8;
	[tilespmem:$0x1D500] =	vst v63  }
0x339: {  	s22 =	simm.s32 $0x10D00  }
0x33a: {  	[tilespmem:s22], [sflag:$0x2] =	stream.indirect_vreg.gather [hbm4b:s2+s14], $0x80, v4, vm0, $0xb8;
	[tilespmem:$0x1D500] =	vst v63  }
0x33b: {  	v4 =	vld [tilespmem:$0x1E80];
	_ =	sdelay $0x4  }
0x33c: {  	v5 =	vperm.xlane v4, v0;
	_ =	sdelay $0x1  }
0x33d: {  	v4 =	vperm.xlane v4, v2;
	v5 =	vadd.s32 v1, v5;
	_ =	sdelay $0x1  }
0x33e: {  	v4 =	vadd.s32 v1, v4;
	_ =	sdelay $0x1  }
0x33f: {  	s17 =	simm.s32 $0xB100  }
0x340: {  	[tilespmem:s17], [sflag:$0x2] =	stream.indirect_vreg.gather [hbm4b:s2+s14], $0x80, v5, vm0, $0xb8;
	[tilespmem:$0x1D500] =	vst v63  }
0x341: {  	s18 =	simm.s32 $0xD100  }
0x342: {  	[tilespmem:s18], [sflag:$0x2] =	stream.indirect_vreg.gather [hbm4b:s2+s14], $0x80, v4, vm0, $0xb8;
	[tilespmem:$0x1D500] =	vst v63  }
0x343: {  	v4 =	vld [tilespmem:$0x1E90];
	_ =	sdelay $0x4  }
0x344: {  	v5 =	vperm.xlane v4, v0;
	_ =	sdelay $0x1  }
0x345: {  	v4 =	vperm.xlane v4, v2;
	v5 =	vadd.s32 v1, v5;
	_ =	sdelay $0x1  }
0x346: {  	v4 =	vadd.s32 v1, v4;
	_ =	sdelay $0x1  }
0x347: {  	s20 =	simm.s32 $0xF100  }
0x348: {  	[tilespmem:s20], [sflag:$0x2] =	stream.indirect_vreg.gather [hbm4b:s2+s14], $0x80, v5, vm0, $0xb8;
	[tilespmem:$0x1D500] =	vst v63  }
0x349: {  	s21 =	simm.s32 $0x11100  }
0x34a: {  	[tilespmem:s21], [sflag:$0x2] =	stream.indirect_vreg.gather [hbm4b:s2+s14], $0x80, v4, vm0, $0xb8;
	[tilespmem:$0x1D500] =	vst v63  }
0x34b: {  	v4 =	vld [tilespmem:$0x1F00];
	_ =	sdelay $0x4  }
0x34c: {  	v5 =	vperm.xlane v4, v0;
	_ =	sdelay $0x1  }
0x34d: {  	v4 =	vperm.xlane v4, v2;
	v5 =	vadd.s32 v1, v5;
	_ =	sdelay $0x1  }
0x34e: {  	v4 =	vadd.s32 v1, v4;
	_ =	sdelay $0x1  }
0x34f: {  	s22 =	simm.s32 $0xB500  }
0x350: {  	[tilespmem:s22], [sflag:$0x2] =	stream.indirect_vreg.gather [hbm4b:s2+s14], $0x80, v5, vm0, $0xb8;
	[tilespmem:$0x1D500] =	vst v63  }
0x351: {  	s17 =	simm.s32 $0xD500  }
0x352: {  	[tilespmem:s17], [sflag:$0x2] =	stream.indirect_vreg.gather [hbm4b:s2+s14], $0x80, v4, vm0, $0xb8;
	[tilespmem:$0x1D500] =	vst v63  }
0x353: {  	v4 =	vld [tilespmem:$0x1F10];
	_ =	sdelay $0x4  }
0x354: {  	v5 =	vperm.xlane v4, v0;
	_ =	sdelay $0x1  }
0x355: {  	v4 =	vperm.xlane v4, v2;
	v5 =	vadd.s32 v1, v5;
	_ =	sdelay $0x1  }
0x356: {  	v4 =	vadd.s32 v1, v4;
	_ =	sdelay $0x1  }
0x357: {  	s18 =	simm.s32 $0xF500  }
0x358: {  	[tilespmem:s18], [sflag:$0x2] =	stream.indirect_vreg.gather [hbm4b:s2+s14], $0x80, v5, vm0, $0xb8;
	[tilespmem:$0x1D500] =	vst v63  }
0x359: {  	s20 =	simm.s32 $0x11500  }
0x35a: {  	[tilespmem:s20], [sflag:$0x2] =	stream.indirect_vreg.gather [hbm4b:s2+s14], $0x80, v4, vm0, $0xb8;
	[tilespmem:$0x1D500] =	vst v63  }
0x35b: {  	v4 =	vld [tilespmem:$0x1F80];
	_ =	sdelay $0x4  }
0x35c: {  	v5 =	vperm.xlane v4, v0;
	_ =	sdelay $0x1  }
0x35d: {  	v4 =	vperm.xlane v4, v2;
	v5 =	vadd.s32 v1, v5;
	_ =	sdelay $0x1  }
0x35e: {  	v4 =	vadd.s32 v1, v4;
	_ =	sdelay $0x1  }
0x35f: {  	s21 =	simm.s32 $0xB900  }
0x360: {  	[tilespmem:s21], [sflag:$0x2] =	stream.indirect_vreg.gather [hbm4b:s2+s14], $0x80, v5, vm0, $0xb8;
	[tilespmem:$0x1D500] =	vst v63  }
0x361: {  	s22 =	simm.s32 $0xD900  }
0x362: {  	[tilespmem:s22], [sflag:$0x2] =	stream.indirect_vreg.gather [hbm4b:s2+s14], $0x80, v4, vm0, $0xb8;
	[tilespmem:$0x1D500] =	vst v63  }
0x363: {  	v4 =	vld [tilespmem:$0x1F90];
	_ =	sdelay $0x4  }
0x364: {  	v5 =	vperm.xlane v4, v0;
	_ =	sdelay $0x1  }
0x365: {  	v4 =	vperm.xlane v4, v2;
	v5 =	vadd.s32 v1, v5;
	_ =	sdelay $0x1  }
0x366: {  	v4 =	vadd.s32 v1, v4;
	_ =	sdelay $0x1  }
0x367: {  	s17 =	simm.s32 $0xF900  }
0x368: {  	[tilespmem:s17], [sflag:$0x2] =	stream.indirect_vreg.gather [hbm4b:s2+s14], $0x80, v5, vm0, $0xb8;
	[tilespmem:$0x1D500] =	vst v63  }
0x369: {  	s18 =	simm.s32 $0x11900  }
0x36a: {  	[tilespmem:s18], [sflag:$0x2] =	stream.indirect_vreg.gather [hbm4b:s2+s14], $0x80, v4, vm0, $0xb8;
	[tilespmem:$0x1D500] =	vst v63  }
0x36b: {  	v4 =	vld [tilespmem:$0x2000];
	_ =	sdelay $0x4  }
0x36c: {  	v5 =	vperm.xlane v4, v0;
	_ =	sdelay $0x1  }
0x36d: {  	v4 =	vperm.xlane v4, v2;
	v5 =	vadd.s32 v1, v5;
	_ =	sdelay $0x1  }
0x36e: {  	v4 =	vadd.s32 v1, v4;
	_ =	sdelay $0x1  }
0x36f: {  	s20 =	simm.s32 $0xBD00  }
0x370: {  	[tilespmem:s20], [sflag:$0x2] =	stream.indirect_vreg.gather [hbm4b:s2+s14], $0x80, v5, vm0, $0xb8;
	[tilespmem:$0x1D500] =	vst v63  }
0x371: {  	s21 =	simm.s32 $0xDD00  }
0x372: {  	[tilespmem:s21], [sflag:$0x2] =	stream.indirect_vreg.gather [hbm4b:s2+s14], $0x80, v4, vm0, $0xb8;
	[tilespmem:$0x1D500] =	vst v63  }
0x373: {  	v4 =	vld [tilespmem:$0x2010];
	_ =	sdelay $0x4  }
0x374: {  	v5 =	vperm.xlane v4, v0;
	_ =	sdelay $0x1  }
0x375: {  	v4 =	vperm.xlane v4, v2;
	v5 =	vadd.s32 v1, v5;
	_ =	sdelay $0x1  }
0x376: {  	v4 =	vadd.s32 v1, v4;
	_ =	sdelay $0x2  }
0x377: {  	[tilespmem:s23], [sflag:$0x2] =	stream.indirect_vreg.gather [hbm4b:s2+s14], $0x80, v5, vm0, $0xb8;
	[tilespmem:$0x1D500] =	vst v63  }
0x378: {  	_ = 	snop  }
0x379: {  	[tilespmem:s24], [sflag:$0x2] =	stream.indirect_vreg.gather [hbm4b:s2+s14], $0x80, v4, vm0, $0xb8;
	[tilespmem:$0x1D500] =	vst v63  }
0x37a: {  	_ = 	snop  }
0x37b: {  	[tilespmem:s26], [sflag:$0x2] =	stream.indirect.gather [hbm4b:s2+s16], $0x80, s25, s16, $0xb8;
	[tilespmem:$0x1D500] =	vst v63  }
0x37c: {  	_ =	swait.ge [sflag:s6], $0x1000  }
0x37d: {  	[sflag:s6] =	ssyncset.done $0x0  }
0x37e: {  	[sflag:s6] =	ssyncadd.s32 $0xFFFFF000  }
0x37f: {  	_ =	swait.ge [sflag:s6], $0x1000  }
0x380: {  	[sflag:s6] =	ssyncset.done $0x0  }
0x381: {  	[sflag:s6] =	ssyncadd.s32 $0xFFFFF000  }
0x382: {  	_ =	swait.ge [sflag:s6], $0x1000  }
0x383: {  	[sflag:s6] =	ssyncset.done $0x0  }
0x384: {  	[sflag:s6] =	ssyncadd.s32 $0xFFFFF000  }
0x385: {  	_ =	swait.ge [sflag:s6], $0x1000  }
0x386: {  	[sflag:s6] =	ssyncset.done $0x0  }
0x387: {  	[sflag:s6] =	ssyncadd.s32 $0xFFFFF000  }
0x388: {  	_ =	swait.ge [sflag:s6], $0x1000  }
0x389: {  	[sflag:s6] =	ssyncset.done $0x0  }
0x38a: {  	[sflag:s6] =	ssyncadd.s32 $0xFFFFF000  }
0x38b: {  	_ =	swait.ge [sflag:s6], $0x1000  }
0x38c: {  	[sflag:s6] =	ssyncset.done $0x0  }
0x38d: {  	[sflag:s6] =	ssyncadd.s32 $0xFFFFF000  }
0x38e: {  	_ =	swait.ge [sflag:s6], $0x1000  }
0x38f: {  	[sflag:s6] =	ssyncset.done $0x0  }
0x390: {  	[sflag:s6] =	ssyncadd.s32 $0xFFFFF000  }
0x391: {  	_ =	swait.ge [sflag:s6], $0x1000  }
0x392: {  	[sflag:s6] =	ssyncset.done $0x0  }
0x393: {  	s15 =	simm.s32 $0x1C560;
	[sflag:s6] =	ssyncadd.s32 $0xFFFFF000  }
0x394: {  	v4 =	vld [tilespmem:s15+$0xFFFFFFA0]  }
0x395: {  	s17 =	sand.u32 $0x7, s14  }
0x396: {  	s17 =	sshll.u32 s17, $0x7  }
0x397: {  	s17 =	sadd.s32 $0x0, s17  }
0x398: {  	s18 =	sor.u32 $0x1C00, s17  }
0x399: {  	[tilespmem:s18+$0x12500] =	vst v4  }
0x39a: {  	v4 =	vld [tilespmem:s15+$0xFFFFFFB0];
	_ =	sdelay $0x3  }
0x39b: {  	s22 =	sor.u32 $0x1C10, s17  }
0x39c: {  	[tilespmem:s22+$0x12500] =	vst v4  }
0x39d: {  	v4 =	vld [tilespmem:s15+$0xFFFFFFC0];
	_ =	sdelay $0x3  }
0x39e: {  	s20 =	sor.u32 $0x1C20, s17  }
0x39f: {  	[tilespmem:s20+$0x12500] =	vst v4  }
0x3a0: {  	v4 =	vld [tilespmem:s15+$0xFFFFFFD0];
	_ =	sdelay $0x3  }
0x3a1: {  	s21 =	sor.u32 $0x1C30, s17  }
0x3a2: {  	[tilespmem:s21+$0x12500] =	vst v4  }
0x3a3: {  	v4 =	vld [tilespmem:s15+$0xFFFFFFE0];
	_ =	sdelay $0x3  }
0x3a4: {  	s22 =	sor.u32 $0x1C40, s17  }
0x3a5: {  	[tilespmem:s22+$0x12500] =	vst v4  }
0x3a6: {  	v4 =	vld [tilespmem:s15+$0xFFFFFFF0];
	_ =	sdelay $0x1  }
0x3a7: {  	v5 =	vmov s14  }
0x3a8: {  	v6 =	vshll.u32 v5, $0x7  }
0x3a9: {  	v5 =	vshll.u32 v5, $0xA;
	v6 =	vand.u32 $0x380, v6;
	s17 =	sor.u32 $0x1C50, s17  }
0x3aa: {  	[tilespmem:s17+$0x12500] =	vst v4;
	v4 =	vor.u32 v6, v5  }
0x3ab: {  	v5 =	vld [tilespmem:s15+$0x0];
	v4 =	vor.u32 v3, v4;
	_ =	sdelay $0x4  }
0x3ac: {  	s15 =	simm.s32 $0x1C5E0;
	[tilespmem:v4+s28+$0x0] =	vst.idx.msk $0xff, v5  }
0x3ad: {  	s18 =	simm.s32 $0x1;
	s20 =	simm.s32 $0x2;
	s17 =	simm.s32 $0x1;
	v4 =	vld [tilespmem:s15+$0xFFFFFFA0]  }
.LBB2_10:
0x3ae: {  	p0 =	sne.s32 s20, $0x1F;
	s21 =	sand.u32 $0x7, s18  }
0x3af: {  	s14 =	sadd.s32 $0x400, s14;
	s21 =	sshll.u32 s21, $0x7  }
0x3b0: {  	s21 =	sadd.s32 s21, s14  }
0x3b1: {  	s22 =	sor.u32 $0x1C00, s21  }
0x3b2: {  	[tilespmem:s22+$0x12500] =	vst v4  }
0x3b3: {  	v4 =	vld [tilespmem:s15+$0xFFFFFFB0];
	_ =	sdelay $0x3  }
0x3b4: {  	s22 =	sor.u32 $0x1C10, s21  }
0x3b5: {  	[tilespmem:s22+$0x12500] =	vst v4  }
0x3b6: {  	v4 =	vld [tilespmem:s15+$0xFFFFFFC0];
	_ =	sdelay $0x3  }
0x3b7: {  	s22 =	sor.u32 $0x1C20, s21  }
0x3b8: {  	[tilespmem:s22+$0x12500] =	vst v4  }
0x3b9: {  	v4 =	vld [tilespmem:s15+$0xFFFFFFD0];
	_ =	sdelay $0x3  }
0x3ba: {  	s22 =	sor.u32 $0x1C30, s21  }
0x3bb: {  	[tilespmem:s22+$0x12500] =	vst v4  }
0x3bc: {  	v4 =	vld [tilespmem:s15+$0xFFFFFFE0];
	_ =	sdelay $0x3  }
0x3bd: {  	s22 =	sor.u32 $0x1C40, s21  }
0x3be: {  	[tilespmem:s22+$0x12500] =	vst v4  }
0x3bf: {  	v4 =	vld [tilespmem:s15+$0xFFFFFFF0];
	_ =	sdelay $0x1  }
0x3c0: {  	v5 =	vmov s17;
	s17 =	smov.u32 s20  }
0x3c1: {  	v6 =	vshll.u32 v5, $0x7  }
0x3c2: {  	v5 =	vshll.u32 v5, $0xA;
	v6 =	vand.u32 $0x380, v6;
	s21 =	sor.u32 $0x1C50, s21  }
0x3c3: {  	[tilespmem:s21+$0x12500] =	vst v4;
	v4 =	vor.u32 v6, v5  }
0x3c4: {  	v5 =	vld [tilespmem:s15+$0x0];
	v4 =	vor.u32 v3, v4;
	_ =	sdelay $0x1  }
.Ltmp6:
0x3c5: {  	(pc) =	sbr.rel @p0 .LBB2_10-.Ltmp6, $3  }
0x3c6: {  	_ =	sdelay $0x1  }
0x3c7: {  	s15 =	sadd.s32 $0x80, s15;
	[tilespmem:v4+s28+$0x0] =	vst.idx.msk $0xff, v5  }
0x3c8: {  	s20 =	sadd.s32 $0x1, s20;
	s18 =	sadd.s32 $0x1, s18;
	v4 =	vld [tilespmem:s15+$0xFFFFFFA0]  }
0x3c9: {  	s18 =	sand.u32 $0x7, s18  }
0x3ca: {  	s14 =	sadd.s32 $0x400, s14;
	s18 =	sshll.u32 s18, $0x7  }
0x3cb: {  	s14 =	sadd.s32 s18, s14  }
0x3cc: {  	s18 =	sor.u32 $0x1C00, s14  }
0x3cd: {  	[tilespmem:s18+$0x12500] =	vst v4  }
0x3ce: {  	v4 =	vld [tilespmem:s15+$0xFFFFFFB0];
	_ =	sdelay $0x3  }
0x3cf: {  	s22 =	sor.u32 $0x1C10, s14  }
0x3d0: {  	[tilespmem:s22+$0x12500] =	vst v4  }
0x3d1: {  	v4 =	vld [tilespmem:s15+$0xFFFFFFC0];
	_ =	sdelay $0x3  }
0x3d2: {  	s20 =	sor.u32 $0x1C20, s14  }
0x3d3: {  	[tilespmem:s20+$0x12500] =	vst v4  }
0x3d4: {  	v4 =	vld [tilespmem:s15+$0xFFFFFFD0];
	_ =	sdelay $0x3  }
0x3d5: {  	s21 =	sor.u32 $0x1C30, s14  }
0x3d6: {  	[tilespmem:s21+$0x12500] =	vst v4  }
0x3d7: {  	v4 =	vld [tilespmem:s15+$0xFFFFFFE0];
	_ =	sdelay $0x3  }
0x3d8: {  	s22 =	sor.u32 $0x1C40, s14  }
0x3d9: {  	[tilespmem:s22+$0x12500] =	vst v4  }
0x3da: {  	v4 =	vld [tilespmem:s15+$0xFFFFFFF0];
	_ =	sdelay $0x1  }
0x3db: {  	v5 =	vmov s17  }
0x3dc: {  	v6 =	vshll.u32 v5, $0x7  }
0x3dd: {  	v5 =	vshll.u32 v5, $0xA;
	v6 =	vand.u32 $0x380, v6;
	s14 =	sor.u32 $0x1C50, s14  }
0x3de: {  	[tilespmem:s14+$0x12500] =	vst v4;
	v4 =	vor.u32 v6, v5  }
0x3df: {  	v5 =	vld [tilespmem:s15+$0x0];
	v4 =	vor.u32 v3, v4  }
0x3e0: {  	p0 =	sgt.u32 s7, $0x40  }
.Ltmp7:
0x3e1: {  	_ = 	snop;
	(pc) =	sbr.rel @p0 .LBB2_13-.Ltmp7, $4  }
0x3e2: {  	s11 =	sadd.s32 s9, s11  }
0x3e3: {  	s11 =	sshrl.u32 s11, $0x3  }
0x3e4: {  	s11 =	sadd.s32 s4, s11;
	[tilespmem:v4+s28+$0x0] =	vst.idx.msk $0xff, v5  }
0x3e5: {  	[hbm4b:s11+s3] =	stream.linear.scatter [tilespmem:s28], [sflag:$0x6], $0x8000, $0x38;
	[tilespmem:$0x1D500] =	vst v63  }
0x3e6: {  	_ =	swait.ge [sflag:s31], $0x8000  }
0x3e7: {  	[sflag:s31] =	ssyncset.done $0x0  }
0x3e8: {  	[sflag:s31] =	ssyncadd.s32 $0xFFFF8000  }
0x3e9: {  	v4 =	vld [tilespmem:s13+$0xA0]  }
0x3ea: {  	v5 =	vld [tilespmem:s13+$0xB0];
	_ =	sdelay $0x3  }
0x3eb: {  	[tilespmem:$0x2100] =	vst v4  }
0x3ec: {  	v6 =	vadd.s32 $0x8, v4;
	[tilespmem:$0x2110] =	vst v5  }
0x3ed: {  	v51 =	vadd.s32 $0x8, v5;
	[tilespmem:$0x2180] =	vst v6  }
0x3ee: {  	v52 =	vadd.s32 $0x10, v4;
	[tilespmem:$0x2190] =	vst v51  }
0x3ef: {  	v53 =	vadd.s32 $0x10, v5;
	[tilespmem:$0x2200] =	vst v52  }
0x3f0: {  	v54 =	vadd.s32 $0x18, v4;
	[tilespmem:$0x2210] =	vst v53  }
0x3f1: {  	v55 =	vadd.s32 $0x18, v5;
	[tilespmem:$0x2280] =	vst v54  }
0x3f2: {  	v56 =	vadd.s32 $0x20, v4;
	[tilespmem:$0x2290] =	vst v55  }
0x3f3: {  	v57 =	vadd.s32 $0x20, v5;
	[tilespmem:$0x2300] =	vst v56  }
0x3f4: {  	v58 =	vadd.s32 $0x28, v4;
	v7 =	vperm.xlane v4, v0;
	[tilespmem:$0x2310] =	vst v57  }
0x3f5: {  	v59 =	vadd.s32 $0x28, v5;
	[tilespmem:$0x2380] =	vst v58  }
0x3f6: {  	v60 =	vadd.s32 $0x30, v4;
	v63 =	vperm.xlane v4, v2;
	[tilespmem:$0x2390] =	vst v59;
	v62 =	vadd.s32 v1, v7  }
0x3f7: {  	v4 =	vadd.s32 $0x38, v4;
	[tilespmem:$0x2400] =	vst v60  }
0x3f8: {  	v61 =	vadd.s32 $0x30, v5;
	[tilespmem:$0x2480] =	vst v4;
	v4 =	vadd.s32 v1, v63  }
0x3f9: {  	v5 =	vadd.s32 $0x38, v5;
	[tilespmem:$0x2410] =	vst v61  }
0x3fa: {  	[tilespmem:$0x2490] =	vst v5  }
0x3fb: {  	[tilespmem:s28], [sflag:$0x3] =	stream.indirect_vreg.gather [hbm4b:s2+s3], $0x80, v62, vm0, $0xb8;
	[tilespmem:$0x1D500] =	vst v63  }
0x3fc: {  	s11 =	simm.s32 $0x14500  }
0x3fd: {  	[tilespmem:s11], [sflag:$0x3] =	stream.indirect_vreg.gather [hbm4b:s2+s3], $0x80, v4, vm0, $0xb8;
	[tilespmem:$0x1D500] =	vst v63  }
0x3fe: {  	v4 =	vld [tilespmem:$0x2110];
	_ =	sdelay $0x4  }
0x3ff: {  	v5 =	vperm.xlane v4, v0;
	_ =	sdelay $0x1  }
0x400: {  	v4 =	vperm.xlane v4, v2;
	v5 =	vadd.s32 v1, v5;
	_ =	sdelay $0x1  }
0x401: {  	v4 =	vadd.s32 v1, v4;
	_ =	sdelay $0x1  }
0x402: {  	s18 =	simm.s32 $0x16500  }
0x403: {  	[tilespmem:s18], [sflag:$0x3] =	stream.indirect_vreg.gather [hbm4b:s2+s3], $0x80, v5, vm0, $0xb8;
	[tilespmem:$0x1D500] =	vst v63  }
0x404: {  	s20 =	simm.s32 $0x18500  }
0x405: {  	[tilespmem:s20], [sflag:$0x3] =	stream.indirect_vreg.gather [hbm4b:s2+s3], $0x80, v4, vm0, $0xb8;
	[tilespmem:$0x1D500] =	vst v63  }
0x406: {  	v4 =	vld [tilespmem:$0x2180];
	_ =	sdelay $0x4  }
0x407: {  	v5 =	vperm.xlane v4, v0;
	_ =	sdelay $0x1  }
0x408: {  	v4 =	vperm.xlane v4, v2;
	v5 =	vadd.s32 v1, v5;
	_ =	sdelay $0x1  }
0x409: {  	v4 =	vadd.s32 v1, v4;
	_ =	sdelay $0x1  }
0x40a: {  	s21 =	simm.s32 $0x12900  }
0x40b: {  	[tilespmem:s21], [sflag:$0x3] =	stream.indirect_vreg.gather [hbm4b:s2+s3], $0x80, v5, vm0, $0xb8;
	[tilespmem:$0x1D500] =	vst v63  }
0x40c: {  	s22 =	simm.s32 $0x14900  }
0x40d: {  	[tilespmem:s22], [sflag:$0x3] =	stream.indirect_vreg.gather [hbm4b:s2+s3], $0x80, v4, vm0, $0xb8;
	[tilespmem:$0x1D500] =	vst v63  }
0x40e: {  	v4 =	vld [tilespmem:$0x2190];
	_ =	sdelay $0x4  }
0x40f: {  	v5 =	vperm.xlane v4, v0;
	_ =	sdelay $0x1  }
0x410: {  	v4 =	vperm.xlane v4, v2;
	v5 =	vadd.s32 v1, v5;
	_ =	sdelay $0x1  }
0x411: {  	v4 =	vadd.s32 v1, v4;
	_ =	sdelay $0x1  }
0x412: {  	s13 =	simm.s32 $0x16900  }
0x413: {  	[tilespmem:s13], [sflag:$0x3] =	stream.indirect_vreg.gather [hbm4b:s2+s3], $0x80, v5, vm0, $0xb8;
	[tilespmem:$0x1D500] =	vst v63  }
0x414: {  	s14 =	simm.s32 $0x18900  }
0x415: {  	[tilespmem:s14], [sflag:$0x3] =	stream.indirect_vreg.gather [hbm4b:s2+s3], $0x80, v4, vm0, $0xb8;
	[tilespmem:$0x1D500] =	vst v63  }
0x416: {  	v4 =	vld [tilespmem:$0x2200];
	_ =	sdelay $0x4  }
0x417: {  	v5 =	vperm.xlane v4, v0;
	_ =	sdelay $0x1  }
0x418: {  	v4 =	vperm.xlane v4, v2;
	v5 =	vadd.s32 v1, v5;
	_ =	sdelay $0x1  }
0x419: {  	v4 =	vadd.s32 v1, v4;
	_ =	sdelay $0x1  }
0x41a: {  	s15 =	simm.s32 $0x12D00  }
0x41b: {  	[tilespmem:s15], [sflag:$0x3] =	stream.indirect_vreg.gather [hbm4b:s2+s3], $0x80, v5, vm0, $0xb8;
	[tilespmem:$0x1D500] =	vst v63  }
0x41c: {  	s17 =	simm.s32 $0x14D00  }
0x41d: {  	[tilespmem:s17], [sflag:$0x3] =	stream.indirect_vreg.gather [hbm4b:s2+s3], $0x80, v4, vm0, $0xb8;
	[tilespmem:$0x1D500] =	vst v63  }
0x41e: {  	v4 =	vld [tilespmem:$0x2210];
	_ =	sdelay $0x4  }
0x41f: {  	v5 =	vperm.xlane v4, v0;
	_ =	sdelay $0x1  }
0x420: {  	v4 =	vperm.xlane v4, v2;
	v5 =	vadd.s32 v1, v5;
	_ =	sdelay $0x1  }
0x421: {  	v4 =	vadd.s32 v1, v4;
	_ =	sdelay $0x1  }
0x422: {  	s18 =	simm.s32 $0x16D00  }
0x423: {  	[tilespmem:s18], [sflag:$0x3] =	stream.indirect_vreg.gather [hbm4b:s2+s3], $0x80, v5, vm0, $0xb8;
	[tilespmem:$0x1D500] =	vst v63  }
0x424: {  	s20 =	simm.s32 $0x18D00  }
0x425: {  	[tilespmem:s20], [sflag:$0x3] =	stream.indirect_vreg.gather [hbm4b:s2+s3], $0x80, v4, vm0, $0xb8;
	[tilespmem:$0x1D500] =	vst v63  }
0x426: {  	v4 =	vld [tilespmem:$0x2280];
	_ =	sdelay $0x4  }
0x427: {  	v5 =	vperm.xlane v4, v0;
	_ =	sdelay $0x1  }
0x428: {  	v4 =	vperm.xlane v4, v2;
	v5 =	vadd.s32 v1, v5;
	_ =	sdelay $0x1  }
0x429: {  	v4 =	vadd.s32 v1, v4;
	_ =	sdelay $0x1  }
0x42a: {  	s21 =	simm.s32 $0x13100  }
0x42b: {  	[tilespmem:s21], [sflag:$0x3] =	stream.indirect_vreg.gather [hbm4b:s2+s3], $0x80, v5, vm0, $0xb8;
	[tilespmem:$0x1D500] =	vst v63  }
0x42c: {  	s22 =	simm.s32 $0x15100  }
0x42d: {  	[tilespmem:s22], [sflag:$0x3] =	stream.indirect_vreg.gather [hbm4b:s2+s3], $0x80, v4, vm0, $0xb8;
	[tilespmem:$0x1D500] =	vst v63  }
0x42e: {  	v4 =	vld [tilespmem:$0x2290];
	_ =	sdelay $0x4  }
0x42f: {  	v5 =	vperm.xlane v4, v0;
	_ =	sdelay $0x1  }
0x430: {  	v4 =	vperm.xlane v4, v2;
	v5 =	vadd.s32 v1, v5;
	_ =	sdelay $0x1  }
0x431: {  	v4 =	vadd.s32 v1, v4;
	_ =	sdelay $0x1  }
0x432: {  	s13 =	simm.s32 $0x17100  }
0x433: {  	[tilespmem:s13], [sflag:$0x3] =	stream.indirect_vreg.gather [hbm4b:s2+s3], $0x80, v5, vm0, $0xb8;
	[tilespmem:$0x1D500] =	vst v63  }
0x434: {  	s14 =	simm.s32 $0x19100  }
0x435: {  	[tilespmem:s14], [sflag:$0x3] =	stream.indirect_vreg.gather [hbm4b:s2+s3], $0x80, v4, vm0, $0xb8;
	[tilespmem:$0x1D500] =	vst v63  }
0x436: {  	v4 =	vld [tilespmem:$0x2300];
	_ =	sdelay $0x4  }
0x437: {  	v5 =	vperm.xlane v4, v0;
	_ =	sdelay $0x1  }
0x438: {  	v4 =	vperm.xlane v4, v2;
	v5 =	vadd.s32 v1, v5;
	_ =	sdelay $0x1  }
0x439: {  	v4 =	vadd.s32 v1, v4;
	_ =	sdelay $0x1  }
0x43a: {  	s15 =	simm.s32 $0x13500  }
0x43b: {  	[tilespmem:s15], [sflag:$0x3] =	stream.indirect_vreg.gather [hbm4b:s2+s3], $0x80, v5, vm0, $0xb8;
	[tilespmem:$0x1D500] =	vst v63  }
0x43c: {  	s17 =	simm.s32 $0x15500  }
0x43d: {  	[tilespmem:s17], [sflag:$0x3] =	stream.indirect_vreg.gather [hbm4b:s2+s3], $0x80, v4, vm0, $0xb8;
	[tilespmem:$0x1D500] =	vst v63  }
0x43e: {  	v4 =	vld [tilespmem:$0x2310];
	_ =	sdelay $0x4  }
0x43f: {  	v5 =	vperm.xlane v4, v0;
	_ =	sdelay $0x1  }
0x440: {  	v4 =	vperm.xlane v4, v2;
	v5 =	vadd.s32 v1, v5;
	_ =	sdelay $0x1  }
0x441: {  	v4 =	vadd.s32 v1, v4;
	_ =	sdelay $0x1  }
0x442: {  	s18 =	simm.s32 $0x17500  }
0x443: {  	[tilespmem:s18], [sflag:$0x3] =	stream.indirect_vreg.gather [hbm4b:s2+s3], $0x80, v5, vm0, $0xb8;
	[tilespmem:$0x1D500] =	vst v63  }
0x444: {  	s20 =	simm.s32 $0x19500  }
0x445: {  	[tilespmem:s20], [sflag:$0x3] =	stream.indirect_vreg.gather [hbm4b:s2+s3], $0x80, v4, vm0, $0xb8;
	[tilespmem:$0x1D500] =	vst v63  }
0x446: {  	v4 =	vld [tilespmem:$0x2380];
	_ =	sdelay $0x4  }
0x447: {  	v5 =	vperm.xlane v4, v0;
	_ =	sdelay $0x1  }
0x448: {  	v4 =	vperm.xlane v4, v2;
	v5 =	vadd.s32 v1, v5;
	_ =	sdelay $0x1  }
0x449: {  	v4 =	vadd.s32 v1, v4;
	_ =	sdelay $0x1  }
0x44a: {  	s21 =	simm.s32 $0x13900  }
0x44b: {  	[tilespmem:s21], [sflag:$0x3] =	stream.indirect_vreg.gather [hbm4b:s2+s3], $0x80, v5, vm0, $0xb8;
	[tilespmem:$0x1D500] =	vst v63  }
0x44c: {  	s22 =	simm.s32 $0x15900  }
0x44d: {  	[tilespmem:s22], [sflag:$0x3] =	stream.indirect_vreg.gather [hbm4b:s2+s3], $0x80, v4, vm0, $0xb8;
	[tilespmem:$0x1D500] =	vst v63  }
0x44e: {  	v4 =	vld [tilespmem:$0x2390];
	_ =	sdelay $0x4  }
0x44f: {  	v5 =	vperm.xlane v4, v0;
	_ =	sdelay $0x1  }
0x450: {  	v4 =	vperm.xlane v4, v2;
	v5 =	vadd.s32 v1, v5;
	_ =	sdelay $0x1  }
0x451: {  	v4 =	vadd.s32 v1, v4;
	_ =	sdelay $0x1  }
0x452: {  	s13 =	simm.s32 $0x17900  }
0x453: {  	[tilespmem:s13], [sflag:$0x3] =	stream.indirect_vreg.gather [hbm4b:s2+s3], $0x80, v5, vm0, $0xb8;
	[tilespmem:$0x1D500] =	vst v63  }
0x454: {  	s14 =	simm.s32 $0x19900  }
0x455: {  	[tilespmem:s14], [sflag:$0x3] =	stream.indirect_vreg.gather [hbm4b:s2+s3], $0x80, v4, vm0, $0xb8;
	[tilespmem:$0x1D500] =	vst v63  }
0x456: {  	v4 =	vld [tilespmem:$0x2400];
	_ =	sdelay $0x4  }
0x457: {  	v5 =	vperm.xlane v4, v0;
	_ =	sdelay $0x1  }
0x458: {  	v4 =	vperm.xlane v4, v2;
	v5 =	vadd.s32 v1, v5;
	_ =	sdelay $0x1  }
0x459: {  	v4 =	vadd.s32 v1, v4;
	_ =	sdelay $0x1  }
0x45a: {  	s15 =	simm.s32 $0x13D00  }
0x45b: {  	[tilespmem:s15], [sflag:$0x3] =	stream.indirect_vreg.gather [hbm4b:s2+s3], $0x80, v5, vm0, $0xb8;
	[tilespmem:$0x1D500] =	vst v63  }
0x45c: {  	s17 =	simm.s32 $0x15D00  }
0x45d: {  	[tilespmem:s17], [sflag:$0x3] =	stream.indirect_vreg.gather [hbm4b:s2+s3], $0x80, v4, vm0, $0xb8;
	[tilespmem:$0x1D500] =	vst v63  }
0x45e: {  	v4 =	vld [tilespmem:$0x2410];
	_ =	sdelay $0x4  }
0x45f: {  	v5 =	vperm.xlane v4, v0;
	_ =	sdelay $0x1  }
0x460: {  	v4 =	vperm.xlane v4, v2;
	v5 =	vadd.s32 v1, v5;
	_ =	sdelay $0x1  }
0x461: {  	v4 =	vadd.s32 v1, v4;
	_ =	sdelay $0x1  }
0x462: {  	s18 =	simm.s32 $0x17D00  }
0x463: {  	[tilespmem:s18], [sflag:$0x3] =	stream.indirect_vreg.gather [hbm4b:s2+s3], $0x80, v5, vm0, $0xb8;
	[tilespmem:$0x1D500] =	vst v63  }
0x464: {  	s20 =	simm.s32 $0x19D00  }
0x465: {  	[tilespmem:s20], [sflag:$0x3] =	stream.indirect_vreg.gather [hbm4b:s2+s3], $0x80, v4, vm0, $0xb8;
	[tilespmem:$0x1D500] =	vst v63  }
0x466: {  	s21 =	simm.s32 $0x2480;
	s22 =	simm.s32 $0x1C500  }
0x467: {  	[tilespmem:s22], [sflag:$0x3] =	stream.indirect.gather [hbm4b:s2+s16], $0x80, s21, s16, $0xb8;
	[tilespmem:$0x1D500] =	vst v63  }
.LBB2_13:
0x468: {  	_ =	swait.ge [sflag:s29], $0x1000  }
0x469: {  	[sflag:s29] =	ssyncset.done $0x0  }
0x46a: {  	[sflag:s29] =	ssyncadd.s32 $0xFFFFF000  }
0x46b: {  	_ =	swait.ge [sflag:s29], $0x1000  }
0x46c: {  	[sflag:s29] =	ssyncset.done $0x0  }
0x46d: {  	[sflag:s29] =	ssyncadd.s32 $0xFFFFF000  }
0x46e: {  	_ =	swait.ge [sflag:s29], $0x1000  }
0x46f: {  	[sflag:s29] =	ssyncset.done $0x0  }
0x470: {  	[sflag:s29] =	ssyncadd.s32 $0xFFFFF000  }
0x471: {  	_ =	swait.ge [sflag:s29], $0x1000  }
0x472: {  	[sflag:s29] =	ssyncset.done $0x0  }
0x473: {  	[sflag:s29] =	ssyncadd.s32 $0xFFFFF000  }
0x474: {  	_ =	swait.ge [sflag:s29], $0x1000  }
0x475: {  	[sflag:s29] =	ssyncset.done $0x0  }
0x476: {  	[sflag:s29] =	ssyncadd.s32 $0xFFFFF000  }
0x477: {  	_ =	swait.ge [sflag:s29], $0x1000  }
0x478: {  	[sflag:s29] =	ssyncset.done $0x0  }
0x479: {  	[sflag:s29] =	ssyncadd.s32 $0xFFFFF000  }
0x47a: {  	_ =	swait.ge [sflag:s29], $0x1000  }
0x47b: {  	[sflag:s29] =	ssyncset.done $0x0  }
0x47c: {  	[sflag:s29] =	ssyncadd.s32 $0xFFFFF000  }
0x47d: {  	_ =	swait.ge [sflag:s29], $0x1000  }
0x47e: {  	[sflag:s29] =	ssyncset.done $0x0  }
0x47f: {  	s13 =	simm.s32 $0x1A530;
	[sflag:s29] =	ssyncadd.s32 $0xFFFFF000  }
0x480: {  	s11 =	simm.s32 $0x0;
	v4 =	vld [tilespmem:s13+$0xFFFFFFD0]  }
0x481: {  	s14 =	sand.u32 $0x7, s11  }
0x482: {  	s14 =	sshll.u32 s14, $0x7  }
0x483: {  	s14 =	sadd.s32 $0x0, s14  }
0x484: {  	s15 =	sor.u32 $0x1C00, s14  }
0x485: {  	[tilespmem:s15+$0x2500] =	vst v4  }
0x486: {  	v4 =	vld [tilespmem:s13+$0xFFFFFFE0];
	_ =	sdelay $0x3  }
0x487: {  	s18 =	sor.u32 $0x1C10, s14  }
0x488: {  	[tilespmem:s18+$0x2500] =	vst v4  }
0x489: {  	v4 =	vld [tilespmem:s13+$0xFFFFFFF0];
	_ =	sdelay $0x3  }
0x48a: {  	s20 =	sor.u32 $0x1C20, s14  }
0x48b: {  	[tilespmem:s20+$0x2500] =	vst v4  }
0x48c: {  	v4 =	vld [tilespmem:s13+$0x0];
	_ =	sdelay $0x3  }
0x48d: {  	s21 =	sor.u32 $0x1C30, s14  }
0x48e: {  	[tilespmem:s21+$0x2500] =	vst v4  }
0x48f: {  	v4 =	vld [tilespmem:s13+$0x10];
	_ =	sdelay $0x3  }
0x490: {  	s22 =	sor.u32 $0x1C40, s14  }
0x491: {  	[tilespmem:s22+$0x2500] =	vst v4  }
0x492: {  	v4 =	vld [tilespmem:s13+$0x20];
	_ =	sdelay $0x1  }
0x493: {  	v5 =	vmov s11  }
0x494: {  	v6 =	vshll.u32 v5, $0x7  }
0x495: {  	v5 =	vshll.u32 v5, $0xA;
	v6 =	vand.u32 $0x380, v6;
	s14 =	sor.u32 $0x1C50, s14  }
0x496: {  	[tilespmem:s14+$0x2500] =	vst v4;
	v4 =	vor.u32 v6, v5  }
0x497: {  	v5 =	vld [tilespmem:s13+$0x30];
	v4 =	vor.u32 v3, v4;
	_ =	sdelay $0x4  }
0x498: {  	s13 =	simm.s32 $0x1A5B0;
	[tilespmem:v4+s12+$0x0] =	vst.idx.msk $0xff, v5  }
0x499: {  	s17 =	simm.s32 $0x2;
	s15 =	simm.s32 $0x1;
	s14 =	simm.s32 $0x1;
	v4 =	vld [tilespmem:s13+$0xFFFFFFD0]  }
.LBB2_14:
0x49a: {  	p0 =	sne.s32 s17, $0x1F;
	s18 =	sand.u32 $0x7, s15  }
0x49b: {  	s11 =	sadd.s32 $0x400, s11;
	s18 =	sshll.u32 s18, $0x7  }
0x49c: {  	s18 =	sadd.s32 s18, s11  }
0x49d: {  	s20 =	sor.u32 $0x1C00, s18  }
0x49e: {  	[tilespmem:s20+$0x2500] =	vst v4  }
0x49f: {  	v4 =	vld [tilespmem:s13+$0xFFFFFFE0];
	_ =	sdelay $0x3  }
0x4a0: {  	s20 =	sor.u32 $0x1C10, s18  }
0x4a1: {  	[tilespmem:s20+$0x2500] =	vst v4  }
0x4a2: {  	v4 =	vld [tilespmem:s13+$0xFFFFFFF0];
	_ =	sdelay $0x3  }
0x4a3: {  	s20 =	sor.u32 $0x1C20, s18  }
0x4a4: {  	[tilespmem:s20+$0x2500] =	vst v4  }
0x4a5: {  	v4 =	vld [tilespmem:s13+$0x0];
	_ =	sdelay $0x3  }
0x4a6: {  	s20 =	sor.u32 $0x1C30, s18  }
0x4a7: {  	[tilespmem:s20+$0x2500] =	vst v4  }
0x4a8: {  	v4 =	vld [tilespmem:s13+$0x10];
	_ =	sdelay $0x3  }
0x4a9: {  	s20 =	sor.u32 $0x1C40, s18  }
0x4aa: {  	[tilespmem:s20+$0x2500] =	vst v4  }
0x4ab: {  	v4 =	vld [tilespmem:s13+$0x20];
	_ =	sdelay $0x1  }
0x4ac: {  	v5 =	vmov s14;
	s14 =	smov.u32 s17  }
0x4ad: {  	v6 =	vshll.u32 v5, $0x7  }
0x4ae: {  	v5 =	vshll.u32 v5, $0xA;
	v6 =	vand.u32 $0x380, v6;
	s18 =	sor.u32 $0x1C50, s18  }
0x4af: {  	[tilespmem:s18+$0x2500] =	vst v4;
	v4 =	vor.u32 v6, v5  }
0x4b0: {  	v5 =	vld [tilespmem:s13+$0x30];
	v4 =	vor.u32 v3, v4;
	_ =	sdelay $0x1  }
.Ltmp8:
0x4b1: {  	(pc) =	sbr.rel @p0 .LBB2_14-.Ltmp8, $3  }
0x4b2: {  	_ =	sdelay $0x1  }
0x4b3: {  	s13 =	sadd.s32 $0x80, s13;
	[tilespmem:v4+s12+$0x0] =	vst.idx.msk $0xff, v5  }
0x4b4: {  	s17 =	sadd.s32 $0x1, s17;
	s15 =	sadd.s32 $0x1, s15;
	v4 =	vld [tilespmem:s13+$0xFFFFFFD0]  }
0x4b5: {  	s15 =	sand.u32 $0x7, s15  }
0x4b6: {  	s11 =	sadd.s32 $0x400, s11;
	s15 =	sshll.u32 s15, $0x7  }
0x4b7: {  	s11 =	sadd.s32 s15, s11  }
0x4b8: {  	s15 =	sor.u32 $0x1C00, s11  }
0x4b9: {  	[tilespmem:s15+$0x2500] =	vst v4  }
0x4ba: {  	v4 =	vld [tilespmem:s13+$0xFFFFFFE0];
	_ =	sdelay $0x3  }
0x4bb: {  	s18 =	sor.u32 $0x1C10, s11  }
0x4bc: {  	[tilespmem:s18+$0x2500] =	vst v4  }
0x4bd: {  	v4 =	vld [tilespmem:s13+$0xFFFFFFF0];
	_ =	sdelay $0x3  }
0x4be: {  	s20 =	sor.u32 $0x1C20, s11  }
0x4bf: {  	[tilespmem:s20+$0x2500] =	vst v4  }
0x4c0: {  	v4 =	vld [tilespmem:s13+$0x0];
	_ =	sdelay $0x3  }
0x4c1: {  	s21 =	sor.u32 $0x1C30, s11  }
0x4c2: {  	[tilespmem:s21+$0x2500] =	vst v4  }
0x4c3: {  	v4 =	vld [tilespmem:s13+$0x10];
	_ =	sdelay $0x3  }
0x4c4: {  	s22 =	sor.u32 $0x1C40, s11  }
0x4c5: {  	[tilespmem:s22+$0x2500] =	vst v4  }
0x4c6: {  	v4 =	vld [tilespmem:s13+$0x20];
	_ =	sdelay $0x1  }
0x4c7: {  	v5 =	vmov s14  }
0x4c8: {  	v6 =	vshll.u32 v5, $0x7  }
0x4c9: {  	v5 =	vshll.u32 v5, $0xA;
	v6 =	vand.u32 $0x380, v6;
	s11 =	sor.u32 $0x1C50, s11  }
0x4ca: {  	[tilespmem:s11+$0x2500] =	vst v4;
	v4 =	vor.u32 v6, v5  }
0x4cb: {  	s7 =	sadd.s32 $0x1, s7;
	v5 =	vld [tilespmem:s13+$0x30];
	v4 =	vor.u32 v3, v4  }
0x4cc: {  	p0 =	sne.s32 s7, $0x43  }
.Ltmp9:
0x4cd: {  	s10 =	sshll.u32 s10, $0xF;
	(pc) =	sbr.rel @p0 .LBB2_4-.Ltmp9, $4  }
.Ltmp10:
0x4ce: {  	s10 =	sadd.s32 s5, s10;
	(pc) =	sbr.rel @!p0 .LBB2_16-.Ltmp10, $4  }
0x4cf: {  	s10 =	sshrl.u32 s10, $0x3  }
0x4d0: {  	s10 =	sadd.s32 s4, s10;
	[tilespmem:v4+s12+$0x0] =	vst.idx.msk $0xff, v5  }
0x4d1: {  	[hbm4b:s10+s3] =	stream.linear.scatter [tilespmem:s12], [sflag:$0x4], $0x8000, $0x38;
	[tilespmem:$0x1D500] =	vst v63  }
0x4d2: {  	_ = 	snop  }
.LBB2_17:
0x4d3: {  	_ =	sfence.sel $0x180000  }
0x4d4: {  	[bflag:$0x0] =	sbarrier.arrive $0xFFFF  }
0x4d5: {  	_ =	strace $0x90000047  }
0x4d6: {  	s0 =	stileid.u32;
	[bflag:$0x2] =	sbarrier.arrive $0xFFFF  }
0x4d7: {  	p0 =	sne.s32 s0, $0x0;
	s0 =	rddreg [dreg:$0x2]  }
0x4d8: {  	s0 =	sadd.s32 @!p0 $0x100000, s0  }
0x4d9: {  	[sflag:s0] =	ssyncadd.tile.s32 @!p0 $0x1;
	_ =	shalt  }
.Lfunc_end2:
_tile_overlayer_lowered:
.L_overlay_start_2:
0x4da: {  	(tag) =	ssettag $0x2  }
0x4db: {  	s0 =	rddreg [dreg:$0x0];
	s2 =	stileid.u32  }
0x4dc: {  	s1 =	rddreg [dreg:$0x1];
	p0 =	sne.s32 s2, $0x0  }
0x4dd: {  	s3 =	rddreg [dreg:$0x2];
	[bflag:$0x3] =	sbarrier.arrive $0xFFFF;
	s2 =	simm.s32 @!p0 $0x1C07  }
0x4de: {  	[timem:s3], [sflag:s2] =	dma.local @!p0 [hbm:s0], s1  }
0x4df: {  	s0 =	simm.s32 @!p0 $0x7  }
0x4e0: {  	_ =	swait.ge @!p0 [sflag:s0], s1  }
0x4e1: {  	s1 =	ssub.s32 @!p0 $0x0, s1;
	[sflag:s0] =	ssyncset.done @!p0 $0x0  }
0x4e2: {  	[sflag:s0] =	ssyncadd.s32 @!p0 s1  }
0x4e3: {  	[bflag:$0x3] =	sbarrier.arrive $0xFFFF  }
0x4e4: {  	_ =	shalt  }

// kernel: sparse-core-data-format-call.cloned.1.call-start
scs
called_computation_lowered:
.L_overlay_start_0:
0x0: {  	s2 =	sld [smem:$0x3FD9]  }
0x1: {  	s3 =	sld [smem:$0x3FFE];
	_ =	sdelay $0x1  }
0x2: {  	s1 =	srdreg.scid  }
0x3: {  	s0 =	sand.u32 $0x1, s1  }
0x4: {  	s18 =	sshll.u32 s0, $0xA;
	s2 =	sadd.s32 s3, s2  }
0x5: {  	s2 =	sadd.s32 s2, s18  }
0x6: {  	[smem:$0x3FC6] =	sst s2  }
0x7: {  	_ = 	snop  }
0x8: {  	s2 =	sld [smem:$0x3FD0];
	(tm) =	ssettm $0x1  }
0x9: {  	s19 =	sld [smem:$0x3FFB];
	_ =	sdelay $0x3  }
0xa: {  	_ =	strace s19  }
0xb: {  	s3 =	sld [smem:$0x3FFC];
	_ =	sdelay $0x3  }
0xc: {  	_ =	strace s3  }
0xd: {  	s3 =	sld [smem:$0x3FFD];
	_ =	sdelay $0x3  }
0xe: {  	_ =	strace s3  }
0xf: {  	_ =	strace $0x8FFFFFFF  }
0x10: {  	s20 =	sld [smem:$0x3FDB];
	_ =	sdelay $0x1  }
0x11: {  	s4 =	simm.s32 $_scs_section_size  }
0x12: {  	s5 =	simm.s32 $_size__tile_overlayer_lowered;
	s6 =	simm.s32 $_tile_overlayer_lowered  }
0x13: {  	s23 =	simm.s32 $0x1BFF;
	s22 =	sshll.u32 s6, $0x1;
	s3 =	sadd.s32 s4, s20  }
0x14: {  	s7 =	simm.s32 $0x0;
	s21 =	sshll.u32 s5, $0x1;
	s5 =	sadd.s32 s22, s3  }
0x15: {  	[timem:s7], [sflag:s23] =	dma.local [hbm:s5], s21  }
0x16: {  	_ =	swait.ge [sflag:s23], s21  }
0x17: {  	s4 =	ssub.s32 $0x0, s21;
	[sflag:s23] =	ssyncset.done $0x0  }
0x18: {  	[sflag:s23] =	ssyncadd.s32 s4;
	_ =	sdelay $0x1  }
0x19: {  	s24 =	simm.s32 $0x1B8B  }
0x1a: {  	_ =	swait.ge [sflag:s24], $0x1  }
0x1b: {  	[sflag:s24] =	ssyncset.done $0x0  }
0x1c: {  	s26 =	simm.s32 $0x1B8E;
	s25 =	sld [smem:$0x3FFE];
	[sflag:s24] =	ssyncadd.s32 $0xFFFFFFFF  }
0x1d: {  	s27 =	simm.s32 $execute0_lowered;
	[smem:$0x3FD2] =	sst s26  }
0x1e: {  	s5 =	sshll.u32 s27, $0x1;
	_ =	strace $0x80000049;
	[dreg:$0x1] =	wrdreg $0xFFFFFFFF  }
0x1f: {  	s28 =	simm.s32 $_size_execute0_lowered;
	s3 =	sadd.s32 s3, s5;
	[dreg:$0x0] =	wrdreg $0x0  }
0x20: {  	s5 =	sshll.u32 s28, $0x1;
	[dreg:$0x2] =	wrdreg s3  }
0x21: {  	[dreg:$0x3] =	wrdreg s5  }
0x22: {  	[dreg:$0x4] =	wrdreg $0xC0  }
0x23: {  	_ =	task [dreg:s7], $0x5FFFF  }
0x24: {  	[dreg:$0x1] =	wrdreg $0xFFFFFFFF  }
0x25: {  	[dreg:$0x0] =	wrdreg $0x60  }
0x26: {  	[dreg:$0x2] =	wrdreg s25  }
0x27: {  	[dreg:$0x3] =	wrdreg s2  }
0x28: {  	[dreg:$0x4] =	wrdreg $0x9  }
0x29: {  	_ =	task.clear_ibuf [dreg:s7], $0x5FFFF;
	_ =	strace $0x90000049  }
0x2a: {  	s29 =	simm.s32 $0x9;
	_ =	strace $0x8000004B  }
0x2b: {  	_ =	swait.ge [sflag:s29], $0x1  }
0x2c: {  	[sflag:s29] =	ssyncadd.s32 $0xFFFFFFFF  }
0x2d: {  	_ =	strace $0x9000004B  }
0x2e: {  	_ =	sfence  }
0x2f: {  	s30 =	sld [smem:$0x0];
	_ =	sdelay $0x2  }
0x30: {  	s31 =	sshll.u32 s1, $0xD;
	s1 =	sshrl.u32 s1, $0x2  }
0x31: {  	s3 =	sand.u32 $0x4000, s31;
	s1 =	sadd.s32 s1, s30  }
0x32: {  	s0 =	sor.u32 s3, s0;
	s1 =	sshll.u32 s1, $0x11  }
0x33: {  	s0 =	sor.u32 s1, s0  }
0x34: {  	s0 =	sadd.s32 $0x8F2B, s0  }
0x35: {  	[sflag:s0] =	ssyncadd.remote.s32 $0x1  }
0x36: {  	_ =	sfence.sel $0xFFFF  }
0x37: {  	[dreg:$0x0] =	wrdreg $0xFFFFFFFF;
	(pc) =	sbr.abs _section_cstart, $3  }
0x38: {  	[dreg:$0x1] =	wrdreg $0xFFFFFFFF  }
0x39: {  	_ =	task.clear_ibuf [dreg:s7], $0x2FFFF;
	_ =	strace $0x9FFFFFFF  }
0x3a: {  	(tm) =	ssettm $0x7FFFFFFF  }
0x3b: {  	_ =	shalt  }
tec
execute0_lowered:
.L_overlay_start_1:
0x0: {  	(tag) =	ssettag $0x1  }
0x1: {  	s4 =	rddreg [dreg:$0x0]  }
0x2: {  	s0 =	stileid.u32;
	s2 =	rddreg [dreg:$0x1]  }
0x3: {  	s7 =	srdreg.scid;
	s31 =	simm.s32 $0x2;
	s17 =	simm.s32 $0x0  }
0x4: {  	s9 =	simm.s32 $0x2000;
	s19 =	simm.s32 $0x0;
	s18 =	simm.s32 $0x0  }
0x5: {  	s10 =	simm.s32 $0x0;
	s11 =	simm.s32 $0x0;
	s1 =	sshll.u32 s0, $0x7  }
0x6: {  	s12 =	simm.s32 $0x0;
	s14 =	simm.s32 $0x0;
	s3 =	sand.u32 $0x380, s1  }
0x7: {  	s16 =	simm.s32 $0x0;
	s4 =	sadd.s32 $0x6C00, s4;
	s5 =	ssub.s32 $0x400, s3  }
0x8: {  	s8 =	sshll.u32 s0, $0x4;
	s7 =	sshll.u32 s7, $0x8;
	s6 =	sand.u32 $0x380, s5  }
0x9: {  	s1 =	rddreg [dreg:$0x2];
	p0 =	sne.s32 s6, $0x0;
	s6 =	simm.s32 $0x1  }
.Ltmp0:
0xa: {  	s5 =	sshrl.u32 s5, $0xA;
	s6 =	simm.s32 @!p0 $0x0;
	(pc) =	sbr.rel .LBB1_1-.Ltmp0, $4  }
0xb: {  	_ =	strace $0x8000004A;
	s7 =	sor.u32 s8, s7;
	s6 =	sadd.s32 s6, s5  }
0xc: {  	s7 =	sand.u32 $0x180, s7;
	s5 =	simm.s32 $0x1;
	s6 =	smul.u32 $0x190, s6  }
0xd: {  	s15 =	smov.u32 s3;
	s13 =	smov.u32 s7;
	[sflag:s5] =	ssyncpa.u1 $0x0  }
0xe: {  	p0 =	por $0x0, $0x0;
	[sflag:s31] =	ssyncpa.u1 $0x0;
	s8 =	sor.u32 $0x1, s6  }
.LBB1_4:
0xf: {  	s25 =	sshll.u32 s10, $0xA;
	s24 =	sshra.s32 s24, $0x2;
	s26 =	sshll.u32 s12, $0x3  }
0x10: {  	p1 =	sgt.s32 s11, $0xC7;
	s27 =	smov.u32 s11;
	s28 =	sshra.s32 s11, $0x1F  }
0x11: {  	p2 =	sgt.s32 s12, $0x380;
	s31 =	sshra.s32 s12, $0x1F;
	s25 =	sand.u32 $0xFFFFE000, s25  }
0x12: {  	s26 =	sand.u32 $0xFFFFFC00, s26;
	s27 =	simm.s32 @!p1 $0xC7;
	s28 =	sand.u32 s28, s11  }
0x13: {  	[tilespmem:s22+$0x2040 ss:$0x81] =	vst.msk $0xffff, v4;
	s23 =	sadd.s32 s24, s23;
	s29 =	sadd.s32 s26, s25;
	s25 =	ssub.s32 s27, s28  }
0x14: {  	[tilespmem:s22+$0x2850 ss:$0x81] =	vst.msk $0xffff, v3;
	s27 =	smov.u32 s12;
	s28 =	smov.u32 s10;
	s26 =	sand.u32 s31, s12  }
0x15: {  	[tilespmem:s22+$0x3060 ss:$0x81] =	vst.msk $0xffff, v2;
	s24 =	sshrl.u32 s29, $0xA;
	s30 =	sadd.s32 $0xFFFFFF39, s25;
	s27 =	simm.s32 @!p2 $0x380  }
0x16: {  	v5 =	vld [tilespmem:s21+$0xFFFFFFD0];
	[tilespmem:s22+$0x0 ss:$0x81] =	vst.msk $0xffff, v1;
	p2 =	sgt.s32 s10, $0x368;
	s29 =	sshra.s32 s10, $0x1F;
	s22 =	ssub.s32 $0xC8, s25  }
0x17: {  	v58 =	vld [tilespmem:s21+$0xFFFFFFE0];
	p1 =	sgt.s32 s30, $0x0;
	s28 =	simm.s32 @!p2 $0x368;
	s29 =	sand.u32 s29, s10  }
0x18: {  	v59 =	vld [tilespmem:s21+$0xFFFFFFF0];
	s26 =	ssub.s32 s27, s26;
	s27 =	smulhi.u32 $0x418938, s24;
	s28 =	ssub.s32 s28, s29  }
0x19: {  	v60 =	vld [tilespmem:s21+$0x0];
	s30 =	sadd.s32 $0xFFFFFC80, s26;
	s25 =	ssub.s32 $0x400, s26;
	s22 =	simm.s32 @p1 $0x0  }
0x1a: {  	v61 =	vld [tilespmem:s21+$0x10];
	[tilespmem:s23+$0x3870 ss:$0x81] =	vst.msk $0xffff, v0;
	s29 =	sand.u32 $0x78, s12;
	p2 =	sgt.s32 s30, $0x7F;
	s31 =	sadd.s32 $0xFFFFFC98, s28  }
0x1b: {  	v62 =	vld [tilespmem:s21+$0x20];
	[tilespmem:s23+$0x810 ss:$0x81] =	vst.msk $0xffff, v5;
	s27 =	smul.u32 $0x3E8, s27;
	s30 =	sshll.u32 s10, $0x7;
	s28 =	ssub.s32 $0x3E8, s28  }
0x1c: {  	v63 =	vld [tilespmem:s21+$0xFFFFFFC0];
	[tilespmem:s23+$0x1020 ss:$0x81] =	vst.msk $0xffff, v58;
	s25 =	simm.s32 @p2 $0x0;
	p1 =	sgt.s32 s31, $0x7F;
	s31 =	smul.u32 $0x1F400, s11  }
0x1d: {  	[tilespmem:s23+$0x1830 ss:$0x81] =	vst.msk $0xffff, v59;
	s21 =	sand.u32 $0x380, s30;
	s22 =	smul.u32 s25, s22;
	s28 =	simm.s32 @p1 $0x0  }
0x1e: {  	[tilespmem:s23+$0x2040 ss:$0x81] =	vst.msk $0xffff, v60;
	s21 =	sor.u32 s29, s21;
	s24 =	ssub.s32 s24, s27;
	s29 =	sand.u32 $0x7, s12  }
0x1f: {  	[tilespmem:s23+$0x2850 ss:$0x81] =	vst.msk $0xffff, v61;
	s21 =	sshrl.u32 s21, $0x3;
	s25 =	sadd.s32 s2, s31;
	s22 =	smul.u32 s28, s22  }
0x20: {  	[tilespmem:s23+$0x3060 ss:$0x81] =	vst.msk $0xffff, v62;
	s24 =	sshll.u32 s24, $0x7;
	s30 =	sshll.u32 s29, $0x12;
	s21 =	sadd.s32 s21, s25  }
0x21: {  	[tilespmem:s23+$0x0 ss:$0x81] =	vst.msk $0xffff, v63;
	s31 =	sor.u32 $0x400, s30;
	s21 =	sadd.s32 s24, s21;
	s22 =	sand.u32 $0x3FFFFFFF, s22  }
0x22: {  	[hbm4b:s21+s31] =	stream.strided.scatter [tilespmem:s20], [sflag:$0x2], s22, s9, s31, $0x20;
	[tilespmem:$0x10100] =	vst v63  }
.LBB1_5:
0x23: {  	p1 =	slt.u32 s16, $0x2  }
0x24: {  	p2 =	sgt.s32 @!p1 s19, $0xC7  }
0x25: {  	s20 =	smov.u32 s19;
	s21 =	sshra.s32 @!p1 s19, $0x1F;
	p2 =	por !p2, p1  }
0x26: {  	s19 =	sand.u32 @!p1 s21, s19;
	s20 =	simm.s32 @p2 $0xC7  }
0x27: {  	p3 =	sgt.s32 @!p1 s17, $0x368;
	s19 =	ssub.s32 @!p1 s20, s19  }
0x28: {  	p4 =	sgt.s32 @!p1 s18, $0x380;
	s22 =	sshra.s32 @!p1 s18, $0x1F;
	s20 =	sadd.s32 @!p1 $0xFFFFFF39, s19  }
0x29: {  	s21 =	smov.u32 s17;
	p2 =	sgt.s32 @!p1 s20, $0x0;
	s20 =	sshra.s32 @!p1 s17, $0x1F  }
0x2a: {  	p4 =	por !p4, p1;
	s17 =	sand.u32 @!p1 s20, s17;
	s20 =	smov.u32 s18  }
0x2b: {  	p3 =	por !p3, p1;
	s18 =	sand.u32 @!p1 s22, s18;
	s20 =	simm.s32 @p4 $0x380  }
0x2c: {  	s21 =	simm.s32 @p3 $0x368;
	s19 =	ssub.s32 @!p1 $0xC8, s19;
	s18 =	ssub.s32 @!p1 s20, s18  }
0x2d: {  	p2 =	por !p2, p1;
	s17 =	ssub.s32 @!p1 s21, s17;
	s21 =	sadd.s32 @!p1 $0xFFFFFC80, s18  }
0x2e: {  	s19 =	simm.s32 @!p2 $0x0;
	p3 =	sgt.s32 @!p1 s21, $0x7F  }
0x2f: {  	s20 =	sadd.s32 @!p1 $0xFFFFFC98, s17;
	s18 =	ssub.s32 @!p1 $0x400, s18;
	p3 =	por !p3, p1  }
0x30: {  	p2 =	sgt.s32 @!p1 s20, $0x7F;
	s20 =	sadd.s32 $0x200, s13;
	s18 =	simm.s32 @!p3 $0x0  }
0x31: {  	p3 =	sgt.s32 s20, $0x3E7;
	s18 =	smul.u32 @!p1 s18, s19;
	s19 =	simm.s32 $0x1  }
0x32: {  	s17 =	ssub.s32 @!p1 $0x3E8, s17;
	p2 =	por !p2, p1;
	s19 =	simm.s32 @!p3 $0x0  }
0x33: {  	s22 =	smov.u32 s15;
	s17 =	simm.s32 @!p2 $0x0;
	s21 =	sadd.s32 s19, s14  }
0x34: {  	s17 =	smul.u32 @!p1 s17, s18;
	s18 =	sadd.s32 $0x400, s15;
	p2 =	sgt.s32 s21, $0xC7  }
0x35: {  	p0 =	por !p0, !p0;
	s23 =	simm.s32 @!p1 $0x2;
	s22 =	smov.u32 @p2 s18  }
0x36: {  	s20 =	smov.u32 @p3 s7;
	s21 =	simm.s32 @p2 $0x0;
	p2 =	sgt.s32 s22, $0x3FF  }
0x37: {  	s19 =	smov.u32 s11;
	s22 =	smov.u32 @p2 s3;
	p2 =	sne.s32 s16, s8  }
.Ltmp1:
0x38: {  	s11 =	smov.u32 s14;
	s17 =	sand.u32 @!p1 $0x3FFFFFFF, s17;
	(pc) =	sbr.rel @!p2 .LBB1_6-.Ltmp1, $4  }
0x39: {  	s18 =	smov.u32 s12;
	s12 =	smov.u32 s15;
	_ =	swait.ge @!p1 [sflag:s23], s17  }
0x3a: {  	s24 =	ssub.s32 @!p1 $0x0, s17;
	s17 =	smov.u32 s10;
	s10 =	smov.u32 s13  }
0x3b: {  	s13 =	smov.u32 s20;
	s14 =	smov.u32 s21;
	[sflag:s23] =	ssyncset.done @!p1 $0x0  }
0x3c: {  	s16 =	sadd.s32 $0x1, s16;
	[sflag:s23] =	ssyncadd.s32 @!p1 s24;
	s15 =	smov.u32 s22  }
.LBB1_1:
0x3d: {  	p1 =	sge.u32 s16, s6  }
0x3e: {  	s20 =	sshll.u32 @!p1 s14, $0xA  }
0x3f: {  	s21 =	sshll.u32 @!p1 s13, $0x3;
	s20 =	sand.u32 @!p1 $0xFFFFE000, s20  }
0x40: {  	s20 =	sadd.s32 @!p1 s20, s21  }
0x41: {  	s20 =	sshrl.u32 @!p1 s20, $0xA  }
0x42: {  	s21 =	smulhi.u32 @!p1 $0x147AE15, s20  }
0x43: {  	s22 =	sshll.u32 @!p1 s14, $0x7;
	s24 =	smul.u32 @!p1 $0x6400, s15  }
0x44: {  	s23 =	sand.u32 @!p1 $0x78, s13;
	s22 =	sand.u32 @!p1 $0x380, s22;
	s21 =	smul.u32 @!p1 $0xC8, s21  }
0x45: {  	s31 =	sadd.s32 $0xFFFFFFFF, s16;
	s22 =	sor.u32 @!p1 s23, s22;
	s23 =	sadd.s32 @!p1 s4, s24  }
0x46: {  	s22 =	sshrl.u32 @!p1 s22, $0x3;
	s20 =	ssub.s32 @!p1 s20, s21;
	s21 =	sxor.u32 @!p1 $0xFFFFFFFF, s16  }
0x47: {  	s22 =	sadd.s32 @!p1 s22, s23;
	s23 =	sand.u32 @!p1 $0x7, s13;
	s21 =	sshll.u32 @!p1 s21, $0xE  }
0x48: {  	s23 =	sshll.u32 @!p1 s23, $0x12;
	s20 =	sshll.u32 @!p1 s20, $0x7;
	s21 =	sand.u32 @!p1 $0x4000, s21  }
0x49: {  	s20 =	sadd.s32 @!p1 s20, s22;
	s22 =	sor.u32 @!p1 $0x80, s23;
	s23 =	simm.s32 @!p1 $0x32000  }
0x4a: {  	[tilespmem:s21], [sflag:$0x1] =	stream.strided.gather @!p1 [hbm4b:s20+s22], $0x4000, s23, s22, $0x38;
	[tilespmem:$0x10100] =	vst v63  }
0x4b: {  	p1 =	sge.u32 s31, s6  }
.Ltmp2:
0x4c: {  	_ = 	snop;
	(pc) =	sbr.rel @p1 .LBB1_5-.Ltmp2, $1  }
0x4d: {  	_ =	sdelay $0x3  }
0x4e: {  	s20 =	simm.s32 $0x1  }
0x4f: {  	_ =	swait.ge [sflag:s5], $0x4000;
	s20 =	simm.s32 @!p0 $0x0  }
0x50: {  	[sflag:s5] =	ssyncset.done $0x0;
	s21 =	sshll.u32 s20, $0xE  }
0x51: {  	[sflag:s5] =	ssyncadd.s32 $0xFFFFC000;
	s21 =	sor.u32 $0x40, s21  }
0x52: {  	s20 =	smul.u32 $0x10200, s20;
	v0 =	vld [tilespmem:s21+$0x30]  }
0x53: {  	v1 =	vld [tilespmem:s21+$0xFFFFFFD0]  }
0x54: {  	s20 =	sshrl.u32 s20, $0x2;
	v5 =	vld [tilespmem:s21+$0xFFFFFFE0]  }
0x55: {  	v6 =	vld [tilespmem:s21+$0xFFFFFFF0];
	s23 =	sor.u32 $0x8000, s20  }
0x56: {  	s31 =	sand.u32 $0x1, s16;
	v4 =	vld [tilespmem:s21+$0x0];
	s22 =	sadd.s32 $0x0, s23  }
0x57: {  	v3 =	vld [tilespmem:s21+$0x10];
	s20 =	smul.u32 $0x10200, s31;
	[tilespmem:s22+$0x3870 ss:$0x81] =	vst.msk $0xffff, v0  }
0x58: {  	v2 =	vld [tilespmem:s21+$0x20];
	[tilespmem:s22+$0x810 ss:$0x81] =	vst.msk $0xffff, v1  }
0x59: {  	s20 =	sshrl.u32 s20, $0x2;
	v1 =	vld [tilespmem:s21+$0xFFFFFFC0];
	[tilespmem:s22+$0x1020 ss:$0x81] =	vst.msk $0xffff, v5;
	s21 =	sadd.s32 $0x80, s21  }
0x5a: {  	s24 =	simm.s32 $0x4;
	s25 =	simm.s32 $0x8;
	s20 =	sor.u32 $0x8000, s20;
	[tilespmem:s22+$0x1830 ss:$0x81] =	vst.msk $0xffff, v6;
	v0 =	vld [tilespmem:s21+$0x30]  }
.LBB1_3:
0x5b: {  	p1 =	sne.s32 s25, $0x1FC;
	v5 =	vld [tilespmem:s21+$0xFFFFFFD0];
	[tilespmem:s22+$0x2040 ss:$0x81] =	vst.msk $0xffff, v4  }
0x5c: {  	v6 =	vld [tilespmem:s21+$0xFFFFFFE0];
	[tilespmem:s22+$0x2850 ss:$0x81] =	vst.msk $0xffff, v3  }
0x5d: {  	s26 =	sshra.s32 s24, $0x2;
	s24 =	smov.u32 s25;
	v7 =	vld [tilespmem:s21+$0xFFFFFFF0];
	[tilespmem:s22+$0x3060 ss:$0x81] =	vst.msk $0xffff, v2  }
.Ltmp3:
0x5e: {  	v4 =	vld [tilespmem:s21+$0x0];
	[tilespmem:s22+$0x0 ss:$0x81] =	vst.msk $0xffff, v1;
	s22 =	sadd.s32 s26, s23;
	(pc) =	sbr.rel @p1 .LBB1_3-.Ltmp3, $4  }
0x5f: {  	v3 =	vld [tilespmem:s21+$0x10];
	[tilespmem:s22+$0x3870 ss:$0x81] =	vst.msk $0xffff, v0  }
0x60: {  	[tilespmem:s22+$0x810 ss:$0x81] =	vst.msk $0xffff, v5;
	v2 =	vld [tilespmem:s21+$0x20]  }
0x61: {  	v1 =	vld [tilespmem:s21+$0xFFFFFFC0];
	[tilespmem:s22+$0x1020 ss:$0x81] =	vst.msk $0xffff, v6;
	s21 =	sadd.s32 $0x80, s21  }
0x62: {  	s25 =	sadd.s32 $0x4, s25;
	v0 =	vld [tilespmem:s21+$0x30];
	[tilespmem:s22+$0x1830 ss:$0x81] =	vst.msk $0xffff, v7  }
.Ltmp4:
0x63: {  	_ = 	snop;
	(pc) =	sbr.rel .LBB1_4-.Ltmp4, $1  }
0x64: {  	_ =	sdelay $0x3  }
.LBB1_6:
0x65: {  	_ =	sfence.sel $0x180000  }
0x66: {  	s2 =	simm.s32 $0x1;
	[bflag:$0x0] =	sbarrier.arrive $0xFFFF  }
0x67: {  	s31 =	simm.s32 $0x2;
	[sflag:s2] =	ssyncpa.u1 $0x1  }
0x68: {  	[sflag:s31] =	ssyncpa.u1 $0x1  }
0x69: {  	p0 =	sne.s32 s0, $0x0;
	_ =	strace $0x9000004A  }
0x6a: {  	s0 =	sadd.s32 @!p0 $0x100000, s1;
	[bflag:$0x2] =	sbarrier.arrive $0xFFFF  }
0x6b: {  	[sflag:s0] =	ssyncadd.tile.s32 @!p0 $0x1;
	_ =	shalt  }
.Lfunc_end1:
_tile_overlayer_lowered:
.L_overlay_start_2:
0x6c: {  	(tag) =	ssettag $0x2  }
0x6d: {  	s0 =	rddreg [dreg:$0x0];
	s2 =	stileid.u32  }
0x6e: {  	s1 =	rddreg [dreg:$0x1];
	p0 =	sne.s32 s2, $0x0  }
0x6f: {  	s3 =	rddreg [dreg:$0x2];
	[bflag:$0x3] =	sbarrier.arrive $0xFFFF;
	s2 =	simm.s32 @!p0 $0x1C01  }
0x70: {  	[timem:s3], [sflag:s2] =	dma.local @!p0 [hbm:s0], s1  }
0x71: {  	s0 =	simm.s32 @!p0 $0x1  }
0x72: {  	_ =	swait.ge @!p0 [sflag:s0], s1  }
0x73: {  	s1 =	ssub.s32 @!p0 $0x0, s1;
	[sflag:s0] =	ssyncset.done @!p0 $0x0  }
0x74: {  	[sflag:s0] =	ssyncadd.s32 @!p0 s1  }
0x75: {  	[bflag:$0x3] =	sbarrier.arrive $0xFFFF  }
0x76: {  	_ =	shalt  }

</sc_bundles>
